<compile_context>
chip_gen: v7x
topology: tpu7x:2x2x1
jax: 0.10.2.dev20260603
libtpu: 0.0.44.dev20260713+nightly
codegen_flags: <defaults>
</compile_context>

<pallas_src>
import jax
import jax.numpy as jnp
from jax import lax
from jax.experimental import pallas as pl
from jax.experimental.pallas import tpu as pltpu
from jax.experimental.pallas import tpu_sc as plsc

N_ROWS = 1_000_000
DIM = 32
EPS2 = 1e-16

NUM_CORES = 2
NUM_SUBCORES = 16
NUM_WORKERS = NUM_CORES * NUM_SUBCORES
CHUNK = 240
NUM_CHUNKS = -(-N_ROWS // CHUNK)
LAST_ROW0 = N_ROWS - CHUNK
BIG_WORKERS = NUM_CHUNKS - (NUM_CHUNKS // NUM_WORKERS) * NUM_WORKERS
COMMON = NUM_CHUNKS // NUM_WORKERS
PAIRS = COMMON // 2
GROUPS = CHUNK // 16
STAGE_STRIDE = 17 * 16

def _rsqrt_newton(ss):
    i = plsc.bitcast(ss, jnp.int32)
    i = jnp.int32(0x5F3759DF) - lax.shift_right_logical(i, 1)
    r = plsc.bitcast(i, jnp.float32)
    for _ in range(3):
        r = r * (1.5 - 0.5 * ss * r * r)
    return r


def _compute_chunk(in_buf, out_buf, stage, lane_iota):
    iota17 = lane_iota * 17

    @plsc.parallel_loop(0, GROUPS, step=1, unroll=4)
    def _group(g):
        base = pl.multiple_of(g * 16, 16)
        soff = g * STAGE_STRIDE
        for j in range(16):
            a = in_buf[base + j, pl.ds(0, 16)]
            b = in_buf[base + j, pl.ds(16, 16)]
            stage[pl.ds(soff + 17 * j, 16)] = a * a + b * b
        ss = jnp.zeros((16,), jnp.float32)
        for c in range(16):
            ss = ss + plsc.load_gather(stage, [soff + iota17 + c])
        ss = jnp.maximum(ss, EPS2)
        r = _rsqrt_newton(ss)
        n = ss * r
        scale = (jnp.exp(n) - jnp.exp(-n)) * 0.5 * r
        scale = jnp.where(n < 1e-3, 1.0 + ss * (1.0 / 6.0), scale)
        for j in range(16):
            s_j = jnp.full((16,), scale[j], jnp.float32)
            out_buf[base + j, pl.ds(0, 16)] = in_buf[base + j, pl.ds(0, 16)] * s_j
            out_buf[base + j, pl.ds(16, 16)] = (
                in_buf[base + j, pl.ds(16, 16)] * s_j
            )


def _body(
    x_hbm,
    out_hbm,
    in_bufs,
    out_bufs,
    stage,
    load_sems,
    store_sems,
):
    wid = lax.axis_index("s") * NUM_CORES + lax.axis_index("c")
    lane_iota = lax.iota(jnp.int32, 16)

    is_big = wid < BIG_WORKERS
    base_chunk = jnp.where(
        is_big, (COMMON + 1) * wid, COMMON * wid + BIG_WORKERS
    )

    def row0_of(k):
        return pl.multiple_of(
            jnp.minimum((base_chunk + k) * CHUNK, LAST_ROW0), 8
        )

    SUBS = ((0, 64), (64, 64), (128, 64), (192, 48))

    def start_load(k, b):
        row0 = row0_of(k)
        for off, ln in SUBS:
            pltpu.async_copy(
                x_hbm.at[pl.ds(row0 + off, ln)],
                in_bufs[b].at[pl.ds(off, ln)],
                load_sems[b],
            )

    def wait_load(b):
        pltpu.make_async_copy(
            x_hbm.at[pl.ds(0, CHUNK)], in_bufs[b], load_sems[b]
        ).wait()

    def start_store(k, b):
        row0 = row0_of(k)
        for off, ln in SUBS:
            pltpu.async_copy(
                out_bufs[b].at[pl.ds(off, ln)],
                out_hbm.at[pl.ds(row0 + off, ln)],
                store_sems[b],
            )

    def wait_store(b):
        pltpu.make_async_copy(
            x_hbm.at[pl.ds(0, CHUNK)], out_bufs[b], store_sems[b]
        ).wait()

    start_load(0, 0)
    start_load(1, 1)

    @pl.loop(0, PAIRS)
    def _pair(p):
        for b in range(2):
            k = 2 * p + b
            wait_load(b)

            @pl.when(p >= 1)
            def _():
                wait_store(b)

            _compute_chunk(in_bufs[b], out_bufs[b], stage, lane_iota)
            start_store(k, b)
            if b == 0:

                @pl.when((p < PAIRS - 1) | is_big)
                def _():
                    start_load(k + 2, b)

            else:

                @pl.when(p < PAIRS - 1)
                def _():
                    start_load(k + 2, b)

    @pl.when(is_big)
    def _():
        wait_load(0)
        wait_store(0)
        _compute_chunk(in_bufs[0], out_bufs[0], stage, lane_iota)
        start_store(COMMON, 0)

    wait_store(0)
    wait_store(1)


@jax.jit
def kernel(tangent_embeddings):
    mesh = plsc.VectorSubcoreMesh(
        core_axis_name="c",
        subcore_axis_name="s",
        num_cores=NUM_CORES,
        num_subcores=NUM_SUBCORES,
    )
    f = pl.kernel(
        _body,
        out_type=jax.ShapeDtypeStruct((N_ROWS, DIM), jnp.float32),
        mesh=mesh,
        scratch_types=dict(
            in_bufs=[pltpu.VMEM((CHUNK, DIM), jnp.float32) for _ in range(2)],
            out_bufs=[pltpu.VMEM((CHUNK, DIM), jnp.float32) for _ in range(2)],
            stage=pltpu.VMEM((GROUPS * STAGE_STRIDE,), jnp.float32),
            load_sems=[pltpu.SemaphoreType.DMA for _ in range(2)],
            store_sems=[pltpu.SemaphoreType.DMA for _ in range(2)],
        ),
        compiler_params=pltpu.CompilerParams(
            needs_layout_passes=False, use_tc_tiling_on_sc=True
        ),
        name="lorentz_exp_map0_sc",
    )
    return f(tangent_embeddings)

# --- scband reference (transcript-rebuilt; emitter-appended) ---
"""Pipeline reference for scband-lorentz-label-embedding-15049565405368 (READ-ONLY COPY).

The authoritative reference and input builder live on the scoring server;
editing this copy changes nothing except your own understanding.
"""

import jax, jax.numpy as jnp
import numpy as np

NUM_CLASSES = 1000000
EMBED_DIM = 32
CURV = 1.0
MIN_RADIUS = 0.1
MAX_RADIUS = 2.0
EPS = 1e-8


def setup_inputs(seed: int = 0) -> dict:
    key = jax.random.key(seed)
    # directions: random unit vectors (direction_mode='random')
    directions = jax.random.normal(key, (NUM_CLASSES, EMBED_DIM), dtype=jnp.float32)
    directions = directions / jnp.linalg.norm(directions, axis=-1, keepdims=True)
    # class_depths is None -> all norms = (min_radius + max_radius) / 2
    norms = jnp.ones((NUM_CLASSES,), dtype=jnp.float32) * ((MIN_RADIUS + MAX_RADIUS) / 2.0)
    tangent_embeddings = directions * norms[:, None]
    return {"tangent_embeddings": tangent_embeddings}


def exp_map0(x, curv):
    # Lorentz exponential map at the origin (space components):
    # exp_map0(x) = sinh(sqrt(c) * ||x||) * x / (sqrt(c) * ||x||)
    rc = jnp.sqrt(curv)
    x_norm = jnp.linalg.norm(x, axis=-1, keepdims=True)
    rc_xnorm = rc * x_norm
    sinh_input = jnp.clip(rc_xnorm, EPS, None)
    out = jnp.sinh(sinh_input) * x / jnp.clip(rc_xnorm, EPS, None)
    return out


def reference(tangent_embeddings):
    # forward(): return exp_map0(self.tangent_embeddings, self.curv)
    return exp_map0(tangent_embeddings, CURV)

if __name__ == "__main__":
    import jax
    _d = setup_inputs()
    print(jax.jit(kernel)(*tuple(_d.values())))

</pallas_src>

<mosaic_0001>
#map = affine_map<(d0, d1) -> (0, 0)>
module attributes {stable_mosaic.version = 14 : i64} {
  func.func @lorentz_exp_map0_sc(%arg0: i32, %arg1: i32, %arg2: memref<1000000x32xf32, #tpu.memory_space<hbm>>, %arg3: memref<1000000x32xf32, #tpu.memory_space<hbm>>, %arg4: memref<240x32xf32, #tpu.memory_space<vmem>>, %arg5: memref<240x32xf32, #tpu.memory_space<vmem>>, %arg6: memref<!tpu.dma_semaphore, #tpu.memory_space<semaphore_mem>>, %arg7: memref<!tpu.dma_semaphore, #tpu.memory_space<semaphore_mem>>, %arg8: memref<240x32xf32, #tpu.memory_space<vmem>>, %arg9: memref<240x32xf32, #tpu.memory_space<vmem>>, %arg10: memref<4080xf32, #tpu.memory_space<vmem>>, %arg11: memref<!tpu.dma_semaphore, #tpu.memory_space<semaphore_mem>>, %arg12: memref<!tpu.dma_semaphore, #tpu.memory_space<semaphore_mem>>) attributes {dimension_semantics = [#tpu.dimension_semantics<core_parallel>, #tpu.dimension_semantics<subcore_parallel>], iteration_bounds = array<i64: 2, 16>, scalar_prefetch = 0 : i64, scratch_operands = 9 : i64, tpu.core_type = #tpu.core_type<sc_vector_subcore>, window_params = [{transform_indices = #map}, {transform_indices = #map}]} {
    %mul3A = arith.constant 2 : i32
    %mul3A_0 = arith.muli %arg1, %mul3A : i32
    %add3A = arith.addi %mul3A_0, %arg0 : i32
    %iota3A = tpu.iota {dimensions = array<i32: 0>} : vector<16xi32>
    %lt3A = arith.constant 7 : i32
    %lt3A_1 = arith.cmpi slt, %add3A, %lt3A : i32
    %mul3A_2 = arith.constant 131 : i32
    %mul3A_3 = arith.muli %mul3A_2, %add3A : i32
    %mul3A_4 = arith.constant 130 : i32
    %mul3A_5 = arith.muli %mul3A_4, %add3A : i32
    %add3A_6 = arith.constant 7 : i32
    %add3A_7 = arith.addi %mul3A_5, %add3A_6 : i32
    %select_n3A = arith.select %lt3A_1, %mul3A_3, %add3A_7 : i32
    %add3A_8 = arith.constant 0 : i32
    %add3A_9 = arith.addi %select_n3A, %add3A_8 : i32
    %mul3A_10 = arith.constant 240 : i32
    %mul3A_11 = arith.muli %add3A_9, %mul3A_10 : i32
    %min3A = arith.constant 999760 : i32
    %min3A_12 = arith.minsi %mul3A_11, %min3A : i32
    %multiple_of3A = tpu.assume_multiple %min3A_12, 8 : i32
    %add3A_13 = arith.constant 0 : i32
    %add3A_14 = arith.addi %multiple_of3A, %add3A_13 : i32
    %dma_start3A = arith.constant 0 : i32
    %dma_start3A_15 = arith.constant 0 : i32
    %dma_start3A_16 = tpu.memref_slice %arg4[%dma_start3A, %dma_start3A_15] : memref<240x32xf32, #tpu.memory_space<vmem>> -> memref<64x32xf32, #tpu.memory_space<vmem>>
    %dma_start3A_17 = arith.constant 0 : i32
    %dma_start3A_18 = tpu.memref_slice %arg2[%add3A_14, %dma_start3A_17] : memref<1000000x32xf32, #tpu.memory_space<hbm>> -> memref<64x32xf32, #tpu.memory_space<hbm>>
    %dma_start3A_19 = arith.constant 0 : i32
    %dma_start3A_20 = arith.constant 0 : i32
    %dma_start3A_21 = tpu.memref_slice %arg4[%dma_start3A_19, %dma_start3A_20] : memref<240x32xf32, #tpu.memory_space<vmem>> -> memref<64x32xf32, #tpu.memory_space<vmem>>
    %dma_start3A_22 = arith.constant 0 : i32
    %dma_start3A_23 = tpu.memref_slice %arg2[%add3A_14, %dma_start3A_22] : memref<1000000x32xf32, #tpu.memory_space<hbm>> -> memref<64x32xf32, #tpu.memory_space<hbm>>
    tpu.enqueue_dma source(%dma_start3A_23 : memref<64x32xf32, #tpu.memory_space<hbm>>) target(%dma_start3A_21 : memref<64x32xf32, #tpu.memory_space<vmem>>) target_semaphore(%arg6 : memref<!tpu.dma_semaphore, #tpu.memory_space<semaphore_mem>>)
    %add3A_24 = arith.constant 64 : i32
    %add3A_25 = arith.addi %multiple_of3A, %add3A_24 : i32
    %dma_start3A_26 = arith.constant 64 : i32
    %dma_start3A_27 = arith.constant 0 : i32
    %dma_start3A_28 = tpu.memref_slice %arg4[%dma_start3A_26, %dma_start3A_27] : memref<240x32xf32, #tpu.memory_space<vmem>> -> memref<64x32xf32, #tpu.memory_space<vmem>>
    %dma_start3A_29 = arith.constant 0 : i32
    %dma_start3A_30 = tpu.memref_slice %arg2[%add3A_25, %dma_start3A_29] : memref<1000000x32xf32, #tpu.memory_space<hbm>> -> memref<64x32xf32, #tpu.memory_space<hbm>>
    %dma_start3A_31 = arith.constant 64 : i32
    %dma_start3A_32 = arith.constant 0 : i32
    %dma_start3A_33 = tpu.memref_slice %arg4[%dma_start3A_31, %dma_start3A_32] : memref<240x32xf32, #tpu.memory_space<vmem>> -> memref<64x32xf32, #tpu.memory_space<vmem>>
    %dma_start3A_34 = arith.constant 0 : i32
    %dma_start3A_35 = tpu.memref_slice %arg2[%add3A_25, %dma_start3A_34] : memref<1000000x32xf32, #tpu.memory_space<hbm>> -> memref<64x32xf32, #tpu.memory_space<hbm>>
    tpu.enqueue_dma source(%dma_start3A_35 : memref<64x32xf32, #tpu.memory_space<hbm>>) target(%dma_start3A_33 : memref<64x32xf32, #tpu.memory_space<vmem>>) target_semaphore(%arg6 : memref<!tpu.dma_semaphore, #tpu.memory_space<semaphore_mem>>)
    %add3A_36 = arith.constant 128 : i32
    %add3A_37 = arith.addi %multiple_of3A, %add3A_36 : i32
    %dma_start3A_38 = arith.constant 128 : i32
    %dma_start3A_39 = arith.constant 0 : i32
    %dma_start3A_40 = tpu.memref_slice %arg4[%dma_start3A_38, %dma_start3A_39] : memref<240x32xf32, #tpu.memory_space<vmem>> -> memref<64x32xf32, #tpu.memory_space<vmem>>
    %dma_start3A_41 = arith.constant 0 : i32
    %dma_start3A_42 = tpu.memref_slice %arg2[%add3A_37, %dma_start3A_41] : memref<1000000x32xf32, #tpu.memory_space<hbm>> -> memref<64x32xf32, #tpu.memory_space<hbm>>
    %dma_start3A_43 = arith.constant 128 : i32
    %dma_start3A_44 = arith.constant 0 : i32
    %dma_start3A_45 = tpu.memref_slice %arg4[%dma_start3A_43, %dma_start3A_44] : memref<240x32xf32, #tpu.memory_space<vmem>> -> memref<64x32xf32, #tpu.memory_space<vmem>>
    %dma_start3A_46 = arith.constant 0 : i32
    %dma_start3A_47 = tpu.memref_slice %arg2[%add3A_37, %dma_start3A_46] : memref<1000000x32xf32, #tpu.memory_space<hbm>> -> memref<64x32xf32, #tpu.memory_space<hbm>>
    tpu.enqueue_dma source(%dma_start3A_47 : memref<64x32xf32, #tpu.memory_space<hbm>>) target(%dma_start3A_45 : memref<64x32xf32, #tpu.memory_space<vmem>>) target_semaphore(%arg6 : memref<!tpu.dma_semaphore, #tpu.memory_space<semaphore_mem>>)
    %add3A_48 = arith.constant 192 : i32
    %add3A_49 = arith.addi %multiple_of3A, %add3A_48 : i32
    %dma_start3A_50 = arith.constant 192 : i32
    %dma_start3A_51 = arith.constant 0 : i32
    %dma_start3A_52 = tpu.memref_slice %arg4[%dma_start3A_50, %dma_start3A_51] : memref<240x32xf32, #tpu.memory_space<vmem>> -> memref<48x32xf32, #tpu.memory_space<vmem>>
    %dma_start3A_53 = arith.constant 0 : i32
    %dma_start3A_54 = tpu.memref_slice %arg2[%add3A_49, %dma_start3A_53] : memref<1000000x32xf32, #tpu.memory_space<hbm>> -> memref<48x32xf32, #tpu.memory_space<hbm>>
    %dma_start3A_55 = arith.constant 192 : i32
    %dma_start3A_56 = arith.constant 0 : i32
    %dma_start3A_57 = tpu.memref_slice %arg4[%dma_start3A_55, %dma_start3A_56] : memref<240x32xf32, #tpu.memory_space<vmem>> -> memref<48x32xf32, #tpu.memory_space<vmem>>
    %dma_start3A_58 = arith.constant 0 : i32
    %dma_start3A_59 = tpu.memref_slice %arg2[%add3A_49, %dma_start3A_58] : memref<1000000x32xf32, #tpu.memory_space<hbm>> -> memref<48x32xf32, #tpu.memory_space<hbm>>
    tpu.enqueue_dma source(%dma_start3A_59 : memref<48x32xf32, #tpu.memory_space<hbm>>) target(%dma_start3A_57 : memref<48x32xf32, #tpu.memory_space<vmem>>) target_semaphore(%arg6 : memref<!tpu.dma_semaphore, #tpu.memory_space<semaphore_mem>>)
    %add3A_60 = arith.constant 1 : i32
    %add3A_61 = arith.addi %select_n3A, %add3A_60 : i32
    %mul3A_62 = arith.constant 240 : i32
    %mul3A_63 = arith.muli %add3A_61, %mul3A_62 : i32
    %min3A_64 = arith.constant 999760 : i32
    %min3A_65 = arith.minsi %mul3A_63, %min3A_64 : i32
    %multiple_of3A_66 = tpu.assume_multiple %min3A_65, 8 : i32
    %add3A_67 = arith.constant 0 : i32
    %add3A_68 = arith.addi %multiple_of3A_66, %add3A_67 : i32
    %dma_start3A_69 = arith.constant 0 : i32
    %dma_start3A_70 = arith.constant 0 : i32
    %dma_start3A_71 = tpu.memref_slice %arg5[%dma_start3A_69, %dma_start3A_70] : memref<240x32xf32, #tpu.memory_space<vmem>> -> memref<64x32xf32, #tpu.memory_space<vmem>>
    %dma_start3A_72 = arith.constant 0 : i32
    %dma_start3A_73 = tpu.memref_slice %arg2[%add3A_68, %dma_start3A_72] : memref<1000000x32xf32, #tpu.memory_space<hbm>> -> memref<64x32xf32, #tpu.memory_space<hbm>>
    %dma_start3A_74 = arith.constant 0 : i32
    %dma_start3A_75 = arith.constant 0 : i32
    %dma_start3A_76 = tpu.memref_slice %arg5[%dma_start3A_74, %dma_start3A_75] : memref<240x32xf32, #tpu.memory_space<vmem>> -> memref<64x32xf32, #tpu.memory_space<vmem>>
    %dma_start3A_77 = arith.constant 0 : i32
    %dma_start3A_78 = tpu.memref_slice %arg2[%add3A_68, %dma_start3A_77] : memref<1000000x32xf32, #tpu.memory_space<hbm>> -> memref<64x32xf32, #tpu.memory_space<hbm>>
    tpu.enqueue_dma source(%dma_start3A_78 : memref<64x32xf32, #tpu.memory_space<hbm>>) target(%dma_start3A_76 : memref<64x32xf32, #tpu.memory_space<vmem>>) target_semaphore(%arg7 : memref<!tpu.dma_semaphore, #tpu.memory_space<semaphore_mem>>)
    %add3A_79 = arith.constant 64 : i32
    %add3A_80 = arith.addi %multiple_of3A_66, %add3A_79 : i32
    %dma_start3A_81 = arith.constant 64 : i32
    %dma_start3A_82 = arith.constant 0 : i32
    %dma_start3A_83 = tpu.memref_slice %arg5[%dma_start3A_81, %dma_start3A_82] : memref<240x32xf32, #tpu.memory_space<vmem>> -> memref<64x32xf32, #tpu.memory_space<vmem>>
    %dma_start3A_84 = arith.constant 0 : i32
    %dma_start3A_85 = tpu.memref_slice %arg2[%add3A_80, %dma_start3A_84] : memref<1000000x32xf32, #tpu.memory_space<hbm>> -> memref<64x32xf32, #tpu.memory_space<hbm>>
    %dma_start3A_86 = arith.constant 64 : i32
    %dma_start3A_87 = arith.constant 0 : i32
    %dma_start3A_88 = tpu.memref_slice %arg5[%dma_start3A_86, %dma_start3A_87] : memref<240x32xf32, #tpu.memory_space<vmem>> -> memref<64x32xf32, #tpu.memory_space<vmem>>
    %dma_start3A_89 = arith.constant 0 : i32
    %dma_start3A_90 = tpu.memref_slice %arg2[%add3A_80, %dma_start3A_89] : memref<1000000x32xf32, #tpu.memory_space<hbm>> -> memref<64x32xf32, #tpu.memory_space<hbm>>
    tpu.enqueue_dma source(%dma_start3A_90 : memref<64x32xf32, #tpu.memory_space<hbm>>) target(%dma_start3A_88 : memref<64x32xf32, #tpu.memory_space<vmem>>) target_semaphore(%arg7 : memref<!tpu.dma_semaphore, #tpu.memory_space<semaphore_mem>>)
    %add3A_91 = arith.constant 128 : i32
    %add3A_92 = arith.addi %multiple_of3A_66, %add3A_91 : i32
    %dma_start3A_93 = arith.constant 128 : i32
    %dma_start3A_94 = arith.constant 0 : i32
    %dma_start3A_95 = tpu.memref_slice %arg5[%dma_start3A_93, %dma_start3A_94] : memref<240x32xf32, #tpu.memory_space<vmem>> -> memref<64x32xf32, #tpu.memory_space<vmem>>
    %dma_start3A_96 = arith.constant 0 : i32
    %dma_start3A_97 = tpu.memref_slice %arg2[%add3A_92, %dma_start3A_96] : memref<1000000x32xf32, #tpu.memory_space<hbm>> -> memref<64x32xf32, #tpu.memory_space<hbm>>
    %dma_start3A_98 = arith.constant 128 : i32
    %dma_start3A_99 = arith.constant 0 : i32
    %dma_start3A_100 = tpu.memref_slice %arg5[%dma_start3A_98, %dma_start3A_99] : memref<240x32xf32, #tpu.memory_space<vmem>> -> memref<64x32xf32, #tpu.memory_space<vmem>>
    %dma_start3A_101 = arith.constant 0 : i32
    %dma_start3A_102 = tpu.memref_slice %arg2[%add3A_92, %dma_start3A_101] : memref<1000000x32xf32, #tpu.memory_space<hbm>> -> memref<64x32xf32, #tpu.memory_space<hbm>>
    tpu.enqueue_dma source(%dma_start3A_102 : memref<64x32xf32, #tpu.memory_space<hbm>>) target(%dma_start3A_100 : memref<64x32xf32, #tpu.memory_space<vmem>>) target_semaphore(%arg7 : memref<!tpu.dma_semaphore, #tpu.memory_space<semaphore_mem>>)
    %add3A_103 = arith.constant 192 : i32
    %add3A_104 = arith.addi %multiple_of3A_66, %add3A_103 : i32
    %dma_start3A_105 = arith.constant 192 : i32
    %dma_start3A_106 = arith.constant 0 : i32
    %dma_start3A_107 = tpu.memref_slice %arg5[%dma_start3A_105, %dma_start3A_106] : memref<240x32xf32, #tpu.memory_space<vmem>> -> memref<48x32xf32, #tpu.memory_space<vmem>>
    %dma_start3A_108 = arith.constant 0 : i32
    %dma_start3A_109 = tpu.memref_slice %arg2[%add3A_104, %dma_start3A_108] : memref<1000000x32xf32, #tpu.memory_space<hbm>> -> memref<48x32xf32, #tpu.memory_space<hbm>>
    %dma_start3A_110 = arith.constant 192 : i32
    %dma_start3A_111 = arith.constant 0 : i32
    %dma_start3A_112 = tpu.memref_slice %arg5[%dma_start3A_110, %dma_start3A_111] : memref<240x32xf32, #tpu.memory_space<vmem>> -> memref<48x32xf32, #tpu.memory_space<vmem>>
    %dma_start3A_113 = arith.constant 0 : i32
    %dma_start3A_114 = tpu.memref_slice %arg2[%add3A_104, %dma_start3A_113] : memref<1000000x32xf32, #tpu.memory_space<hbm>> -> memref<48x32xf32, #tpu.memory_space<hbm>>
    tpu.enqueue_dma source(%dma_start3A_114 : memref<48x32xf32, #tpu.memory_space<hbm>>) target(%dma_start3A_112 : memref<48x32xf32, #tpu.memory_space<vmem>>) target_semaphore(%arg7 : memref<!tpu.dma_semaphore, #tpu.memory_space<semaphore_mem>>)
    %scan3A = arith.constant 0 : i32
    %scan3A_115 = arith.constant 65 : i32
    %scan3A_116 = arith.addi %scan3A, %scan3A_115 : i32
    %scan3A_117 = arith.constant 1 : i32
    scf.for %scan3A_131 = %scan3A to %scan3A_116 step %scan3A_117  : i32 {
      %mul3A_132 = arith.constant 1 : i32
      %mul3A_133 = arith.muli %scan3A_131, %mul3A_132 : i32
      %add3A_134 = arith.constant 0 : i32
      %add3A_135 = arith.addi %add3A_134, %mul3A_133 : i32
      %mul3A_136 = arith.constant 2 : i32
      %mul3A_137 = arith.muli %mul3A_136, %add3A_135 : i32
      %add3A_138 = arith.constant 0 : i32
      %add3A_139 = arith.addi %mul3A_137, %add3A_138 : i32
      %dma_wait3A_140 = arith.constant 0 : i32
      %dma_wait3A_141 = arith.constant 0 : i32
      %dma_wait3A_142 = tpu.memref_slice %arg2[%dma_wait3A_140, %dma_wait3A_141] : memref<1000000x32xf32, #tpu.memory_space<hbm>> -> memref<240x32xf32, #tpu.memory_space<hbm>>
      %dma_wait3A_143 = arith.constant 0 : i32
      %dma_wait3A_144 = arith.constant 0 : i32
      %dma_wait3A_145 = tpu.memref_slice %arg2[%dma_wait3A_143, %dma_wait3A_144] : memref<1000000x32xf32, #tpu.memory_space<hbm>> -> memref<240x32xf32, #tpu.memory_space<hbm>>
      tpu.wait_dma2 semaphore(%arg6 : memref<!tpu.dma_semaphore, #tpu.memory_space<semaphore_mem>>) src(%dma_wait3A_145 : memref<240x32xf32, #tpu.memory_space<hbm>>) dst(%arg4 : memref<240x32xf32, #tpu.memory_space<vmem>>)
      %ge3A = arith.constant 1 : i32
      %ge3A_146 = arith.cmpi sge, %add3A_135, %ge3A : i32
      %convert_element_type3A_147 = arith.extui %ge3A_146 : i1 to i32
      %cond3A_148 = arith.constant 0 : i32
      %cond3A_149 = arith.cmpi ne, %convert_element_type3A_147, %cond3A_148 : i32
      scf.if %cond3A_149 {
        %dma_wait3A_294 = arith.constant 0 : i32
        %dma_wait3A_295 = arith.constant 0 : i32
        %dma_wait3A_296 = tpu.memref_slice %arg2[%dma_wait3A_294, %dma_wait3A_295] : memref<1000000x32xf32, #tpu.memory_space<hbm>> -> memref<240x32xf32, #tpu.memory_space<hbm>>
        %dma_wait3A_297 = arith.constant 0 : i32
        %dma_wait3A_298 = arith.constant 0 : i32
        %dma_wait3A_299 = tpu.memref_slice %arg2[%dma_wait3A_297, %dma_wait3A_298] : memref<1000000x32xf32, #tpu.memory_space<hbm>> -> memref<240x32xf32, #tpu.memory_space<hbm>>
        tpu.wait_dma2 semaphore(%arg11 : memref<!tpu.dma_semaphore, #tpu.memory_space<semaphore_mem>>) src(%dma_wait3A_299 : memref<240x32xf32, #tpu.memory_space<hbm>>) dst(%arg8 : memref<240x32xf32, #tpu.memory_space<vmem>>)
      } else {
      }
      %mul3A_150 = arith.constant 17 : i32
      %mul3A_151 = vector.broadcast %mul3A_150 : i32 to vector<16xi32>
      %mul3A_152 = arith.muli %iota3A, %mul3A_151 : vector<16xi32>
      %parallel_loop3A = arith.constant 0 : i32
      %parallel_loop3A_153 = arith.constant 15 : i32
      %parallel_loop3A_154 = arith.constant 1 : i32
      scf.for %parallel_loop3A_294 = %parallel_loop3A to %parallel_loop3A_153 step %parallel_loop3A_154  : i32 {
        %parallel_loop3A_295 = arith.constant 16 : i32
        %parallel_loop3A_296 = arith.muli %parallel_loop3A_294, %parallel_loop3A_295 : i32
        %parallel_loop3A_297 = tpu.assume_multiple %parallel_loop3A_296, 16 : i32
        %parallel_loop3A_298 = arith.constant 272 : i32
        %parallel_loop3A_299 = arith.muli %parallel_loop3A_294, %parallel_loop3A_298 : i32
        %parallel_loop3A_300 = arith.constant 0 : i32
        %parallel_loop3A_301 = arith.addi %parallel_loop3A_297, %parallel_loop3A_300 : i32
        %parallel_loop3A_302 = arith.index_cast %parallel_loop3A_301 : i32 to index
        %parallel_loop3A_303 = arith.constant 0 : index
        %parallel_loop3A_304 = tpu.vector_load %arg4[%parallel_loop3A_302, %parallel_loop3A_303] {strides = array<i32>} : memref<240x32xf32, #tpu.memory_space<vmem>>, vector<16xf32>,
        %parallel_loop3A_305 = arith.constant 0 : i32
        %parallel_loop3A_306 = arith.addi %parallel_loop3A_297, %parallel_loop3A_305 : i32
        %parallel_loop3A_307 = arith.index_cast %parallel_loop3A_306 : i32 to index
        %parallel_loop3A_308 = arith.constant 16 : index
        %parallel_loop3A_309 = tpu.vector_load %arg4[%parallel_loop3A_307, %parallel_loop3A_308] {strides = array<i32>} : memref<240x32xf32, #tpu.memory_space<vmem>>, vector<16xf32>,
        %parallel_loop3A_310 = arith.mulf %parallel_loop3A_304, %parallel_loop3A_304 : vector<16xf32>
        %parallel_loop3A_311 = arith.mulf %parallel_loop3A_309, %parallel_loop3A_309 : vector<16xf32>
        %parallel_loop3A_312 = arith.addf %parallel_loop3A_310, %parallel_loop3A_311 : vector<16xf32>
        %parallel_loop3A_313 = arith.constant 0 : i32
        %parallel_loop3A_314 = arith.addi %parallel_loop3A_299, %parallel_loop3A_313 : i32
        %parallel_loop3A_315 = arith.index_cast %parallel_loop3A_314 : i32 to index
        %parallel_loop3A_316 = tpu.vector_load %arg10[%parallel_loop3A_315] {strides = array<i32>} : memref<4080xf32, #tpu.memory_space<vmem>>, vector<16xf32>,
        tpu.vector_store %arg10[%parallel_loop3A_315], %parallel_loop3A_312 {strides = array<i32>} : memref<4080xf32, #tpu.memory_space<vmem>>, vector<16xf32>,
        %parallel_loop3A_317 = arith.constant 1 : i32
        %parallel_loop3A_318 = arith.addi %parallel_loop3A_297, %parallel_loop3A_317 : i32
        %parallel_loop3A_319 = arith.index_cast %parallel_loop3A_318 : i32 to index
        %parallel_loop3A_320 = arith.constant 0 : index
        %parallel_loop3A_321 = tpu.vector_load %arg4[%parallel_loop3A_319, %parallel_loop3A_320] {strides = array<i32>} : memref<240x32xf32, #tpu.memory_space<vmem>>, vector<16xf32>,
        %parallel_loop3A_322 = arith.constant 1 : i32
        %parallel_loop3A_323 = arith.addi %parallel_loop3A_297, %parallel_loop3A_322 : i32
        %parallel_loop3A_324 = arith.index_cast %parallel_loop3A_323 : i32 to index
        %parallel_loop3A_325 = arith.constant 16 : index
        %parallel_loop3A_326 = tpu.vector_load %arg4[%parallel_loop3A_324, %parallel_loop3A_325] {strides = array<i32>} : memref<240x32xf32, #tpu.memory_space<vmem>>, vector<16xf32>,
        %parallel_loop3A_327 = arith.mulf %parallel_loop3A_321, %parallel_loop3A_321 : vector<16xf32>
        %parallel_loop3A_328 = arith.mulf %parallel_loop3A_326, %parallel_loop3A_326 : vector<16xf32>
        %parallel_loop3A_329 = arith.addf %parallel_loop3A_327, %parallel_loop3A_328 : vector<16xf32>
        %parallel_loop3A_330 = arith.constant 17 : i32
        %parallel_loop3A_331 = arith.addi %parallel_loop3A_299, %parallel_loop3A_330 : i32
        %parallel_loop3A_332 = arith.index_cast %parallel_loop3A_331 : i32 to index
        %parallel_loop3A_333 = tpu.vector_load %arg10[%parallel_loop3A_332] {strides = array<i32>} : memref<4080xf32, #tpu.memory_space<vmem>>, vector<16xf32>,
        tpu.vector_store %arg10[%parallel_loop3A_332], %parallel_loop3A_329 {strides = array<i32>} : memref<4080xf32, #tpu.memory_space<vmem>>, vector<16xf32>,
        %parallel_loop3A_334 = arith.constant 2 : i32
        %parallel_loop3A_335 = arith.addi %parallel_loop3A_297, %parallel_loop3A_334 : i32
        %parallel_loop3A_336 = arith.index_cast %parallel_loop3A_335 : i32 to index
        %parallel_loop3A_337 = arith.constant 0 : index
        %parallel_loop3A_338 = tpu.vector_load %arg4[%parallel_loop3A_336, %parallel_loop3A_337] {strides = array<i32>} : memref<240x32xf32, #tpu.memory_space<vmem>>, vector<16xf32>,
        %parallel_loop3A_339 = arith.constant 2 : i32
        %parallel_loop3A_340 = arith.addi %parallel_loop3A_297, %parallel_loop3A_339 : i32
        %parallel_loop3A_341 = arith.index_cast %parallel_loop3A_340 : i32 to index
        %parallel_loop3A_342 = arith.constant 16 : index
        %parallel_loop3A_343 = tpu.vector_load %arg4[%parallel_loop3A_341, %parallel_loop3A_342] {strides = array<i32>} : memref<240x32xf32, #tpu.memory_space<vmem>>, vector<16xf32>,
        %parallel_loop3A_344 = arith.mulf %parallel_loop3A_338, %parallel_loop3A_338 : vector<16xf32>
        %parallel_loop3A_345 = arith.mulf %parallel_loop3A_343, %parallel_loop3A_343 : vector<16xf32>
        %parallel_loop3A_346 = arith.addf %parallel_loop3A_344, %parallel_loop3A_345 : vector<16xf32>
        %parallel_loop3A_347 = arith.constant 34 : i32
        %parallel_loop3A_348 = arith.addi %parallel_loop3A_299, %parallel_loop3A_347 : i32
        %parallel_loop3A_349 = arith.index_cast %parallel_loop3A_348 : i32 to index
        %parallel_loop3A_350 = tpu.vector_load %arg10[%parallel_loop3A_349] {strides = array<i32>} : memref<4080xf32, #tpu.memory_space<vmem>>, vector<16xf32>,
        tpu.vector_store %arg10[%parallel_loop3A_349], %parallel_loop3A_346 {strides = array<i32>} : memref<4080xf32, #tpu.memory_space<vmem>>, vector<16xf32>,
        %parallel_loop3A_351 = arith.constant 3 : i32
        %parallel_loop3A_352 = arith.addi %parallel_loop3A_297, %parallel_loop3A_351 : i32
        %parallel_loop3A_353 = arith.index_cast %parallel_loop3A_352 : i32 to index
        %parallel_loop3A_354 = arith.constant 0 : index
        %parallel_loop3A_355 = tpu.vector_load %arg4[%parallel_loop3A_353, %parallel_loop3A_354] {strides = array<i32>} : memref<240x32xf32, #tpu.memory_space<vmem>>, vector<16xf32>,
        %parallel_loop3A_356 = arith.constant 3 : i32
        %parallel_loop3A_357 = arith.addi %parallel_loop3A_297, %parallel_loop3A_356 : i32
        %parallel_loop3A_358 = arith.index_cast %parallel_loop3A_357 : i32 to index
        %parallel_loop3A_359 = arith.constant 16 : index
        %parallel_loop3A_360 = tpu.vector_load %arg4[%parallel_loop3A_358, %parallel_loop3A_359] {strides = array<i32>} : memref<240x32xf32, #tpu.memory_space<vmem>>, vector<16xf32>,
        %parallel_loop3A_361 = arith.mulf %parallel_loop3A_355, %parallel_loop3A_355 : vector<16xf32>
        %parallel_loop3A_362 = arith.mulf %parallel_loop3A_360, %parallel_loop3A_360 : vector<16xf32>
        %parallel_loop3A_363 = arith.addf %parallel_loop3A_361, %parallel_loop3A_362 : vector<16xf32>
        %parallel_loop3A_364 = arith.constant 51 : i32
        %parallel_loop3A_365 = arith.addi %parallel_loop3A_299, %parallel_loop3A_364 : i32
        %parallel_loop3A_366 = arith.index_cast %parallel_loop3A_365 : i32 to index
        %parallel_loop3A_367 = tpu.vector_load %arg10[%parallel_loop3A_366] {strides = array<i32>} : memref<4080xf32, #tpu.memory_space<vmem>>, vector<16xf32>,
        tpu.vector_store %arg10[%parallel_loop3A_366], %parallel_loop3A_363 {strides = array<i32>} : memref<4080xf32, #tpu.memory_space<vmem>>, vector<16xf32>,
        %parallel_loop3A_368 = arith.constant 4 : i32
        %parallel_loop3A_369 = arith.addi %parallel_loop3A_297, %parallel_loop3A_368 : i32
        %parallel_loop3A_370 = arith.index_cast %parallel_loop3A_369 : i32 to index
        %parallel_loop3A_371 = arith.constant 0 : index
        %parallel_loop3A_372 = tpu.vector_load %arg4[%parallel_loop3A_370, %parallel_loop3A_371] {strides = array<i32>} : memref<240x32xf32, #tpu.memory_space<vmem>>, vector<16xf32>,
        %parallel_loop3A_373 = arith.constant 4 : i32
        %parallel_loop3A_374 = arith.addi %parallel_loop3A_297, %parallel_loop3A_373 : i32
        %parallel_loop3A_375 = arith.index_cast %parallel_loop3A_374 : i32 to index
        %parallel_loop3A_376 = arith.constant 16 : index
        %parallel_loop3A_377 = tpu.vector_load %arg4[%parallel_loop3A_375, %parallel_loop3A_376] {strides = array<i32>} : memref<240x32xf32, #tpu.memory_space<vmem>>, vector<16xf32>,
        %parallel_loop3A_378 = arith.mulf %parallel_loop3A_372, %parallel_loop3A_372 : vector<16xf32>
        %parallel_loop3A_379 = arith.mulf %parallel_loop3A_377, %parallel_loop3A_377 : vector<16xf32>
        %parallel_loop3A_380 = arith.addf %parallel_loop3A_378, %parallel_loop3A_379 : vector<16xf32>
        %parallel_loop3A_381 = arith.constant 68 : i32
        %parallel_loop3A_382 = arith.addi %parallel_loop3A_299, %parallel_loop3A_381 : i32
        %parallel_loop3A_383 = arith.index_cast %parallel_loop3A_382 : i32 to index
        %parallel_loop3A_384 = tpu.vector_load %arg10[%parallel_loop3A_383] {strides = array<i32>} : memref<4080xf32, #tpu.memory_space<vmem>>, vector<16xf32>,
        tpu.vector_store %arg10[%parallel_loop3A_383], %parallel_loop3A_380 {strides = array<i32>} : memref<4080xf32, #tpu.memory_space<vmem>>, vector<16xf32>,
        %parallel_loop3A_385 = arith.constant 5 : i32
        %parallel_loop3A_386 = arith.addi %parallel_loop3A_297, %parallel_loop3A_385 : i32
        %parallel_loop3A_387 = arith.index_cast %parallel_loop3A_386 : i32 to index
        %parallel_loop3A_388 = arith.constant 0 : index
        %parallel_loop3A_389 = tpu.vector_load %arg4[%parallel_loop3A_387, %parallel_loop3A_388] {strides = array<i32>} : memref<240x32xf32, #tpu.memory_space<vmem>>, vector<16xf32>,
        %parallel_loop3A_390 = arith.constant 5 : i32
        %parallel_loop3A_391 = arith.addi %parallel_loop3A_297, %parallel_loop3A_390 : i32
        %parallel_loop3A_392 = arith.index_cast %parallel_loop3A_391 : i32 to index
        %parallel_loop3A_393 = arith.constant 16 : index
        %parallel_loop3A_394 = tpu.vector_load %arg4[%parallel_loop3A_392, %parallel_loop3A_393] {strides = array<i32>} : memref<240x32xf32, #tpu.memory_space<vmem>>, vector<16xf32>,
        %parallel_loop3A_395 = arith.mulf %parallel_loop3A_389, %parallel_loop3A_389 : vector<16xf32>
        %parallel_loop3A_396 = arith.mulf %parallel_loop3A_394, %parallel_loop3A_394 : vector<16xf32>
        %parallel_loop3A_397 = arith.addf %parallel_loop3A_395, %parallel_loop3A_396 : vector<16xf32>
        %parallel_loop3A_398 = arith.constant 85 : i32
        %parallel_loop3A_399 = arith.addi %parallel_loop3A_299, %parallel_loop3A_398 : i32
        %parallel_loop3A_400 = arith.index_cast %parallel_loop3A_399 : i32 to index
        %parallel_loop3A_401 = tpu.vector_load %arg10[%parallel_loop3A_400] {strides = array<i32>} : memref<4080xf32, #tpu.memory_space<vmem>>, vector<16xf32>,
        tpu.vector_store %arg10[%parallel_loop3A_400], %parallel_loop3A_397 {strides = array<i32>} : memref<4080xf32, #tpu.memory_space<vmem>>, vector<16xf32>,
        %parallel_loop3A_402 = arith.constant 6 : i32
        %parallel_loop3A_403 = arith.addi %parallel_loop3A_297, %parallel_loop3A_402 : i32
        %parallel_loop3A_404 = arith.index_cast %parallel_loop3A_403 : i32 to index
        %parallel_loop3A_405 = arith.constant 0 : index
        %parallel_loop3A_406 = tpu.vector_load %arg4[%parallel_loop3A_404, %parallel_loop3A_405] {strides = array<i32>} : memref<240x32xf32, #tpu.memory_space<vmem>>, vector<16xf32>,
        %parallel_loop3A_407 = arith.constant 6 : i32
        %parallel_loop3A_408 = arith.addi %parallel_loop3A_297, %parallel_loop3A_407 : i32
        %parallel_loop3A_409 = arith.index_cast %parallel_loop3A_408 : i32 to index
        %parallel_loop3A_410 = arith.constant 16 : index
        %parallel_loop3A_411 = tpu.vector_load %arg4[%parallel_loop3A_409, %parallel_loop3A_410] {strides = array<i32>} : memref<240x32xf32, #tpu.memory_space<vmem>>, vector<16xf32>,
        %parallel_loop3A_412 = arith.mulf %parallel_loop3A_406, %parallel_loop3A_406 : vector<16xf32>
        %parallel_loop3A_413 = arith.mulf %parallel_loop3A_411, %parallel_loop3A_411 : vector<16xf32>
        %parallel_loop3A_414 = arith.addf %parallel_loop3A_412, %parallel_loop3A_413 : vector<16xf32>
        %parallel_loop3A_415 = arith.constant 102 : i32
        %parallel_loop3A_416 = arith.addi %parallel_loop3A_299, %parallel_loop3A_415 : i32
        %parallel_loop3A_417 = arith.index_cast %parallel_loop3A_416 : i32 to index
        %parallel_loop3A_418 = tpu.vector_load %arg10[%parallel_loop3A_417] {strides = array<i32>} : memref<4080xf32, #tpu.memory_space<vmem>>, vector<16xf32>,
        tpu.vector_store %arg10[%parallel_loop3A_417], %parallel_loop3A_414 {strides = array<i32>} : memref<4080xf32, #tpu.memory_space<vmem>>, vector<16xf32>,
        %parallel_loop3A_419 = arith.constant 7 : i32
        %parallel_loop3A_420 = arith.addi %parallel_loop3A_297, %parallel_loop3A_419 : i32
        %parallel_loop3A_421 = arith.index_cast %parallel_loop3A_420 : i32 to index
        %parallel_loop3A_422 = arith.constant 0 : index
        %parallel_loop3A_423 = tpu.vector_load %arg4[%parallel_loop3A_421, %parallel_loop3A_422] {strides = array<i32>} : memref<240x32xf32, #tpu.memory_space<vmem>>, vector<16xf32>,
        %parallel_loop3A_424 = arith.constant 7 : i32
        %parallel_loop3A_425 = arith.addi %parallel_loop3A_297, %parallel_loop3A_424 : i32
        %parallel_loop3A_426 = arith.index_cast %parallel_loop3A_425 : i32 to index
        %parallel_loop3A_427 = arith.constant 16 : index
        %parallel_loop3A_428 = tpu.vector_load %arg4[%parallel_loop3A_426, %parallel_loop3A_427] {strides = array<i32>} : memref<240x32xf32, #tpu.memory_space<vmem>>, vector<16xf32>,
        %parallel_loop3A_429 = arith.mulf %parallel_loop3A_423, %parallel_loop3A_423 : vector<16xf32>
        %parallel_loop3A_430 = arith.mulf %parallel_loop3A_428, %parallel_loop3A_428 : vector<16xf32>
        %parallel_loop3A_431 = arith.addf %parallel_loop3A_429, %parallel_loop3A_430 : vector<16xf32>
        %parallel_loop3A_432 = arith.constant 119 : i32
        %parallel_loop3A_433 = arith.addi %parallel_loop3A_299, %parallel_loop3A_432 : i32
        %parallel_loop3A_434 = arith.index_cast %parallel_loop3A_433 : i32 to index
        %parallel_loop3A_435 = tpu.vector_load %arg10[%parallel_loop3A_434] {strides = array<i32>} : memref<4080xf32, #tpu.memory_space<vmem>>, vector<16xf32>,
        tpu.vector_store %arg10[%parallel_loop3A_434], %parallel_loop3A_431 {strides = array<i32>} : memref<4080xf32, #tpu.memory_space<vmem>>, vector<16xf32>,
        %parallel_loop3A_436 = arith.constant 8 : i32
        %parallel_loop3A_437 = arith.addi %parallel_loop3A_297, %parallel_loop3A_436 : i32
        %parallel_loop3A_438 = arith.index_cast %parallel_loop3A_437 : i32 to index
        %parallel_loop3A_439 = arith.constant 0 : index
        %parallel_loop3A_440 = tpu.vector_load %arg4[%parallel_loop3A_438, %parallel_loop3A_439] {strides = array<i32>} : memref<240x32xf32, #tpu.memory_space<vmem>>, vector<16xf32>,
        %parallel_loop3A_441 = arith.constant 8 : i32
        %parallel_loop3A_442 = arith.addi %parallel_loop3A_297, %parallel_loop3A_441 : i32
        %parallel_loop3A_443 = arith.index_cast %parallel_loop3A_442 : i32 to index
        %parallel_loop3A_444 = arith.constant 16 : index
        %parallel_loop3A_445 = tpu.vector_load %arg4[%parallel_loop3A_443, %parallel_loop3A_444] {strides = array<i32>} : memref<240x32xf32, #tpu.memory_space<vmem>>, vector<16xf32>,
        %parallel_loop3A_446 = arith.mulf %parallel_loop3A_440, %parallel_loop3A_440 : vector<16xf32>
        %parallel_loop3A_447 = arith.mulf %parallel_loop3A_445, %parallel_loop3A_445 : vector<16xf32>
        %parallel_loop3A_448 = arith.addf %parallel_loop3A_446, %parallel_loop3A_447 : vector<16xf32>
        %parallel_loop3A_449 = arith.constant 136 : i32
        %parallel_loop3A_450 = arith.addi %parallel_loop3A_299, %parallel_loop3A_449 : i32
        %parallel_loop3A_451 = arith.index_cast %parallel_loop3A_450 : i32 to index
        %parallel_loop3A_452 = tpu.vector_load %arg10[%parallel_loop3A_451] {strides = array<i32>} : memref<4080xf32, #tpu.memory_space<vmem>>, vector<16xf32>,
        tpu.vector_store %arg10[%parallel_loop3A_451], %parallel_loop3A_448 {strides = array<i32>} : memref<4080xf32, #tpu.memory_space<vmem>>, vector<16xf32>,
        %parallel_loop3A_453 = arith.constant 9 : i32
        %parallel_loop3A_454 = arith.addi %parallel_loop3A_297, %parallel_loop3A_453 : i32
        %parallel_loop3A_455 = arith.index_cast %parallel_loop3A_454 : i32 to index
        %parallel_loop3A_456 = arith.constant 0 : index
        %parallel_loop3A_457 = tpu.vector_load %arg4[%parallel_loop3A_455, %parallel_loop3A_456] {strides = array<i32>} : memref<240x32xf32, #tpu.memory_space<vmem>>, vector<16xf32>,
        %parallel_loop3A_458 = arith.constant 9 : i32
        %parallel_loop3A_459 = arith.addi %parallel_loop3A_297, %parallel_loop3A_458 : i32
        %parallel_loop3A_460 = arith.index_cast %parallel_loop3A_459 : i32 to index
        %parallel_loop3A_461 = arith.constant 16 : index
        %parallel_loop3A_462 = tpu.vector_load %arg4[%parallel_loop3A_460, %parallel_loop3A_461] {strides = array<i32>} : memref<240x32xf32, #tpu.memory_space<vmem>>, vector<16xf32>,
        %parallel_loop3A_463 = arith.mulf %parallel_loop3A_457, %parallel_loop3A_457 : vector<16xf32>
        %parallel_loop3A_464 = arith.mulf %parallel_loop3A_462, %parallel_loop3A_462 : vector<16xf32>
        %parallel_loop3A_465 = arith.addf %parallel_loop3A_463, %parallel_loop3A_464 : vector<16xf32>
        %parallel_loop3A_466 = arith.constant 153 : i32
        %parallel_loop3A_467 = arith.addi %parallel_loop3A_299, %parallel_loop3A_466 : i32
        %parallel_loop3A_468 = arith.index_cast %parallel_loop3A_467 : i32 to index
        %parallel_loop3A_469 = tpu.vector_load %arg10[%parallel_loop3A_468] {strides = array<i32>} : memref<4080xf32, #tpu.memory_space<vmem>>, vector<16xf32>,
        tpu.vector_store %arg10[%parallel_loop3A_468], %parallel_loop3A_465 {strides = array<i32>} : memref<4080xf32, #tpu.memory_space<vmem>>, vector<16xf32>,
        %parallel_loop3A_470 = arith.constant 10 : i32
        %parallel_loop3A_471 = arith.addi %parallel_loop3A_297, %parallel_loop3A_470 : i32
        %parallel_loop3A_472 = arith.index_cast %parallel_loop3A_471 : i32 to index
        %parallel_loop3A_473 = arith.constant 0 : index
        %parallel_loop3A_474 = tpu.vector_load %arg4[%parallel_loop3A_472, %parallel_loop3A_473] {strides = array<i32>} : memref<240x32xf32, #tpu.memory_space<vmem>>, vector<16xf32>,
        %parallel_loop3A_475 = arith.constant 10 : i32
        %parallel_loop3A_476 = arith.addi %parallel_loop3A_297, %parallel_loop3A_475 : i32
        %parallel_loop3A_477 = arith.index_cast %parallel_loop3A_476 : i32 to index
        %parallel_loop3A_478 = arith.constant 16 : index
        %parallel_loop3A_479 = tpu.vector_load %arg4[%parallel_loop3A_477, %parallel_loop3A_478] {strides = array<i32>} : memref<240x32xf32, #tpu.memory_space<vmem>>, vector<16xf32>,
        %parallel_loop3A_480 = arith.mulf %parallel_loop3A_474, %parallel_loop3A_474 : vector<16xf32>
        %parallel_loop3A_481 = arith.mulf %parallel_loop3A_479, %parallel_loop3A_479 : vector<16xf32>
        %parallel_loop3A_482 = arith.addf %parallel_loop3A_480, %parallel_loop3A_481 : vector<16xf32>
        %parallel_loop3A_483 = arith.constant 170 : i32
        %parallel_loop3A_484 = arith.addi %parallel_loop3A_299, %parallel_loop3A_483 : i32
        %parallel_loop3A_485 = arith.index_cast %parallel_loop3A_484 : i32 to index
        %parallel_loop3A_486 = tpu.vector_load %arg10[%parallel_loop3A_485] {strides = array<i32>} : memref<4080xf32, #tpu.memory_space<vmem>>, vector<16xf32>,
        tpu.vector_store %arg10[%parallel_loop3A_485], %parallel_loop3A_482 {strides = array<i32>} : memref<4080xf32, #tpu.memory_space<vmem>>, vector<16xf32>,
        %parallel_loop3A_487 = arith.constant 11 : i32
        %parallel_loop3A_488 = arith.addi %parallel_loop3A_297, %parallel_loop3A_487 : i32
        %parallel_loop3A_489 = arith.index_cast %parallel_loop3A_488 : i32 to index
        %parallel_loop3A_490 = arith.constant 0 : index
        %parallel_loop3A_491 = tpu.vector_load %arg4[%parallel_loop3A_489, %parallel_loop3A_490] {strides = array<i32>} : memref<240x32xf32, #tpu.memory_space<vmem>>, vector<16xf32>,
        %parallel_loop3A_492 = arith.constant 11 : i32
        %parallel_loop3A_493 = arith.addi %parallel_loop3A_297, %parallel_loop3A_492 : i32
        %parallel_loop3A_494 = arith.index_cast %parallel_loop3A_493 : i32 to index
        %parallel_loop3A_495 = arith.constant 16 : index
        %parallel_loop3A_496 = tpu.vector_load %arg4[%parallel_loop3A_494, %parallel_loop3A_495] {strides = array<i32>} : memref<240x32xf32, #tpu.memory_space<vmem>>, vector<16xf32>,
        %parallel_loop3A_497 = arith.mulf %parallel_loop3A_491, %parallel_loop3A_491 : vector<16xf32>
        %parallel_loop3A_498 = arith.mulf %parallel_loop3A_496, %parallel_loop3A_496 : vector<16xf32>
        %parallel_loop3A_499 = arith.addf %parallel_loop3A_497, %parallel_loop3A_498 : vector<16xf32>
        %parallel_loop3A_500 = arith.constant 187 : i32
        %parallel_loop3A_501 = arith.addi %parallel_loop3A_299, %parallel_loop3A_500 : i32
        %parallel_loop3A_502 = arith.index_cast %parallel_loop3A_501 : i32 to index
        %parallel_loop3A_503 = tpu.vector_load %arg10[%parallel_loop3A_502] {strides = array<i32>} : memref<4080xf32, #tpu.memory_space<vmem>>, vector<16xf32>,
        tpu.vector_store %arg10[%parallel_loop3A_502], %parallel_loop3A_499 {strides = array<i32>} : memref<4080xf32, #tpu.memory_space<vmem>>, vector<16xf32>,
        %parallel_loop3A_504 = arith.constant 12 : i32
        %parallel_loop3A_505 = arith.addi %parallel_loop3A_297, %parallel_loop3A_504 : i32
        %parallel_loop3A_506 = arith.index_cast %parallel_loop3A_505 : i32 to index
        %parallel_loop3A_507 = arith.constant 0 : index
        %parallel_loop3A_508 = tpu.vector_load %arg4[%parallel_loop3A_506, %parallel_loop3A_507] {strides = array<i32>} : memref<240x32xf32, #tpu.memory_space<vmem>>, vector<16xf32>,
        %parallel_loop3A_509 = arith.constant 12 : i32
        %parallel_loop3A_510 = arith.addi %parallel_loop3A_297, %parallel_loop3A_509 : i32
        %parallel_loop3A_511 = arith.index_cast %parallel_loop3A_510 : i32 to index
        %parallel_loop3A_512 = arith.constant 16 : index
        %parallel_loop3A_513 = tpu.vector_load %arg4[%parallel_loop3A_511, %parallel_loop3A_512] {strides = array<i32>} : memref<240x32xf32, #tpu.memory_space<vmem>>, vector<16xf32>,
        %parallel_loop3A_514 = arith.mulf %parallel_loop3A_508, %parallel_loop3A_508 : vector<16xf32>
        %parallel_loop3A_515 = arith.mulf %parallel_loop3A_513, %parallel_loop3A_513 : vector<16xf32>
        %parallel_loop3A_516 = arith.addf %parallel_loop3A_514, %parallel_loop3A_515 : vector<16xf32>
        %parallel_loop3A_517 = arith.constant 204 : i32
        %parallel_loop3A_518 = arith.addi %parallel_loop3A_299, %parallel_loop3A_517 : i32
        %parallel_loop3A_519 = arith.index_cast %parallel_loop3A_518 : i32 to index
        %parallel_loop3A_520 = tpu.vector_load %arg10[%parallel_loop3A_519] {strides = array<i32>} : memref<4080xf32, #tpu.memory_space<vmem>>, vector<16xf32>,
        tpu.vector_store %arg10[%parallel_loop3A_519], %parallel_loop3A_516 {strides = array<i32>} : memref<4080xf32, #tpu.memory_space<vmem>>, vector<16xf32>,
        %parallel_loop3A_521 = arith.constant 13 : i32
        %parallel_loop3A_522 = arith.addi %parallel_loop3A_297, %parallel_loop3A_521 : i32
        %parallel_loop3A_523 = arith.index_cast %parallel_loop3A_522 : i32 to index
        %parallel_loop3A_524 = arith.constant 0 : index
        %parallel_loop3A_525 = tpu.vector_load %arg4[%parallel_loop3A_523, %parallel_loop3A_524] {strides = array<i32>} : memref<240x32xf32, #tpu.memory_space<vmem>>, vector<16xf32>,
        %parallel_loop3A_526 = arith.constant 13 : i32
        %parallel_loop3A_527 = arith.addi %parallel_loop3A_297, %parallel_loop3A_526 : i32
        %parallel_loop3A_528 = arith.index_cast %parallel_loop3A_527 : i32 to index
        %parallel_loop3A_529 = arith.constant 16 : index
        %parallel_loop3A_530 = tpu.vector_load %arg4[%parallel_loop3A_528, %parallel_loop3A_529] {strides = array<i32>} : memref<240x32xf32, #tpu.memory_space<vmem>>, vector<16xf32>,
        %parallel_loop3A_531 = arith.mulf %parallel_loop3A_525, %parallel_loop3A_525 : vector<16xf32>
        %parallel_loop3A_532 = arith.mulf %parallel_loop3A_530, %parallel_loop3A_530 : vector<16xf32>
        %parallel_loop3A_533 = arith.addf %parallel_loop3A_531, %parallel_loop3A_532 : vector<16xf32>
        %parallel_loop3A_534 = arith.constant 221 : i32
        %parallel_loop3A_535 = arith.addi %parallel_loop3A_299, %parallel_loop3A_534 : i32
        %parallel_loop3A_536 = arith.index_cast %parallel_loop3A_535 : i32 to index
        %parallel_loop3A_537 = tpu.vector_load %arg10[%parallel_loop3A_536] {strides = array<i32>} : memref<4080xf32, #tpu.memory_space<vmem>>, vector<16xf32>,
        tpu.vector_store %arg10[%parallel_loop3A_536], %parallel_loop3A_533 {strides = array<i32>} : memref<4080xf32, #tpu.memory_space<vmem>>, vector<16xf32>,
        %parallel_loop3A_538 = arith.constant 14 : i32
        %parallel_loop3A_539 = arith.addi %parallel_loop3A_297, %parallel_loop3A_538 : i32
        %parallel_loop3A_540 = arith.index_cast %parallel_loop3A_539 : i32 to index
        %parallel_loop3A_541 = arith.constant 0 : index
        %parallel_loop3A_542 = tpu.vector_load %arg4[%parallel_loop3A_540, %parallel_loop3A_541] {strides = array<i32>} : memref<240x32xf32, #tpu.memory_space<vmem>>, vector<16xf32>,
        %parallel_loop3A_543 = arith.constant 14 : i32
        %parallel_loop3A_544 = arith.addi %parallel_loop3A_297, %parallel_loop3A_543 : i32
        %parallel_loop3A_545 = arith.index_cast %parallel_loop3A_544 : i32 to index
        %parallel_loop3A_546 = arith.constant 16 : index
        %parallel_loop3A_547 = tpu.vector_load %arg4[%parallel_loop3A_545, %parallel_loop3A_546] {strides = array<i32>} : memref<240x32xf32, #tpu.memory_space<vmem>>, vector<16xf32>,
        %parallel_loop3A_548 = arith.mulf %parallel_loop3A_542, %parallel_loop3A_542 : vector<16xf32>
        %parallel_loop3A_549 = arith.mulf %parallel_loop3A_547, %parallel_loop3A_547 : vector<16xf32>
        %parallel_loop3A_550 = arith.addf %parallel_loop3A_548, %parallel_loop3A_549 : vector<16xf32>
        %parallel_loop3A_551 = arith.constant 238 : i32
        %parallel_loop3A_552 = arith.addi %parallel_loop3A_299, %parallel_loop3A_551 : i32
        %parallel_loop3A_553 = arith.index_cast %parallel_loop3A_552 : i32 to index
        %parallel_loop3A_554 = tpu.vector_load %arg10[%parallel_loop3A_553] {strides = array<i32>} : memref<4080xf32, #tpu.memory_space<vmem>>, vector<16xf32>,
        tpu.vector_store %arg10[%parallel_loop3A_553], %parallel_loop3A_550 {strides = array<i32>} : memref<4080xf32, #tpu.memory_space<vmem>>, vector<16xf32>,
        %parallel_loop3A_555 = arith.constant 15 : i32
        %parallel_loop3A_556 = arith.addi %parallel_loop3A_297, %parallel_loop3A_555 : i32
        %parallel_loop3A_557 = arith.index_cast %parallel_loop3A_556 : i32 to index
        %parallel_loop3A_558 = arith.constant 0 : index
        %parallel_loop3A_559 = tpu.vector_load %arg4[%parallel_loop3A_557, %parallel_loop3A_558] {strides = array<i32>} : memref<240x32xf32, #tpu.memory_space<vmem>>, vector<16xf32>,
        %parallel_loop3A_560 = arith.constant 15 : i32
        %parallel_loop3A_561 = arith.addi %parallel_loop3A_297, %parallel_loop3A_560 : i32
        %parallel_loop3A_562 = arith.index_cast %parallel_loop3A_561 : i32 to index
        %parallel_loop3A_563 = arith.constant 16 : index
        %parallel_loop3A_564 = tpu.vector_load %arg4[%parallel_loop3A_562, %parallel_loop3A_563] {strides = array<i32>} : memref<240x32xf32, #tpu.memory_space<vmem>>, vector<16xf32>,
        %parallel_loop3A_565 = arith.mulf %parallel_loop3A_559, %parallel_loop3A_559 : vector<16xf32>
        %parallel_loop3A_566 = arith.mulf %parallel_loop3A_564, %parallel_loop3A_564 : vector<16xf32>
        %parallel_loop3A_567 = arith.addf %parallel_loop3A_565, %parallel_loop3A_566 : vector<16xf32>
        %parallel_loop3A_568 = arith.constant 255 : i32
        %parallel_loop3A_569 = arith.addi %parallel_loop3A_299, %parallel_loop3A_568 : i32
        %parallel_loop3A_570 = arith.index_cast %parallel_loop3A_569 : i32 to index
        %parallel_loop3A_571 = tpu.vector_load %arg10[%parallel_loop3A_570] {strides = array<i32>} : memref<4080xf32, #tpu.memory_space<vmem>>, vector<16xf32>,
        tpu.vector_store %arg10[%parallel_loop3A_570], %parallel_loop3A_567 {strides = array<i32>} : memref<4080xf32, #tpu.memory_space<vmem>>, vector<16xf32>,
        %parallel_loop3A_572 = arith.constant 0.000000e+00 : f32
        %parallel_loop3A_573 = vector.broadcast %parallel_loop3A_572 : f32 to vector<16xf32>
        %parallel_loop3A_574 = vector.broadcast %parallel_loop3A_299 : i32 to vector<16xi32>
        %parallel_loop3A_575 = arith.addi %parallel_loop3A_574, %mul3A_152 : vector<16xi32>
        %parallel_loop3A_576 = arith.constant 0 : i32
        %parallel_loop3A_577 = vector.broadcast %parallel_loop3A_576 : i32 to vector<16xi32>
        %parallel_loop3A_578 = arith.addi %parallel_loop3A_575, %parallel_loop3A_577 : vector<16xi32>
        %parallel_loop3A_579 = tpu.vector_load_idx %arg10[%parallel_loop3A_578] : memref<4080xf32, #tpu.memory_space<vmem>>[vector<16xi32>], vector<16xf32>,
        %parallel_loop3A_580 = arith.addf %parallel_loop3A_573, %parallel_loop3A_579 : vector<16xf32>
        %parallel_loop3A_581 = vector.broadcast %parallel_loop3A_299 : i32 to vector<16xi32>
        %parallel_loop3A_582 = arith.addi %parallel_loop3A_581, %mul3A_152 : vector<16xi32>
        %parallel_loop3A_583 = arith.constant 1 : i32
        %parallel_loop3A_584 = vector.broadcast %parallel_loop3A_583 : i32 to vector<16xi32>
        %parallel_loop3A_585 = arith.addi %parallel_loop3A_582, %parallel_loop3A_584 : vector<16xi32>
        %parallel_loop3A_586 = tpu.vector_load_idx %arg10[%parallel_loop3A_585] : memref<4080xf32, #tpu.memory_space<vmem>>[vector<16xi32>], vector<16xf32>,
        %parallel_loop3A_587 = arith.addf %parallel_loop3A_580, %parallel_loop3A_586 : vector<16xf32>
        %parallel_loop3A_588 = vector.broadcast %parallel_loop3A_299 : i32 to vector<16xi32>
        %parallel_loop3A_589 = arith.addi %parallel_loop3A_588, %mul3A_152 : vector<16xi32>
        %parallel_loop3A_590 = arith.constant 2 : i32
        %parallel_loop3A_591 = vector.broadcast %parallel_loop3A_590 : i32 to vector<16xi32>
        %parallel_loop3A_592 = arith.addi %parallel_loop3A_589, %parallel_loop3A_591 : vector<16xi32>
        %parallel_loop3A_593 = tpu.vector_load_idx %arg10[%parallel_loop3A_592] : memref<4080xf32, #tpu.memory_space<vmem>>[vector<16xi32>], vector<16xf32>,
        %parallel_loop3A_594 = arith.addf %parallel_loop3A_587, %parallel_loop3A_593 : vector<16xf32>
        %parallel_loop3A_595 = vector.broadcast %parallel_loop3A_299 : i32 to vector<16xi32>
        %parallel_loop3A_596 = arith.addi %parallel_loop3A_595, %mul3A_152 : vector<16xi32>
        %parallel_loop3A_597 = arith.constant 3 : i32
        %parallel_loop3A_598 = vector.broadcast %parallel_loop3A_597 : i32 to vector<16xi32>
        %parallel_loop3A_599 = arith.addi %parallel_loop3A_596, %parallel_loop3A_598 : vector<16xi32>
        %parallel_loop3A_600 = tpu.vector_load_idx %arg10[%parallel_loop3A_599] : memref<4080xf32, #tpu.memory_space<vmem>>[vector<16xi32>], vector<16xf32>,
        %parallel_loop3A_601 = arith.addf %parallel_loop3A_594, %parallel_loop3A_600 : vector<16xf32>
        %parallel_loop3A_602 = vector.broadcast %parallel_loop3A_299 : i32 to vector<16xi32>
        %parallel_loop3A_603 = arith.addi %parallel_loop3A_602, %mul3A_152 : vector<16xi32>
        %parallel_loop3A_604 = arith.constant 4 : i32
        %parallel_loop3A_605 = vector.broadcast %parallel_loop3A_604 : i32 to vector<16xi32>
        %parallel_loop3A_606 = arith.addi %parallel_loop3A_603, %parallel_loop3A_605 : vector<16xi32>
        %parallel_loop3A_607 = tpu.vector_load_idx %arg10[%parallel_loop3A_606] : memref<4080xf32, #tpu.memory_space<vmem>>[vector<16xi32>], vector<16xf32>,
        %parallel_loop3A_608 = arith.addf %parallel_loop3A_601, %parallel_loop3A_607 : vector<16xf32>
        %parallel_loop3A_609 = vector.broadcast %parallel_loop3A_299 : i32 to vector<16xi32>
        %parallel_loop3A_610 = arith.addi %parallel_loop3A_609, %mul3A_152 : vector<16xi32>
        %parallel_loop3A_611 = arith.constant 5 : i32
        %parallel_loop3A_612 = vector.broadcast %parallel_loop3A_611 : i32 to vector<16xi32>
        %parallel_loop3A_613 = arith.addi %parallel_loop3A_610, %parallel_loop3A_612 : vector<16xi32>
        %parallel_loop3A_614 = tpu.vector_load_idx %arg10[%parallel_loop3A_613] : memref<4080xf32, #tpu.memory_space<vmem>>[vector<16xi32>], vector<16xf32>,
        %parallel_loop3A_615 = arith.addf %parallel_loop3A_608, %parallel_loop3A_614 : vector<16xf32>
        %parallel_loop3A_616 = vector.broadcast %parallel_loop3A_299 : i32 to vector<16xi32>
        %parallel_loop3A_617 = arith.addi %parallel_loop3A_616, %mul3A_152 : vector<16xi32>
        %parallel_loop3A_618 = arith.constant 6 : i32
        %parallel_loop3A_619 = vector.broadcast %parallel_loop3A_618 : i32 to vector<16xi32>
        %parallel_loop3A_620 = arith.addi %parallel_loop3A_617, %parallel_loop3A_619 : vector<16xi32>
        %parallel_loop3A_621 = tpu.vector_load_idx %arg10[%parallel_loop3A_620] : memref<4080xf32, #tpu.memory_space<vmem>>[vector<16xi32>], vector<16xf32>,
        %parallel_loop3A_622 = arith.addf %parallel_loop3A_615, %parallel_loop3A_621 : vector<16xf32>
        %parallel_loop3A_623 = vector.broadcast %parallel_loop3A_299 : i32 to vector<16xi32>
        %parallel_loop3A_624 = arith.addi %parallel_loop3A_623, %mul3A_152 : vector<16xi32>
        %parallel_loop3A_625 = arith.constant 7 : i32
        %parallel_loop3A_626 = vector.broadcast %parallel_loop3A_625 : i32 to vector<16xi32>
        %parallel_loop3A_627 = arith.addi %parallel_loop3A_624, %parallel_loop3A_626 : vector<16xi32>
        %parallel_loop3A_628 = tpu.vector_load_idx %arg10[%parallel_loop3A_627] : memref<4080xf32, #tpu.memory_space<vmem>>[vector<16xi32>], vector<16xf32>,
        %parallel_loop3A_629 = arith.addf %parallel_loop3A_622, %parallel_loop3A_628 : vector<16xf32>
        %parallel_loop3A_630 = vector.broadcast %parallel_loop3A_299 : i32 to vector<16xi32>
        %parallel_loop3A_631 = arith.addi %parallel_loop3A_630, %mul3A_152 : vector<16xi32>
        %parallel_loop3A_632 = arith.constant 8 : i32
        %parallel_loop3A_633 = vector.broadcast %parallel_loop3A_632 : i32 to vector<16xi32>
        %parallel_loop3A_634 = arith.addi %parallel_loop3A_631, %parallel_loop3A_633 : vector<16xi32>
        %parallel_loop3A_635 = tpu.vector_load_idx %arg10[%parallel_loop3A_634] : memref<4080xf32, #tpu.memory_space<vmem>>[vector<16xi32>], vector<16xf32>,
        %parallel_loop3A_636 = arith.addf %parallel_loop3A_629, %parallel_loop3A_635 : vector<16xf32>
        %parallel_loop3A_637 = vector.broadcast %parallel_loop3A_299 : i32 to vector<16xi32>
        %parallel_loop3A_638 = arith.addi %parallel_loop3A_637, %mul3A_152 : vector<16xi32>
        %parallel_loop3A_639 = arith.constant 9 : i32
        %parallel_loop3A_640 = vector.broadcast %parallel_loop3A_639 : i32 to vector<16xi32>
        %parallel_loop3A_641 = arith.addi %parallel_loop3A_638, %parallel_loop3A_640 : vector<16xi32>
        %parallel_loop3A_642 = tpu.vector_load_idx %arg10[%parallel_loop3A_641] : memref<4080xf32, #tpu.memory_space<vmem>>[vector<16xi32>], vector<16xf32>,
        %parallel_loop3A_643 = arith.addf %parallel_loop3A_636, %parallel_loop3A_642 : vector<16xf32>
        %parallel_loop3A_644 = vector.broadcast %parallel_loop3A_299 : i32 to vector<16xi32>
        %parallel_loop3A_645 = arith.addi %parallel_loop3A_644, %mul3A_152 : vector<16xi32>
        %parallel_loop3A_646 = arith.constant 10 : i32
        %parallel_loop3A_647 = vector.broadcast %parallel_loop3A_646 : i32 to vector<16xi32>
        %parallel_loop3A_648 = arith.addi %parallel_loop3A_645, %parallel_loop3A_647 : vector<16xi32>
        %parallel_loop3A_649 = tpu.vector_load_idx %arg10[%parallel_loop3A_648] : memref<4080xf32, #tpu.memory_space<vmem>>[vector<16xi32>], vector<16xf32>,
        %parallel_loop3A_650 = arith.addf %parallel_loop3A_643, %parallel_loop3A_649 : vector<16xf32>
        %parallel_loop3A_651 = vector.broadcast %parallel_loop3A_299 : i32 to vector<16xi32>
        %parallel_loop3A_652 = arith.addi %parallel_loop3A_651, %mul3A_152 : vector<16xi32>
        %parallel_loop3A_653 = arith.constant 11 : i32
        %parallel_loop3A_654 = vector.broadcast %parallel_loop3A_653 : i32 to vector<16xi32>
        %parallel_loop3A_655 = arith.addi %parallel_loop3A_652, %parallel_loop3A_654 : vector<16xi32>
        %parallel_loop3A_656 = tpu.vector_load_idx %arg10[%parallel_loop3A_655] : memref<4080xf32, #tpu.memory_space<vmem>>[vector<16xi32>], vector<16xf32>,
        %parallel_loop3A_657 = arith.addf %parallel_loop3A_650, %parallel_loop3A_656 : vector<16xf32>
        %parallel_loop3A_658 = vector.broadcast %parallel_loop3A_299 : i32 to vector<16xi32>
        %parallel_loop3A_659 = arith.addi %parallel_loop3A_658, %mul3A_152 : vector<16xi32>
        %parallel_loop3A_660 = arith.constant 12 : i32
        %parallel_loop3A_661 = vector.broadcast %parallel_loop3A_660 : i32 to vector<16xi32>
        %parallel_loop3A_662 = arith.addi %parallel_loop3A_659, %parallel_loop3A_661 : vector<16xi32>
        %parallel_loop3A_663 = tpu.vector_load_idx %arg10[%parallel_loop3A_662] : memref<4080xf32, #tpu.memory_space<vmem>>[vector<16xi32>], vector<16xf32>,
        %parallel_loop3A_664 = arith.addf %parallel_loop3A_657, %parallel_loop3A_663 : vector<16xf32>
        %parallel_loop3A_665 = vector.broadcast %parallel_loop3A_299 : i32 to vector<16xi32>
        %parallel_loop3A_666 = arith.addi %parallel_loop3A_665, %mul3A_152 : vector<16xi32>
        %parallel_loop3A_667 = arith.constant 13 : i32
        %parallel_loop3A_668 = vector.broadcast %parallel_loop3A_667 : i32 to vector<16xi32>
        %parallel_loop3A_669 = arith.addi %parallel_loop3A_666, %parallel_loop3A_668 : vector<16xi32>
        %parallel_loop3A_670 = tpu.vector_load_idx %arg10[%parallel_loop3A_669] : memref<4080xf32, #tpu.memory_space<vmem>>[vector<16xi32>], vector<16xf32>,
        %parallel_loop3A_671 = arith.addf %parallel_loop3A_664, %parallel_loop3A_670 : vector<16xf32>
        %parallel_loop3A_672 = vector.broadcast %parallel_loop3A_299 : i32 to vector<16xi32>
        %parallel_loop3A_673 = arith.addi %parallel_loop3A_672, %mul3A_152 : vector<16xi32>
        %parallel_loop3A_674 = arith.constant 14 : i32
        %parallel_loop3A_675 = vector.broadcast %parallel_loop3A_674 : i32 to vector<16xi32>
        %parallel_loop3A_676 = arith.addi %parallel_loop3A_673, %parallel_loop3A_675 : vector<16xi32>
        %parallel_loop3A_677 = tpu.vector_load_idx %arg10[%parallel_loop3A_676] : memref<4080xf32, #tpu.memory_space<vmem>>[vector<16xi32>], vector<16xf32>,
        %parallel_loop3A_678 = arith.addf %parallel_loop3A_671, %parallel_loop3A_677 : vector<16xf32>
        %parallel_loop3A_679 = vector.broadcast %parallel_loop3A_299 : i32 to vector<16xi32>
        %parallel_loop3A_680 = arith.addi %parallel_loop3A_679, %mul3A_152 : vector<16xi32>
        %parallel_loop3A_681 = arith.constant 15 : i32
        %parallel_loop3A_682 = vector.broadcast %parallel_loop3A_681 : i32 to vector<16xi32>
        %parallel_loop3A_683 = arith.addi %parallel_loop3A_680, %parallel_loop3A_682 : vector<16xi32>
        %parallel_loop3A_684 = tpu.vector_load_idx %arg10[%parallel_loop3A_683] : memref<4080xf32, #tpu.memory_space<vmem>>[vector<16xi32>], vector<16xf32>,
        %parallel_loop3A_685 = arith.addf %parallel_loop3A_678, %parallel_loop3A_684 : vector<16xf32>
        %parallel_loop3A_686 = arith.constant 1.000000e-16 : f32
        %parallel_loop3A_687 = vector.broadcast %parallel_loop3A_686 : f32 to vector<16xf32>
        %parallel_loop3A_688 = arith.maximumf %parallel_loop3A_685, %parallel_loop3A_687 : vector<16xf32>
        %parallel_loop3A_689 = vector.bitcast %parallel_loop3A_688 : vector<16xf32> to vector<16xi32>
        %parallel_loop3A_690 = arith.constant 1 : i32
        %parallel_loop3A_691 = vector.broadcast %parallel_loop3A_690 : i32 to vector<16xi32>
        %parallel_loop3A_692 = arith.shrui %parallel_loop3A_689, %parallel_loop3A_691 : vector<16xi32>
        %parallel_loop3A_693 = arith.constant 1597463007 : i32
        %parallel_loop3A_694 = vector.broadcast %parallel_loop3A_693 : i32 to vector<16xi32>
        %parallel_loop3A_695 = arith.subi %parallel_loop3A_694, %parallel_loop3A_692 : vector<16xi32>
        %parallel_loop3A_696 = vector.bitcast %parallel_loop3A_695 : vector<16xi32> to vector<16xf32>
        %parallel_loop3A_697 = arith.constant 5.000000e-01 : f32
        %parallel_loop3A_698 = vector.broadcast %parallel_loop3A_697 : f32 to vector<16xf32>
        %parallel_loop3A_699 = arith.mulf %parallel_loop3A_698, %parallel_loop3A_688 : vector<16xf32>
        %parallel_loop3A_700 = arith.mulf %parallel_loop3A_699, %parallel_loop3A_696 : vector<16xf32>
        %parallel_loop3A_701 = arith.mulf %parallel_loop3A_700, %parallel_loop3A_696 : vector<16xf32>
        %parallel_loop3A_702 = arith.constant 1.500000e+00 : f32
        %parallel_loop3A_703 = vector.broadcast %parallel_loop3A_702 : f32 to vector<16xf32>
        %parallel_loop3A_704 = arith.subf %parallel_loop3A_703, %parallel_loop3A_701 : vector<16xf32>
        %parallel_loop3A_705 = arith.mulf %parallel_loop3A_696, %parallel_loop3A_704 : vector<16xf32>
        %parallel_loop3A_706 = arith.constant 5.000000e-01 : f32
        %parallel_loop3A_707 = vector.broadcast %parallel_loop3A_706 : f32 to vector<16xf32>
        %parallel_loop3A_708 = arith.mulf %parallel_loop3A_707, %parallel_loop3A_688 : vector<16xf32>
        %parallel_loop3A_709 = arith.mulf %parallel_loop3A_708, %parallel_loop3A_705 : vector<16xf32>
        %parallel_loop3A_710 = arith.mulf %parallel_loop3A_709, %parallel_loop3A_705 : vector<16xf32>
        %parallel_loop3A_711 = arith.constant 1.500000e+00 : f32
        %parallel_loop3A_712 = vector.broadcast %parallel_loop3A_711 : f32 to vector<16xf32>
        %parallel_loop3A_713 = arith.subf %parallel_loop3A_712, %parallel_loop3A_710 : vector<16xf32>
        %parallel_loop3A_714 = arith.mulf %parallel_loop3A_705, %parallel_loop3A_713 : vector<16xf32>
        %parallel_loop3A_715 = arith.constant 5.000000e-01 : f32
        %parallel_loop3A_716 = vector.broadcast %parallel_loop3A_715 : f32 to vector<16xf32>
        %parallel_loop3A_717 = arith.mulf %parallel_loop3A_716, %parallel_loop3A_688 : vector<16xf32>
        %parallel_loop3A_718 = arith.mulf %parallel_loop3A_717, %parallel_loop3A_714 : vector<16xf32>
        %parallel_loop3A_719 = arith.mulf %parallel_loop3A_718, %parallel_loop3A_714 : vector<16xf32>
        %parallel_loop3A_720 = arith.constant 1.500000e+00 : f32
        %parallel_loop3A_721 = vector.broadcast %parallel_loop3A_720 : f32 to vector<16xf32>
        %parallel_loop3A_722 = arith.subf %parallel_loop3A_721, %parallel_loop3A_719 : vector<16xf32>
        %parallel_loop3A_723 = arith.mulf %parallel_loop3A_714, %parallel_loop3A_722 : vector<16xf32>
        %parallel_loop3A_724 = arith.mulf %parallel_loop3A_688, %parallel_loop3A_723 : vector<16xf32>
        %parallel_loop3A_725 = math.exp %parallel_loop3A_724 : vector<16xf32>
        %parallel_loop3A_726 = arith.constant 0.000000e+00 : f32
        %parallel_loop3A_727 = vector.broadcast %parallel_loop3A_726 : f32 to vector<16xf32>
        %parallel_loop3A_728 = arith.subf %parallel_loop3A_727, %parallel_loop3A_724 : vector<16xf32>
        %parallel_loop3A_729 = math.exp %parallel_loop3A_728 : vector<16xf32>
        %parallel_loop3A_730 = arith.subf %parallel_loop3A_725, %parallel_loop3A_729 : vector<16xf32>
        %parallel_loop3A_731 = arith.constant 5.000000e-01 : f32
        %parallel_loop3A_732 = vector.broadcast %parallel_loop3A_731 : f32 to vector<16xf32>
        %parallel_loop3A_733 = arith.mulf %parallel_loop3A_730, %parallel_loop3A_732 : vector<16xf32>
        %parallel_loop3A_734 = arith.mulf %parallel_loop3A_733, %parallel_loop3A_723 : vector<16xf32>
        %parallel_loop3A_735 = arith.constant 1.000000e-03 : f32
        %parallel_loop3A_736 = vector.broadcast %parallel_loop3A_735 : f32 to vector<16xf32>
        %parallel_loop3A_737 = arith.cmpf olt, %parallel_loop3A_724, %parallel_loop3A_736 : vector<16xf32>
        %parallel_loop3A_738 = arith.constant 0.166666672 : f32
        %parallel_loop3A_739 = vector.broadcast %parallel_loop3A_738 : f32 to vector<16xf32>
        %parallel_loop3A_740 = arith.mulf %parallel_loop3A_688, %parallel_loop3A_739 : vector<16xf32>
        %parallel_loop3A_741 = arith.constant 1.000000e+00 : f32
        %parallel_loop3A_742 = vector.broadcast %parallel_loop3A_741 : f32 to vector<16xf32>
        %parallel_loop3A_743 = arith.addf %parallel_loop3A_742, %parallel_loop3A_740 : vector<16xf32>
        %parallel_loop3A_744 = arith.select %parallel_loop3A_737, %parallel_loop3A_743, %parallel_loop3A_734 : vector<16xi1>, vector<16xf32>
        %parallel_loop3A_745 = vector.extract_strided_slice %parallel_loop3A_744 {offsets = [0], sizes = [1], strides = [1]} : vector<16xf32> to vector<1xf32>
        %parallel_loop3A_746 = vector.extract %parallel_loop3A_745[0] : f32 from vector<1xf32>
        %parallel_loop3A_747 = vector.broadcast %parallel_loop3A_746 : f32 to vector<16xf32>
        %parallel_loop3A_748 = arith.constant 0 : i32
        %parallel_loop3A_749 = arith.addi %parallel_loop3A_297, %parallel_loop3A_748 : i32
        %parallel_loop3A_750 = arith.index_cast %parallel_loop3A_749 : i32 to index
        %parallel_loop3A_751 = arith.constant 0 : index
        %parallel_loop3A_752 = tpu.vector_load %arg4[%parallel_loop3A_750, %parallel_loop3A_751] {strides = array<i32>} : memref<240x32xf32, #tpu.memory_space<vmem>>, vector<16xf32>,
        %parallel_loop3A_753 = arith.mulf %parallel_loop3A_752, %parallel_loop3A_747 : vector<16xf32>
        %parallel_loop3A_754 = arith.constant 0 : i32
        %parallel_loop3A_755 = arith.addi %parallel_loop3A_297, %parallel_loop3A_754 : i32
        %parallel_loop3A_756 = arith.index_cast %parallel_loop3A_755 : i32 to index
        %parallel_loop3A_757 = arith.constant 0 : index
        %parallel_loop3A_758 = tpu.vector_load %arg8[%parallel_loop3A_756, %parallel_loop3A_757] {strides = array<i32>} : memref<240x32xf32, #tpu.memory_space<vmem>>, vector<16xf32>,
        tpu.vector_store %arg8[%parallel_loop3A_756, %parallel_loop3A_757], %parallel_loop3A_753 {strides = array<i32>} : memref<240x32xf32, #tpu.memory_space<vmem>>, vector<16xf32>,
        %parallel_loop3A_759 = arith.constant 0 : i32
        %parallel_loop3A_760 = arith.addi %parallel_loop3A_297, %parallel_loop3A_759 : i32
        %parallel_loop3A_761 = arith.index_cast %parallel_loop3A_760 : i32 to index
        %parallel_loop3A_762 = arith.constant 16 : index
        %parallel_loop3A_763 = tpu.vector_load %arg4[%parallel_loop3A_761, %parallel_loop3A_762] {strides = array<i32>} : memref<240x32xf32, #tpu.memory_space<vmem>>, vector<16xf32>,
        %parallel_loop3A_764 = arith.mulf %parallel_loop3A_763, %parallel_loop3A_747 : vector<16xf32>
        %parallel_loop3A_765 = arith.constant 0 : i32
        %parallel_loop3A_766 = arith.addi %parallel_loop3A_297, %parallel_loop3A_765 : i32
        %parallel_loop3A_767 = arith.index_cast %parallel_loop3A_766 : i32 to index
        %parallel_loop3A_768 = arith.constant 16 : index
        %parallel_loop3A_769 = tpu.vector_load %arg8[%parallel_loop3A_767, %parallel_loop3A_768] {strides = array<i32>} : memref<240x32xf32, #tpu.memory_space<vmem>>, vector<16xf32>,
        tpu.vector_store %arg8[%parallel_loop3A_767, %parallel_loop3A_768], %parallel_loop3A_764 {strides = array<i32>} : memref<240x32xf32, #tpu.memory_space<vmem>>, vector<16xf32>,
        %parallel_loop3A_770 = vector.extract_strided_slice %parallel_loop3A_744 {offsets = [1], sizes = [1], strides = [1]} : vector<16xf32> to vector<1xf32>
        %parallel_loop3A_771 = vector.extract %parallel_loop3A_770[0] : f32 from vector<1xf32>
        %parallel_loop3A_772 = vector.broadcast %parallel_loop3A_771 : f32 to vector<16xf32>
        %parallel_loop3A_773 = arith.constant 1 : i32
        %parallel_loop3A_774 = arith.addi %parallel_loop3A_297, %parallel_loop3A_773 : i32
        %parallel_loop3A_775 = arith.index_cast %parallel_loop3A_774 : i32 to index
        %parallel_loop3A_776 = arith.constant 0 : index
        %parallel_loop3A_777 = tpu.vector_load %arg4[%parallel_loop3A_775, %parallel_loop3A_776] {strides = array<i32>} : memref<240x32xf32, #tpu.memory_space<vmem>>, vector<16xf32>,
        %parallel_loop3A_778 = arith.mulf %parallel_loop3A_777, %parallel_loop3A_772 : vector<16xf32>
        %parallel_loop3A_779 = arith.constant 1 : i32
        %parallel_loop3A_780 = arith.addi %parallel_loop3A_297, %parallel_loop3A_779 : i32
        %parallel_loop3A_781 = arith.index_cast %parallel_loop3A_780 : i32 to index
        %parallel_loop3A_782 = arith.constant 0 : index
        %parallel_loop3A_783 = tpu.vector_load %arg8[%parallel_loop3A_781, %parallel_loop3A_782] {strides = array<i32>} : memref<240x32xf32, #tpu.memory_space<vmem>>, vector<16xf32>,
        tpu.vector_store %arg8[%parallel_loop3A_781, %parallel_loop3A_782], %parallel_loop3A_778 {strides = array<i32>} : memref<240x32xf32, #tpu.memory_space<vmem>>, vector<16xf32>,
        %parallel_loop3A_784 = arith.constant 1 : i32
        %parallel_loop3A_785 = arith.addi %parallel_loop3A_297, %parallel_loop3A_784 : i32
        %parallel_loop3A_786 = arith.index_cast %parallel_loop3A_785 : i32 to index
        %parallel_loop3A_787 = arith.constant 16 : index
        %parallel_loop3A_788 = tpu.vector_load %arg4[%parallel_loop3A_786, %parallel_loop3A_787] {strides = array<i32>} : memref<240x32xf32, #tpu.memory_space<vmem>>, vector<16xf32>,
        %parallel_loop3A_789 = arith.mulf %parallel_loop3A_788, %parallel_loop3A_772 : vector<16xf32>
        %parallel_loop3A_790 = arith.constant 1 : i32
        %parallel_loop3A_791 = arith.addi %parallel_loop3A_297, %parallel_loop3A_790 : i32
        %parallel_loop3A_792 = arith.index_cast %parallel_loop3A_791 : i32 to index
        %parallel_loop3A_793 = arith.constant 16 : index
        %parallel_loop3A_794 = tpu.vector_load %arg8[%parallel_loop3A_792, %parallel_loop3A_793] {strides = array<i32>} : memref<240x32xf32, #tpu.memory_space<vmem>>, vector<16xf32>,
        tpu.vector_store %arg8[%parallel_loop3A_792, %parallel_loop3A_793], %parallel_loop3A_789 {strides = array<i32>} : memref<240x32xf32, #tpu.memory_space<vmem>>, vector<16xf32>,
        %parallel_loop3A_795 = vector.extract_strided_slice %parallel_loop3A_744 {offsets = [2], sizes = [1], strides = [1]} : vector<16xf32> to vector<1xf32>
        %parallel_loop3A_796 = vector.extract %parallel_loop3A_795[0] : f32 from vector<1xf32>
        %parallel_loop3A_797 = vector.broadcast %parallel_loop3A_796 : f32 to vector<16xf32>
        %parallel_loop3A_798 = arith.constant 2 : i32
        %parallel_loop3A_799 = arith.addi %parallel_loop3A_297, %parallel_loop3A_798 : i32
        %parallel_loop3A_800 = arith.index_cast %parallel_loop3A_799 : i32 to index
        %parallel_loop3A_801 = arith.constant 0 : index
        %parallel_loop3A_802 = tpu.vector_load %arg4[%parallel_loop3A_800, %parallel_loop3A_801] {strides = array<i32>} : memref<240x32xf32, #tpu.memory_space<vmem>>, vector<16xf32>,
        %parallel_loop3A_803 = arith.mulf %parallel_loop3A_802, %parallel_loop3A_797 : vector<16xf32>
        %parallel_loop3A_804 = arith.constant 2 : i32
        %parallel_loop3A_805 = arith.addi %parallel_loop3A_297, %parallel_loop3A_804 : i32
        %parallel_loop3A_806 = arith.index_cast %parallel_loop3A_805 : i32 to index
        %parallel_loop3A_807 = arith.constant 0 : index
        %parallel_loop3A_808 = tpu.vector_load %arg8[%parallel_loop3A_806, %parallel_loop3A_807] {strides = array<i32>} : memref<240x32xf32, #tpu.memory_space<vmem>>, vector<16xf32>,
        tpu.vector_store %arg8[%parallel_loop3A_806, %parallel_loop3A_807], %parallel_loop3A_803 {strides = array<i32>} : memref<240x32xf32, #tpu.memory_space<vmem>>, vector<16xf32>,
        %parallel_loop3A_809 = arith.constant 2 : i32
        %parallel_loop3A_810 = arith.addi %parallel_loop3A_297, %parallel_loop3A_809 : i32
        %parallel_loop3A_811 = arith.index_cast %parallel_loop3A_810 : i32 to index
        %parallel_loop3A_812 = arith.constant 16 : index
        %parallel_loop3A_813 = tpu.vector_load %arg4[%parallel_loop3A_811, %parallel_loop3A_812] {strides = array<i32>} : memref<240x32xf32, #tpu.memory_space<vmem>>, vector<16xf32>,
        %parallel_loop3A_814 = arith.mulf %parallel_loop3A_813, %parallel_loop3A_797 : vector<16xf32>
        %parallel_loop3A_815 = arith.constant 2 : i32
        %parallel_loop3A_816 = arith.addi %parallel_loop3A_297, %parallel_loop3A_815 : i32
        %parallel_loop3A_817 = arith.index_cast %parallel_loop3A_816 : i32 to index
        %parallel_loop3A_818 = arith.constant 16 : index
        %parallel_loop3A_819 = tpu.vector_load %arg8[%parallel_loop3A_817, %parallel_loop3A_818] {strides = array<i32>} : memref<240x32xf32, #tpu.memory_space<vmem>>, vector<16xf32>,
        tpu.vector_store %arg8[%parallel_loop3A_817, %parallel_loop3A_818], %parallel_loop3A_814 {strides = array<i32>} : memref<240x32xf32, #tpu.memory_space<vmem>>, vector<16xf32>,
        %parallel_loop3A_820 = vector.extract_strided_slice %parallel_loop3A_744 {offsets = [3], sizes = [1], strides = [1]} : vector<16xf32> to vector<1xf32>
        %parallel_loop3A_821 = vector.extract %parallel_loop3A_820[0] : f32 from vector<1xf32>
        %parallel_loop3A_822 = vector.broadcast %parallel_loop3A_821 : f32 to vector<16xf32>
        %parallel_loop3A_823 = arith.constant 3 : i32
        %parallel_loop3A_824 = arith.addi %parallel_loop3A_297, %parallel_loop3A_823 : i32
        %parallel_loop3A_825 = arith.index_cast %parallel_loop3A_824 : i32 to index
        %parallel_loop3A_826 = arith.constant 0 : index
        %parallel_loop3A_827 = tpu.vector_load %arg4[%parallel_loop3A_825, %parallel_loop3A_826] {strides = array<i32>} : memref<240x32xf32, #tpu.memory_space<vmem>>, vector<16xf32>,
        %parallel_loop3A_828 = arith.mulf %parallel_loop3A_827, %parallel_loop3A_822 : vector<16xf32>
        %parallel_loop3A_829 = arith.constant 3 : i32
        %parallel_loop3A_830 = arith.addi %parallel_loop3A_297, %parallel_loop3A_829 : i32
        %parallel_loop3A_831 = arith.index_cast %parallel_loop3A_830 : i32 to index
        %parallel_loop3A_832 = arith.constant 0 : index
        %parallel_loop3A_833 = tpu.vector_load %arg8[%parallel_loop3A_831, %parallel_loop3A_832] {strides = array<i32>} : memref<240x32xf32, #tpu.memory_space<vmem>>, vector<16xf32>,
        tpu.vector_store %arg8[%parallel_loop3A_831, %parallel_loop3A_832], %parallel_loop3A_828 {strides = array<i32>} : memref<240x32xf32, #tpu.memory_space<vmem>>, vector<16xf32>,
        %parallel_loop3A_834 = arith.constant 3 : i32
        %parallel_loop3A_835 = arith.addi %parallel_loop3A_297, %parallel_loop3A_834 : i32
        %parallel_loop3A_836 = arith.index_cast %parallel_loop3A_835 : i32 to index
        %parallel_loop3A_837 = arith.constant 16 : index
        %parallel_loop3A_838 = tpu.vector_load %arg4[%parallel_loop3A_836, %parallel_loop3A_837] {strides = array<i32>} : memref<240x32xf32, #tpu.memory_space<vmem>>, vector<16xf32>,
        %parallel_loop3A_839 = arith.mulf %parallel_loop3A_838, %parallel_loop3A_822 : vector<16xf32>
        %parallel_loop3A_840 = arith.constant 3 : i32
        %parallel_loop3A_841 = arith.addi %parallel_loop3A_297, %parallel_loop3A_840 : i32
        %parallel_loop3A_842 = arith.index_cast %parallel_loop3A_841 : i32 to index
        %parallel_loop3A_843 = arith.constant 16 : index
        %parallel_loop3A_844 = tpu.vector_load %arg8[%parallel_loop3A_842, %parallel_loop3A_843] {strides = array<i32>} : memref<240x32xf32, #tpu.memory_space<vmem>>, vector<16xf32>,
        tpu.vector_store %arg8[%parallel_loop3A_842, %parallel_loop3A_843], %parallel_loop3A_839 {strides = array<i32>} : memref<240x32xf32, #tpu.memory_space<vmem>>, vector<16xf32>,
        %parallel_loop3A_845 = vector.extract_strided_slice %parallel_loop3A_744 {offsets = [4], sizes = [1], strides = [1]} : vector<16xf32> to vector<1xf32>
        %parallel_loop3A_846 = vector.extract %parallel_loop3A_845[0] : f32 from vector<1xf32>
        %parallel_loop3A_847 = vector.broadcast %parallel_loop3A_846 : f32 to vector<16xf32>
        %parallel_loop3A_848 = arith.constant 4 : i32
        %parallel_loop3A_849 = arith.addi %parallel_loop3A_297, %parallel_loop3A_848 : i32
        %parallel_loop3A_850 = arith.index_cast %parallel_loop3A_849 : i32 to index
        %parallel_loop3A_851 = arith.constant 0 : index
        %parallel_loop3A_852 = tpu.vector_load %arg4[%parallel_loop3A_850, %parallel_loop3A_851] {strides = array<i32>} : memref<240x32xf32, #tpu.memory_space<vmem>>, vector<16xf32>,
        %parallel_loop3A_853 = arith.mulf %parallel_loop3A_852, %parallel_loop3A_847 : vector<16xf32>
        %parallel_loop3A_854 = arith.constant 4 : i32
        %parallel_loop3A_855 = arith.addi %parallel_loop3A_297, %parallel_loop3A_854 : i32
        %parallel_loop3A_856 = arith.index_cast %parallel_loop3A_855 : i32 to index
        %parallel_loop3A_857 = arith.constant 0 : index
        %parallel_loop3A_858 = tpu.vector_load %arg8[%parallel_loop3A_856, %parallel_loop3A_857] {strides = array<i32>} : memref<240x32xf32, #tpu.memory_space<vmem>>, vector<16xf32>,
        tpu.vector_store %arg8[%parallel_loop3A_856, %parallel_loop3A_857], %parallel_loop3A_853 {strides = array<i32>} : memref<240x32xf32, #tpu.memory_space<vmem>>, vector<16xf32>,
        %parallel_loop3A_859 = arith.constant 4 : i32
        %parallel_loop3A_860 = arith.addi %parallel_loop3A_297, %parallel_loop3A_859 : i32
        %parallel_loop3A_861 = arith.index_cast %parallel_loop3A_860 : i32 to index
        %parallel_loop3A_862 = arith.constant 16 : index
        %parallel_loop3A_863 = tpu.vector_load %arg4[%parallel_loop3A_861, %parallel_loop3A_862] {strides = array<i32>} : memref<240x32xf32, #tpu.memory_space<vmem>>, vector<16xf32>,
        %parallel_loop3A_864 = arith.mulf %parallel_loop3A_863, %parallel_loop3A_847 : vector<16xf32>
        %parallel_loop3A_865 = arith.constant 4 : i32
        %parallel_loop3A_866 = arith.addi %parallel_loop3A_297, %parallel_loop3A_865 : i32
        %parallel_loop3A_867 = arith.index_cast %parallel_loop3A_866 : i32 to index
        %parallel_loop3A_868 = arith.constant 16 : index
        %parallel_loop3A_869 = tpu.vector_load %arg8[%parallel_loop3A_867, %parallel_loop3A_868] {strides = array<i32>} : memref<240x32xf32, #tpu.memory_space<vmem>>, vector<16xf32>,
        tpu.vector_store %arg8[%parallel_loop3A_867, %parallel_loop3A_868], %parallel_loop3A_864 {strides = array<i32>} : memref<240x32xf32, #tpu.memory_space<vmem>>, vector<16xf32>,
        %parallel_loop3A_870 = vector.extract_strided_slice %parallel_loop3A_744 {offsets = [5], sizes = [1], strides = [1]} : vector<16xf32> to vector<1xf32>
        %parallel_loop3A_871 = vector.extract %parallel_loop3A_870[0] : f32 from vector<1xf32>
        %parallel_loop3A_872 = vector.broadcast %parallel_loop3A_871 : f32 to vector<16xf32>
        %parallel_loop3A_873 = arith.constant 5 : i32
        %parallel_loop3A_874 = arith.addi %parallel_loop3A_297, %parallel_loop3A_873 : i32
        %parallel_loop3A_875 = arith.index_cast %parallel_loop3A_874 : i32 to index
        %parallel_loop3A_876 = arith.constant 0 : index
        %parallel_loop3A_877 = tpu.vector_load %arg4[%parallel_loop3A_875, %parallel_loop3A_876] {strides = array<i32>} : memref<240x32xf32, #tpu.memory_space<vmem>>, vector<16xf32>,
        %parallel_loop3A_878 = arith.mulf %parallel_loop3A_877, %parallel_loop3A_872 : vector<16xf32>
        %parallel_loop3A_879 = arith.constant 5 : i32
        %parallel_loop3A_880 = arith.addi %parallel_loop3A_297, %parallel_loop3A_879 : i32
        %parallel_loop3A_881 = arith.index_cast %parallel_loop3A_880 : i32 to index
        %parallel_loop3A_882 = arith.constant 0 : index
        %parallel_loop3A_883 = tpu.vector_load %arg8[%parallel_loop3A_881, %parallel_loop3A_882] {strides = array<i32>} : memref<240x32xf32, #tpu.memory_space<vmem>>, vector<16xf32>,
        tpu.vector_store %arg8[%parallel_loop3A_881, %parallel_loop3A_882], %parallel_loop3A_878 {strides = array<i32>} : memref<240x32xf32, #tpu.memory_space<vmem>>, vector<16xf32>,
        %parallel_loop3A_884 = arith.constant 5 : i32
        %parallel_loop3A_885 = arith.addi %parallel_loop3A_297, %parallel_loop3A_884 : i32
        %parallel_loop3A_886 = arith.index_cast %parallel_loop3A_885 : i32 to index
        %parallel_loop3A_887 = arith.constant 16 : index
        %parallel_loop3A_888 = tpu.vector_load %arg4[%parallel_loop3A_886, %parallel_loop3A_887] {strides = array<i32>} : memref<240x32xf32, #tpu.memory_space<vmem>>, vector<16xf32>,
        %parallel_loop3A_889 = arith.mulf %parallel_loop3A_888, %parallel_loop3A_872 : vector<16xf32>
        %parallel_loop3A_890 = arith.constant 5 : i32
        %parallel_loop3A_891 = arith.addi %parallel_loop3A_297, %parallel_loop3A_890 : i32
        %parallel_loop3A_892 = arith.index_cast %parallel_loop3A_891 : i32 to index
        %parallel_loop3A_893 = arith.constant 16 : index
        %parallel_loop3A_894 = tpu.vector_load %arg8[%parallel_loop3A_892, %parallel_loop3A_893] {strides = array<i32>} : memref<240x32xf32, #tpu.memory_space<vmem>>, vector<16xf32>,
        tpu.vector_store %arg8[%parallel_loop3A_892, %parallel_loop3A_893], %parallel_loop3A_889 {strides = array<i32>} : memref<240x32xf32, #tpu.memory_space<vmem>>, vector<16xf32>,
        %parallel_loop3A_895 = vector.extract_strided_slice %parallel_loop3A_744 {offsets = [6], sizes = [1], strides = [1]} : vector<16xf32> to vector<1xf32>
        %parallel_loop3A_896 = vector.extract %parallel_loop3A_895[0] : f32 from vector<1xf32>
        %parallel_loop3A_897 = vector.broadcast %parallel_loop3A_896 : f32 to vector<16xf32>
        %parallel_loop3A_898 = arith.constant 6 : i32
        %parallel_loop3A_899 = arith.addi %parallel_loop3A_297, %parallel_loop3A_898 : i32
        %parallel_loop3A_900 = arith.index_cast %parallel_loop3A_899 : i32 to index
        %parallel_loop3A_901 = arith.constant 0 : index
        %parallel_loop3A_902 = tpu.vector_load %arg4[%parallel_loop3A_900, %parallel_loop3A_901] {strides = array<i32>} : memref<240x32xf32, #tpu.memory_space<vmem>>, vector<16xf32>,
        %parallel_loop3A_903 = arith.mulf %parallel_loop3A_902, %parallel_loop3A_897 : vector<16xf32>
        %parallel_loop3A_904 = arith.constant 6 : i32
        %parallel_loop3A_905 = arith.addi %parallel_loop3A_297, %parallel_loop3A_904 : i32
        %parallel_loop3A_906 = arith.index_cast %parallel_loop3A_905 : i32 to index
        %parallel_loop3A_907 = arith.constant 0 : index
        %parallel_loop3A_908 = tpu.vector_load %arg8[%parallel_loop3A_906, %parallel_loop3A_907] {strides = array<i32>} : memref<240x32xf32, #tpu.memory_space<vmem>>, vector<16xf32>,
        tpu.vector_store %arg8[%parallel_loop3A_906, %parallel_loop3A_907], %parallel_loop3A_903 {strides = array<i32>} : memref<240x32xf32, #tpu.memory_space<vmem>>, vector<16xf32>,
        %parallel_loop3A_909 = arith.constant 6 : i32
        %parallel_loop3A_910 = arith.addi %parallel_loop3A_297, %parallel_loop3A_909 : i32
        %parallel_loop3A_911 = arith.index_cast %parallel_loop3A_910 : i32 to index
        %parallel_loop3A_912 = arith.constant 16 : index
        %parallel_loop3A_913 = tpu.vector_load %arg4[%parallel_loop3A_911, %parallel_loop3A_912] {strides = array<i32>} : memref<240x32xf32, #tpu.memory_space<vmem>>, vector<16xf32>,
        %parallel_loop3A_914 = arith.mulf %parallel_loop3A_913, %parallel_loop3A_897 : vector<16xf32>
        %parallel_loop3A_915 = arith.constant 6 : i32
        %parallel_loop3A_916 = arith.addi %parallel_loop3A_297, %parallel_loop3A_915 : i32
        %parallel_loop3A_917 = arith.index_cast %parallel_loop3A_916 : i32 to index
        %parallel_loop3A_918 = arith.constant 16 : index
        %parallel_loop3A_919 = tpu.vector_load %arg8[%parallel_loop3A_917, %parallel_loop3A_918] {strides = array<i32>} : memref<240x32xf32, #tpu.memory_space<vmem>>, vector<16xf32>,
        tpu.vector_store %arg8[%parallel_loop3A_917, %parallel_loop3A_918], %parallel_loop3A_914 {strides = array<i32>} : memref<240x32xf32, #tpu.memory_space<vmem>>, vector<16xf32>,
        %parallel_loop3A_920 = vector.extract_strided_slice %parallel_loop3A_744 {offsets = [7], sizes = [1], strides = [1]} : vector<16xf32> to vector<1xf32>
        %parallel_loop3A_921 = vector.extract %parallel_loop3A_920[0] : f32 from vector<1xf32>
        %parallel_loop3A_922 = vector.broadcast %parallel_loop3A_921 : f32 to vector<16xf32>
        %parallel_loop3A_923 = arith.constant 7 : i32
        %parallel_loop3A_924 = arith.addi %parallel_loop3A_297, %parallel_loop3A_923 : i32
        %parallel_loop3A_925 = arith.index_cast %parallel_loop3A_924 : i32 to index
        %parallel_loop3A_926 = arith.constant 0 : index
        %parallel_loop3A_927 = tpu.vector_load %arg4[%parallel_loop3A_925, %parallel_loop3A_926] {strides = array<i32>} : memref<240x32xf32, #tpu.memory_space<vmem>>, vector<16xf32>,
        %parallel_loop3A_928 = arith.mulf %parallel_loop3A_927, %parallel_loop3A_922 : vector<16xf32>
        %parallel_loop3A_929 = arith.constant 7 : i32
        %parallel_loop3A_930 = arith.addi %parallel_loop3A_297, %parallel_loop3A_929 : i32
        %parallel_loop3A_931 = arith.index_cast %parallel_loop3A_930 : i32 to index
        %parallel_loop3A_932 = arith.constant 0 : index
        %parallel_loop3A_933 = tpu.vector_load %arg8[%parallel_loop3A_931, %parallel_loop3A_932] {strides = array<i32>} : memref<240x32xf32, #tpu.memory_space<vmem>>, vector<16xf32>,
        tpu.vector_store %arg8[%parallel_loop3A_931, %parallel_loop3A_932], %parallel_loop3A_928 {strides = array<i32>} : memref<240x32xf32, #tpu.memory_space<vmem>>, vector<16xf32>,
        %parallel_loop3A_934 = arith.constant 7 : i32
        %parallel_loop3A_935 = arith.addi %parallel_loop3A_297, %parallel_loop3A_934 : i32
        %parallel_loop3A_936 = arith.index_cast %parallel_loop3A_935 : i32 to index
        %parallel_loop3A_937 = arith.constant 16 : index
        %parallel_loop3A_938 = tpu.vector_load %arg4[%parallel_loop3A_936, %parallel_loop3A_937] {strides = array<i32>} : memref<240x32xf32, #tpu.memory_space<vmem>>, vector<16xf32>,
        %parallel_loop3A_939 = arith.mulf %parallel_loop3A_938, %parallel_loop3A_922 : vector<16xf32>
        %parallel_loop3A_940 = arith.constant 7 : i32
        %parallel_loop3A_941 = arith.addi %parallel_loop3A_297, %parallel_loop3A_940 : i32
        %parallel_loop3A_942 = arith.index_cast %parallel_loop3A_941 : i32 to index
        %parallel_loop3A_943 = arith.constant 16 : index
        %parallel_loop3A_944 = tpu.vector_load %arg8[%parallel_loop3A_942, %parallel_loop3A_943] {strides = array<i32>} : memref<240x32xf32, #tpu.memory_space<vmem>>, vector<16xf32>,
        tpu.vector_store %arg8[%parallel_loop3A_942, %parallel_loop3A_943], %parallel_loop3A_939 {strides = array<i32>} : memref<240x32xf32, #tpu.memory_space<vmem>>, vector<16xf32>,
        %parallel_loop3A_945 = vector.extract_strided_slice %parallel_loop3A_744 {offsets = [8], sizes = [1], strides = [1]} : vector<16xf32> to vector<1xf32>
        %parallel_loop3A_946 = vector.extract %parallel_loop3A_945[0] : f32 from vector<1xf32>
        %parallel_loop3A_947 = vector.broadcast %parallel_loop3A_946 : f32 to vector<16xf32>
        %parallel_loop3A_948 = arith.constant 8 : i32
        %parallel_loop3A_949 = arith.addi %parallel_loop3A_297, %parallel_loop3A_948 : i32
        %parallel_loop3A_950 = arith.index_cast %parallel_loop3A_949 : i32 to index
        %parallel_loop3A_951 = arith.constant 0 : index
        %parallel_loop3A_952 = tpu.vector_load %arg4[%parallel_loop3A_950, %parallel_loop3A_951] {strides = array<i32>} : memref<240x32xf32, #tpu.memory_space<vmem>>, vector<16xf32>,
        %parallel_loop3A_953 = arith.mulf %parallel_loop3A_952, %parallel_loop3A_947 : vector<16xf32>
        %parallel_loop3A_954 = arith.constant 8 : i32
        %parallel_loop3A_955 = arith.addi %parallel_loop3A_297, %parallel_loop3A_954 : i32
        %parallel_loop3A_956 = arith.index_cast %parallel_loop3A_955 : i32 to index
        %parallel_loop3A_957 = arith.constant 0 : index
        %parallel_loop3A_958 = tpu.vector_load %arg8[%parallel_loop3A_956, %parallel_loop3A_957] {strides = array<i32>} : memref<240x32xf32, #tpu.memory_space<vmem>>, vector<16xf32>,
        tpu.vector_store %arg8[%parallel_loop3A_956, %parallel_loop3A_957], %parallel_loop3A_953 {strides = array<i32>} : memref<240x32xf32, #tpu.memory_space<vmem>>, vector<16xf32>,
        %parallel_loop3A_959 = arith.constant 8 : i32
        %parallel_loop3A_960 = arith.addi %parallel_loop3A_297, %parallel_loop3A_959 : i32
        %parallel_loop3A_961 = arith.index_cast %parallel_loop3A_960 : i32 to index
        %parallel_loop3A_962 = arith.constant 16 : index
        %parallel_loop3A_963 = tpu.vector_load %arg4[%parallel_loop3A_961, %parallel_loop3A_962] {strides = array<i32>} : memref<240x32xf32, #tpu.memory_space<vmem>>, vector<16xf32>,
        %parallel_loop3A_964 = arith.mulf %parallel_loop3A_963, %parallel_loop3A_947 : vector<16xf32>
        %parallel_loop3A_965 = arith.constant 8 : i32
        %parallel_loop3A_966 = arith.addi %parallel_loop3A_297, %parallel_loop3A_965 : i32
        %parallel_loop3A_967 = arith.index_cast %parallel_loop3A_966 : i32 to index
        %parallel_loop3A_968 = arith.constant 16 : index
        %parallel_loop3A_969 = tpu.vector_load %arg8[%parallel_loop3A_967, %parallel_loop3A_968] {strides = array<i32>} : memref<240x32xf32, #tpu.memory_space<vmem>>, vector<16xf32>,
        tpu.vector_store %arg8[%parallel_loop3A_967, %parallel_loop3A_968], %parallel_loop3A_964 {strides = array<i32>} : memref<240x32xf32, #tpu.memory_space<vmem>>, vector<16xf32>,
        %parallel_loop3A_970 = vector.extract_strided_slice %parallel_loop3A_744 {offsets = [9], sizes = [1], strides = [1]} : vector<16xf32> to vector<1xf32>
        %parallel_loop3A_971 = vector.extract %parallel_loop3A_970[0] : f32 from vector<1xf32>
        %parallel_loop3A_972 = vector.broadcast %parallel_loop3A_971 : f32 to vector<16xf32>
        %parallel_loop3A_973 = arith.constant 9 : i32
        %parallel_loop3A_974 = arith.addi %parallel_loop3A_297, %parallel_loop3A_973 : i32
        %parallel_loop3A_975 = arith.index_cast %parallel_loop3A_974 : i32 to index
        %parallel_loop3A_976 = arith.constant 0 : index
        %parallel_loop3A_977 = tpu.vector_load %arg4[%parallel_loop3A_975, %parallel_loop3A_976] {strides = array<i32>} : memref<240x32xf32, #tpu.memory_space<vmem>>, vector<16xf32>,
        %parallel_loop3A_978 = arith.mulf %parallel_loop3A_977, %parallel_loop3A_972 : vector<16xf32>
        %parallel_loop3A_979 = arith.constant 9 : i32
        %parallel_loop3A_980 = arith.addi %parallel_loop3A_297, %parallel_loop3A_979 : i32
        %parallel_loop3A_981 = arith.index_cast %parallel_loop3A_980 : i32 to index
        %parallel_loop3A_982 = arith.constant 0 : index
        %parallel_loop3A_983 = tpu.vector_load %arg8[%parallel_loop3A_981, %parallel_loop3A_982] {strides = array<i32>} : memref<240x32xf32, #tpu.memory_space<vmem>>, vector<16xf32>,
        tpu.vector_store %arg8[%parallel_loop3A_981, %parallel_loop3A_982], %parallel_loop3A_978 {strides = array<i32>} : memref<240x32xf32, #tpu.memory_space<vmem>>, vector<16xf32>,
        %parallel_loop3A_984 = arith.constant 9 : i32
        %parallel_loop3A_985 = arith.addi %parallel_loop3A_297, %parallel_loop3A_984 : i32
        %parallel_loop3A_986 = arith.index_cast %parallel_loop3A_985 : i32 to index
        %parallel_loop3A_987 = arith.constant 16 : index
        %parallel_loop3A_988 = tpu.vector_load %arg4[%parallel_loop3A_986, %parallel_loop3A_987] {strides = array<i32>} : memref<240x32xf32, #tpu.memory_space<vmem>>, vector<16xf32>,
        %parallel_loop3A_989 = arith.mulf %parallel_loop3A_988, %parallel_loop3A_972 : vector<16xf32>
        %parallel_loop3A_990 = arith.constant 9 : i32
        %parallel_loop3A_991 = arith.addi %parallel_loop3A_297, %parallel_loop3A_990 : i32
        %parallel_loop3A_992 = arith.index_cast %parallel_loop3A_991 : i32 to index
        %parallel_loop3A_993 = arith.constant 16 : index
        %parallel_loop3A_994 = tpu.vector_load %arg8[%parallel_loop3A_992, %parallel_loop3A_993] {strides = array<i32>} : memref<240x32xf32, #tpu.memory_space<vmem>>, vector<16xf32>,
        tpu.vector_store %arg8[%parallel_loop3A_992, %parallel_loop3A_993], %parallel_loop3A_989 {strides = array<i32>} : memref<240x32xf32, #tpu.memory_space<vmem>>, vector<16xf32>,
        %parallel_loop3A_995 = vector.extract_strided_slice %parallel_loop3A_744 {offsets = [10], sizes = [1], strides = [1]} : vector<16xf32> to vector<1xf32>
        %parallel_loop3A_996 = vector.extract %parallel_loop3A_995[0] : f32 from vector<1xf32>
        %parallel_loop3A_997 = vector.broadcast %parallel_loop3A_996 : f32 to vector<16xf32>
        %parallel_loop3A_998 = arith.constant 10 : i32
        %parallel_loop3A_999 = arith.addi %parallel_loop3A_297, %parallel_loop3A_998 : i32
        %parallel_loop3A_1000 = arith.index_cast %parallel_loop3A_999 : i32 to index
        %parallel_loop3A_1001 = arith.constant 0 : index
        %parallel_loop3A_1002 = tpu.vector_load %arg4[%parallel_loop3A_1000, %parallel_loop3A_1001] {strides = array<i32>} : memref<240x32xf32, #tpu.memory_space<vmem>>, vector<16xf32>,
        %parallel_loop3A_1003 = arith.mulf %parallel_loop3A_1002, %parallel_loop3A_997 : vector<16xf32>
        %parallel_loop3A_1004 = arith.constant 10 : i32
        %parallel_loop3A_1005 = arith.addi %parallel_loop3A_297, %parallel_loop3A_1004 : i32
        %parallel_loop3A_1006 = arith.index_cast %parallel_loop3A_1005 : i32 to index
        %parallel_loop3A_1007 = arith.constant 0 : index
        %parallel_loop3A_1008 = tpu.vector_load %arg8[%parallel_loop3A_1006, %parallel_loop3A_1007] {strides = array<i32>} : memref<240x32xf32, #tpu.memory_space<vmem>>, vector<16xf32>,
        tpu.vector_store %arg8[%parallel_loop3A_1006, %parallel_loop3A_1007], %parallel_loop3A_1003 {strides = array<i32>} : memref<240x32xf32, #tpu.memory_space<vmem>>, vector<16xf32>,
        %parallel_loop3A_1009 = arith.constant 10 : i32
        %parallel_loop3A_1010 = arith.addi %parallel_loop3A_297, %parallel_loop3A_1009 : i32
        %parallel_loop3A_1011 = arith.index_cast %parallel_loop3A_1010 : i32 to index
        %parallel_loop3A_1012 = arith.constant 16 : index
        %parallel_loop3A_1013 = tpu.vector_load %arg4[%parallel_loop3A_1011, %parallel_loop3A_1012] {strides = array<i32>} : memref<240x32xf32, #tpu.memory_space<vmem>>, vector<16xf32>,
        %parallel_loop3A_1014 = arith.mulf %parallel_loop3A_1013, %parallel_loop3A_997 : vector<16xf32>
        %parallel_loop3A_1015 = arith.constant 10 : i32
        %parallel_loop3A_1016 = arith.addi %parallel_loop3A_297, %parallel_loop3A_1015 : i32
        %parallel_loop3A_1017 = arith.index_cast %parallel_loop3A_1016 : i32 to index
        %parallel_loop3A_1018 = arith.constant 16 : index
        %parallel_loop3A_1019 = tpu.vector_load %arg8[%parallel_loop3A_1017, %parallel_loop3A_1018] {strides = array<i32>} : memref<240x32xf32, #tpu.memory_space<vmem>>, vector<16xf32>,
        tpu.vector_store %arg8[%parallel_loop3A_1017, %parallel_loop3A_1018], %parallel_loop3A_1014 {strides = array<i32>} : memref<240x32xf32, #tpu.memory_space<vmem>>, vector<16xf32>,
        %parallel_loop3A_1020 = vector.extract_strided_slice %parallel_loop3A_744 {offsets = [11], sizes = [1], strides = [1]} : vector<16xf32> to vector<1xf32>
        %parallel_loop3A_1021 = vector.extract %parallel_loop3A_1020[0] : f32 from vector<1xf32>
        %parallel_loop3A_1022 = vector.broadcast %parallel_loop3A_1021 : f32 to vector<16xf32>
        %parallel_loop3A_1023 = arith.constant 11 : i32
        %parallel_loop3A_1024 = arith.addi %parallel_loop3A_297, %parallel_loop3A_1023 : i32
        %parallel_loop3A_1025 = arith.index_cast %parallel_loop3A_1024 : i32 to index
        %parallel_loop3A_1026 = arith.constant 0 : index
        %parallel_loop3A_1027 = tpu.vector_load %arg4[%parallel_loop3A_1025, %parallel_loop3A_1026] {strides = array<i32>} : memref<240x32xf32, #tpu.memory_space<vmem>>, vector<16xf32>,
        %parallel_loop3A_1028 = arith.mulf %parallel_loop3A_1027, %parallel_loop3A_1022 : vector<16xf32>
        %parallel_loop3A_1029 = arith.constant 11 : i32
        %parallel_loop3A_1030 = arith.addi %parallel_loop3A_297, %parallel_loop3A_1029 : i32
        %parallel_loop3A_1031 = arith.index_cast %parallel_loop3A_1030 : i32 to index
        %parallel_loop3A_1032 = arith.constant 0 : index
        %parallel_loop3A_1033 = tpu.vector_load %arg8[%parallel_loop3A_1031, %parallel_loop3A_1032] {strides = array<i32>} : memref<240x32xf32, #tpu.memory_space<vmem>>, vector<16xf32>,
        tpu.vector_store %arg8[%parallel_loop3A_1031, %parallel_loop3A_1032], %parallel_loop3A_1028 {strides = array<i32>} : memref<240x32xf32, #tpu.memory_space<vmem>>, vector<16xf32>,
        %parallel_loop3A_1034 = arith.constant 11 : i32
        %parallel_loop3A_1035 = arith.addi %parallel_loop3A_297, %parallel_loop3A_1034 : i32
        %parallel_loop3A_1036 = arith.index_cast %parallel_loop3A_1035 : i32 to index
        %parallel_loop3A_1037 = arith.constant 16 : index
        %parallel_loop3A_1038 = tpu.vector_load %arg4[%parallel_loop3A_1036, %parallel_loop3A_1037] {strides = array<i32>} : memref<240x32xf32, #tpu.memory_space<vmem>>, vector<16xf32>,
        %parallel_loop3A_1039 = arith.mulf %parallel_loop3A_1038, %parallel_loop3A_1022 : vector<16xf32>
        %parallel_loop3A_1040 = arith.constant 11 : i32
        %parallel_loop3A_1041 = arith.addi %parallel_loop3A_297, %parallel_loop3A_1040 : i32
        %parallel_loop3A_1042 = arith.index_cast %parallel_loop3A_1041 : i32 to index
        %parallel_loop3A_1043 = arith.constant 16 : index
        %parallel_loop3A_1044 = tpu.vector_load %arg8[%parallel_loop3A_1042, %parallel_loop3A_1043] {strides = array<i32>} : memref<240x32xf32, #tpu.memory_space<vmem>>, vector<16xf32>,
        tpu.vector_store %arg8[%parallel_loop3A_1042, %parallel_loop3A_1043], %parallel_loop3A_1039 {strides = array<i32>} : memref<240x32xf32, #tpu.memory_space<vmem>>, vector<16xf32>,
        %parallel_loop3A_1045 = vector.extract_strided_slice %parallel_loop3A_744 {offsets = [12], sizes = [1], strides = [1]} : vector<16xf32> to vector<1xf32>
        %parallel_loop3A_1046 = vector.extract %parallel_loop3A_1045[0] : f32 from vector<1xf32>
        %parallel_loop3A_1047 = vector.broadcast %parallel_loop3A_1046 : f32 to vector<16xf32>
        %parallel_loop3A_1048 = arith.constant 12 : i32
        %parallel_loop3A_1049 = arith.addi %parallel_loop3A_297, %parallel_loop3A_1048 : i32
        %parallel_loop3A_1050 = arith.index_cast %parallel_loop3A_1049 : i32 to index
        %parallel_loop3A_1051 = arith.constant 0 : index
        %parallel_loop3A_1052 = tpu.vector_load %arg4[%parallel_loop3A_1050, %parallel_loop3A_1051] {strides = array<i32>} : memref<240x32xf32, #tpu.memory_space<vmem>>, vector<16xf32>,
        %parallel_loop3A_1053 = arith.mulf %parallel_loop3A_1052, %parallel_loop3A_1047 : vector<16xf32>
        %parallel_loop3A_1054 = arith.constant 12 : i32
        %parallel_loop3A_1055 = arith.addi %parallel_loop3A_297, %parallel_loop3A_1054 : i32
        %parallel_loop3A_1056 = arith.index_cast %parallel_loop3A_1055 : i32 to index
        %parallel_loop3A_1057 = arith.constant 0 : index
        %parallel_loop3A_1058 = tpu.vector_load %arg8[%parallel_loop3A_1056, %parallel_loop3A_1057] {strides = array<i32>} : memref<240x32xf32, #tpu.memory_space<vmem>>, vector<16xf32>,
        tpu.vector_store %arg8[%parallel_loop3A_1056, %parallel_loop3A_1057], %parallel_loop3A_1053 {strides = array<i32>} : memref<240x32xf32, #tpu.memory_space<vmem>>, vector<16xf32>,
        %parallel_loop3A_1059 = arith.constant 12 : i32
        %parallel_loop3A_1060 = arith.addi %parallel_loop3A_297, %parallel_loop3A_1059 : i32
        %parallel_loop3A_1061 = arith.index_cast %parallel_loop3A_1060 : i32 to index
        %parallel_loop3A_1062 = arith.constant 16 : index
        %parallel_loop3A_1063 = tpu.vector_load %arg4[%parallel_loop3A_1061, %parallel_loop3A_1062] {strides = array<i32>} : memref<240x32xf32, #tpu.memory_space<vmem>>, vector<16xf32>,
        %parallel_loop3A_1064 = arith.mulf %parallel_loop3A_1063, %parallel_loop3A_1047 : vector<16xf32>
        %parallel_loop3A_1065 = arith.constant 12 : i32
        %parallel_loop3A_1066 = arith.addi %parallel_loop3A_297, %parallel_loop3A_1065 : i32
        %parallel_loop3A_1067 = arith.index_cast %parallel_loop3A_1066 : i32 to index
        %parallel_loop3A_1068 = arith.constant 16 : index
        %parallel_loop3A_1069 = tpu.vector_load %arg8[%parallel_loop3A_1067, %parallel_loop3A_1068] {strides = array<i32>} : memref<240x32xf32, #tpu.memory_space<vmem>>, vector<16xf32>,
        tpu.vector_store %arg8[%parallel_loop3A_1067, %parallel_loop3A_1068], %parallel_loop3A_1064 {strides = array<i32>} : memref<240x32xf32, #tpu.memory_space<vmem>>, vector<16xf32>,
        %parallel_loop3A_1070 = vector.extract_strided_slice %parallel_loop3A_744 {offsets = [13], sizes = [1], strides = [1]} : vector<16xf32> to vector<1xf32>
        %parallel_loop3A_1071 = vector.extract %parallel_loop3A_1070[0] : f32 from vector<1xf32>
        %parallel_loop3A_1072 = vector.broadcast %parallel_loop3A_1071 : f32 to vector<16xf32>
        %parallel_loop3A_1073 = arith.constant 13 : i32
        %parallel_loop3A_1074 = arith.addi %parallel_loop3A_297, %parallel_loop3A_1073 : i32
        %parallel_loop3A_1075 = arith.index_cast %parallel_loop3A_1074 : i32 to index
        %parallel_loop3A_1076 = arith.constant 0 : index
        %parallel_loop3A_1077 = tpu.vector_load %arg4[%parallel_loop3A_1075, %parallel_loop3A_1076] {strides = array<i32>} : memref<240x32xf32, #tpu.memory_space<vmem>>, vector<16xf32>,
        %parallel_loop3A_1078 = arith.mulf %parallel_loop3A_1077, %parallel_loop3A_1072 : vector<16xf32>
        %parallel_loop3A_1079 = arith.constant 13 : i32
        %parallel_loop3A_1080 = arith.addi %parallel_loop3A_297, %parallel_loop3A_1079 : i32
        %parallel_loop3A_1081 = arith.index_cast %parallel_loop3A_1080 : i32 to index
        %parallel_loop3A_1082 = arith.constant 0 : index
        %parallel_loop3A_1083 = tpu.vector_load %arg8[%parallel_loop3A_1081, %parallel_loop3A_1082] {strides = array<i32>} : memref<240x32xf32, #tpu.memory_space<vmem>>, vector<16xf32>,
        tpu.vector_store %arg8[%parallel_loop3A_1081, %parallel_loop3A_1082], %parallel_loop3A_1078 {strides = array<i32>} : memref<240x32xf32, #tpu.memory_space<vmem>>, vector<16xf32>,
        %parallel_loop3A_1084 = arith.constant 13 : i32
        %parallel_loop3A_1085 = arith.addi %parallel_loop3A_297, %parallel_loop3A_1084 : i32
        %parallel_loop3A_1086 = arith.index_cast %parallel_loop3A_1085 : i32 to index
        %parallel_loop3A_1087 = arith.constant 16 : index
        %parallel_loop3A_1088 = tpu.vector_load %arg4[%parallel_loop3A_1086, %parallel_loop3A_1087] {strides = array<i32>} : memref<240x32xf32, #tpu.memory_space<vmem>>, vector<16xf32>,
        %parallel_loop3A_1089 = arith.mulf %parallel_loop3A_1088, %parallel_loop3A_1072 : vector<16xf32>
        %parallel_loop3A_1090 = arith.constant 13 : i32
        %parallel_loop3A_1091 = arith.addi %parallel_loop3A_297, %parallel_loop3A_1090 : i32
        %parallel_loop3A_1092 = arith.index_cast %parallel_loop3A_1091 : i32 to index
        %parallel_loop3A_1093 = arith.constant 16 : index
        %parallel_loop3A_1094 = tpu.vector_load %arg8[%parallel_loop3A_1092, %parallel_loop3A_1093] {strides = array<i32>} : memref<240x32xf32, #tpu.memory_space<vmem>>, vector<16xf32>,
        tpu.vector_store %arg8[%parallel_loop3A_1092, %parallel_loop3A_1093], %parallel_loop3A_1089 {strides = array<i32>} : memref<240x32xf32, #tpu.memory_space<vmem>>, vector<16xf32>,
        %parallel_loop3A_1095 = vector.extract_strided_slice %parallel_loop3A_744 {offsets = [14], sizes = [1], strides = [1]} : vector<16xf32> to vector<1xf32>
        %parallel_loop3A_1096 = vector.extract %parallel_loop3A_1095[0] : f32 from vector<1xf32>
        %parallel_loop3A_1097 = vector.broadcast %parallel_loop3A_1096 : f32 to vector<16xf32>
        %parallel_loop3A_1098 = arith.constant 14 : i32
        %parallel_loop3A_1099 = arith.addi %parallel_loop3A_297, %parallel_loop3A_1098 : i32
        %parallel_loop3A_1100 = arith.index_cast %parallel_loop3A_1099 : i32 to index
        %parallel_loop3A_1101 = arith.constant 0 : index
        %parallel_loop3A_1102 = tpu.vector_load %arg4[%parallel_loop3A_1100, %parallel_loop3A_1101] {strides = array<i32>} : memref<240x32xf32, #tpu.memory_space<vmem>>, vector<16xf32>,
        %parallel_loop3A_1103 = arith.mulf %parallel_loop3A_1102, %parallel_loop3A_1097 : vector<16xf32>
        %parallel_loop3A_1104 = arith.constant 14 : i32
        %parallel_loop3A_1105 = arith.addi %parallel_loop3A_297, %parallel_loop3A_1104 : i32
        %parallel_loop3A_1106 = arith.index_cast %parallel_loop3A_1105 : i32 to index
        %parallel_loop3A_1107 = arith.constant 0 : index
        %parallel_loop3A_1108 = tpu.vector_load %arg8[%parallel_loop3A_1106, %parallel_loop3A_1107] {strides = array<i32>} : memref<240x32xf32, #tpu.memory_space<vmem>>, vector<16xf32>,
        tpu.vector_store %arg8[%parallel_loop3A_1106, %parallel_loop3A_1107], %parallel_loop3A_1103 {strides = array<i32>} : memref<240x32xf32, #tpu.memory_space<vmem>>, vector<16xf32>,
        %parallel_loop3A_1109 = arith.constant 14 : i32
        %parallel_loop3A_1110 = arith.addi %parallel_loop3A_297, %parallel_loop3A_1109 : i32
        %parallel_loop3A_1111 = arith.index_cast %parallel_loop3A_1110 : i32 to index
        %parallel_loop3A_1112 = arith.constant 16 : index
        %parallel_loop3A_1113 = tpu.vector_load %arg4[%parallel_loop3A_1111, %parallel_loop3A_1112] {strides = array<i32>} : memref<240x32xf32, #tpu.memory_space<vmem>>, vector<16xf32>,
        %parallel_loop3A_1114 = arith.mulf %parallel_loop3A_1113, %parallel_loop3A_1097 : vector<16xf32>
        %parallel_loop3A_1115 = arith.constant 14 : i32
        %parallel_loop3A_1116 = arith.addi %parallel_loop3A_297, %parallel_loop3A_1115 : i32
        %parallel_loop3A_1117 = arith.index_cast %parallel_loop3A_1116 : i32 to index
        %parallel_loop3A_1118 = arith.constant 16 : index
        %parallel_loop3A_1119 = tpu.vector_load %arg8[%parallel_loop3A_1117, %parallel_loop3A_1118] {strides = array<i32>} : memref<240x32xf32, #tpu.memory_space<vmem>>, vector<16xf32>,
        tpu.vector_store %arg8[%parallel_loop3A_1117, %parallel_loop3A_1118], %parallel_loop3A_1114 {strides = array<i32>} : memref<240x32xf32, #tpu.memory_space<vmem>>, vector<16xf32>,
        %parallel_loop3A_1120 = vector.extract_strided_slice %parallel_loop3A_744 {offsets = [15], sizes = [1], strides = [1]} : vector<16xf32> to vector<1xf32>
        %parallel_loop3A_1121 = vector.extract %parallel_loop3A_1120[0] : f32 from vector<1xf32>
        %parallel_loop3A_1122 = vector.broadcast %parallel_loop3A_1121 : f32 to vector<16xf32>
        %parallel_loop3A_1123 = arith.constant 15 : i32
        %parallel_loop3A_1124 = arith.addi %parallel_loop3A_297, %parallel_loop3A_1123 : i32
        %parallel_loop3A_1125 = arith.index_cast %parallel_loop3A_1124 : i32 to index
        %parallel_loop3A_1126 = arith.constant 0 : index
        %parallel_loop3A_1127 = tpu.vector_load %arg4[%parallel_loop3A_1125, %parallel_loop3A_1126] {strides = array<i32>} : memref<240x32xf32, #tpu.memory_space<vmem>>, vector<16xf32>,
        %parallel_loop3A_1128 = arith.mulf %parallel_loop3A_1127, %parallel_loop3A_1122 : vector<16xf32>
        %parallel_loop3A_1129 = arith.constant 15 : i32
        %parallel_loop3A_1130 = arith.addi %parallel_loop3A_297, %parallel_loop3A_1129 : i32
        %parallel_loop3A_1131 = arith.index_cast %parallel_loop3A_1130 : i32 to index
        %parallel_loop3A_1132 = arith.constant 0 : index
        %parallel_loop3A_1133 = tpu.vector_load %arg8[%parallel_loop3A_1131, %parallel_loop3A_1132] {strides = array<i32>} : memref<240x32xf32, #tpu.memory_space<vmem>>, vector<16xf32>,
        tpu.vector_store %arg8[%parallel_loop3A_1131, %parallel_loop3A_1132], %parallel_loop3A_1128 {strides = array<i32>} : memref<240x32xf32, #tpu.memory_space<vmem>>, vector<16xf32>,
        %parallel_loop3A_1134 = arith.constant 15 : i32
        %parallel_loop3A_1135 = arith.addi %parallel_loop3A_297, %parallel_loop3A_1134 : i32
        %parallel_loop3A_1136 = arith.index_cast %parallel_loop3A_1135 : i32 to index
        %parallel_loop3A_1137 = arith.constant 16 : index
        %parallel_loop3A_1138 = tpu.vector_load %arg4[%parallel_loop3A_1136, %parallel_loop3A_1137] {strides = array<i32>} : memref<240x32xf32, #tpu.memory_space<vmem>>, vector<16xf32>,
        %parallel_loop3A_1139 = arith.mulf %parallel_loop3A_1138, %parallel_loop3A_1122 : vector<16xf32>
        %parallel_loop3A_1140 = arith.constant 15 : i32
        %parallel_loop3A_1141 = arith.addi %parallel_loop3A_297, %parallel_loop3A_1140 : i32
        %parallel_loop3A_1142 = arith.index_cast %parallel_loop3A_1141 : i32 to index
        %parallel_loop3A_1143 = arith.constant 16 : index
        %parallel_loop3A_1144 = tpu.vector_load %arg8[%parallel_loop3A_1142, %parallel_loop3A_1143] {strides = array<i32>} : memref<240x32xf32, #tpu.memory_space<vmem>>, vector<16xf32>,
        tpu.vector_store %arg8[%parallel_loop3A_1142, %parallel_loop3A_1143], %parallel_loop3A_1139 {strides = array<i32>} : memref<240x32xf32, #tpu.memory_space<vmem>>, vector<16xf32>,
      } {sc.loop_unroll_factor = 4 : i64, sc.parallel_access}
      %add3A_155 = arith.addi %select_n3A, %add3A_139 : i32
      %mul3A_156 = arith.constant 240 : i32
      %mul3A_157 = arith.muli %add3A_155, %mul3A_156 : i32
      %min3A_158 = arith.constant 999760 : i32
      %min3A_159 = arith.minsi %mul3A_157, %min3A_158 : i32
      %multiple_of3A_160 = tpu.assume_multiple %min3A_159, 8 : i32
      %add3A_161 = arith.constant 0 : i32
      %add3A_162 = arith.addi %multiple_of3A_160, %add3A_161 : i32
      %dma_start3A_163 = arith.constant 0 : i32
      %dma_start3A_164 = arith.constant 0 : i32
      %dma_start3A_165 = tpu.memref_slice %arg8[%dma_start3A_163, %dma_start3A_164] : memref<240x32xf32, #tpu.memory_space<vmem>> -> memref<64x32xf32, #tpu.memory_space<vmem>>
      %dma_start3A_166 = arith.constant 0 : i32
      %dma_start3A_167 = tpu.memref_slice %arg3[%add3A_162, %dma_start3A_166] : memref<1000000x32xf32, #tpu.memory_space<hbm>> -> memref<64x32xf32, #tpu.memory_space<hbm>>
      %dma_start3A_168 = arith.constant 0 : i32
      %dma_start3A_169 = tpu.memref_slice %arg3[%add3A_162, %dma_start3A_168] : memref<1000000x32xf32, #tpu.memory_space<hbm>> -> memref<64x32xf32, #tpu.memory_space<hbm>>
      %dma_start3A_170 = arith.constant 0 : i32
      %dma_start3A_171 = arith.constant 0 : i32
      %dma_start3A_172 = tpu.memref_slice %arg8[%dma_start3A_170, %dma_start3A_171] : memref<240x32xf32, #tpu.memory_space<vmem>> -> memref<64x32xf32, #tpu.memory_space<vmem>>
      tpu.enqueue_dma source(%dma_start3A_172 : memref<64x32xf32, #tpu.memory_space<vmem>>) target(%dma_start3A_169 : memref<64x32xf32, #tpu.memory_space<hbm>>) target_semaphore(%arg11 : memref<!tpu.dma_semaphore, #tpu.memory_space<semaphore_mem>>)
      %add3A_173 = arith.constant 64 : i32
      %add3A_174 = arith.addi %multiple_of3A_160, %add3A_173 : i32
      %dma_start3A_175 = arith.constant 64 : i32
      %dma_start3A_176 = arith.constant 0 : i32
      %dma_start3A_177 = tpu.memref_slice %arg8[%dma_start3A_175, %dma_start3A_176] : memref<240x32xf32, #tpu.memory_space<vmem>> -> memref<64x32xf32, #tpu.memory_space<vmem>>
      %dma_start3A_178 = arith.constant 0 : i32
      %dma_start3A_179 = tpu.memref_slice %arg3[%add3A_174, %dma_start3A_178] : memref<1000000x32xf32, #tpu.memory_space<hbm>> -> memref<64x32xf32, #tpu.memory_space<hbm>>
      %dma_start3A_180 = arith.constant 0 : i32
      %dma_start3A_181 = tpu.memref_slice %arg3[%add3A_174, %dma_start3A_180] : memref<1000000x32xf32, #tpu.memory_space<hbm>> -> memref<64x32xf32, #tpu.memory_space<hbm>>
      %dma_start3A_182 = arith.constant 64 : i32
      %dma_start3A_183 = arith.constant 0 : i32
      %dma_start3A_184 = tpu.memref_slice %arg8[%dma_start3A_182, %dma_start3A_183] : memref<240x32xf32, #tpu.memory_space<vmem>> -> memref<64x32xf32, #tpu.memory_space<vmem>>
      tpu.enqueue_dma source(%dma_start3A_184 : memref<64x32xf32, #tpu.memory_space<vmem>>) target(%dma_start3A_181 : memref<64x32xf32, #tpu.memory_space<hbm>>) target_semaphore(%arg11 : memref<!tpu.dma_semaphore, #tpu.memory_space<semaphore_mem>>)
      %add3A_185 = arith.constant 128 : i32
      %add3A_186 = arith.addi %multiple_of3A_160, %add3A_185 : i32
      %dma_start3A_187 = arith.constant 128 : i32
      %dma_start3A_188 = arith.constant 0 : i32
      %dma_start3A_189 = tpu.memref_slice %arg8[%dma_start3A_187, %dma_start3A_188] : memref<240x32xf32, #tpu.memory_space<vmem>> -> memref<64x32xf32, #tpu.memory_space<vmem>>
      %dma_start3A_190 = arith.constant 0 : i32
      %dma_start3A_191 = tpu.memref_slice %arg3[%add3A_186, %dma_start3A_190] : memref<1000000x32xf32, #tpu.memory_space<hbm>> -> memref<64x32xf32, #tpu.memory_space<hbm>>
      %dma_start3A_192 = arith.constant 0 : i32
      %dma_start3A_193 = tpu.memref_slice %arg3[%add3A_186, %dma_start3A_192] : memref<1000000x32xf32, #tpu.memory_space<hbm>> -> memref<64x32xf32, #tpu.memory_space<hbm>>
      %dma_start3A_194 = arith.constant 128 : i32
      %dma_start3A_195 = arith.constant 0 : i32
      %dma_start3A_196 = tpu.memref_slice %arg8[%dma_start3A_194, %dma_start3A_195] : memref<240x32xf32, #tpu.memory_space<vmem>> -> memref<64x32xf32, #tpu.memory_space<vmem>>
      tpu.enqueue_dma source(%dma_start3A_196 : memref<64x32xf32, #tpu.memory_space<vmem>>) target(%dma_start3A_193 : memref<64x32xf32, #tpu.memory_space<hbm>>) target_semaphore(%arg11 : memref<!tpu.dma_semaphore, #tpu.memory_space<semaphore_mem>>)
      %add3A_197 = arith.constant 192 : i32
      %add3A_198 = arith.addi %multiple_of3A_160, %add3A_197 : i32
      %dma_start3A_199 = arith.constant 192 : i32
      %dma_start3A_200 = arith.constant 0 : i32
      %dma_start3A_201 = tpu.memref_slice %arg8[%dma_start3A_199, %dma_start3A_200] : memref<240x32xf32, #tpu.memory_space<vmem>> -> memref<48x32xf32, #tpu.memory_space<vmem>>
      %dma_start3A_202 = arith.constant 0 : i32
      %dma_start3A_203 = tpu.memref_slice %arg3[%add3A_198, %dma_start3A_202] : memref<1000000x32xf32, #tpu.memory_space<hbm>> -> memref<48x32xf32, #tpu.memory_space<hbm>>
      %dma_start3A_204 = arith.constant 0 : i32
      %dma_start3A_205 = tpu.memref_slice %arg3[%add3A_198, %dma_start3A_204] : memref<1000000x32xf32, #tpu.memory_space<hbm>> -> memref<48x32xf32, #tpu.memory_space<hbm>>
      %dma_start3A_206 = arith.constant 192 : i32
      %dma_start3A_207 = arith.constant 0 : i32
      %dma_start3A_208 = tpu.memref_slice %arg8[%dma_start3A_206, %dma_start3A_207] : memref<240x32xf32, #tpu.memory_space<vmem>> -> memref<48x32xf32, #tpu.memory_space<vmem>>
      tpu.enqueue_dma source(%dma_start3A_208 : memref<48x32xf32, #tpu.memory_space<vmem>>) target(%dma_start3A_205 : memref<48x32xf32, #tpu.memory_space<hbm>>) target_semaphore(%arg11 : memref<!tpu.dma_semaphore, #tpu.memory_space<semaphore_mem>>)
      %lt3A_209 = arith.constant 64 : i32
      %lt3A_210 = arith.cmpi slt, %add3A_135, %lt3A_209 : i32
      %or3A = arith.ori %lt3A_210, %lt3A_1 : i1
      %convert_element_type3A_211 = arith.extui %or3A : i1 to i32
      %cond3A_212 = arith.constant 0 : i32
      %cond3A_213 = arith.cmpi ne, %convert_element_type3A_211, %cond3A_212 : i32
      scf.if %cond3A_213 {
        %add3A_294 = arith.constant 2 : i32
        %add3A_295 = arith.addi %add3A_139, %add3A_294 : i32
        %add3A_296 = arith.addi %select_n3A, %add3A_295 : i32
        %mul3A_297 = arith.constant 240 : i32
        %mul3A_298 = arith.muli %add3A_296, %mul3A_297 : i32
        %min3A_299 = arith.constant 999760 : i32
        %min3A_300 = arith.minsi %mul3A_298, %min3A_299 : i32
        %multiple_of3A_301 = tpu.assume_multiple %min3A_300, 8 : i32
        %add3A_302 = arith.constant 0 : i32
        %add3A_303 = arith.addi %multiple_of3A_301, %add3A_302 : i32
        %dma_start3A_304 = arith.constant 0 : i32
        %dma_start3A_305 = arith.constant 0 : i32
        %dma_start3A_306 = tpu.memref_slice %arg4[%dma_start3A_304, %dma_start3A_305] : memref<240x32xf32, #tpu.memory_space<vmem>> -> memref<64x32xf32, #tpu.memory_space<vmem>>
        %dma_start3A_307 = arith.constant 0 : i32
        %dma_start3A_308 = tpu.memref_slice %arg2[%add3A_303, %dma_start3A_307] : memref<1000000x32xf32, #tpu.memory_space<hbm>> -> memref<64x32xf32, #tpu.memory_space<hbm>>
        %dma_start3A_309 = arith.constant 0 : i32
        %dma_start3A_310 = arith.constant 0 : i32
        %dma_start3A_311 = tpu.memref_slice %arg4[%dma_start3A_309, %dma_start3A_310] : memref<240x32xf32, #tpu.memory_space<vmem>> -> memref<64x32xf32, #tpu.memory_space<vmem>>
        %dma_start3A_312 = arith.constant 0 : i32
        %dma_start3A_313 = tpu.memref_slice %arg2[%add3A_303, %dma_start3A_312] : memref<1000000x32xf32, #tpu.memory_space<hbm>> -> memref<64x32xf32, #tpu.memory_space<hbm>>
        tpu.enqueue_dma source(%dma_start3A_313 : memref<64x32xf32, #tpu.memory_space<hbm>>) target(%dma_start3A_311 : memref<64x32xf32, #tpu.memory_space<vmem>>) target_semaphore(%arg6 : memref<!tpu.dma_semaphore, #tpu.memory_space<semaphore_mem>>)
        %add3A_314 = arith.constant 64 : i32
        %add3A_315 = arith.addi %multiple_of3A_301, %add3A_314 : i32
        %dma_start3A_316 = arith.constant 64 : i32
        %dma_start3A_317 = arith.constant 0 : i32
        %dma_start3A_318 = tpu.memref_slice %arg4[%dma_start3A_316, %dma_start3A_317] : memref<240x32xf32, #tpu.memory_space<vmem>> -> memref<64x32xf32, #tpu.memory_space<vmem>>
        %dma_start3A_319 = arith.constant 0 : i32
        %dma_start3A_320 = tpu.memref_slice %arg2[%add3A_315, %dma_start3A_319] : memref<1000000x32xf32, #tpu.memory_space<hbm>> -> memref<64x32xf32, #tpu.memory_space<hbm>>
        %dma_start3A_321 = arith.constant 64 : i32
        %dma_start3A_322 = arith.constant 0 : i32
        %dma_start3A_323 = tpu.memref_slice %arg4[%dma_start3A_321, %dma_start3A_322] : memref<240x32xf32, #tpu.memory_space<vmem>> -> memref<64x32xf32, #tpu.memory_space<vmem>>
        %dma_start3A_324 = arith.constant 0 : i32
        %dma_start3A_325 = tpu.memref_slice %arg2[%add3A_315, %dma_start3A_324] : memref<1000000x32xf32, #tpu.memory_space<hbm>> -> memref<64x32xf32, #tpu.memory_space<hbm>>
        tpu.enqueue_dma source(%dma_start3A_325 : memref<64x32xf32, #tpu.memory_space<hbm>>) target(%dma_start3A_323 : memref<64x32xf32, #tpu.memory_space<vmem>>) target_semaphore(%arg6 : memref<!tpu.dma_semaphore, #tpu.memory_space<semaphore_mem>>)
        %add3A_326 = arith.constant 128 : i32
        %add3A_327 = arith.addi %multiple_of3A_301, %add3A_326 : i32
        %dma_start3A_328 = arith.constant 128 : i32
        %dma_start3A_329 = arith.constant 0 : i32
        %dma_start3A_330 = tpu.memref_slice %arg4[%dma_start3A_328, %dma_start3A_329] : memref<240x32xf32, #tpu.memory_space<vmem>> -> memref<64x32xf32, #tpu.memory_space<vmem>>
        %dma_start3A_331 = arith.constant 0 : i32
        %dma_start3A_332 = tpu.memref_slice %arg2[%add3A_327, %dma_start3A_331] : memref<1000000x32xf32, #tpu.memory_space<hbm>> -> memref<64x32xf32, #tpu.memory_space<hbm>>
        %dma_start3A_333 = arith.constant 128 : i32
        %dma_start3A_334 = arith.constant 0 : i32
        %dma_start3A_335 = tpu.memref_slice %arg4[%dma_start3A_333, %dma_start3A_334] : memref<240x32xf32, #tpu.memory_space<vmem>> -> memref<64x32xf32, #tpu.memory_space<vmem>>
        %dma_start3A_336 = arith.constant 0 : i32
        %dma_start3A_337 = tpu.memref_slice %arg2[%add3A_327, %dma_start3A_336] : memref<1000000x32xf32, #tpu.memory_space<hbm>> -> memref<64x32xf32, #tpu.memory_space<hbm>>
        tpu.enqueue_dma source(%dma_start3A_337 : memref<64x32xf32, #tpu.memory_space<hbm>>) target(%dma_start3A_335 : memref<64x32xf32, #tpu.memory_space<vmem>>) target_semaphore(%arg6 : memref<!tpu.dma_semaphore, #tpu.memory_space<semaphore_mem>>)
        %add3A_338 = arith.constant 192 : i32
        %add3A_339 = arith.addi %multiple_of3A_301, %add3A_338 : i32
        %dma_start3A_340 = arith.constant 192 : i32
        %dma_start3A_341 = arith.constant 0 : i32
        %dma_start3A_342 = tpu.memref_slice %arg4[%dma_start3A_340, %dma_start3A_341] : memref<240x32xf32, #tpu.memory_space<vmem>> -> memref<48x32xf32, #tpu.memory_space<vmem>>
        %dma_start3A_343 = arith.constant 0 : i32
        %dma_start3A_344 = tpu.memref_slice %arg2[%add3A_339, %dma_start3A_343] : memref<1000000x32xf32, #tpu.memory_space<hbm>> -> memref<48x32xf32, #tpu.memory_space<hbm>>
        %dma_start3A_345 = arith.constant 192 : i32
        %dma_start3A_346 = arith.constant 0 : i32
        %dma_start3A_347 = tpu.memref_slice %arg4[%dma_start3A_345, %dma_start3A_346] : memref<240x32xf32, #tpu.memory_space<vmem>> -> memref<48x32xf32, #tpu.memory_space<vmem>>
        %dma_start3A_348 = arith.constant 0 : i32
        %dma_start3A_349 = tpu.memref_slice %arg2[%add3A_339, %dma_start3A_348] : memref<1000000x32xf32, #tpu.memory_space<hbm>> -> memref<48x32xf32, #tpu.memory_space<hbm>>
        tpu.enqueue_dma source(%dma_start3A_349 : memref<48x32xf32, #tpu.memory_space<hbm>>) target(%dma_start3A_347 : memref<48x32xf32, #tpu.memory_space<vmem>>) target_semaphore(%arg6 : memref<!tpu.dma_semaphore, #tpu.memory_space<semaphore_mem>>)
      } else {
      }
      %mul3A_214 = arith.constant 2 : i32
      %mul3A_215 = arith.muli %mul3A_214, %add3A_135 : i32
      %add3A_216 = arith.constant 1 : i32
      %add3A_217 = arith.addi %mul3A_215, %add3A_216 : i32
      %dma_wait3A_218 = arith.constant 0 : i32
      %dma_wait3A_219 = arith.constant 0 : i32
      %dma_wait3A_220 = tpu.memref_slice %arg2[%dma_wait3A_218, %dma_wait3A_219] : memref<1000000x32xf32, #tpu.memory_space<hbm>> -> memref<240x32xf32, #tpu.memory_space<hbm>>
      %dma_wait3A_221 = arith.constant 0 : i32
      %dma_wait3A_222 = arith.constant 0 : i32
      %dma_wait3A_223 = tpu.memref_slice %arg2[%dma_wait3A_221, %dma_wait3A_222] : memref<1000000x32xf32, #tpu.memory_space<hbm>> -> memref<240x32xf32, #tpu.memory_space<hbm>>
      tpu.wait_dma2 semaphore(%arg7 : memref<!tpu.dma_semaphore, #tpu.memory_space<semaphore_mem>>) src(%dma_wait3A_223 : memref<240x32xf32, #tpu.memory_space<hbm>>) dst(%arg5 : memref<240x32xf32, #tpu.memory_space<vmem>>)
      %ge3A_224 = arith.constant 1 : i32
      %ge3A_225 = arith.cmpi sge, %add3A_135, %ge3A_224 : i32
      %convert_element_type3A_226 = arith.extui %ge3A_225 : i1 to i32
      %cond3A_227 = arith.constant 0 : i32
      %cond3A_228 = arith.cmpi ne, %convert_element_type3A_226, %cond3A_227 : i32
      scf.if %cond3A_228 {
        %dma_wait3A_294 = arith.constant 0 : i32
        %dma_wait3A_295 = arith.constant 0 : i32
        %dma_wait3A_296 = tpu.memref_slice %arg2[%dma_wait3A_294, %dma_wait3A_295] : memref<1000000x32xf32, #tpu.memory_space<hbm>> -> memref<240x32xf32, #tpu.memory_space<hbm>>
        %dma_wait3A_297 = arith.constant 0 : i32
        %dma_wait3A_298 = arith.constant 0 : i32
        %dma_wait3A_299 = tpu.memref_slice %arg2[%dma_wait3A_297, %dma_wait3A_298] : memref<1000000x32xf32, #tpu.memory_space<hbm>> -> memref<240x32xf32, #tpu.memory_space<hbm>>
        tpu.wait_dma2 semaphore(%arg12 : memref<!tpu.dma_semaphore, #tpu.memory_space<semaphore_mem>>) src(%dma_wait3A_299 : memref<240x32xf32, #tpu.memory_space<hbm>>) dst(%arg9 : memref<240x32xf32, #tpu.memory_space<vmem>>)
      } else {
      }
      %mul3A_229 = arith.constant 17 : i32
      %mul3A_230 = vector.broadcast %mul3A_229 : i32 to vector<16xi32>
      %mul3A_231 = arith.muli %iota3A, %mul3A_230 : vector<16xi32>
      %parallel_loop3A_232 = arith.constant 0 : i32
      %parallel_loop3A_233 = arith.constant 15 : i32
      %parallel_loop3A_234 = arith.constant 1 : i32
      scf.for %parallel_loop3A_294 = %parallel_loop3A_232 to %parallel_loop3A_233 step %parallel_loop3A_234  : i32 {
        %parallel_loop3A_295 = arith.constant 16 : i32
        %parallel_loop3A_296 = arith.muli %parallel_loop3A_294, %parallel_loop3A_295 : i32
        %parallel_loop3A_297 = tpu.assume_multiple %parallel_loop3A_296, 16 : i32
        %parallel_loop3A_298 = arith.constant 272 : i32
        %parallel_loop3A_299 = arith.muli %parallel_loop3A_294, %parallel_loop3A_298 : i32
        %parallel_loop3A_300 = arith.constant 0 : i32
        %parallel_loop3A_301 = arith.addi %parallel_loop3A_297, %parallel_loop3A_300 : i32
        %parallel_loop3A_302 = arith.index_cast %parallel_loop3A_301 : i32 to index
        %parallel_loop3A_303 = arith.constant 0 : index
        %parallel_loop3A_304 = tpu.vector_load %arg5[%parallel_loop3A_302, %parallel_loop3A_303] {strides = array<i32>} : memref<240x32xf32, #tpu.memory_space<vmem>>, vector<16xf32>,
        %parallel_loop3A_305 = arith.constant 0 : i32
        %parallel_loop3A_306 = arith.addi %parallel_loop3A_297, %parallel_loop3A_305 : i32
        %parallel_loop3A_307 = arith.index_cast %parallel_loop3A_306 : i32 to index
        %parallel_loop3A_308 = arith.constant 16 : index
        %parallel_loop3A_309 = tpu.vector_load %arg5[%parallel_loop3A_307, %parallel_loop3A_308] {strides = array<i32>} : memref<240x32xf32, #tpu.memory_space<vmem>>, vector<16xf32>,
        %parallel_loop3A_310 = arith.mulf %parallel_loop3A_304, %parallel_loop3A_304 : vector<16xf32>
        %parallel_loop3A_311 = arith.mulf %parallel_loop3A_309, %parallel_loop3A_309 : vector<16xf32>
        %parallel_loop3A_312 = arith.addf %parallel_loop3A_310, %parallel_loop3A_311 : vector<16xf32>
        %parallel_loop3A_313 = arith.constant 0 : i32
        %parallel_loop3A_314 = arith.addi %parallel_loop3A_299, %parallel_loop3A_313 : i32
        %parallel_loop3A_315 = arith.index_cast %parallel_loop3A_314 : i32 to index
        %parallel_loop3A_316 = tpu.vector_load %arg10[%parallel_loop3A_315] {strides = array<i32>} : memref<4080xf32, #tpu.memory_space<vmem>>, vector<16xf32>,
        tpu.vector_store %arg10[%parallel_loop3A_315], %parallel_loop3A_312 {strides = array<i32>} : memref<4080xf32, #tpu.memory_space<vmem>>, vector<16xf32>,
        %parallel_loop3A_317 = arith.constant 1 : i32
        %parallel_loop3A_318 = arith.addi %parallel_loop3A_297, %parallel_loop3A_317 : i32
        %parallel_loop3A_319 = arith.index_cast %parallel_loop3A_318 : i32 to index
        %parallel_loop3A_320 = arith.constant 0 : index
        %parallel_loop3A_321 = tpu.vector_load %arg5[%parallel_loop3A_319, %parallel_loop3A_320] {strides = array<i32>} : memref<240x32xf32, #tpu.memory_space<vmem>>, vector<16xf32>,
        %parallel_loop3A_322 = arith.constant 1 : i32
        %parallel_loop3A_323 = arith.addi %parallel_loop3A_297, %parallel_loop3A_322 : i32
        %parallel_loop3A_324 = arith.index_cast %parallel_loop3A_323 : i32 to index
        %parallel_loop3A_325 = arith.constant 16 : index
        %parallel_loop3A_326 = tpu.vector_load %arg5[%parallel_loop3A_324, %parallel_loop3A_325] {strides = array<i32>} : memref<240x32xf32, #tpu.memory_space<vmem>>, vector<16xf32>,
        %parallel_loop3A_327 = arith.mulf %parallel_loop3A_321, %parallel_loop3A_321 : vector<16xf32>
        %parallel_loop3A_328 = arith.mulf %parallel_loop3A_326, %parallel_loop3A_326 : vector<16xf32>
        %parallel_loop3A_329 = arith.addf %parallel_loop3A_327, %parallel_loop3A_328 : vector<16xf32>
        %parallel_loop3A_330 = arith.constant 17 : i32
        %parallel_loop3A_331 = arith.addi %parallel_loop3A_299, %parallel_loop3A_330 : i32
        %parallel_loop3A_332 = arith.index_cast %parallel_loop3A_331 : i32 to index
        %parallel_loop3A_333 = tpu.vector_load %arg10[%parallel_loop3A_332] {strides = array<i32>} : memref<4080xf32, #tpu.memory_space<vmem>>, vector<16xf32>,
        tpu.vector_store %arg10[%parallel_loop3A_332], %parallel_loop3A_329 {strides = array<i32>} : memref<4080xf32, #tpu.memory_space<vmem>>, vector<16xf32>,
        %parallel_loop3A_334 = arith.constant 2 : i32
        %parallel_loop3A_335 = arith.addi %parallel_loop3A_297, %parallel_loop3A_334 : i32
        %parallel_loop3A_336 = arith.index_cast %parallel_loop3A_335 : i32 to index
        %parallel_loop3A_337 = arith.constant 0 : index
        %parallel_loop3A_338 = tpu.vector_load %arg5[%parallel_loop3A_336, %parallel_loop3A_337] {strides = array<i32>} : memref<240x32xf32, #tpu.memory_space<vmem>>, vector<16xf32>,
        %parallel_loop3A_339 = arith.constant 2 : i32
        %parallel_loop3A_340 = arith.addi %parallel_loop3A_297, %parallel_loop3A_339 : i32
        %parallel_loop3A_341 = arith.index_cast %parallel_loop3A_340 : i32 to index
        %parallel_loop3A_342 = arith.constant 16 : index
        %parallel_loop3A_343 = tpu.vector_load %arg5[%parallel_loop3A_341, %parallel_loop3A_342] {strides = array<i32>} : memref<240x32xf32, #tpu.memory_space<vmem>>, vector<16xf32>,
        %parallel_loop3A_344 = arith.mulf %parallel_loop3A_338, %parallel_loop3A_338 : vector<16xf32>
        %parallel_loop3A_345 = arith.mulf %parallel_loop3A_343, %parallel_loop3A_343 : vector<16xf32>
        %parallel_loop3A_346 = arith.addf %parallel_loop3A_344, %parallel_loop3A_345 : vector<16xf32>
        %parallel_loop3A_347 = arith.constant 34 : i32
        %parallel_loop3A_348 = arith.addi %parallel_loop3A_299, %parallel_loop3A_347 : i32
        %parallel_loop3A_349 = arith.index_cast %parallel_loop3A_348 : i32 to index
        %parallel_loop3A_350 = tpu.vector_load %arg10[%parallel_loop3A_349] {strides = array<i32>} : memref<4080xf32, #tpu.memory_space<vmem>>, vector<16xf32>,
        tpu.vector_store %arg10[%parallel_loop3A_349], %parallel_loop3A_346 {strides = array<i32>} : memref<4080xf32, #tpu.memory_space<vmem>>, vector<16xf32>,
        %parallel_loop3A_351 = arith.constant 3 : i32
        %parallel_loop3A_352 = arith.addi %parallel_loop3A_297, %parallel_loop3A_351 : i32
        %parallel_loop3A_353 = arith.index_cast %parallel_loop3A_352 : i32 to index
        %parallel_loop3A_354 = arith.constant 0 : index
        %parallel_loop3A_355 = tpu.vector_load %arg5[%parallel_loop3A_353, %parallel_loop3A_354] {strides = array<i32>} : memref<240x32xf32, #tpu.memory_space<vmem>>, vector<16xf32>,
        %parallel_loop3A_356 = arith.constant 3 : i32
        %parallel_loop3A_357 = arith.addi %parallel_loop3A_297, %parallel_loop3A_356 : i32
        %parallel_loop3A_358 = arith.index_cast %parallel_loop3A_357 : i32 to index
        %parallel_loop3A_359 = arith.constant 16 : index
        %parallel_loop3A_360 = tpu.vector_load %arg5[%parallel_loop3A_358, %parallel_loop3A_359] {strides = array<i32>} : memref<240x32xf32, #tpu.memory_space<vmem>>, vector<16xf32>,
        %parallel_loop3A_361 = arith.mulf %parallel_loop3A_355, %parallel_loop3A_355 : vector<16xf32>
        %parallel_loop3A_362 = arith.mulf %parallel_loop3A_360, %parallel_loop3A_360 : vector<16xf32>
        %parallel_loop3A_363 = arith.addf %parallel_loop3A_361, %parallel_loop3A_362 : vector<16xf32>
        %parallel_loop3A_364 = arith.constant 51 : i32
        %parallel_loop3A_365 = arith.addi %parallel_loop3A_299, %parallel_loop3A_364 : i32
        %parallel_loop3A_366 = arith.index_cast %parallel_loop3A_365 : i32 to index
        %parallel_loop3A_367 = tpu.vector_load %arg10[%parallel_loop3A_366] {strides = array<i32>} : memref<4080xf32, #tpu.memory_space<vmem>>, vector<16xf32>,
        tpu.vector_store %arg10[%parallel_loop3A_366], %parallel_loop3A_363 {strides = array<i32>} : memref<4080xf32, #tpu.memory_space<vmem>>, vector<16xf32>,
        %parallel_loop3A_368 = arith.constant 4 : i32
        %parallel_loop3A_369 = arith.addi %parallel_loop3A_297, %parallel_loop3A_368 : i32
        %parallel_loop3A_370 = arith.index_cast %parallel_loop3A_369 : i32 to index
        %parallel_loop3A_371 = arith.constant 0 : index
        %parallel_loop3A_372 = tpu.vector_load %arg5[%parallel_loop3A_370, %parallel_loop3A_371] {strides = array<i32>} : memref<240x32xf32, #tpu.memory_space<vmem>>, vector<16xf32>,
        %parallel_loop3A_373 = arith.constant 4 : i32
        %parallel_loop3A_374 = arith.addi %parallel_loop3A_297, %parallel_loop3A_373 : i32
        %parallel_loop3A_375 = arith.index_cast %parallel_loop3A_374 : i32 to index
        %parallel_loop3A_376 = arith.constant 16 : index
        %parallel_loop3A_377 = tpu.vector_load %arg5[%parallel_loop3A_375, %parallel_loop3A_376] {strides = array<i32>} : memref<240x32xf32, #tpu.memory_space<vmem>>, vector<16xf32>,
        %parallel_loop3A_378 = arith.mulf %parallel_loop3A_372, %parallel_loop3A_372 : vector<16xf32>
        %parallel_loop3A_379 = arith.mulf %parallel_loop3A_377, %parallel_loop3A_377 : vector<16xf32>
        %parallel_loop3A_380 = arith.addf %parallel_loop3A_378, %parallel_loop3A_379 : vector<16xf32>
        %parallel_loop3A_381 = arith.constant 68 : i32
        %parallel_loop3A_382 = arith.addi %parallel_loop3A_299, %parallel_loop3A_381 : i32
        %parallel_loop3A_383 = arith.index_cast %parallel_loop3A_382 : i32 to index
        %parallel_loop3A_384 = tpu.vector_load %arg10[%parallel_loop3A_383] {strides = array<i32>} : memref<4080xf32, #tpu.memory_space<vmem>>, vector<16xf32>,
        tpu.vector_store %arg10[%parallel_loop3A_383], %parallel_loop3A_380 {strides = array<i32>} : memref<4080xf32, #tpu.memory_space<vmem>>, vector<16xf32>,
        %parallel_loop3A_385 = arith.constant 5 : i32
        %parallel_loop3A_386 = arith.addi %parallel_loop3A_297, %parallel_loop3A_385 : i32
        %parallel_loop3A_387 = arith.index_cast %parallel_loop3A_386 : i32 to index
        %parallel_loop3A_388 = arith.constant 0 : index
        %parallel_loop3A_389 = tpu.vector_load %arg5[%parallel_loop3A_387, %parallel_loop3A_388] {strides = array<i32>} : memref<240x32xf32, #tpu.memory_space<vmem>>, vector<16xf32>,
        %parallel_loop3A_390 = arith.constant 5 : i32
        %parallel_loop3A_391 = arith.addi %parallel_loop3A_297, %parallel_loop3A_390 : i32
        %parallel_loop3A_392 = arith.index_cast %parallel_loop3A_391 : i32 to index
        %parallel_loop3A_393 = arith.constant 16 : index
        %parallel_loop3A_394 = tpu.vector_load %arg5[%parallel_loop3A_392, %parallel_loop3A_393] {strides = array<i32>} : memref<240x32xf32, #tpu.memory_space<vmem>>, vector<16xf32>,
        %parallel_loop3A_395 = arith.mulf %parallel_loop3A_389, %parallel_loop3A_389 : vector<16xf32>
        %parallel_loop3A_396 = arith.mulf %parallel_loop3A_394, %parallel_loop3A_394 : vector<16xf32>
        %parallel_loop3A_397 = arith.addf %parallel_loop3A_395, %parallel_loop3A_396 : vector<16xf32>
        %parallel_loop3A_398 = arith.constant 85 : i32
        %parallel_loop3A_399 = arith.addi %parallel_loop3A_299, %parallel_loop3A_398 : i32
        %parallel_loop3A_400 = arith.index_cast %parallel_loop3A_399 : i32 to index
        %parallel_loop3A_401 = tpu.vector_load %arg10[%parallel_loop3A_400] {strides = array<i32>} : memref<4080xf32, #tpu.memory_space<vmem>>, vector<16xf32>,
        tpu.vector_store %arg10[%parallel_loop3A_400], %parallel_loop3A_397 {strides = array<i32>} : memref<4080xf32, #tpu.memory_space<vmem>>, vector<16xf32>,
        %parallel_loop3A_402 = arith.constant 6 : i32
        %parallel_loop3A_403 = arith.addi %parallel_loop3A_297, %parallel_loop3A_402 : i32
        %parallel_loop3A_404 = arith.index_cast %parallel_loop3A_403 : i32 to index
        %parallel_loop3A_405 = arith.constant 0 : index
        %parallel_loop3A_406 = tpu.vector_load %arg5[%parallel_loop3A_404, %parallel_loop3A_405] {strides = array<i32>} : memref<240x32xf32, #tpu.memory_space<vmem>>, vector<16xf32>,
        %parallel_loop3A_407 = arith.constant 6 : i32
        %parallel_loop3A_408 = arith.addi %parallel_loop3A_297, %parallel_loop3A_407 : i32
        %parallel_loop3A_409 = arith.index_cast %parallel_loop3A_408 : i32 to index
        %parallel_loop3A_410 = arith.constant 16 : index
        %parallel_loop3A_411 = tpu.vector_load %arg5[%parallel_loop3A_409, %parallel_loop3A_410] {strides = array<i32>} : memref<240x32xf32, #tpu.memory_space<vmem>>, vector<16xf32>,
        %parallel_loop3A_412 = arith.mulf %parallel_loop3A_406, %parallel_loop3A_406 : vector<16xf32>
        %parallel_loop3A_413 = arith.mulf %parallel_loop3A_411, %parallel_loop3A_411 : vector<16xf32>
        %parallel_loop3A_414 = arith.addf %parallel_loop3A_412, %parallel_loop3A_413 : vector<16xf32>
        %parallel_loop3A_415 = arith.constant 102 : i32
        %parallel_loop3A_416 = arith.addi %parallel_loop3A_299, %parallel_loop3A_415 : i32
        %parallel_loop3A_417 = arith.index_cast %parallel_loop3A_416 : i32 to index
        %parallel_loop3A_418 = tpu.vector_load %arg10[%parallel_loop3A_417] {strides = array<i32>} : memref<4080xf32, #tpu.memory_space<vmem>>, vector<16xf32>,
        tpu.vector_store %arg10[%parallel_loop3A_417], %parallel_loop3A_414 {strides = array<i32>} : memref<4080xf32, #tpu.memory_space<vmem>>, vector<16xf32>,
        %parallel_loop3A_419 = arith.constant 7 : i32
        %parallel_loop3A_420 = arith.addi %parallel_loop3A_297, %parallel_loop3A_419 : i32
        %parallel_loop3A_421 = arith.index_cast %parallel_loop3A_420 : i32 to index
        %parallel_loop3A_422 = arith.constant 0 : index
        %parallel_loop3A_423 = tpu.vector_load %arg5[%parallel_loop3A_421, %parallel_loop3A_422] {strides = array<i32>} : memref<240x32xf32, #tpu.memory_space<vmem>>, vector<16xf32>,
        %parallel_loop3A_424 = arith.constant 7 : i32
        %parallel_loop3A_425 = arith.addi %parallel_loop3A_297, %parallel_loop3A_424 : i32
        %parallel_loop3A_426 = arith.index_cast %parallel_loop3A_425 : i32 to index
        %parallel_loop3A_427 = arith.constant 16 : index
        %parallel_loop3A_428 = tpu.vector_load %arg5[%parallel_loop3A_426, %parallel_loop3A_427] {strides = array<i32>} : memref<240x32xf32, #tpu.memory_space<vmem>>, vector<16xf32>,
        %parallel_loop3A_429 = arith.mulf %parallel_loop3A_423, %parallel_loop3A_423 : vector<16xf32>
        %parallel_loop3A_430 = arith.mulf %parallel_loop3A_428, %parallel_loop3A_428 : vector<16xf32>
        %parallel_loop3A_431 = arith.addf %parallel_loop3A_429, %parallel_loop3A_430 : vector<16xf32>
        %parallel_loop3A_432 = arith.constant 119 : i32
        %parallel_loop3A_433 = arith.addi %parallel_loop3A_299, %parallel_loop3A_432 : i32
        %parallel_loop3A_434 = arith.index_cast %parallel_loop3A_433 : i32 to index
        %parallel_loop3A_435 = tpu.vector_load %arg10[%parallel_loop3A_434] {strides = array<i32>} : memref<4080xf32, #tpu.memory_space<vmem>>, vector<16xf32>,
        tpu.vector_store %arg10[%parallel_loop3A_434], %parallel_loop3A_431 {strides = array<i32>} : memref<4080xf32, #tpu.memory_space<vmem>>, vector<16xf32>,
        %parallel_loop3A_436 = arith.constant 8 : i32
        %parallel_loop3A_437 = arith.addi %parallel_loop3A_297, %parallel_loop3A_436 : i32
        %parallel_loop3A_438 = arith.index_cast %parallel_loop3A_437 : i32 to index
        %parallel_loop3A_439 = arith.constant 0 : index
        %parallel_loop3A_440 = tpu.vector_load %arg5[%parallel_loop3A_438, %parallel_loop3A_439] {strides = array<i32>} : memref<240x32xf32, #tpu.memory_space<vmem>>, vector<16xf32>,
        %parallel_loop3A_441 = arith.constant 8 : i32
        %parallel_loop3A_442 = arith.addi %parallel_loop3A_297, %parallel_loop3A_441 : i32
        %parallel_loop3A_443 = arith.index_cast %parallel_loop3A_442 : i32 to index
        %parallel_loop3A_444 = arith.constant 16 : index
        %parallel_loop3A_445 = tpu.vector_load %arg5[%parallel_loop3A_443, %parallel_loop3A_444] {strides = array<i32>} : memref<240x32xf32, #tpu.memory_space<vmem>>, vector<16xf32>,
        %parallel_loop3A_446 = arith.mulf %parallel_loop3A_440, %parallel_loop3A_440 : vector<16xf32>
        %parallel_loop3A_447 = arith.mulf %parallel_loop3A_445, %parallel_loop3A_445 : vector<16xf32>
        %parallel_loop3A_448 = arith.addf %parallel_loop3A_446, %parallel_loop3A_447 : vector<16xf32>
        %parallel_loop3A_449 = arith.constant 136 : i32
        %parallel_loop3A_450 = arith.addi %parallel_loop3A_299, %parallel_loop3A_449 : i32
        %parallel_loop3A_451 = arith.index_cast %parallel_loop3A_450 : i32 to index
        %parallel_loop3A_452 = tpu.vector_load %arg10[%parallel_loop3A_451] {strides = array<i32>} : memref<4080xf32, #tpu.memory_space<vmem>>, vector<16xf32>,
        tpu.vector_store %arg10[%parallel_loop3A_451], %parallel_loop3A_448 {strides = array<i32>} : memref<4080xf32, #tpu.memory_space<vmem>>, vector<16xf32>,
        %parallel_loop3A_453 = arith.constant 9 : i32
        %parallel_loop3A_454 = arith.addi %parallel_loop3A_297, %parallel_loop3A_453 : i32
        %parallel_loop3A_455 = arith.index_cast %parallel_loop3A_454 : i32 to index
        %parallel_loop3A_456 = arith.constant 0 : index
        %parallel_loop3A_457 = tpu.vector_load %arg5[%parallel_loop3A_455, %parallel_loop3A_456] {strides = array<i32>} : memref<240x32xf32, #tpu.memory_space<vmem>>, vector<16xf32>,
        %parallel_loop3A_458 = arith.constant 9 : i32
        %parallel_loop3A_459 = arith.addi %parallel_loop3A_297, %parallel_loop3A_458 : i32
        %parallel_loop3A_460 = arith.index_cast %parallel_loop3A_459 : i32 to index
        %parallel_loop3A_461 = arith.constant 16 : index
        %parallel_loop3A_462 = tpu.vector_load %arg5[%parallel_loop3A_460, %parallel_loop3A_461] {strides = array<i32>} : memref<240x32xf32, #tpu.memory_space<vmem>>, vector<16xf32>,
        %parallel_loop3A_463 = arith.mulf %parallel_loop3A_457, %parallel_loop3A_457 : vector<16xf32>
        %parallel_loop3A_464 = arith.mulf %parallel_loop3A_462, %parallel_loop3A_462 : vector<16xf32>
        %parallel_loop3A_465 = arith.addf %parallel_loop3A_463, %parallel_loop3A_464 : vector<16xf32>
        %parallel_loop3A_466 = arith.constant 153 : i32
        %parallel_loop3A_467 = arith.addi %parallel_loop3A_299, %parallel_loop3A_466 : i32
        %parallel_loop3A_468 = arith.index_cast %parallel_loop3A_467 : i32 to index
        %parallel_loop3A_469 = tpu.vector_load %arg10[%parallel_loop3A_468] {strides = array<i32>} : memref<4080xf32, #tpu.memory_space<vmem>>, vector<16xf32>,
        tpu.vector_store %arg10[%parallel_loop3A_468], %parallel_loop3A_465 {strides = array<i32>} : memref<4080xf32, #tpu.memory_space<vmem>>, vector<16xf32>,
        %parallel_loop3A_470 = arith.constant 10 : i32
        %parallel_loop3A_471 = arith.addi %parallel_loop3A_297, %parallel_loop3A_470 : i32
        %parallel_loop3A_472 = arith.index_cast %parallel_loop3A_471 : i32 to index
        %parallel_loop3A_473 = arith.constant 0 : index
        %parallel_loop3A_474 = tpu.vector_load %arg5[%parallel_loop3A_472, %parallel_loop3A_473] {strides = array<i32>} : memref<240x32xf32, #tpu.memory_space<vmem>>, vector<16xf32>,
        %parallel_loop3A_475 = arith.constant 10 : i32
        %parallel_loop3A_476 = arith.addi %parallel_loop3A_297, %parallel_loop3A_475 : i32
        %parallel_loop3A_477 = arith.index_cast %parallel_loop3A_476 : i32 to index
        %parallel_loop3A_478 = arith.constant 16 : index
        %parallel_loop3A_479 = tpu.vector_load %arg5[%parallel_loop3A_477, %parallel_loop3A_478] {strides = array<i32>} : memref<240x32xf32, #tpu.memory_space<vmem>>, vector<16xf32>,
        %parallel_loop3A_480 = arith.mulf %parallel_loop3A_474, %parallel_loop3A_474 : vector<16xf32>
        %parallel_loop3A_481 = arith.mulf %parallel_loop3A_479, %parallel_loop3A_479 : vector<16xf32>
        %parallel_loop3A_482 = arith.addf %parallel_loop3A_480, %parallel_loop3A_481 : vector<16xf32>
        %parallel_loop3A_483 = arith.constant 170 : i32
        %parallel_loop3A_484 = arith.addi %parallel_loop3A_299, %parallel_loop3A_483 : i32
        %parallel_loop3A_485 = arith.index_cast %parallel_loop3A_484 : i32 to index
        %parallel_loop3A_486 = tpu.vector_load %arg10[%parallel_loop3A_485] {strides = array<i32>} : memref<4080xf32, #tpu.memory_space<vmem>>, vector<16xf32>,
        tpu.vector_store %arg10[%parallel_loop3A_485], %parallel_loop3A_482 {strides = array<i32>} : memref<4080xf32, #tpu.memory_space<vmem>>, vector<16xf32>,
        %parallel_loop3A_487 = arith.constant 11 : i32
        %parallel_loop3A_488 = arith.addi %parallel_loop3A_297, %parallel_loop3A_487 : i32
        %parallel_loop3A_489 = arith.index_cast %parallel_loop3A_488 : i32 to index
        %parallel_loop3A_490 = arith.constant 0 : index
        %parallel_loop3A_491 = tpu.vector_load %arg5[%parallel_loop3A_489, %parallel_loop3A_490] {strides = array<i32>} : memref<240x32xf32, #tpu.memory_space<vmem>>, vector<16xf32>,
        %parallel_loop3A_492 = arith.constant 11 : i32
        %parallel_loop3A_493 = arith.addi %parallel_loop3A_297, %parallel_loop3A_492 : i32
        %parallel_loop3A_494 = arith.index_cast %parallel_loop3A_493 : i32 to index
        %parallel_loop3A_495 = arith.constant 16 : index
        %parallel_loop3A_496 = tpu.vector_load %arg5[%parallel_loop3A_494, %parallel_loop3A_495] {strides = array<i32>} : memref<240x32xf32, #tpu.memory_space<vmem>>, vector<16xf32>,
        %parallel_loop3A_497 = arith.mulf %parallel_loop3A_491, %parallel_loop3A_491 : vector<16xf32>
        %parallel_loop3A_498 = arith.mulf %parallel_loop3A_496, %parallel_loop3A_496 : vector<16xf32>
        %parallel_loop3A_499 = arith.addf %parallel_loop3A_497, %parallel_loop3A_498 : vector<16xf32>
        %parallel_loop3A_500 = arith.constant 187 : i32
        %parallel_loop3A_501 = arith.addi %parallel_loop3A_299, %parallel_loop3A_500 : i32
        %parallel_loop3A_502 = arith.index_cast %parallel_loop3A_501 : i32 to index
        %parallel_loop3A_503 = tpu.vector_load %arg10[%parallel_loop3A_502] {strides = array<i32>} : memref<4080xf32, #tpu.memory_space<vmem>>, vector<16xf32>,
        tpu.vector_store %arg10[%parallel_loop3A_502], %parallel_loop3A_499 {strides = array<i32>} : memref<4080xf32, #tpu.memory_space<vmem>>, vector<16xf32>,
        %parallel_loop3A_504 = arith.constant 12 : i32
        %parallel_loop3A_505 = arith.addi %parallel_loop3A_297, %parallel_loop3A_504 : i32
        %parallel_loop3A_506 = arith.index_cast %parallel_loop3A_505 : i32 to index
        %parallel_loop3A_507 = arith.constant 0 : index
        %parallel_loop3A_508 = tpu.vector_load %arg5[%parallel_loop3A_506, %parallel_loop3A_507] {strides = array<i32>} : memref<240x32xf32, #tpu.memory_space<vmem>>, vector<16xf32>,
        %parallel_loop3A_509 = arith.constant 12 : i32
        %parallel_loop3A_510 = arith.addi %parallel_loop3A_297, %parallel_loop3A_509 : i32
        %parallel_loop3A_511 = arith.index_cast %parallel_loop3A_510 : i32 to index
        %parallel_loop3A_512 = arith.constant 16 : index
        %parallel_loop3A_513 = tpu.vector_load %arg5[%parallel_loop3A_511, %parallel_loop3A_512] {strides = array<i32>} : memref<240x32xf32, #tpu.memory_space<vmem>>, vector<16xf32>,
        %parallel_loop3A_514 = arith.mulf %parallel_loop3A_508, %parallel_loop3A_508 : vector<16xf32>
        %parallel_loop3A_515 = arith.mulf %parallel_loop3A_513, %parallel_loop3A_513 : vector<16xf32>
        %parallel_loop3A_516 = arith.addf %parallel_loop3A_514, %parallel_loop3A_515 : vector<16xf32>
        %parallel_loop3A_517 = arith.constant 204 : i32
        %parallel_loop3A_518 = arith.addi %parallel_loop3A_299, %parallel_loop3A_517 : i32
        %parallel_loop3A_519 = arith.index_cast %parallel_loop3A_518 : i32 to index
        %parallel_loop3A_520 = tpu.vector_load %arg10[%parallel_loop3A_519] {strides = array<i32>} : memref<4080xf32, #tpu.memory_space<vmem>>, vector<16xf32>,
        tpu.vector_store %arg10[%parallel_loop3A_519], %parallel_loop3A_516 {strides = array<i32>} : memref<4080xf32, #tpu.memory_space<vmem>>, vector<16xf32>,
        %parallel_loop3A_521 = arith.constant 13 : i32
        %parallel_loop3A_522 = arith.addi %parallel_loop3A_297, %parallel_loop3A_521 : i32
        %parallel_loop3A_523 = arith.index_cast %parallel_loop3A_522 : i32 to index
        %parallel_loop3A_524 = arith.constant 0 : index
        %parallel_loop3A_525 = tpu.vector_load %arg5[%parallel_loop3A_523, %parallel_loop3A_524] {strides = array<i32>} : memref<240x32xf32, #tpu.memory_space<vmem>>, vector<16xf32>,
        %parallel_loop3A_526 = arith.constant 13 : i32
        %parallel_loop3A_527 = arith.addi %parallel_loop3A_297, %parallel_loop3A_526 : i32
        %parallel_loop3A_528 = arith.index_cast %parallel_loop3A_527 : i32 to index
        %parallel_loop3A_529 = arith.constant 16 : index
        %parallel_loop3A_530 = tpu.vector_load %arg5[%parallel_loop3A_528, %parallel_loop3A_529] {strides = array<i32>} : memref<240x32xf32, #tpu.memory_space<vmem>>, vector<16xf32>,
        %parallel_loop3A_531 = arith.mulf %parallel_loop3A_525, %parallel_loop3A_525 : vector<16xf32>
        %parallel_loop3A_532 = arith.mulf %parallel_loop3A_530, %parallel_loop3A_530 : vector<16xf32>
        %parallel_loop3A_533 = arith.addf %parallel_loop3A_531, %parallel_loop3A_532 : vector<16xf32>
        %parallel_loop3A_534 = arith.constant 221 : i32
        %parallel_loop3A_535 = arith.addi %parallel_loop3A_299, %parallel_loop3A_534 : i32
        %parallel_loop3A_536 = arith.index_cast %parallel_loop3A_535 : i32 to index
        %parallel_loop3A_537 = tpu.vector_load %arg10[%parallel_loop3A_536] {strides = array<i32>} : memref<4080xf32, #tpu.memory_space<vmem>>, vector<16xf32>,
        tpu.vector_store %arg10[%parallel_loop3A_536], %parallel_loop3A_533 {strides = array<i32>} : memref<4080xf32, #tpu.memory_space<vmem>>, vector<16xf32>,
        %parallel_loop3A_538 = arith.constant 14 : i32
        %parallel_loop3A_539 = arith.addi %parallel_loop3A_297, %parallel_loop3A_538 : i32
        %parallel_loop3A_540 = arith.index_cast %parallel_loop3A_539 : i32 to index
        %parallel_loop3A_541 = arith.constant 0 : index
        %parallel_loop3A_542 = tpu.vector_load %arg5[%parallel_loop3A_540, %parallel_loop3A_541] {strides = array<i32>} : memref<240x32xf32, #tpu.memory_space<vmem>>, vector<16xf32>,
        %parallel_loop3A_543 = arith.constant 14 : i32
        %parallel_loop3A_544 = arith.addi %parallel_loop3A_297, %parallel_loop3A_543 : i32
        %parallel_loop3A_545 = arith.index_cast %parallel_loop3A_544 : i32 to index
        %parallel_loop3A_546 = arith.constant 16 : index
        %parallel_loop3A_547 = tpu.vector_load %arg5[%parallel_loop3A_545, %parallel_loop3A_546] {strides = array<i32>} : memref<240x32xf32, #tpu.memory_space<vmem>>, vector<16xf32>,
        %parallel_loop3A_548 = arith.mulf %parallel_loop3A_542, %parallel_loop3A_542 : vector<16xf32>
        %parallel_loop3A_549 = arith.mulf %parallel_loop3A_547, %parallel_loop3A_547 : vector<16xf32>
        %parallel_loop3A_550 = arith.addf %parallel_loop3A_548, %parallel_loop3A_549 : vector<16xf32>
        %parallel_loop3A_551 = arith.constant 238 : i32
        %parallel_loop3A_552 = arith.addi %parallel_loop3A_299, %parallel_loop3A_551 : i32
        %parallel_loop3A_553 = arith.index_cast %parallel_loop3A_552 : i32 to index
        %parallel_loop3A_554 = tpu.vector_load %arg10[%parallel_loop3A_553] {strides = array<i32>} : memref<4080xf32, #tpu.memory_space<vmem>>, vector<16xf32>,
        tpu.vector_store %arg10[%parallel_loop3A_553], %parallel_loop3A_550 {strides = array<i32>} : memref<4080xf32, #tpu.memory_space<vmem>>, vector<16xf32>,
        %parallel_loop3A_555 = arith.constant 15 : i32
        %parallel_loop3A_556 = arith.addi %parallel_loop3A_297, %parallel_loop3A_555 : i32
        %parallel_loop3A_557 = arith.index_cast %parallel_loop3A_556 : i32 to index
        %parallel_loop3A_558 = arith.constant 0 : index
        %parallel_loop3A_559 = tpu.vector_load %arg5[%parallel_loop3A_557, %parallel_loop3A_558] {strides = array<i32>} : memref<240x32xf32, #tpu.memory_space<vmem>>, vector<16xf32>,
        %parallel_loop3A_560 = arith.constant 15 : i32
        %parallel_loop3A_561 = arith.addi %parallel_loop3A_297, %parallel_loop3A_560 : i32
        %parallel_loop3A_562 = arith.index_cast %parallel_loop3A_561 : i32 to index
        %parallel_loop3A_563 = arith.constant 16 : index
        %parallel_loop3A_564 = tpu.vector_load %arg5[%parallel_loop3A_562, %parallel_loop3A_563] {strides = array<i32>} : memref<240x32xf32, #tpu.memory_space<vmem>>, vector<16xf32>,
        %parallel_loop3A_565 = arith.mulf %parallel_loop3A_559, %parallel_loop3A_559 : vector<16xf32>
        %parallel_loop3A_566 = arith.mulf %parallel_loop3A_564, %parallel_loop3A_564 : vector<16xf32>
        %parallel_loop3A_567 = arith.addf %parallel_loop3A_565, %parallel_loop3A_566 : vector<16xf32>
        %parallel_loop3A_568 = arith.constant 255 : i32
        %parallel_loop3A_569 = arith.addi %parallel_loop3A_299, %parallel_loop3A_568 : i32
        %parallel_loop3A_570 = arith.index_cast %parallel_loop3A_569 : i32 to index
        %parallel_loop3A_571 = tpu.vector_load %arg10[%parallel_loop3A_570] {strides = array<i32>} : memref<4080xf32, #tpu.memory_space<vmem>>, vector<16xf32>,
        tpu.vector_store %arg10[%parallel_loop3A_570], %parallel_loop3A_567 {strides = array<i32>} : memref<4080xf32, #tpu.memory_space<vmem>>, vector<16xf32>,
        %parallel_loop3A_572 = arith.constant 0.000000e+00 : f32
        %parallel_loop3A_573 = vector.broadcast %parallel_loop3A_572 : f32 to vector<16xf32>
        %parallel_loop3A_574 = vector.broadcast %parallel_loop3A_299 : i32 to vector<16xi32>
        %parallel_loop3A_575 = arith.addi %parallel_loop3A_574, %mul3A_231 : vector<16xi32>
        %parallel_loop3A_576 = arith.constant 0 : i32
        %parallel_loop3A_577 = vector.broadcast %parallel_loop3A_576 : i32 to vector<16xi32>
        %parallel_loop3A_578 = arith.addi %parallel_loop3A_575, %parallel_loop3A_577 : vector<16xi32>
        %parallel_loop3A_579 = tpu.vector_load_idx %arg10[%parallel_loop3A_578] : memref<4080xf32, #tpu.memory_space<vmem>>[vector<16xi32>], vector<16xf32>,
        %parallel_loop3A_580 = arith.addf %parallel_loop3A_573, %parallel_loop3A_579 : vector<16xf32>
        %parallel_loop3A_581 = vector.broadcast %parallel_loop3A_299 : i32 to vector<16xi32>
        %parallel_loop3A_582 = arith.addi %parallel_loop3A_581, %mul3A_231 : vector<16xi32>
        %parallel_loop3A_583 = arith.constant 1 : i32
        %parallel_loop3A_584 = vector.broadcast %parallel_loop3A_583 : i32 to vector<16xi32>
        %parallel_loop3A_585 = arith.addi %parallel_loop3A_582, %parallel_loop3A_584 : vector<16xi32>
        %parallel_loop3A_586 = tpu.vector_load_idx %arg10[%parallel_loop3A_585] : memref<4080xf32, #tpu.memory_space<vmem>>[vector<16xi32>], vector<16xf32>,
        %parallel_loop3A_587 = arith.addf %parallel_loop3A_580, %parallel_loop3A_586 : vector<16xf32>
        %parallel_loop3A_588 = vector.broadcast %parallel_loop3A_299 : i32 to vector<16xi32>
        %parallel_loop3A_589 = arith.addi %parallel_loop3A_588, %mul3A_231 : vector<16xi32>
        %parallel_loop3A_590 = arith.constant 2 : i32
        %parallel_loop3A_591 = vector.broadcast %parallel_loop3A_590 : i32 to vector<16xi32>
        %parallel_loop3A_592 = arith.addi %parallel_loop3A_589, %parallel_loop3A_591 : vector<16xi32>
        %parallel_loop3A_593 = tpu.vector_load_idx %arg10[%parallel_loop3A_592] : memref<4080xf32, #tpu.memory_space<vmem>>[vector<16xi32>], vector<16xf32>,
        %parallel_loop3A_594 = arith.addf %parallel_loop3A_587, %parallel_loop3A_593 : vector<16xf32>
        %parallel_loop3A_595 = vector.broadcast %parallel_loop3A_299 : i32 to vector<16xi32>
        %parallel_loop3A_596 = arith.addi %parallel_loop3A_595, %mul3A_231 : vector<16xi32>
        %parallel_loop3A_597 = arith.constant 3 : i32
        %parallel_loop3A_598 = vector.broadcast %parallel_loop3A_597 : i32 to vector<16xi32>
        %parallel_loop3A_599 = arith.addi %parallel_loop3A_596, %parallel_loop3A_598 : vector<16xi32>
        %parallel_loop3A_600 = tpu.vector_load_idx %arg10[%parallel_loop3A_599] : memref<4080xf32, #tpu.memory_space<vmem>>[vector<16xi32>], vector<16xf32>,
        %parallel_loop3A_601 = arith.addf %parallel_loop3A_594, %parallel_loop3A_600 : vector<16xf32>
        %parallel_loop3A_602 = vector.broadcast %parallel_loop3A_299 : i32 to vector<16xi32>
        %parallel_loop3A_603 = arith.addi %parallel_loop3A_602, %mul3A_231 : vector<16xi32>
        %parallel_loop3A_604 = arith.constant 4 : i32
        %parallel_loop3A_605 = vector.broadcast %parallel_loop3A_604 : i32 to vector<16xi32>
        %parallel_loop3A_606 = arith.addi %parallel_loop3A_603, %parallel_loop3A_605 : vector<16xi32>
        %parallel_loop3A_607 = tpu.vector_load_idx %arg10[%parallel_loop3A_606] : memref<4080xf32, #tpu.memory_space<vmem>>[vector<16xi32>], vector<16xf32>,
        %parallel_loop3A_608 = arith.addf %parallel_loop3A_601, %parallel_loop3A_607 : vector<16xf32>
        %parallel_loop3A_609 = vector.broadcast %parallel_loop3A_299 : i32 to vector<16xi32>
        %parallel_loop3A_610 = arith.addi %parallel_loop3A_609, %mul3A_231 : vector<16xi32>
        %parallel_loop3A_611 = arith.constant 5 : i32
        %parallel_loop3A_612 = vector.broadcast %parallel_loop3A_611 : i32 to vector<16xi32>
        %parallel_loop3A_613 = arith.addi %parallel_loop3A_610, %parallel_loop3A_612 : vector<16xi32>
        %parallel_loop3A_614 = tpu.vector_load_idx %arg10[%parallel_loop3A_613] : memref<4080xf32, #tpu.memory_space<vmem>>[vector<16xi32>], vector<16xf32>,
        %parallel_loop3A_615 = arith.addf %parallel_loop3A_608, %parallel_loop3A_614 : vector<16xf32>
        %parallel_loop3A_616 = vector.broadcast %parallel_loop3A_299 : i32 to vector<16xi32>
        %parallel_loop3A_617 = arith.addi %parallel_loop3A_616, %mul3A_231 : vector<16xi32>
        %parallel_loop3A_618 = arith.constant 6 : i32
        %parallel_loop3A_619 = vector.broadcast %parallel_loop3A_618 : i32 to vector<16xi32>
        %parallel_loop3A_620 = arith.addi %parallel_loop3A_617, %parallel_loop3A_619 : vector<16xi32>
        %parallel_loop3A_621 = tpu.vector_load_idx %arg10[%parallel_loop3A_620] : memref<4080xf32, #tpu.memory_space<vmem>>[vector<16xi32>], vector<16xf32>,
        %parallel_loop3A_622 = arith.addf %parallel_loop3A_615, %parallel_loop3A_621 : vector<16xf32>
        %parallel_loop3A_623 = vector.broadcast %parallel_loop3A_299 : i32 to vector<16xi32>
        %parallel_loop3A_624 = arith.addi %parallel_loop3A_623, %mul3A_231 : vector<16xi32>
        %parallel_loop3A_625 = arith.constant 7 : i32
        %parallel_loop3A_626 = vector.broadcast %parallel_loop3A_625 : i32 to vector<16xi32>
        %parallel_loop3A_627 = arith.addi %parallel_loop3A_624, %parallel_loop3A_626 : vector<16xi32>
        %parallel_loop3A_628 = tpu.vector_load_idx %arg10[%parallel_loop3A_627] : memref<4080xf32, #tpu.memory_space<vmem>>[vector<16xi32>], vector<16xf32>,
        %parallel_loop3A_629 = arith.addf %parallel_loop3A_622, %parallel_loop3A_628 : vector<16xf32>
        %parallel_loop3A_630 = vector.broadcast %parallel_loop3A_299 : i32 to vector<16xi32>
        %parallel_loop3A_631 = arith.addi %parallel_loop3A_630, %mul3A_231 : vector<16xi32>
        %parallel_loop3A_632 = arith.constant 8 : i32
        %parallel_loop3A_633 = vector.broadcast %parallel_loop3A_632 : i32 to vector<16xi32>
        %parallel_loop3A_634 = arith.addi %parallel_loop3A_631, %parallel_loop3A_633 : vector<16xi32>
        %parallel_loop3A_635 = tpu.vector_load_idx %arg10[%parallel_loop3A_634] : memref<4080xf32, #tpu.memory_space<vmem>>[vector<16xi32>], vector<16xf32>,
        %parallel_loop3A_636 = arith.addf %parallel_loop3A_629, %parallel_loop3A_635 : vector<16xf32>
        %parallel_loop3A_637 = vector.broadcast %parallel_loop3A_299 : i32 to vector<16xi32>
        %parallel_loop3A_638 = arith.addi %parallel_loop3A_637, %mul3A_231 : vector<16xi32>
        %parallel_loop3A_639 = arith.constant 9 : i32
        %parallel_loop3A_640 = vector.broadcast %parallel_loop3A_639 : i32 to vector<16xi32>
        %parallel_loop3A_641 = arith.addi %parallel_loop3A_638, %parallel_loop3A_640 : vector<16xi32>
        %parallel_loop3A_642 = tpu.vector_load_idx %arg10[%parallel_loop3A_641] : memref<4080xf32, #tpu.memory_space<vmem>>[vector<16xi32>], vector<16xf32>,
        %parallel_loop3A_643 = arith.addf %parallel_loop3A_636, %parallel_loop3A_642 : vector<16xf32>
        %parallel_loop3A_644 = vector.broadcast %parallel_loop3A_299 : i32 to vector<16xi32>
        %parallel_loop3A_645 = arith.addi %parallel_loop3A_644, %mul3A_231 : vector<16xi32>
        %parallel_loop3A_646 = arith.constant 10 : i32
        %parallel_loop3A_647 = vector.broadcast %parallel_loop3A_646 : i32 to vector<16xi32>
        %parallel_loop3A_648 = arith.addi %parallel_loop3A_645, %parallel_loop3A_647 : vector<16xi32>
        %parallel_loop3A_649 = tpu.vector_load_idx %arg10[%parallel_loop3A_648] : memref<4080xf32, #tpu.memory_space<vmem>>[vector<16xi32>], vector<16xf32>,
        %parallel_loop3A_650 = arith.addf %parallel_loop3A_643, %parallel_loop3A_649 : vector<16xf32>
        %parallel_loop3A_651 = vector.broadcast %parallel_loop3A_299 : i32 to vector<16xi32>
        %parallel_loop3A_652 = arith.addi %parallel_loop3A_651, %mul3A_231 : vector<16xi32>
        %parallel_loop3A_653 = arith.constant 11 : i32
        %parallel_loop3A_654 = vector.broadcast %parallel_loop3A_653 : i32 to vector<16xi32>
        %parallel_loop3A_655 = arith.addi %parallel_loop3A_652, %parallel_loop3A_654 : vector<16xi32>
        %parallel_loop3A_656 = tpu.vector_load_idx %arg10[%parallel_loop3A_655] : memref<4080xf32, #tpu.memory_space<vmem>>[vector<16xi32>], vector<16xf32>,
        %parallel_loop3A_657 = arith.addf %parallel_loop3A_650, %parallel_loop3A_656 : vector<16xf32>
        %parallel_loop3A_658 = vector.broadcast %parallel_loop3A_299 : i32 to vector<16xi32>
        %parallel_loop3A_659 = arith.addi %parallel_loop3A_658, %mul3A_231 : vector<16xi32>
        %parallel_loop3A_660 = arith.constant 12 : i32
        %parallel_loop3A_661 = vector.broadcast %parallel_loop3A_660 : i32 to vector<16xi32>
        %parallel_loop3A_662 = arith.addi %parallel_loop3A_659, %parallel_loop3A_661 : vector<16xi32>
        %parallel_loop3A_663 = tpu.vector_load_idx %arg10[%parallel_loop3A_662] : memref<4080xf32, #tpu.memory_space<vmem>>[vector<16xi32>], vector<16xf32>,
        %parallel_loop3A_664 = arith.addf %parallel_loop3A_657, %parallel_loop3A_663 : vector<16xf32>
        %parallel_loop3A_665 = vector.broadcast %parallel_loop3A_299 : i32 to vector<16xi32>
        %parallel_loop3A_666 = arith.addi %parallel_loop3A_665, %mul3A_231 : vector<16xi32>
        %parallel_loop3A_667 = arith.constant 13 : i32
        %parallel_loop3A_668 = vector.broadcast %parallel_loop3A_667 : i32 to vector<16xi32>
        %parallel_loop3A_669 = arith.addi %parallel_loop3A_666, %parallel_loop3A_668 : vector<16xi32>
        %parallel_loop3A_670 = tpu.vector_load_idx %arg10[%parallel_loop3A_669] : memref<4080xf32, #tpu.memory_space<vmem>>[vector<16xi32>], vector<16xf32>,
        %parallel_loop3A_671 = arith.addf %parallel_loop3A_664, %parallel_loop3A_670 : vector<16xf32>
        %parallel_loop3A_672 = vector.broadcast %parallel_loop3A_299 : i32 to vector<16xi32>
        %parallel_loop3A_673 = arith.addi %parallel_loop3A_672, %mul3A_231 : vector<16xi32>
        %parallel_loop3A_674 = arith.constant 14 : i32
        %parallel_loop3A_675 = vector.broadcast %parallel_loop3A_674 : i32 to vector<16xi32>
        %parallel_loop3A_676 = arith.addi %parallel_loop3A_673, %parallel_loop3A_675 : vector<16xi32>
        %parallel_loop3A_677 = tpu.vector_load_idx %arg10[%parallel_loop3A_676] : memref<4080xf32, #tpu.memory_space<vmem>>[vector<16xi32>], vector<16xf32>,
        %parallel_loop3A_678 = arith.addf %parallel_loop3A_671, %parallel_loop3A_677 : vector<16xf32>
        %parallel_loop3A_679 = vector.broadcast %parallel_loop3A_299 : i32 to vector<16xi32>
        %parallel_loop3A_680 = arith.addi %parallel_loop3A_679, %mul3A_231 : vector<16xi32>
        %parallel_loop3A_681 = arith.constant 15 : i32
        %parallel_loop3A_682 = vector.broadcast %parallel_loop3A_681 : i32 to vector<16xi32>
        %parallel_loop3A_683 = arith.addi %parallel_loop3A_680, %parallel_loop3A_682 : vector<16xi32>
        %parallel_loop3A_684 = tpu.vector_load_idx %arg10[%parallel_loop3A_683] : memref<4080xf32, #tpu.memory_space<vmem>>[vector<16xi32>], vector<16xf32>,
        %parallel_loop3A_685 = arith.addf %parallel_loop3A_678, %parallel_loop3A_684 : vector<16xf32>
        %parallel_loop3A_686 = arith.constant 1.000000e-16 : f32
        %parallel_loop3A_687 = vector.broadcast %parallel_loop3A_686 : f32 to vector<16xf32>
        %parallel_loop3A_688 = arith.maximumf %parallel_loop3A_685, %parallel_loop3A_687 : vector<16xf32>
        %parallel_loop3A_689 = vector.bitcast %parallel_loop3A_688 : vector<16xf32> to vector<16xi32>
        %parallel_loop3A_690 = arith.constant 1 : i32
        %parallel_loop3A_691 = vector.broadcast %parallel_loop3A_690 : i32 to vector<16xi32>
        %parallel_loop3A_692 = arith.shrui %parallel_loop3A_689, %parallel_loop3A_691 : vector<16xi32>
        %parallel_loop3A_693 = arith.constant 1597463007 : i32
        %parallel_loop3A_694 = vector.broadcast %parallel_loop3A_693 : i32 to vector<16xi32>
        %parallel_loop3A_695 = arith.subi %parallel_loop3A_694, %parallel_loop3A_692 : vector<16xi32>
        %parallel_loop3A_696 = vector.bitcast %parallel_loop3A_695 : vector<16xi32> to vector<16xf32>
        %parallel_loop3A_697 = arith.constant 5.000000e-01 : f32
        %parallel_loop3A_698 = vector.broadcast %parallel_loop3A_697 : f32 to vector<16xf32>
        %parallel_loop3A_699 = arith.mulf %parallel_loop3A_698, %parallel_loop3A_688 : vector<16xf32>
        %parallel_loop3A_700 = arith.mulf %parallel_loop3A_699, %parallel_loop3A_696 : vector<16xf32>
        %parallel_loop3A_701 = arith.mulf %parallel_loop3A_700, %parallel_loop3A_696 : vector<16xf32>
        %parallel_loop3A_702 = arith.constant 1.500000e+00 : f32
        %parallel_loop3A_703 = vector.broadcast %parallel_loop3A_702 : f32 to vector<16xf32>
        %parallel_loop3A_704 = arith.subf %parallel_loop3A_703, %parallel_loop3A_701 : vector<16xf32>
        %parallel_loop3A_705 = arith.mulf %parallel_loop3A_696, %parallel_loop3A_704 : vector<16xf32>
        %parallel_loop3A_706 = arith.constant 5.000000e-01 : f32
        %parallel_loop3A_707 = vector.broadcast %parallel_loop3A_706 : f32 to vector<16xf32>
        %parallel_loop3A_708 = arith.mulf %parallel_loop3A_707, %parallel_loop3A_688 : vector<16xf32>
        %parallel_loop3A_709 = arith.mulf %parallel_loop3A_708, %parallel_loop3A_705 : vector<16xf32>
        %parallel_loop3A_710 = arith.mulf %parallel_loop3A_709, %parallel_loop3A_705 : vector<16xf32>
        %parallel_loop3A_711 = arith.constant 1.500000e+00 : f32
        %parallel_loop3A_712 = vector.broadcast %parallel_loop3A_711 : f32 to vector<16xf32>
        %parallel_loop3A_713 = arith.subf %parallel_loop3A_712, %parallel_loop3A_710 : vector<16xf32>
        %parallel_loop3A_714 = arith.mulf %parallel_loop3A_705, %parallel_loop3A_713 : vector<16xf32>
        %parallel_loop3A_715 = arith.constant 5.000000e-01 : f32
        %parallel_loop3A_716 = vector.broadcast %parallel_loop3A_715 : f32 to vector<16xf32>
        %parallel_loop3A_717 = arith.mulf %parallel_loop3A_716, %parallel_loop3A_688 : vector<16xf32>
        %parallel_loop3A_718 = arith.mulf %parallel_loop3A_717, %parallel_loop3A_714 : vector<16xf32>
        %parallel_loop3A_719 = arith.mulf %parallel_loop3A_718, %parallel_loop3A_714 : vector<16xf32>
        %parallel_loop3A_720 = arith.constant 1.500000e+00 : f32
        %parallel_loop3A_721 = vector.broadcast %parallel_loop3A_720 : f32 to vector<16xf32>
        %parallel_loop3A_722 = arith.subf %parallel_loop3A_721, %parallel_loop3A_719 : vector<16xf32>
        %parallel_loop3A_723 = arith.mulf %parallel_loop3A_714, %parallel_loop3A_722 : vector<16xf32>
        %parallel_loop3A_724 = arith.mulf %parallel_loop3A_688, %parallel_loop3A_723 : vector<16xf32>
        %parallel_loop3A_725 = math.exp %parallel_loop3A_724 : vector<16xf32>
        %parallel_loop3A_726 = arith.constant 0.000000e+00 : f32
        %parallel_loop3A_727 = vector.broadcast %parallel_loop3A_726 : f32 to vector<16xf32>
        %parallel_loop3A_728 = arith.subf %parallel_loop3A_727, %parallel_loop3A_724 : vector<16xf32>
        %parallel_loop3A_729 = math.exp %parallel_loop3A_728 : vector<16xf32>
        %parallel_loop3A_730 = arith.subf %parallel_loop3A_725, %parallel_loop3A_729 : vector<16xf32>
        %parallel_loop3A_731 = arith.constant 5.000000e-01 : f32
        %parallel_loop3A_732 = vector.broadcast %parallel_loop3A_731 : f32 to vector<16xf32>
        %parallel_loop3A_733 = arith.mulf %parallel_loop3A_730, %parallel_loop3A_732 : vector<16xf32>
        %parallel_loop3A_734 = arith.mulf %parallel_loop3A_733, %parallel_loop3A_723 : vector<16xf32>
        %parallel_loop3A_735 = arith.constant 1.000000e-03 : f32
        %parallel_loop3A_736 = vector.broadcast %parallel_loop3A_735 : f32 to vector<16xf32>
        %parallel_loop3A_737 = arith.cmpf olt, %parallel_loop3A_724, %parallel_loop3A_736 : vector<16xf32>
        %parallel_loop3A_738 = arith.constant 0.166666672 : f32
        %parallel_loop3A_739 = vector.broadcast %parallel_loop3A_738 : f32 to vector<16xf32>
        %parallel_loop3A_740 = arith.mulf %parallel_loop3A_688, %parallel_loop3A_739 : vector<16xf32>
        %parallel_loop3A_741 = arith.constant 1.000000e+00 : f32
        %parallel_loop3A_742 = vector.broadcast %parallel_loop3A_741 : f32 to vector<16xf32>
        %parallel_loop3A_743 = arith.addf %parallel_loop3A_742, %parallel_loop3A_740 : vector<16xf32>
        %parallel_loop3A_744 = arith.select %parallel_loop3A_737, %parallel_loop3A_743, %parallel_loop3A_734 : vector<16xi1>, vector<16xf32>
        %parallel_loop3A_745 = vector.extract_strided_slice %parallel_loop3A_744 {offsets = [0], sizes = [1], strides = [1]} : vector<16xf32> to vector<1xf32>
        %parallel_loop3A_746 = vector.extract %parallel_loop3A_745[0] : f32 from vector<1xf32>
        %parallel_loop3A_747 = vector.broadcast %parallel_loop3A_746 : f32 to vector<16xf32>
        %parallel_loop3A_748 = arith.constant 0 : i32
        %parallel_loop3A_749 = arith.addi %parallel_loop3A_297, %parallel_loop3A_748 : i32
        %parallel_loop3A_750 = arith.index_cast %parallel_loop3A_749 : i32 to index
        %parallel_loop3A_751 = arith.constant 0 : index
        %parallel_loop3A_752 = tpu.vector_load %arg5[%parallel_loop3A_750, %parallel_loop3A_751] {strides = array<i32>} : memref<240x32xf32, #tpu.memory_space<vmem>>, vector<16xf32>,
        %parallel_loop3A_753 = arith.mulf %parallel_loop3A_752, %parallel_loop3A_747 : vector<16xf32>
        %parallel_loop3A_754 = arith.constant 0 : i32
        %parallel_loop3A_755 = arith.addi %parallel_loop3A_297, %parallel_loop3A_754 : i32
        %parallel_loop3A_756 = arith.index_cast %parallel_loop3A_755 : i32 to index
        %parallel_loop3A_757 = arith.constant 0 : index
        %parallel_loop3A_758 = tpu.vector_load %arg9[%parallel_loop3A_756, %parallel_loop3A_757] {strides = array<i32>} : memref<240x32xf32, #tpu.memory_space<vmem>>, vector<16xf32>,
        tpu.vector_store %arg9[%parallel_loop3A_756, %parallel_loop3A_757], %parallel_loop3A_753 {strides = array<i32>} : memref<240x32xf32, #tpu.memory_space<vmem>>, vector<16xf32>,
        %parallel_loop3A_759 = arith.constant 0 : i32
        %parallel_loop3A_760 = arith.addi %parallel_loop3A_297, %parallel_loop3A_759 : i32
        %parallel_loop3A_761 = arith.index_cast %parallel_loop3A_760 : i32 to index
        %parallel_loop3A_762 = arith.constant 16 : index
        %parallel_loop3A_763 = tpu.vector_load %arg5[%parallel_loop3A_761, %parallel_loop3A_762] {strides = array<i32>} : memref<240x32xf32, #tpu.memory_space<vmem>>, vector<16xf32>,
        %parallel_loop3A_764 = arith.mulf %parallel_loop3A_763, %parallel_loop3A_747 : vector<16xf32>
        %parallel_loop3A_765 = arith.constant 0 : i32
        %parallel_loop3A_766 = arith.addi %parallel_loop3A_297, %parallel_loop3A_765 : i32
        %parallel_loop3A_767 = arith.index_cast %parallel_loop3A_766 : i32 to index
        %parallel_loop3A_768 = arith.constant 16 : index
        %parallel_loop3A_769 = tpu.vector_load %arg9[%parallel_loop3A_767, %parallel_loop3A_768] {strides = array<i32>} : memref<240x32xf32, #tpu.memory_space<vmem>>, vector<16xf32>,
        tpu.vector_store %arg9[%parallel_loop3A_767, %parallel_loop3A_768], %parallel_loop3A_764 {strides = array<i32>} : memref<240x32xf32, #tpu.memory_space<vmem>>, vector<16xf32>,
        %parallel_loop3A_770 = vector.extract_strided_slice %parallel_loop3A_744 {offsets = [1], sizes = [1], strides = [1]} : vector<16xf32> to vector<1xf32>
        %parallel_loop3A_771 = vector.extract %parallel_loop3A_770[0] : f32 from vector<1xf32>
        %parallel_loop3A_772 = vector.broadcast %parallel_loop3A_771 : f32 to vector<16xf32>
        %parallel_loop3A_773 = arith.constant 1 : i32
        %parallel_loop3A_774 = arith.addi %parallel_loop3A_297, %parallel_loop3A_773 : i32
        %parallel_loop3A_775 = arith.index_cast %parallel_loop3A_774 : i32 to index
        %parallel_loop3A_776 = arith.constant 0 : index
        %parallel_loop3A_777 = tpu.vector_load %arg5[%parallel_loop3A_775, %parallel_loop3A_776] {strides = array<i32>} : memref<240x32xf32, #tpu.memory_space<vmem>>, vector<16xf32>,
        %parallel_loop3A_778 = arith.mulf %parallel_loop3A_777, %parallel_loop3A_772 : vector<16xf32>
        %parallel_loop3A_779 = arith.constant 1 : i32
        %parallel_loop3A_780 = arith.addi %parallel_loop3A_297, %parallel_loop3A_779 : i32
        %parallel_loop3A_781 = arith.index_cast %parallel_loop3A_780 : i32 to index
        %parallel_loop3A_782 = arith.constant 0 : index
        %parallel_loop3A_783 = tpu.vector_load %arg9[%parallel_loop3A_781, %parallel_loop3A_782] {strides = array<i32>} : memref<240x32xf32, #tpu.memory_space<vmem>>, vector<16xf32>,
        tpu.vector_store %arg9[%parallel_loop3A_781, %parallel_loop3A_782], %parallel_loop3A_778 {strides = array<i32>} : memref<240x32xf32, #tpu.memory_space<vmem>>, vector<16xf32>,
        %parallel_loop3A_784 = arith.constant 1 : i32
        %parallel_loop3A_785 = arith.addi %parallel_loop3A_297, %parallel_loop3A_784 : i32
        %parallel_loop3A_786 = arith.index_cast %parallel_loop3A_785 : i32 to index
        %parallel_loop3A_787 = arith.constant 16 : index
        %parallel_loop3A_788 = tpu.vector_load %arg5[%parallel_loop3A_786, %parallel_loop3A_787] {strides = array<i32>} : memref<240x32xf32, #tpu.memory_space<vmem>>, vector<16xf32>,
        %parallel_loop3A_789 = arith.mulf %parallel_loop3A_788, %parallel_loop3A_772 : vector<16xf32>
        %parallel_loop3A_790 = arith.constant 1 : i32
        %parallel_loop3A_791 = arith.addi %parallel_loop3A_297, %parallel_loop3A_790 : i32
        %parallel_loop3A_792 = arith.index_cast %parallel_loop3A_791 : i32 to index
        %parallel_loop3A_793 = arith.constant 16 : index
        %parallel_loop3A_794 = tpu.vector_load %arg9[%parallel_loop3A_792, %parallel_loop3A_793] {strides = array<i32>} : memref<240x32xf32, #tpu.memory_space<vmem>>, vector<16xf32>,
        tpu.vector_store %arg9[%parallel_loop3A_792, %parallel_loop3A_793], %parallel_loop3A_789 {strides = array<i32>} : memref<240x32xf32, #tpu.memory_space<vmem>>, vector<16xf32>,
        %parallel_loop3A_795 = vector.extract_strided_slice %parallel_loop3A_744 {offsets = [2], sizes = [1], strides = [1]} : vector<16xf32> to vector<1xf32>
        %parallel_loop3A_796 = vector.extract %parallel_loop3A_795[0] : f32 from vector<1xf32>
        %parallel_loop3A_797 = vector.broadcast %parallel_loop3A_796 : f32 to vector<16xf32>
        %parallel_loop3A_798 = arith.constant 2 : i32
        %parallel_loop3A_799 = arith.addi %parallel_loop3A_297, %parallel_loop3A_798 : i32
        %parallel_loop3A_800 = arith.index_cast %parallel_loop3A_799 : i32 to index
        %parallel_loop3A_801 = arith.constant 0 : index
        %parallel_loop3A_802 = tpu.vector_load %arg5[%parallel_loop3A_800, %parallel_loop3A_801] {strides = array<i32>} : memref<240x32xf32, #tpu.memory_space<vmem>>, vector<16xf32>,
        %parallel_loop3A_803 = arith.mulf %parallel_loop3A_802, %parallel_loop3A_797 : vector<16xf32>
        %parallel_loop3A_804 = arith.constant 2 : i32
        %parallel_loop3A_805 = arith.addi %parallel_loop3A_297, %parallel_loop3A_804 : i32
        %parallel_loop3A_806 = arith.index_cast %parallel_loop3A_805 : i32 to index
        %parallel_loop3A_807 = arith.constant 0 : index
        %parallel_loop3A_808 = tpu.vector_load %arg9[%parallel_loop3A_806, %parallel_loop3A_807] {strides = array<i32>} : memref<240x32xf32, #tpu.memory_space<vmem>>, vector<16xf32>,
        tpu.vector_store %arg9[%parallel_loop3A_806, %parallel_loop3A_807], %parallel_loop3A_803 {strides = array<i32>} : memref<240x32xf32, #tpu.memory_space<vmem>>, vector<16xf32>,
        %parallel_loop3A_809 = arith.constant 2 : i32
        %parallel_loop3A_810 = arith.addi %parallel_loop3A_297, %parallel_loop3A_809 : i32
        %parallel_loop3A_811 = arith.index_cast %parallel_loop3A_810 : i32 to index
        %parallel_loop3A_812 = arith.constant 16 : index
        %parallel_loop3A_813 = tpu.vector_load %arg5[%parallel_loop3A_811, %parallel_loop3A_812] {strides = array<i32>} : memref<240x32xf32, #tpu.memory_space<vmem>>, vector<16xf32>,
        %parallel_loop3A_814 = arith.mulf %parallel_loop3A_813, %parallel_loop3A_797 : vector<16xf32>
        %parallel_loop3A_815 = arith.constant 2 : i32
        %parallel_loop3A_816 = arith.addi %parallel_loop3A_297, %parallel_loop3A_815 : i32
        %parallel_loop3A_817 = arith.index_cast %parallel_loop3A_816 : i32 to index
        %parallel_loop3A_818 = arith.constant 16 : index
        %parallel_loop3A_819 = tpu.vector_load %arg9[%parallel_loop3A_817, %parallel_loop3A_818] {strides = array<i32>} : memref<240x32xf32, #tpu.memory_space<vmem>>, vector<16xf32>,
        tpu.vector_store %arg9[%parallel_loop3A_817, %parallel_loop3A_818], %parallel_loop3A_814 {strides = array<i32>} : memref<240x32xf32, #tpu.memory_space<vmem>>, vector<16xf32>,
        %parallel_loop3A_820 = vector.extract_strided_slice %parallel_loop3A_744 {offsets = [3], sizes = [1], strides = [1]} : vector<16xf32> to vector<1xf32>
        %parallel_loop3A_821 = vector.extract %parallel_loop3A_820[0] : f32 from vector<1xf32>
        %parallel_loop3A_822 = vector.broadcast %parallel_loop3A_821 : f32 to vector<16xf32>
        %parallel_loop3A_823 = arith.constant 3 : i32
        %parallel_loop3A_824 = arith.addi %parallel_loop3A_297, %parallel_loop3A_823 : i32
        %parallel_loop3A_825 = arith.index_cast %parallel_loop3A_824 : i32 to index
        %parallel_loop3A_826 = arith.constant 0 : index
        %parallel_loop3A_827 = tpu.vector_load %arg5[%parallel_loop3A_825, %parallel_loop3A_826] {strides = array<i32>} : memref<240x32xf32, #tpu.memory_space<vmem>>, vector<16xf32>,
        %parallel_loop3A_828 = arith.mulf %parallel_loop3A_827, %parallel_loop3A_822 : vector<16xf32>
        %parallel_loop3A_829 = arith.constant 3 : i32
        %parallel_loop3A_830 = arith.addi %parallel_loop3A_297, %parallel_loop3A_829 : i32
        %parallel_loop3A_831 = arith.index_cast %parallel_loop3A_830 : i32 to index
        %parallel_loop3A_832 = arith.constant 0 : index
        %parallel_loop3A_833 = tpu.vector_load %arg9[%parallel_loop3A_831, %parallel_loop3A_832] {strides = array<i32>} : memref<240x32xf32, #tpu.memory_space<vmem>>, vector<16xf32>,
        tpu.vector_store %arg9[%parallel_loop3A_831, %parallel_loop3A_832], %parallel_loop3A_828 {strides = array<i32>} : memref<240x32xf32, #tpu.memory_space<vmem>>, vector<16xf32>,
        %parallel_loop3A_834 = arith.constant 3 : i32
        %parallel_loop3A_835 = arith.addi %parallel_loop3A_297, %parallel_loop3A_834 : i32
        %parallel_loop3A_836 = arith.index_cast %parallel_loop3A_835 : i32 to index
        %parallel_loop3A_837 = arith.constant 16 : index
        %parallel_loop3A_838 = tpu.vector_load %arg5[%parallel_loop3A_836, %parallel_loop3A_837] {strides = array<i32>} : memref<240x32xf32, #tpu.memory_space<vmem>>, vector<16xf32>,
        %parallel_loop3A_839 = arith.mulf %parallel_loop3A_838, %parallel_loop3A_822 : vector<16xf32>
        %parallel_loop3A_840 = arith.constant 3 : i32
        %parallel_loop3A_841 = arith.addi %parallel_loop3A_297, %parallel_loop3A_840 : i32
        %parallel_loop3A_842 = arith.index_cast %parallel_loop3A_841 : i32 to index
        %parallel_loop3A_843 = arith.constant 16 : index
        %parallel_loop3A_844 = tpu.vector_load %arg9[%parallel_loop3A_842, %parallel_loop3A_843] {strides = array<i32>} : memref<240x32xf32, #tpu.memory_space<vmem>>, vector<16xf32>,
        tpu.vector_store %arg9[%parallel_loop3A_842, %parallel_loop3A_843], %parallel_loop3A_839 {strides = array<i32>} : memref<240x32xf32, #tpu.memory_space<vmem>>, vector<16xf32>,
        %parallel_loop3A_845 = vector.extract_strided_slice %parallel_loop3A_744 {offsets = [4], sizes = [1], strides = [1]} : vector<16xf32> to vector<1xf32>
        %parallel_loop3A_846 = vector.extract %parallel_loop3A_845[0] : f32 from vector<1xf32>
        %parallel_loop3A_847 = vector.broadcast %parallel_loop3A_846 : f32 to vector<16xf32>
        %parallel_loop3A_848 = arith.constant 4 : i32
        %parallel_loop3A_849 = arith.addi %parallel_loop3A_297, %parallel_loop3A_848 : i32
        %parallel_loop3A_850 = arith.index_cast %parallel_loop3A_849 : i32 to index
        %parallel_loop3A_851 = arith.constant 0 : index
        %parallel_loop3A_852 = tpu.vector_load %arg5[%parallel_loop3A_850, %parallel_loop3A_851] {strides = array<i32>} : memref<240x32xf32, #tpu.memory_space<vmem>>, vector<16xf32>,
        %parallel_loop3A_853 = arith.mulf %parallel_loop3A_852, %parallel_loop3A_847 : vector<16xf32>
        %parallel_loop3A_854 = arith.constant 4 : i32
        %parallel_loop3A_855 = arith.addi %parallel_loop3A_297, %parallel_loop3A_854 : i32
        %parallel_loop3A_856 = arith.index_cast %parallel_loop3A_855 : i32 to index
        %parallel_loop3A_857 = arith.constant 0 : index
        %parallel_loop3A_858 = tpu.vector_load %arg9[%parallel_loop3A_856, %parallel_loop3A_857] {strides = array<i32>} : memref<240x32xf32, #tpu.memory_space<vmem>>, vector<16xf32>,
        tpu.vector_store %arg9[%parallel_loop3A_856, %parallel_loop3A_857], %parallel_loop3A_853 {strides = array<i32>} : memref<240x32xf32, #tpu.memory_space<vmem>>, vector<16xf32>,
        %parallel_loop3A_859 = arith.constant 4 : i32
        %parallel_loop3A_860 = arith.addi %parallel_loop3A_297, %parallel_loop3A_859 : i32
        %parallel_loop3A_861 = arith.index_cast %parallel_loop3A_860 : i32 to index
        %parallel_loop3A_862 = arith.constant 16 : index
        %parallel_loop3A_863 = tpu.vector_load %arg5[%parallel_loop3A_861, %parallel_loop3A_862] {strides = array<i32>} : memref<240x32xf32, #tpu.memory_space<vmem>>, vector<16xf32>,
        %parallel_loop3A_864 = arith.mulf %parallel_loop3A_863, %parallel_loop3A_847 : vector<16xf32>
        %parallel_loop3A_865 = arith.constant 4 : i32
        %parallel_loop3A_866 = arith.addi %parallel_loop3A_297, %parallel_loop3A_865 : i32
        %parallel_loop3A_867 = arith.index_cast %parallel_loop3A_866 : i32 to index
        %parallel_loop3A_868 = arith.constant 16 : index
        %parallel_loop3A_869 = tpu.vector_load %arg9[%parallel_loop3A_867, %parallel_loop3A_868] {strides = array<i32>} : memref<240x32xf32, #tpu.memory_space<vmem>>, vector<16xf32>,
        tpu.vector_store %arg9[%parallel_loop3A_867, %parallel_loop3A_868], %parallel_loop3A_864 {strides = array<i32>} : memref<240x32xf32, #tpu.memory_space<vmem>>, vector<16xf32>,
        %parallel_loop3A_870 = vector.extract_strided_slice %parallel_loop3A_744 {offsets = [5], sizes = [1], strides = [1]} : vector<16xf32> to vector<1xf32>
        %parallel_loop3A_871 = vector.extract %parallel_loop3A_870[0] : f32 from vector<1xf32>
        %parallel_loop3A_872 = vector.broadcast %parallel_loop3A_871 : f32 to vector<16xf32>
        %parallel_loop3A_873 = arith.constant 5 : i32
        %parallel_loop3A_874 = arith.addi %parallel_loop3A_297, %parallel_loop3A_873 : i32
        %parallel_loop3A_875 = arith.index_cast %parallel_loop3A_874 : i32 to index
        %parallel_loop3A_876 = arith.constant 0 : index
        %parallel_loop3A_877 = tpu.vector_load %arg5[%parallel_loop3A_875, %parallel_loop3A_876] {strides = array<i32>} : memref<240x32xf32, #tpu.memory_space<vmem>>, vector<16xf32>,
        %parallel_loop3A_878 = arith.mulf %parallel_loop3A_877, %parallel_loop3A_872 : vector<16xf32>
        %parallel_loop3A_879 = arith.constant 5 : i32
        %parallel_loop3A_880 = arith.addi %parallel_loop3A_297, %parallel_loop3A_879 : i32
        %parallel_loop3A_881 = arith.index_cast %parallel_loop3A_880 : i32 to index
        %parallel_loop3A_882 = arith.constant 0 : index
        %parallel_loop3A_883 = tpu.vector_load %arg9[%parallel_loop3A_881, %parallel_loop3A_882] {strides = array<i32>} : memref<240x32xf32, #tpu.memory_space<vmem>>, vector<16xf32>,
        tpu.vector_store %arg9[%parallel_loop3A_881, %parallel_loop3A_882], %parallel_loop3A_878 {strides = array<i32>} : memref<240x32xf32, #tpu.memory_space<vmem>>, vector<16xf32>,
        %parallel_loop3A_884 = arith.constant 5 : i32
        %parallel_loop3A_885 = arith.addi %parallel_loop3A_297, %parallel_loop3A_884 : i32
        %parallel_loop3A_886 = arith.index_cast %parallel_loop3A_885 : i32 to index
        %parallel_loop3A_887 = arith.constant 16 : index
        %parallel_loop3A_888 = tpu.vector_load %arg5[%parallel_loop3A_886, %parallel_loop3A_887] {strides = array<i32>} : memref<240x32xf32, #tpu.memory_space<vmem>>, vector<16xf32>,
        %parallel_loop3A_889 = arith.mulf %parallel_loop3A_888, %parallel_loop3A_872 : vector<16xf32>
        %parallel_loop3A_890 = arith.constant 5 : i32
        %parallel_loop3A_891 = arith.addi %parallel_loop3A_297, %parallel_loop3A_890 : i32
        %parallel_loop3A_892 = arith.index_cast %parallel_loop3A_891 : i32 to index
        %parallel_loop3A_893 = arith.constant 16 : index
        %parallel_loop3A_894 = tpu.vector_load %arg9[%parallel_loop3A_892, %parallel_loop3A_893] {strides = array<i32>} : memref<240x32xf32, #tpu.memory_space<vmem>>, vector<16xf32>,
        tpu.vector_store %arg9[%parallel_loop3A_892, %parallel_loop3A_893], %parallel_loop3A_889 {strides = array<i32>} : memref<240x32xf32, #tpu.memory_space<vmem>>, vector<16xf32>,
        %parallel_loop3A_895 = vector.extract_strided_slice %parallel_loop3A_744 {offsets = [6], sizes = [1], strides = [1]} : vector<16xf32> to vector<1xf32>
        %parallel_loop3A_896 = vector.extract %parallel_loop3A_895[0] : f32 from vector<1xf32>
        %parallel_loop3A_897 = vector.broadcast %parallel_loop3A_896 : f32 to vector<16xf32>
        %parallel_loop3A_898 = arith.constant 6 : i32
        %parallel_loop3A_899 = arith.addi %parallel_loop3A_297, %parallel_loop3A_898 : i32
        %parallel_loop3A_900 = arith.index_cast %parallel_loop3A_899 : i32 to index
        %parallel_loop3A_901 = arith.constant 0 : index
        %parallel_loop3A_902 = tpu.vector_load %arg5[%parallel_loop3A_900, %parallel_loop3A_901] {strides = array<i32>} : memref<240x32xf32, #tpu.memory_space<vmem>>, vector<16xf32>,
        %parallel_loop3A_903 = arith.mulf %parallel_loop3A_902, %parallel_loop3A_897 : vector<16xf32>
        %parallel_loop3A_904 = arith.constant 6 : i32
        %parallel_loop3A_905 = arith.addi %parallel_loop3A_297, %parallel_loop3A_904 : i32
        %parallel_loop3A_906 = arith.index_cast %parallel_loop3A_905 : i32 to index
        %parallel_loop3A_907 = arith.constant 0 : index
        %parallel_loop3A_908 = tpu.vector_load %arg9[%parallel_loop3A_906, %parallel_loop3A_907] {strides = array<i32>} : memref<240x32xf32, #tpu.memory_space<vmem>>, vector<16xf32>,
        tpu.vector_store %arg9[%parallel_loop3A_906, %parallel_loop3A_907], %parallel_loop3A_903 {strides = array<i32>} : memref<240x32xf32, #tpu.memory_space<vmem>>, vector<16xf32>,
        %parallel_loop3A_909 = arith.constant 6 : i32
        %parallel_loop3A_910 = arith.addi %parallel_loop3A_297, %parallel_loop3A_909 : i32
        %parallel_loop3A_911 = arith.index_cast %parallel_loop3A_910 : i32 to index
        %parallel_loop3A_912 = arith.constant 16 : index
        %parallel_loop3A_913 = tpu.vector_load %arg5[%parallel_loop3A_911, %parallel_loop3A_912] {strides = array<i32>} : memref<240x32xf32, #tpu.memory_space<vmem>>, vector<16xf32>,
        %parallel_loop3A_914 = arith.mulf %parallel_loop3A_913, %parallel_loop3A_897 : vector<16xf32>
        %parallel_loop3A_915 = arith.constant 6 : i32
        %parallel_loop3A_916 = arith.addi %parallel_loop3A_297, %parallel_loop3A_915 : i32
        %parallel_loop3A_917 = arith.index_cast %parallel_loop3A_916 : i32 to index
        %parallel_loop3A_918 = arith.constant 16 : index
        %parallel_loop3A_919 = tpu.vector_load %arg9[%parallel_loop3A_917, %parallel_loop3A_918] {strides = array<i32>} : memref<240x32xf32, #tpu.memory_space<vmem>>, vector<16xf32>,
        tpu.vector_store %arg9[%parallel_loop3A_917, %parallel_loop3A_918], %parallel_loop3A_914 {strides = array<i32>} : memref<240x32xf32, #tpu.memory_space<vmem>>, vector<16xf32>,
        %parallel_loop3A_920 = vector.extract_strided_slice %parallel_loop3A_744 {offsets = [7], sizes = [1], strides = [1]} : vector<16xf32> to vector<1xf32>
        %parallel_loop3A_921 = vector.extract %parallel_loop3A_920[0] : f32 from vector<1xf32>
        %parallel_loop3A_922 = vector.broadcast %parallel_loop3A_921 : f32 to vector<16xf32>
        %parallel_loop3A_923 = arith.constant 7 : i32
        %parallel_loop3A_924 = arith.addi %parallel_loop3A_297, %parallel_loop3A_923 : i32
        %parallel_loop3A_925 = arith.index_cast %parallel_loop3A_924 : i32 to index
        %parallel_loop3A_926 = arith.constant 0 : index
        %parallel_loop3A_927 = tpu.vector_load %arg5[%parallel_loop3A_925, %parallel_loop3A_926] {strides = array<i32>} : memref<240x32xf32, #tpu.memory_space<vmem>>, vector<16xf32>,
        %parallel_loop3A_928 = arith.mulf %parallel_loop3A_927, %parallel_loop3A_922 : vector<16xf32>
        %parallel_loop3A_929 = arith.constant 7 : i32
        %parallel_loop3A_930 = arith.addi %parallel_loop3A_297, %parallel_loop3A_929 : i32
        %parallel_loop3A_931 = arith.index_cast %parallel_loop3A_930 : i32 to index
        %parallel_loop3A_932 = arith.constant 0 : index
        %parallel_loop3A_933 = tpu.vector_load %arg9[%parallel_loop3A_931, %parallel_loop3A_932] {strides = array<i32>} : memref<240x32xf32, #tpu.memory_space<vmem>>, vector<16xf32>,
        tpu.vector_store %arg9[%parallel_loop3A_931, %parallel_loop3A_932], %parallel_loop3A_928 {strides = array<i32>} : memref<240x32xf32, #tpu.memory_space<vmem>>, vector<16xf32>,
        %parallel_loop3A_934 = arith.constant 7 : i32
        %parallel_loop3A_935 = arith.addi %parallel_loop3A_297, %parallel_loop3A_934 : i32
        %parallel_loop3A_936 = arith.index_cast %parallel_loop3A_935 : i32 to index
        %parallel_loop3A_937 = arith.constant 16 : index
        %parallel_loop3A_938 = tpu.vector_load %arg5[%parallel_loop3A_936, %parallel_loop3A_937] {strides = array<i32>} : memref<240x32xf32, #tpu.memory_space<vmem>>, vector<16xf32>,
        %parallel_loop3A_939 = arith.mulf %parallel_loop3A_938, %parallel_loop3A_922 : vector<16xf32>
        %parallel_loop3A_940 = arith.constant 7 : i32
        %parallel_loop3A_941 = arith.addi %parallel_loop3A_297, %parallel_loop3A_940 : i32
        %parallel_loop3A_942 = arith.index_cast %parallel_loop3A_941 : i32 to index
        %parallel_loop3A_943 = arith.constant 16 : index
        %parallel_loop3A_944 = tpu.vector_load %arg9[%parallel_loop3A_942, %parallel_loop3A_943] {strides = array<i32>} : memref<240x32xf32, #tpu.memory_space<vmem>>, vector<16xf32>,
        tpu.vector_store %arg9[%parallel_loop3A_942, %parallel_loop3A_943], %parallel_loop3A_939 {strides = array<i32>} : memref<240x32xf32, #tpu.memory_space<vmem>>, vector<16xf32>,
        %parallel_loop3A_945 = vector.extract_strided_slice %parallel_loop3A_744 {offsets = [8], sizes = [1], strides = [1]} : vector<16xf32> to vector<1xf32>
        %parallel_loop3A_946 = vector.extract %parallel_loop3A_945[0] : f32 from vector<1xf32>
        %parallel_loop3A_947 = vector.broadcast %parallel_loop3A_946 : f32 to vector<16xf32>
        %parallel_loop3A_948 = arith.constant 8 : i32
        %parallel_loop3A_949 = arith.addi %parallel_loop3A_297, %parallel_loop3A_948 : i32
        %parallel_loop3A_950 = arith.index_cast %parallel_loop3A_949 : i32 to index
        %parallel_loop3A_951 = arith.constant 0 : index
        %parallel_loop3A_952 = tpu.vector_load %arg5[%parallel_loop3A_950, %parallel_loop3A_951] {strides = array<i32>} : memref<240x32xf32, #tpu.memory_space<vmem>>, vector<16xf32>,
        %parallel_loop3A_953 = arith.mulf %parallel_loop3A_952, %parallel_loop3A_947 : vector<16xf32>
        %parallel_loop3A_954 = arith.constant 8 : i32
        %parallel_loop3A_955 = arith.addi %parallel_loop3A_297, %parallel_loop3A_954 : i32
        %parallel_loop3A_956 = arith.index_cast %parallel_loop3A_955 : i32 to index
        %parallel_loop3A_957 = arith.constant 0 : index
        %parallel_loop3A_958 = tpu.vector_load %arg9[%parallel_loop3A_956, %parallel_loop3A_957] {strides = array<i32>} : memref<240x32xf32, #tpu.memory_space<vmem>>, vector<16xf32>,
        tpu.vector_store %arg9[%parallel_loop3A_956, %parallel_loop3A_957], %parallel_loop3A_953 {strides = array<i32>} : memref<240x32xf32, #tpu.memory_space<vmem>>, vector<16xf32>,
        %parallel_loop3A_959 = arith.constant 8 : i32
        %parallel_loop3A_960 = arith.addi %parallel_loop3A_297, %parallel_loop3A_959 : i32
        %parallel_loop3A_961 = arith.index_cast %parallel_loop3A_960 : i32 to index
        %parallel_loop3A_962 = arith.constant 16 : index
        %parallel_loop3A_963 = tpu.vector_load %arg5[%parallel_loop3A_961, %parallel_loop3A_962] {strides = array<i32>} : memref<240x32xf32, #tpu.memory_space<vmem>>, vector<16xf32>,
        %parallel_loop3A_964 = arith.mulf %parallel_loop3A_963, %parallel_loop3A_947 : vector<16xf32>
        %parallel_loop3A_965 = arith.constant 8 : i32
        %parallel_loop3A_966 = arith.addi %parallel_loop3A_297, %parallel_loop3A_965 : i32
        %parallel_loop3A_967 = arith.index_cast %parallel_loop3A_966 : i32 to index
        %parallel_loop3A_968 = arith.constant 16 : index
        %parallel_loop3A_969 = tpu.vector_load %arg9[%parallel_loop3A_967, %parallel_loop3A_968] {strides = array<i32>} : memref<240x32xf32, #tpu.memory_space<vmem>>, vector<16xf32>,
        tpu.vector_store %arg9[%parallel_loop3A_967, %parallel_loop3A_968], %parallel_loop3A_964 {strides = array<i32>} : memref<240x32xf32, #tpu.memory_space<vmem>>, vector<16xf32>,
        %parallel_loop3A_970 = vector.extract_strided_slice %parallel_loop3A_744 {offsets = [9], sizes = [1], strides = [1]} : vector<16xf32> to vector<1xf32>
        %parallel_loop3A_971 = vector.extract %parallel_loop3A_970[0] : f32 from vector<1xf32>
        %parallel_loop3A_972 = vector.broadcast %parallel_loop3A_971 : f32 to vector<16xf32>
        %parallel_loop3A_973 = arith.constant 9 : i32
        %parallel_loop3A_974 = arith.addi %parallel_loop3A_297, %parallel_loop3A_973 : i32
        %parallel_loop3A_975 = arith.index_cast %parallel_loop3A_974 : i32 to index
        %parallel_loop3A_976 = arith.constant 0 : index
        %parallel_loop3A_977 = tpu.vector_load %arg5[%parallel_loop3A_975, %parallel_loop3A_976] {strides = array<i32>} : memref<240x32xf32, #tpu.memory_space<vmem>>, vector<16xf32>,
        %parallel_loop3A_978 = arith.mulf %parallel_loop3A_977, %parallel_loop3A_972 : vector<16xf32>
        %parallel_loop3A_979 = arith.constant 9 : i32
        %parallel_loop3A_980 = arith.addi %parallel_loop3A_297, %parallel_loop3A_979 : i32
        %parallel_loop3A_981 = arith.index_cast %parallel_loop3A_980 : i32 to index
        %parallel_loop3A_982 = arith.constant 0 : index
        %parallel_loop3A_983 = tpu.vector_load %arg9[%parallel_loop3A_981, %parallel_loop3A_982] {strides = array<i32>} : memref<240x32xf32, #tpu.memory_space<vmem>>, vector<16xf32>,
        tpu.vector_store %arg9[%parallel_loop3A_981, %parallel_loop3A_982], %parallel_loop3A_978 {strides = array<i32>} : memref<240x32xf32, #tpu.memory_space<vmem>>, vector<16xf32>,
        %parallel_loop3A_984 = arith.constant 9 : i32
        %parallel_loop3A_985 = arith.addi %parallel_loop3A_297, %parallel_loop3A_984 : i32
        %parallel_loop3A_986 = arith.index_cast %parallel_loop3A_985 : i32 to index
        %parallel_loop3A_987 = arith.constant 16 : index
        %parallel_loop3A_988 = tpu.vector_load %arg5[%parallel_loop3A_986, %parallel_loop3A_987] {strides = array<i32>} : memref<240x32xf32, #tpu.memory_space<vmem>>, vector<16xf32>,
        %parallel_loop3A_989 = arith.mulf %parallel_loop3A_988, %parallel_loop3A_972 : vector<16xf32>
        %parallel_loop3A_990 = arith.constant 9 : i32
        %parallel_loop3A_991 = arith.addi %parallel_loop3A_297, %parallel_loop3A_990 : i32
        %parallel_loop3A_992 = arith.index_cast %parallel_loop3A_991 : i32 to index
        %parallel_loop3A_993 = arith.constant 16 : index
        %parallel_loop3A_994 = tpu.vector_load %arg9[%parallel_loop3A_992, %parallel_loop3A_993] {strides = array<i32>} : memref<240x32xf32, #tpu.memory_space<vmem>>, vector<16xf32>,
        tpu.vector_store %arg9[%parallel_loop3A_992, %parallel_loop3A_993], %parallel_loop3A_989 {strides = array<i32>} : memref<240x32xf32, #tpu.memory_space<vmem>>, vector<16xf32>,
        %parallel_loop3A_995 = vector.extract_strided_slice %parallel_loop3A_744 {offsets = [10], sizes = [1], strides = [1]} : vector<16xf32> to vector<1xf32>
        %parallel_loop3A_996 = vector.extract %parallel_loop3A_995[0] : f32 from vector<1xf32>
        %parallel_loop3A_997 = vector.broadcast %parallel_loop3A_996 : f32 to vector<16xf32>
        %parallel_loop3A_998 = arith.constant 10 : i32
        %parallel_loop3A_999 = arith.addi %parallel_loop3A_297, %parallel_loop3A_998 : i32
        %parallel_loop3A_1000 = arith.index_cast %parallel_loop3A_999 : i32 to index
        %parallel_loop3A_1001 = arith.constant 0 : index
        %parallel_loop3A_1002 = tpu.vector_load %arg5[%parallel_loop3A_1000, %parallel_loop3A_1001] {strides = array<i32>} : memref<240x32xf32, #tpu.memory_space<vmem>>, vector<16xf32>,
        %parallel_loop3A_1003 = arith.mulf %parallel_loop3A_1002, %parallel_loop3A_997 : vector<16xf32>
        %parallel_loop3A_1004 = arith.constant 10 : i32
        %parallel_loop3A_1005 = arith.addi %parallel_loop3A_297, %parallel_loop3A_1004 : i32
        %parallel_loop3A_1006 = arith.index_cast %parallel_loop3A_1005 : i32 to index
        %parallel_loop3A_1007 = arith.constant 0 : index
        %parallel_loop3A_1008 = tpu.vector_load %arg9[%parallel_loop3A_1006, %parallel_loop3A_1007] {strides = array<i32>} : memref<240x32xf32, #tpu.memory_space<vmem>>, vector<16xf32>,
        tpu.vector_store %arg9[%parallel_loop3A_1006, %parallel_loop3A_1007], %parallel_loop3A_1003 {strides = array<i32>} : memref<240x32xf32, #tpu.memory_space<vmem>>, vector<16xf32>,
        %parallel_loop3A_1009 = arith.constant 10 : i32
        %parallel_loop3A_1010 = arith.addi %parallel_loop3A_297, %parallel_loop3A_1009 : i32
        %parallel_loop3A_1011 = arith.index_cast %parallel_loop3A_1010 : i32 to index
        %parallel_loop3A_1012 = arith.constant 16 : index
        %parallel_loop3A_1013 = tpu.vector_load %arg5[%parallel_loop3A_1011, %parallel_loop3A_1012] {strides = array<i32>} : memref<240x32xf32, #tpu.memory_space<vmem>>, vector<16xf32>,
        %parallel_loop3A_1014 = arith.mulf %parallel_loop3A_1013, %parallel_loop3A_997 : vector<16xf32>
        %parallel_loop3A_1015 = arith.constant 10 : i32
        %parallel_loop3A_1016 = arith.addi %parallel_loop3A_297, %parallel_loop3A_1015 : i32
        %parallel_loop3A_1017 = arith.index_cast %parallel_loop3A_1016 : i32 to index
        %parallel_loop3A_1018 = arith.constant 16 : index
        %parallel_loop3A_1019 = tpu.vector_load %arg9[%parallel_loop3A_1017, %parallel_loop3A_1018] {strides = array<i32>} : memref<240x32xf32, #tpu.memory_space<vmem>>, vector<16xf32>,
        tpu.vector_store %arg9[%parallel_loop3A_1017, %parallel_loop3A_1018], %parallel_loop3A_1014 {strides = array<i32>} : memref<240x32xf32, #tpu.memory_space<vmem>>, vector<16xf32>,
        %parallel_loop3A_1020 = vector.extract_strided_slice %parallel_loop3A_744 {offsets = [11], sizes = [1], strides = [1]} : vector<16xf32> to vector<1xf32>
        %parallel_loop3A_1021 = vector.extract %parallel_loop3A_1020[0] : f32 from vector<1xf32>
        %parallel_loop3A_1022 = vector.broadcast %parallel_loop3A_1021 : f32 to vector<16xf32>
        %parallel_loop3A_1023 = arith.constant 11 : i32
        %parallel_loop3A_1024 = arith.addi %parallel_loop3A_297, %parallel_loop3A_1023 : i32
        %parallel_loop3A_1025 = arith.index_cast %parallel_loop3A_1024 : i32 to index
        %parallel_loop3A_1026 = arith.constant 0 : index
        %parallel_loop3A_1027 = tpu.vector_load %arg5[%parallel_loop3A_1025, %parallel_loop3A_1026] {strides = array<i32>} : memref<240x32xf32, #tpu.memory_space<vmem>>, vector<16xf32>,
        %parallel_loop3A_1028 = arith.mulf %parallel_loop3A_1027, %parallel_loop3A_1022 : vector<16xf32>
        %parallel_loop3A_1029 = arith.constant 11 : i32
        %parallel_loop3A_1030 = arith.addi %parallel_loop3A_297, %parallel_loop3A_1029 : i32
        %parallel_loop3A_1031 = arith.index_cast %parallel_loop3A_1030 : i32 to index
        %parallel_loop3A_1032 = arith.constant 0 : index
        %parallel_loop3A_1033 = tpu.vector_load %arg9[%parallel_loop3A_1031, %parallel_loop3A_1032] {strides = array<i32>} : memref<240x32xf32, #tpu.memory_space<vmem>>, vector<16xf32>,
        tpu.vector_store %arg9[%parallel_loop3A_1031, %parallel_loop3A_1032], %parallel_loop3A_1028 {strides = array<i32>} : memref<240x32xf32, #tpu.memory_space<vmem>>, vector<16xf32>,
        %parallel_loop3A_1034 = arith.constant 11 : i32
        %parallel_loop3A_1035 = arith.addi %parallel_loop3A_297, %parallel_loop3A_1034 : i32
        %parallel_loop3A_1036 = arith.index_cast %parallel_loop3A_1035 : i32 to index
        %parallel_loop3A_1037 = arith.constant 16 : index
        %parallel_loop3A_1038 = tpu.vector_load %arg5[%parallel_loop3A_1036, %parallel_loop3A_1037] {strides = array<i32>} : memref<240x32xf32, #tpu.memory_space<vmem>>, vector<16xf32>,
        %parallel_loop3A_1039 = arith.mulf %parallel_loop3A_1038, %parallel_loop3A_1022 : vector<16xf32>
        %parallel_loop3A_1040 = arith.constant 11 : i32
        %parallel_loop3A_1041 = arith.addi %parallel_loop3A_297, %parallel_loop3A_1040 : i32
        %parallel_loop3A_1042 = arith.index_cast %parallel_loop3A_1041 : i32 to index
        %parallel_loop3A_1043 = arith.constant 16 : index
        %parallel_loop3A_1044 = tpu.vector_load %arg9[%parallel_loop3A_1042, %parallel_loop3A_1043] {strides = array<i32>} : memref<240x32xf32, #tpu.memory_space<vmem>>, vector<16xf32>,
        tpu.vector_store %arg9[%parallel_loop3A_1042, %parallel_loop3A_1043], %parallel_loop3A_1039 {strides = array<i32>} : memref<240x32xf32, #tpu.memory_space<vmem>>, vector<16xf32>,
        %parallel_loop3A_1045 = vector.extract_strided_slice %parallel_loop3A_744 {offsets = [12], sizes = [1], strides = [1]} : vector<16xf32> to vector<1xf32>
        %parallel_loop3A_1046 = vector.extract %parallel_loop3A_1045[0] : f32 from vector<1xf32>
        %parallel_loop3A_1047 = vector.broadcast %parallel_loop3A_1046 : f32 to vector<16xf32>
        %parallel_loop3A_1048 = arith.constant 12 : i32
        %parallel_loop3A_1049 = arith.addi %parallel_loop3A_297, %parallel_loop3A_1048 : i32
        %parallel_loop3A_1050 = arith.index_cast %parallel_loop3A_1049 : i32 to index
        %parallel_loop3A_1051 = arith.constant 0 : index
        %parallel_loop3A_1052 = tpu.vector_load %arg5[%parallel_loop3A_1050, %parallel_loop3A_1051] {strides = array<i32>} : memref<240x32xf32, #tpu.memory_space<vmem>>, vector<16xf32>,
        %parallel_loop3A_1053 = arith.mulf %parallel_loop3A_1052, %parallel_loop3A_1047 : vector<16xf32>
        %parallel_loop3A_1054 = arith.constant 12 : i32
        %parallel_loop3A_1055 = arith.addi %parallel_loop3A_297, %parallel_loop3A_1054 : i32
        %parallel_loop3A_1056 = arith.index_cast %parallel_loop3A_1055 : i32 to index
        %parallel_loop3A_1057 = arith.constant 0 : index
        %parallel_loop3A_1058 = tpu.vector_load %arg9[%parallel_loop3A_1056, %parallel_loop3A_1057] {strides = array<i32>} : memref<240x32xf32, #tpu.memory_space<vmem>>, vector<16xf32>,
        tpu.vector_store %arg9[%parallel_loop3A_1056, %parallel_loop3A_1057], %parallel_loop3A_1053 {strides = array<i32>} : memref<240x32xf32, #tpu.memory_space<vmem>>, vector<16xf32>,
        %parallel_loop3A_1059 = arith.constant 12 : i32
        %parallel_loop3A_1060 = arith.addi %parallel_loop3A_297, %parallel_loop3A_1059 : i32
        %parallel_loop3A_1061 = arith.index_cast %parallel_loop3A_1060 : i32 to index
        %parallel_loop3A_1062 = arith.constant 16 : index
        %parallel_loop3A_1063 = tpu.vector_load %arg5[%parallel_loop3A_1061, %parallel_loop3A_1062] {strides = array<i32>} : memref<240x32xf32, #tpu.memory_space<vmem>>, vector<16xf32>,
        %parallel_loop3A_1064 = arith.mulf %parallel_loop3A_1063, %parallel_loop3A_1047 : vector<16xf32>
        %parallel_loop3A_1065 = arith.constant 12 : i32
        %parallel_loop3A_1066 = arith.addi %parallel_loop3A_297, %parallel_loop3A_1065 : i32
        %parallel_loop3A_1067 = arith.index_cast %parallel_loop3A_1066 : i32 to index
        %parallel_loop3A_1068 = arith.constant 16 : index
        %parallel_loop3A_1069 = tpu.vector_load %arg9[%parallel_loop3A_1067, %parallel_loop3A_1068] {strides = array<i32>} : memref<240x32xf32, #tpu.memory_space<vmem>>, vector<16xf32>,
        tpu.vector_store %arg9[%parallel_loop3A_1067, %parallel_loop3A_1068], %parallel_loop3A_1064 {strides = array<i32>} : memref<240x32xf32, #tpu.memory_space<vmem>>, vector<16xf32>,
        %parallel_loop3A_1070 = vector.extract_strided_slice %parallel_loop3A_744 {offsets = [13], sizes = [1], strides = [1]} : vector<16xf32> to vector<1xf32>
        %parallel_loop3A_1071 = vector.extract %parallel_loop3A_1070[0] : f32 from vector<1xf32>
        %parallel_loop3A_1072 = vector.broadcast %parallel_loop3A_1071 : f32 to vector<16xf32>
        %parallel_loop3A_1073 = arith.constant 13 : i32
        %parallel_loop3A_1074 = arith.addi %parallel_loop3A_297, %parallel_loop3A_1073 : i32
        %parallel_loop3A_1075 = arith.index_cast %parallel_loop3A_1074 : i32 to index
        %parallel_loop3A_1076 = arith.constant 0 : index
        %parallel_loop3A_1077 = tpu.vector_load %arg5[%parallel_loop3A_1075, %parallel_loop3A_1076] {strides = array<i32>} : memref<240x32xf32, #tpu.memory_space<vmem>>, vector<16xf32>,
        %parallel_loop3A_1078 = arith.mulf %parallel_loop3A_1077, %parallel_loop3A_1072 : vector<16xf32>
        %parallel_loop3A_1079 = arith.constant 13 : i32
        %parallel_loop3A_1080 = arith.addi %parallel_loop3A_297, %parallel_loop3A_1079 : i32
        %parallel_loop3A_1081 = arith.index_cast %parallel_loop3A_1080 : i32 to index
        %parallel_loop3A_1082 = arith.constant 0 : index
        %parallel_loop3A_1083 = tpu.vector_load %arg9[%parallel_loop3A_1081, %parallel_loop3A_1082] {strides = array<i32>} : memref<240x32xf32, #tpu.memory_space<vmem>>, vector<16xf32>,
        tpu.vector_store %arg9[%parallel_loop3A_1081, %parallel_loop3A_1082], %parallel_loop3A_1078 {strides = array<i32>} : memref<240x32xf32, #tpu.memory_space<vmem>>, vector<16xf32>,
        %parallel_loop3A_1084 = arith.constant 13 : i32
        %parallel_loop3A_1085 = arith.addi %parallel_loop3A_297, %parallel_loop3A_1084 : i32
        %parallel_loop3A_1086 = arith.index_cast %parallel_loop3A_1085 : i32 to index
        %parallel_loop3A_1087 = arith.constant 16 : index
        %parallel_loop3A_1088 = tpu.vector_load %arg5[%parallel_loop3A_1086, %parallel_loop3A_1087] {strides = array<i32>} : memref<240x32xf32, #tpu.memory_space<vmem>>, vector<16xf32>,
        %parallel_loop3A_1089 = arith.mulf %parallel_loop3A_1088, %parallel_loop3A_1072 : vector<16xf32>
        %parallel_loop3A_1090 = arith.constant 13 : i32
        %parallel_loop3A_1091 = arith.addi %parallel_loop3A_297, %parallel_loop3A_1090 : i32
        %parallel_loop3A_1092 = arith.index_cast %parallel_loop3A_1091 : i32 to index
        %parallel_loop3A_1093 = arith.constant 16 : index
        %parallel_loop3A_1094 = tpu.vector_load %arg9[%parallel_loop3A_1092, %parallel_loop3A_1093] {strides = array<i32>} : memref<240x32xf32, #tpu.memory_space<vmem>>, vector<16xf32>,
        tpu.vector_store %arg9[%parallel_loop3A_1092, %parallel_loop3A_1093], %parallel_loop3A_1089 {strides = array<i32>} : memref<240x32xf32, #tpu.memory_space<vmem>>, vector<16xf32>,
        %parallel_loop3A_1095 = vector.extract_strided_slice %parallel_loop3A_744 {offsets = [14], sizes = [1], strides = [1]} : vector<16xf32> to vector<1xf32>
        %parallel_loop3A_1096 = vector.extract %parallel_loop3A_1095[0] : f32 from vector<1xf32>
        %parallel_loop3A_1097 = vector.broadcast %parallel_loop3A_1096 : f32 to vector<16xf32>
        %parallel_loop3A_1098 = arith.constant 14 : i32
        %parallel_loop3A_1099 = arith.addi %parallel_loop3A_297, %parallel_loop3A_1098 : i32
        %parallel_loop3A_1100 = arith.index_cast %parallel_loop3A_1099 : i32 to index
        %parallel_loop3A_1101 = arith.constant 0 : index
        %parallel_loop3A_1102 = tpu.vector_load %arg5[%parallel_loop3A_1100, %parallel_loop3A_1101] {strides = array<i32>} : memref<240x32xf32, #tpu.memory_space<vmem>>, vector<16xf32>,
        %parallel_loop3A_1103 = arith.mulf %parallel_loop3A_1102, %parallel_loop3A_1097 : vector<16xf32>
        %parallel_loop3A_1104 = arith.constant 14 : i32
        %parallel_loop3A_1105 = arith.addi %parallel_loop3A_297, %parallel_loop3A_1104 : i32
        %parallel_loop3A_1106 = arith.index_cast %parallel_loop3A_1105 : i32 to index
        %parallel_loop3A_1107 = arith.constant 0 : index
        %parallel_loop3A_1108 = tpu.vector_load %arg9[%parallel_loop3A_1106, %parallel_loop3A_1107] {strides = array<i32>} : memref<240x32xf32, #tpu.memory_space<vmem>>, vector<16xf32>,
        tpu.vector_store %arg9[%parallel_loop3A_1106, %parallel_loop3A_1107], %parallel_loop3A_1103 {strides = array<i32>} : memref<240x32xf32, #tpu.memory_space<vmem>>, vector<16xf32>,
        %parallel_loop3A_1109 = arith.constant 14 : i32
        %parallel_loop3A_1110 = arith.addi %parallel_loop3A_297, %parallel_loop3A_1109 : i32
        %parallel_loop3A_1111 = arith.index_cast %parallel_loop3A_1110 : i32 to index
        %parallel_loop3A_1112 = arith.constant 16 : index
        %parallel_loop3A_1113 = tpu.vector_load %arg5[%parallel_loop3A_1111, %parallel_loop3A_1112] {strides = array<i32>} : memref<240x32xf32, #tpu.memory_space<vmem>>, vector<16xf32>,
        %parallel_loop3A_1114 = arith.mulf %parallel_loop3A_1113, %parallel_loop3A_1097 : vector<16xf32>
        %parallel_loop3A_1115 = arith.constant 14 : i32
        %parallel_loop3A_1116 = arith.addi %parallel_loop3A_297, %parallel_loop3A_1115 : i32
        %parallel_loop3A_1117 = arith.index_cast %parallel_loop3A_1116 : i32 to index
        %parallel_loop3A_1118 = arith.constant 16 : index
        %parallel_loop3A_1119 = tpu.vector_load %arg9[%parallel_loop3A_1117, %parallel_loop3A_1118] {strides = array<i32>} : memref<240x32xf32, #tpu.memory_space<vmem>>, vector<16xf32>,
        tpu.vector_store %arg9[%parallel_loop3A_1117, %parallel_loop3A_1118], %parallel_loop3A_1114 {strides = array<i32>} : memref<240x32xf32, #tpu.memory_space<vmem>>, vector<16xf32>,
        %parallel_loop3A_1120 = vector.extract_strided_slice %parallel_loop3A_744 {offsets = [15], sizes = [1], strides = [1]} : vector<16xf32> to vector<1xf32>
        %parallel_loop3A_1121 = vector.extract %parallel_loop3A_1120[0] : f32 from vector<1xf32>
        %parallel_loop3A_1122 = vector.broadcast %parallel_loop3A_1121 : f32 to vector<16xf32>
        %parallel_loop3A_1123 = arith.constant 15 : i32
        %parallel_loop3A_1124 = arith.addi %parallel_loop3A_297, %parallel_loop3A_1123 : i32
        %parallel_loop3A_1125 = arith.index_cast %parallel_loop3A_1124 : i32 to index
        %parallel_loop3A_1126 = arith.constant 0 : index
        %parallel_loop3A_1127 = tpu.vector_load %arg5[%parallel_loop3A_1125, %parallel_loop3A_1126] {strides = array<i32>} : memref<240x32xf32, #tpu.memory_space<vmem>>, vector<16xf32>,
        %parallel_loop3A_1128 = arith.mulf %parallel_loop3A_1127, %parallel_loop3A_1122 : vector<16xf32>
        %parallel_loop3A_1129 = arith.constant 15 : i32
        %parallel_loop3A_1130 = arith.addi %parallel_loop3A_297, %parallel_loop3A_1129 : i32
        %parallel_loop3A_1131 = arith.index_cast %parallel_loop3A_1130 : i32 to index
        %parallel_loop3A_1132 = arith.constant 0 : index
        %parallel_loop3A_1133 = tpu.vector_load %arg9[%parallel_loop3A_1131, %parallel_loop3A_1132] {strides = array<i32>} : memref<240x32xf32, #tpu.memory_space<vmem>>, vector<16xf32>,
        tpu.vector_store %arg9[%parallel_loop3A_1131, %parallel_loop3A_1132], %parallel_loop3A_1128 {strides = array<i32>} : memref<240x32xf32, #tpu.memory_space<vmem>>, vector<16xf32>,
        %parallel_loop3A_1134 = arith.constant 15 : i32
        %parallel_loop3A_1135 = arith.addi %parallel_loop3A_297, %parallel_loop3A_1134 : i32
        %parallel_loop3A_1136 = arith.index_cast %parallel_loop3A_1135 : i32 to index
        %parallel_loop3A_1137 = arith.constant 16 : index
        %parallel_loop3A_1138 = tpu.vector_load %arg5[%parallel_loop3A_1136, %parallel_loop3A_1137] {strides = array<i32>} : memref<240x32xf32, #tpu.memory_space<vmem>>, vector<16xf32>,
        %parallel_loop3A_1139 = arith.mulf %parallel_loop3A_1138, %parallel_loop3A_1122 : vector<16xf32>
        %parallel_loop3A_1140 = arith.constant 15 : i32
        %parallel_loop3A_1141 = arith.addi %parallel_loop3A_297, %parallel_loop3A_1140 : i32
        %parallel_loop3A_1142 = arith.index_cast %parallel_loop3A_1141 : i32 to index
        %parallel_loop3A_1143 = arith.constant 16 : index
        %parallel_loop3A_1144 = tpu.vector_load %arg9[%parallel_loop3A_1142, %parallel_loop3A_1143] {strides = array<i32>} : memref<240x32xf32, #tpu.memory_space<vmem>>, vector<16xf32>,
        tpu.vector_store %arg9[%parallel_loop3A_1142, %parallel_loop3A_1143], %parallel_loop3A_1139 {strides = array<i32>} : memref<240x32xf32, #tpu.memory_space<vmem>>, vector<16xf32>,
      } {sc.loop_unroll_factor = 4 : i64, sc.parallel_access}
      %add3A_235 = arith.addi %select_n3A, %add3A_217 : i32
      %mul3A_236 = arith.constant 240 : i32
      %mul3A_237 = arith.muli %add3A_235, %mul3A_236 : i32
      %min3A_238 = arith.constant 999760 : i32
      %min3A_239 = arith.minsi %mul3A_237, %min3A_238 : i32
      %multiple_of3A_240 = tpu.assume_multiple %min3A_239, 8 : i32
      %add3A_241 = arith.constant 0 : i32
      %add3A_242 = arith.addi %multiple_of3A_240, %add3A_241 : i32
      %dma_start3A_243 = arith.constant 0 : i32
      %dma_start3A_244 = arith.constant 0 : i32
      %dma_start3A_245 = tpu.memref_slice %arg9[%dma_start3A_243, %dma_start3A_244] : memref<240x32xf32, #tpu.memory_space<vmem>> -> memref<64x32xf32, #tpu.memory_space<vmem>>
      %dma_start3A_246 = arith.constant 0 : i32
      %dma_start3A_247 = tpu.memref_slice %arg3[%add3A_242, %dma_start3A_246] : memref<1000000x32xf32, #tpu.memory_space<hbm>> -> memref<64x32xf32, #tpu.memory_space<hbm>>
      %dma_start3A_248 = arith.constant 0 : i32
      %dma_start3A_249 = tpu.memref_slice %arg3[%add3A_242, %dma_start3A_248] : memref<1000000x32xf32, #tpu.memory_space<hbm>> -> memref<64x32xf32, #tpu.memory_space<hbm>>
      %dma_start3A_250 = arith.constant 0 : i32
      %dma_start3A_251 = arith.constant 0 : i32
      %dma_start3A_252 = tpu.memref_slice %arg9[%dma_start3A_250, %dma_start3A_251] : memref<240x32xf32, #tpu.memory_space<vmem>> -> memref<64x32xf32, #tpu.memory_space<vmem>>
      tpu.enqueue_dma source(%dma_start3A_252 : memref<64x32xf32, #tpu.memory_space<vmem>>) target(%dma_start3A_249 : memref<64x32xf32, #tpu.memory_space<hbm>>) target_semaphore(%arg12 : memref<!tpu.dma_semaphore, #tpu.memory_space<semaphore_mem>>)
      %add3A_253 = arith.constant 64 : i32
      %add3A_254 = arith.addi %multiple_of3A_240, %add3A_253 : i32
      %dma_start3A_255 = arith.constant 64 : i32
      %dma_start3A_256 = arith.constant 0 : i32
      %dma_start3A_257 = tpu.memref_slice %arg9[%dma_start3A_255, %dma_start3A_256] : memref<240x32xf32, #tpu.memory_space<vmem>> -> memref<64x32xf32, #tpu.memory_space<vmem>>
      %dma_start3A_258 = arith.constant 0 : i32
      %dma_start3A_259 = tpu.memref_slice %arg3[%add3A_254, %dma_start3A_258] : memref<1000000x32xf32, #tpu.memory_space<hbm>> -> memref<64x32xf32, #tpu.memory_space<hbm>>
      %dma_start3A_260 = arith.constant 0 : i32
      %dma_start3A_261 = tpu.memref_slice %arg3[%add3A_254, %dma_start3A_260] : memref<1000000x32xf32, #tpu.memory_space<hbm>> -> memref<64x32xf32, #tpu.memory_space<hbm>>
      %dma_start3A_262 = arith.constant 64 : i32
      %dma_start3A_263 = arith.constant 0 : i32
      %dma_start3A_264 = tpu.memref_slice %arg9[%dma_start3A_262, %dma_start3A_263] : memref<240x32xf32, #tpu.memory_space<vmem>> -> memref<64x32xf32, #tpu.memory_space<vmem>>
      tpu.enqueue_dma source(%dma_start3A_264 : memref<64x32xf32, #tpu.memory_space<vmem>>) target(%dma_start3A_261 : memref<64x32xf32, #tpu.memory_space<hbm>>) target_semaphore(%arg12 : memref<!tpu.dma_semaphore, #tpu.memory_space<semaphore_mem>>)
      %add3A_265 = arith.constant 128 : i32
      %add3A_266 = arith.addi %multiple_of3A_240, %add3A_265 : i32
      %dma_start3A_267 = arith.constant 128 : i32
      %dma_start3A_268 = arith.constant 0 : i32
      %dma_start3A_269 = tpu.memref_slice %arg9[%dma_start3A_267, %dma_start3A_268] : memref<240x32xf32, #tpu.memory_space<vmem>> -> memref<64x32xf32, #tpu.memory_space<vmem>>
      %dma_start3A_270 = arith.constant 0 : i32
      %dma_start3A_271 = tpu.memref_slice %arg3[%add3A_266, %dma_start3A_270] : memref<1000000x32xf32, #tpu.memory_space<hbm>> -> memref<64x32xf32, #tpu.memory_space<hbm>>
      %dma_start3A_272 = arith.constant 0 : i32
      %dma_start3A_273 = tpu.memref_slice %arg3[%add3A_266, %dma_start3A_272] : memref<1000000x32xf32, #tpu.memory_space<hbm>> -> memref<64x32xf32, #tpu.memory_space<hbm>>
      %dma_start3A_274 = arith.constant 128 : i32
      %dma_start3A_275 = arith.constant 0 : i32
      %dma_start3A_276 = tpu.memref_slice %arg9[%dma_start3A_274, %dma_start3A_275] : memref<240x32xf32, #tpu.memory_space<vmem>> -> memref<64x32xf32, #tpu.memory_space<vmem>>
      tpu.enqueue_dma source(%dma_start3A_276 : memref<64x32xf32, #tpu.memory_space<vmem>>) target(%dma_start3A_273 : memref<64x32xf32, #tpu.memory_space<hbm>>) target_semaphore(%arg12 : memref<!tpu.dma_semaphore, #tpu.memory_space<semaphore_mem>>)
      %add3A_277 = arith.constant 192 : i32
      %add3A_278 = arith.addi %multiple_of3A_240, %add3A_277 : i32
      %dma_start3A_279 = arith.constant 192 : i32
      %dma_start3A_280 = arith.constant 0 : i32
      %dma_start3A_281 = tpu.memref_slice %arg9[%dma_start3A_279, %dma_start3A_280] : memref<240x32xf32, #tpu.memory_space<vmem>> -> memref<48x32xf32, #tpu.memory_space<vmem>>
      %dma_start3A_282 = arith.constant 0 : i32
      %dma_start3A_283 = tpu.memref_slice %arg3[%add3A_278, %dma_start3A_282] : memref<1000000x32xf32, #tpu.memory_space<hbm>> -> memref<48x32xf32, #tpu.memory_space<hbm>>
      %dma_start3A_284 = arith.constant 0 : i32
      %dma_start3A_285 = tpu.memref_slice %arg3[%add3A_278, %dma_start3A_284] : memref<1000000x32xf32, #tpu.memory_space<hbm>> -> memref<48x32xf32, #tpu.memory_space<hbm>>
      %dma_start3A_286 = arith.constant 192 : i32
      %dma_start3A_287 = arith.constant 0 : i32
      %dma_start3A_288 = tpu.memref_slice %arg9[%dma_start3A_286, %dma_start3A_287] : memref<240x32xf32, #tpu.memory_space<vmem>> -> memref<48x32xf32, #tpu.memory_space<vmem>>
      tpu.enqueue_dma source(%dma_start3A_288 : memref<48x32xf32, #tpu.memory_space<vmem>>) target(%dma_start3A_285 : memref<48x32xf32, #tpu.memory_space<hbm>>) target_semaphore(%arg12 : memref<!tpu.dma_semaphore, #tpu.memory_space<semaphore_mem>>)
      %lt3A_289 = arith.constant 64 : i32
      %lt3A_290 = arith.cmpi slt, %add3A_135, %lt3A_289 : i32
      %convert_element_type3A_291 = arith.extui %lt3A_290 : i1 to i32
      %cond3A_292 = arith.constant 0 : i32
      %cond3A_293 = arith.cmpi ne, %convert_element_type3A_291, %cond3A_292 : i32
      scf.if %cond3A_293 {
        %add3A_294 = arith.constant 2 : i32
        %add3A_295 = arith.addi %add3A_217, %add3A_294 : i32
        %add3A_296 = arith.addi %select_n3A, %add3A_295 : i32
        %mul3A_297 = arith.constant 240 : i32
        %mul3A_298 = arith.muli %add3A_296, %mul3A_297 : i32
        %min3A_299 = arith.constant 999760 : i32
        %min3A_300 = arith.minsi %mul3A_298, %min3A_299 : i32
        %multiple_of3A_301 = tpu.assume_multiple %min3A_300, 8 : i32
        %add3A_302 = arith.constant 0 : i32
        %add3A_303 = arith.addi %multiple_of3A_301, %add3A_302 : i32
        %dma_start3A_304 = arith.constant 0 : i32
        %dma_start3A_305 = arith.constant 0 : i32
        %dma_start3A_306 = tpu.memref_slice %arg5[%dma_start3A_304, %dma_start3A_305] : memref<240x32xf32, #tpu.memory_space<vmem>> -> memref<64x32xf32, #tpu.memory_space<vmem>>
        %dma_start3A_307 = arith.constant 0 : i32
        %dma_start3A_308 = tpu.memref_slice %arg2[%add3A_303, %dma_start3A_307] : memref<1000000x32xf32, #tpu.memory_space<hbm>> -> memref<64x32xf32, #tpu.memory_space<hbm>>
        %dma_start3A_309 = arith.constant 0 : i32
        %dma_start3A_310 = arith.constant 0 : i32
        %dma_start3A_311 = tpu.memref_slice %arg5[%dma_start3A_309, %dma_start3A_310] : memref<240x32xf32, #tpu.memory_space<vmem>> -> memref<64x32xf32, #tpu.memory_space<vmem>>
        %dma_start3A_312 = arith.constant 0 : i32
        %dma_start3A_313 = tpu.memref_slice %arg2[%add3A_303, %dma_start3A_312] : memref<1000000x32xf32, #tpu.memory_space<hbm>> -> memref<64x32xf32, #tpu.memory_space<hbm>>
        tpu.enqueue_dma source(%dma_start3A_313 : memref<64x32xf32, #tpu.memory_space<hbm>>) target(%dma_start3A_311 : memref<64x32xf32, #tpu.memory_space<vmem>>) target_semaphore(%arg7 : memref<!tpu.dma_semaphore, #tpu.memory_space<semaphore_mem>>)
        %add3A_314 = arith.constant 64 : i32
        %add3A_315 = arith.addi %multiple_of3A_301, %add3A_314 : i32
        %dma_start3A_316 = arith.constant 64 : i32
        %dma_start3A_317 = arith.constant 0 : i32
        %dma_start3A_318 = tpu.memref_slice %arg5[%dma_start3A_316, %dma_start3A_317] : memref<240x32xf32, #tpu.memory_space<vmem>> -> memref<64x32xf32, #tpu.memory_space<vmem>>
        %dma_start3A_319 = arith.constant 0 : i32
        %dma_start3A_320 = tpu.memref_slice %arg2[%add3A_315, %dma_start3A_319] : memref<1000000x32xf32, #tpu.memory_space<hbm>> -> memref<64x32xf32, #tpu.memory_space<hbm>>
        %dma_start3A_321 = arith.constant 64 : i32
        %dma_start3A_322 = arith.constant 0 : i32
        %dma_start3A_323 = tpu.memref_slice %arg5[%dma_start3A_321, %dma_start3A_322] : memref<240x32xf32, #tpu.memory_space<vmem>> -> memref<64x32xf32, #tpu.memory_space<vmem>>
        %dma_start3A_324 = arith.constant 0 : i32
        %dma_start3A_325 = tpu.memref_slice %arg2[%add3A_315, %dma_start3A_324] : memref<1000000x32xf32, #tpu.memory_space<hbm>> -> memref<64x32xf32, #tpu.memory_space<hbm>>
        tpu.enqueue_dma source(%dma_start3A_325 : memref<64x32xf32, #tpu.memory_space<hbm>>) target(%dma_start3A_323 : memref<64x32xf32, #tpu.memory_space<vmem>>) target_semaphore(%arg7 : memref<!tpu.dma_semaphore, #tpu.memory_space<semaphore_mem>>)
        %add3A_326 = arith.constant 128 : i32
        %add3A_327 = arith.addi %multiple_of3A_301, %add3A_326 : i32
        %dma_start3A_328 = arith.constant 128 : i32
        %dma_start3A_329 = arith.constant 0 : i32
        %dma_start3A_330 = tpu.memref_slice %arg5[%dma_start3A_328, %dma_start3A_329] : memref<240x32xf32, #tpu.memory_space<vmem>> -> memref<64x32xf32, #tpu.memory_space<vmem>>
        %dma_start3A_331 = arith.constant 0 : i32
        %dma_start3A_332 = tpu.memref_slice %arg2[%add3A_327, %dma_start3A_331] : memref<1000000x32xf32, #tpu.memory_space<hbm>> -> memref<64x32xf32, #tpu.memory_space<hbm>>
        %dma_start3A_333 = arith.constant 128 : i32
        %dma_start3A_334 = arith.constant 0 : i32
        %dma_start3A_335 = tpu.memref_slice %arg5[%dma_start3A_333, %dma_start3A_334] : memref<240x32xf32, #tpu.memory_space<vmem>> -> memref<64x32xf32, #tpu.memory_space<vmem>>
        %dma_start3A_336 = arith.constant 0 : i32
        %dma_start3A_337 = tpu.memref_slice %arg2[%add3A_327, %dma_start3A_336] : memref<1000000x32xf32, #tpu.memory_space<hbm>> -> memref<64x32xf32, #tpu.memory_space<hbm>>
        tpu.enqueue_dma source(%dma_start3A_337 : memref<64x32xf32, #tpu.memory_space<hbm>>) target(%dma_start3A_335 : memref<64x32xf32, #tpu.memory_space<vmem>>) target_semaphore(%arg7 : memref<!tpu.dma_semaphore, #tpu.memory_space<semaphore_mem>>)
        %add3A_338 = arith.constant 192 : i32
        %add3A_339 = arith.addi %multiple_of3A_301, %add3A_338 : i32
        %dma_start3A_340 = arith.constant 192 : i32
        %dma_start3A_341 = arith.constant 0 : i32
        %dma_start3A_342 = tpu.memref_slice %arg5[%dma_start3A_340, %dma_start3A_341] : memref<240x32xf32, #tpu.memory_space<vmem>> -> memref<48x32xf32, #tpu.memory_space<vmem>>
        %dma_start3A_343 = arith.constant 0 : i32
        %dma_start3A_344 = tpu.memref_slice %arg2[%add3A_339, %dma_start3A_343] : memref<1000000x32xf32, #tpu.memory_space<hbm>> -> memref<48x32xf32, #tpu.memory_space<hbm>>
        %dma_start3A_345 = arith.constant 192 : i32
        %dma_start3A_346 = arith.constant 0 : i32
        %dma_start3A_347 = tpu.memref_slice %arg5[%dma_start3A_345, %dma_start3A_346] : memref<240x32xf32, #tpu.memory_space<vmem>> -> memref<48x32xf32, #tpu.memory_space<vmem>>
        %dma_start3A_348 = arith.constant 0 : i32
        %dma_start3A_349 = tpu.memref_slice %arg2[%add3A_339, %dma_start3A_348] : memref<1000000x32xf32, #tpu.memory_space<hbm>> -> memref<48x32xf32, #tpu.memory_space<hbm>>
        tpu.enqueue_dma source(%dma_start3A_349 : memref<48x32xf32, #tpu.memory_space<hbm>>) target(%dma_start3A_347 : memref<48x32xf32, #tpu.memory_space<vmem>>) target_semaphore(%arg7 : memref<!tpu.dma_semaphore, #tpu.memory_space<semaphore_mem>>)
      } else {
      }
    }
    %scan3A_118 = arith.constant 65 : i32
    %convert_element_type3A = arith.extui %lt3A_1 : i1 to i32
    %cond3A = arith.constant 0 : i32
    %cond3A_119 = arith.cmpi ne, %convert_element_type3A, %cond3A : i32
    scf.if %cond3A_119 {
      %dma_wait3A_131 = arith.constant 0 : i32
      %dma_wait3A_132 = arith.constant 0 : i32
      %dma_wait3A_133 = tpu.memref_slice %arg2[%dma_wait3A_131, %dma_wait3A_132] : memref<1000000x32xf32, #tpu.memory_space<hbm>> -> memref<240x32xf32, #tpu.memory_space<hbm>>
      %dma_wait3A_134 = arith.constant 0 : i32
      %dma_wait3A_135 = arith.constant 0 : i32
      %dma_wait3A_136 = tpu.memref_slice %arg2[%dma_wait3A_134, %dma_wait3A_135] : memref<1000000x32xf32, #tpu.memory_space<hbm>> -> memref<240x32xf32, #tpu.memory_space<hbm>>
      tpu.wait_dma2 semaphore(%arg6 : memref<!tpu.dma_semaphore, #tpu.memory_space<semaphore_mem>>) src(%dma_wait3A_136 : memref<240x32xf32, #tpu.memory_space<hbm>>) dst(%arg4 : memref<240x32xf32, #tpu.memory_space<vmem>>)
      %dma_wait3A_137 = arith.constant 0 : i32
      %dma_wait3A_138 = arith.constant 0 : i32
      %dma_wait3A_139 = tpu.memref_slice %arg2[%dma_wait3A_137, %dma_wait3A_138] : memref<1000000x32xf32, #tpu.memory_space<hbm>> -> memref<240x32xf32, #tpu.memory_space<hbm>>
      %dma_wait3A_140 = arith.constant 0 : i32
      %dma_wait3A_141 = arith.constant 0 : i32
      %dma_wait3A_142 = tpu.memref_slice %arg2[%dma_wait3A_140, %dma_wait3A_141] : memref<1000000x32xf32, #tpu.memory_space<hbm>> -> memref<240x32xf32, #tpu.memory_space<hbm>>
      tpu.wait_dma2 semaphore(%arg11 : memref<!tpu.dma_semaphore, #tpu.memory_space<semaphore_mem>>) src(%dma_wait3A_142 : memref<240x32xf32, #tpu.memory_space<hbm>>) dst(%arg8 : memref<240x32xf32, #tpu.memory_space<vmem>>)
      %mul3A_143 = arith.constant 17 : i32
      %mul3A_144 = vector.broadcast %mul3A_143 : i32 to vector<16xi32>
      %mul3A_145 = arith.muli %iota3A, %mul3A_144 : vector<16xi32>
      %parallel_loop3A = arith.constant 0 : i32
      %parallel_loop3A_146 = arith.constant 15 : i32
      %parallel_loop3A_147 = arith.constant 1 : i32
      scf.for %parallel_loop3A_203 = %parallel_loop3A to %parallel_loop3A_146 step %parallel_loop3A_147  : i32 {
        %parallel_loop3A_204 = arith.constant 16 : i32
        %parallel_loop3A_205 = arith.muli %parallel_loop3A_203, %parallel_loop3A_204 : i32
        %parallel_loop3A_206 = tpu.assume_multiple %parallel_loop3A_205, 16 : i32
        %parallel_loop3A_207 = arith.constant 272 : i32
        %parallel_loop3A_208 = arith.muli %parallel_loop3A_203, %parallel_loop3A_207 : i32
        %parallel_loop3A_209 = arith.constant 0 : i32
        %parallel_loop3A_210 = arith.addi %parallel_loop3A_206, %parallel_loop3A_209 : i32
        %parallel_loop3A_211 = arith.index_cast %parallel_loop3A_210 : i32 to index
        %parallel_loop3A_212 = arith.constant 0 : index
        %parallel_loop3A_213 = tpu.vector_load %arg4[%parallel_loop3A_211, %parallel_loop3A_212] {strides = array<i32>} : memref<240x32xf32, #tpu.memory_space<vmem>>, vector<16xf32>,
        %parallel_loop3A_214 = arith.constant 0 : i32
        %parallel_loop3A_215 = arith.addi %parallel_loop3A_206, %parallel_loop3A_214 : i32
        %parallel_loop3A_216 = arith.index_cast %parallel_loop3A_215 : i32 to index
        %parallel_loop3A_217 = arith.constant 16 : index
        %parallel_loop3A_218 = tpu.vector_load %arg4[%parallel_loop3A_216, %parallel_loop3A_217] {strides = array<i32>} : memref<240x32xf32, #tpu.memory_space<vmem>>, vector<16xf32>,
        %parallel_loop3A_219 = arith.mulf %parallel_loop3A_213, %parallel_loop3A_213 : vector<16xf32>
        %parallel_loop3A_220 = arith.mulf %parallel_loop3A_218, %parallel_loop3A_218 : vector<16xf32>
        %parallel_loop3A_221 = arith.addf %parallel_loop3A_219, %parallel_loop3A_220 : vector<16xf32>
        %parallel_loop3A_222 = arith.constant 0 : i32
        %parallel_loop3A_223 = arith.addi %parallel_loop3A_208, %parallel_loop3A_222 : i32
        %parallel_loop3A_224 = arith.index_cast %parallel_loop3A_223 : i32 to index
        %parallel_loop3A_225 = tpu.vector_load %arg10[%parallel_loop3A_224] {strides = array<i32>} : memref<4080xf32, #tpu.memory_space<vmem>>, vector<16xf32>,
        tpu.vector_store %arg10[%parallel_loop3A_224], %parallel_loop3A_221 {strides = array<i32>} : memref<4080xf32, #tpu.memory_space<vmem>>, vector<16xf32>,
        %parallel_loop3A_226 = arith.constant 1 : i32
        %parallel_loop3A_227 = arith.addi %parallel_loop3A_206, %parallel_loop3A_226 : i32
        %parallel_loop3A_228 = arith.index_cast %parallel_loop3A_227 : i32 to index
        %parallel_loop3A_229 = arith.constant 0 : index
        %parallel_loop3A_230 = tpu.vector_load %arg4[%parallel_loop3A_228, %parallel_loop3A_229] {strides = array<i32>} : memref<240x32xf32, #tpu.memory_space<vmem>>, vector<16xf32>,
        %parallel_loop3A_231 = arith.constant 1 : i32
        %parallel_loop3A_232 = arith.addi %parallel_loop3A_206, %parallel_loop3A_231 : i32
        %parallel_loop3A_233 = arith.index_cast %parallel_loop3A_232 : i32 to index
        %parallel_loop3A_234 = arith.constant 16 : index
        %parallel_loop3A_235 = tpu.vector_load %arg4[%parallel_loop3A_233, %parallel_loop3A_234] {strides = array<i32>} : memref<240x32xf32, #tpu.memory_space<vmem>>, vector<16xf32>,
        %parallel_loop3A_236 = arith.mulf %parallel_loop3A_230, %parallel_loop3A_230 : vector<16xf32>
        %parallel_loop3A_237 = arith.mulf %parallel_loop3A_235, %parallel_loop3A_235 : vector<16xf32>
        %parallel_loop3A_238 = arith.addf %parallel_loop3A_236, %parallel_loop3A_237 : vector<16xf32>
        %parallel_loop3A_239 = arith.constant 17 : i32
        %parallel_loop3A_240 = arith.addi %parallel_loop3A_208, %parallel_loop3A_239 : i32
        %parallel_loop3A_241 = arith.index_cast %parallel_loop3A_240 : i32 to index
        %parallel_loop3A_242 = tpu.vector_load %arg10[%parallel_loop3A_241] {strides = array<i32>} : memref<4080xf32, #tpu.memory_space<vmem>>, vector<16xf32>,
        tpu.vector_store %arg10[%parallel_loop3A_241], %parallel_loop3A_238 {strides = array<i32>} : memref<4080xf32, #tpu.memory_space<vmem>>, vector<16xf32>,
        %parallel_loop3A_243 = arith.constant 2 : i32
        %parallel_loop3A_244 = arith.addi %parallel_loop3A_206, %parallel_loop3A_243 : i32
        %parallel_loop3A_245 = arith.index_cast %parallel_loop3A_244 : i32 to index
        %parallel_loop3A_246 = arith.constant 0 : index
        %parallel_loop3A_247 = tpu.vector_load %arg4[%parallel_loop3A_245, %parallel_loop3A_246] {strides = array<i32>} : memref<240x32xf32, #tpu.memory_space<vmem>>, vector<16xf32>,
        %parallel_loop3A_248 = arith.constant 2 : i32
        %parallel_loop3A_249 = arith.addi %parallel_loop3A_206, %parallel_loop3A_248 : i32
        %parallel_loop3A_250 = arith.index_cast %parallel_loop3A_249 : i32 to index
        %parallel_loop3A_251 = arith.constant 16 : index
        %parallel_loop3A_252 = tpu.vector_load %arg4[%parallel_loop3A_250, %parallel_loop3A_251] {strides = array<i32>} : memref<240x32xf32, #tpu.memory_space<vmem>>, vector<16xf32>,
        %parallel_loop3A_253 = arith.mulf %parallel_loop3A_247, %parallel_loop3A_247 : vector<16xf32>
        %parallel_loop3A_254 = arith.mulf %parallel_loop3A_252, %parallel_loop3A_252 : vector<16xf32>
        %parallel_loop3A_255 = arith.addf %parallel_loop3A_253, %parallel_loop3A_254 : vector<16xf32>
        %parallel_loop3A_256 = arith.constant 34 : i32
        %parallel_loop3A_257 = arith.addi %parallel_loop3A_208, %parallel_loop3A_256 : i32
        %parallel_loop3A_258 = arith.index_cast %parallel_loop3A_257 : i32 to index
        %parallel_loop3A_259 = tpu.vector_load %arg10[%parallel_loop3A_258] {strides = array<i32>} : memref<4080xf32, #tpu.memory_space<vmem>>, vector<16xf32>,
        tpu.vector_store %arg10[%parallel_loop3A_258], %parallel_loop3A_255 {strides = array<i32>} : memref<4080xf32, #tpu.memory_space<vmem>>, vector<16xf32>,
        %parallel_loop3A_260 = arith.constant 3 : i32
        %parallel_loop3A_261 = arith.addi %parallel_loop3A_206, %parallel_loop3A_260 : i32
        %parallel_loop3A_262 = arith.index_cast %parallel_loop3A_261 : i32 to index
        %parallel_loop3A_263 = arith.constant 0 : index
        %parallel_loop3A_264 = tpu.vector_load %arg4[%parallel_loop3A_262, %parallel_loop3A_263] {strides = array<i32>} : memref<240x32xf32, #tpu.memory_space<vmem>>, vector<16xf32>,
        %parallel_loop3A_265 = arith.constant 3 : i32
        %parallel_loop3A_266 = arith.addi %parallel_loop3A_206, %parallel_loop3A_265 : i32
        %parallel_loop3A_267 = arith.index_cast %parallel_loop3A_266 : i32 to index
        %parallel_loop3A_268 = arith.constant 16 : index
        %parallel_loop3A_269 = tpu.vector_load %arg4[%parallel_loop3A_267, %parallel_loop3A_268] {strides = array<i32>} : memref<240x32xf32, #tpu.memory_space<vmem>>, vector<16xf32>,
        %parallel_loop3A_270 = arith.mulf %parallel_loop3A_264, %parallel_loop3A_264 : vector<16xf32>
        %parallel_loop3A_271 = arith.mulf %parallel_loop3A_269, %parallel_loop3A_269 : vector<16xf32>
        %parallel_loop3A_272 = arith.addf %parallel_loop3A_270, %parallel_loop3A_271 : vector<16xf32>
        %parallel_loop3A_273 = arith.constant 51 : i32
        %parallel_loop3A_274 = arith.addi %parallel_loop3A_208, %parallel_loop3A_273 : i32
        %parallel_loop3A_275 = arith.index_cast %parallel_loop3A_274 : i32 to index
        %parallel_loop3A_276 = tpu.vector_load %arg10[%parallel_loop3A_275] {strides = array<i32>} : memref<4080xf32, #tpu.memory_space<vmem>>, vector<16xf32>,
        tpu.vector_store %arg10[%parallel_loop3A_275], %parallel_loop3A_272 {strides = array<i32>} : memref<4080xf32, #tpu.memory_space<vmem>>, vector<16xf32>,
        %parallel_loop3A_277 = arith.constant 4 : i32
        %parallel_loop3A_278 = arith.addi %parallel_loop3A_206, %parallel_loop3A_277 : i32
        %parallel_loop3A_279 = arith.index_cast %parallel_loop3A_278 : i32 to index
        %parallel_loop3A_280 = arith.constant 0 : index
        %parallel_loop3A_281 = tpu.vector_load %arg4[%parallel_loop3A_279, %parallel_loop3A_280] {strides = array<i32>} : memref<240x32xf32, #tpu.memory_space<vmem>>, vector<16xf32>,
        %parallel_loop3A_282 = arith.constant 4 : i32
        %parallel_loop3A_283 = arith.addi %parallel_loop3A_206, %parallel_loop3A_282 : i32
        %parallel_loop3A_284 = arith.index_cast %parallel_loop3A_283 : i32 to index
        %parallel_loop3A_285 = arith.constant 16 : index
        %parallel_loop3A_286 = tpu.vector_load %arg4[%parallel_loop3A_284, %parallel_loop3A_285] {strides = array<i32>} : memref<240x32xf32, #tpu.memory_space<vmem>>, vector<16xf32>,
        %parallel_loop3A_287 = arith.mulf %parallel_loop3A_281, %parallel_loop3A_281 : vector<16xf32>
        %parallel_loop3A_288 = arith.mulf %parallel_loop3A_286, %parallel_loop3A_286 : vector<16xf32>
        %parallel_loop3A_289 = arith.addf %parallel_loop3A_287, %parallel_loop3A_288 : vector<16xf32>
        %parallel_loop3A_290 = arith.constant 68 : i32
        %parallel_loop3A_291 = arith.addi %parallel_loop3A_208, %parallel_loop3A_290 : i32
        %parallel_loop3A_292 = arith.index_cast %parallel_loop3A_291 : i32 to index
        %parallel_loop3A_293 = tpu.vector_load %arg10[%parallel_loop3A_292] {strides = array<i32>} : memref<4080xf32, #tpu.memory_space<vmem>>, vector<16xf32>,
        tpu.vector_store %arg10[%parallel_loop3A_292], %parallel_loop3A_289 {strides = array<i32>} : memref<4080xf32, #tpu.memory_space<vmem>>, vector<16xf32>,
        %parallel_loop3A_294 = arith.constant 5 : i32
        %parallel_loop3A_295 = arith.addi %parallel_loop3A_206, %parallel_loop3A_294 : i32
        %parallel_loop3A_296 = arith.index_cast %parallel_loop3A_295 : i32 to index
        %parallel_loop3A_297 = arith.constant 0 : index
        %parallel_loop3A_298 = tpu.vector_load %arg4[%parallel_loop3A_296, %parallel_loop3A_297] {strides = array<i32>} : memref<240x32xf32, #tpu.memory_space<vmem>>, vector<16xf32>,
        %parallel_loop3A_299 = arith.constant 5 : i32
        %parallel_loop3A_300 = arith.addi %parallel_loop3A_206, %parallel_loop3A_299 : i32
        %parallel_loop3A_301 = arith.index_cast %parallel_loop3A_300 : i32 to index
        %parallel_loop3A_302 = arith.constant 16 : index
        %parallel_loop3A_303 = tpu.vector_load %arg4[%parallel_loop3A_301, %parallel_loop3A_302] {strides = array<i32>} : memref<240x32xf32, #tpu.memory_space<vmem>>, vector<16xf32>,
        %parallel_loop3A_304 = arith.mulf %parallel_loop3A_298, %parallel_loop3A_298 : vector<16xf32>
        %parallel_loop3A_305 = arith.mulf %parallel_loop3A_303, %parallel_loop3A_303 : vector<16xf32>
        %parallel_loop3A_306 = arith.addf %parallel_loop3A_304, %parallel_loop3A_305 : vector<16xf32>
        %parallel_loop3A_307 = arith.constant 85 : i32
        %parallel_loop3A_308 = arith.addi %parallel_loop3A_208, %parallel_loop3A_307 : i32
        %parallel_loop3A_309 = arith.index_cast %parallel_loop3A_308 : i32 to index
        %parallel_loop3A_310 = tpu.vector_load %arg10[%parallel_loop3A_309] {strides = array<i32>} : memref<4080xf32, #tpu.memory_space<vmem>>, vector<16xf32>,
        tpu.vector_store %arg10[%parallel_loop3A_309], %parallel_loop3A_306 {strides = array<i32>} : memref<4080xf32, #tpu.memory_space<vmem>>, vector<16xf32>,
        %parallel_loop3A_311 = arith.constant 6 : i32
        %parallel_loop3A_312 = arith.addi %parallel_loop3A_206, %parallel_loop3A_311 : i32
        %parallel_loop3A_313 = arith.index_cast %parallel_loop3A_312 : i32 to index
        %parallel_loop3A_314 = arith.constant 0 : index
        %parallel_loop3A_315 = tpu.vector_load %arg4[%parallel_loop3A_313, %parallel_loop3A_314] {strides = array<i32>} : memref<240x32xf32, #tpu.memory_space<vmem>>, vector<16xf32>,
        %parallel_loop3A_316 = arith.constant 6 : i32
        %parallel_loop3A_317 = arith.addi %parallel_loop3A_206, %parallel_loop3A_316 : i32
        %parallel_loop3A_318 = arith.index_cast %parallel_loop3A_317 : i32 to index
        %parallel_loop3A_319 = arith.constant 16 : index
        %parallel_loop3A_320 = tpu.vector_load %arg4[%parallel_loop3A_318, %parallel_loop3A_319] {strides = array<i32>} : memref<240x32xf32, #tpu.memory_space<vmem>>, vector<16xf32>,
        %parallel_loop3A_321 = arith.mulf %parallel_loop3A_315, %parallel_loop3A_315 : vector<16xf32>
        %parallel_loop3A_322 = arith.mulf %parallel_loop3A_320, %parallel_loop3A_320 : vector<16xf32>
        %parallel_loop3A_323 = arith.addf %parallel_loop3A_321, %parallel_loop3A_322 : vector<16xf32>
        %parallel_loop3A_324 = arith.constant 102 : i32
        %parallel_loop3A_325 = arith.addi %parallel_loop3A_208, %parallel_loop3A_324 : i32
        %parallel_loop3A_326 = arith.index_cast %parallel_loop3A_325 : i32 to index
        %parallel_loop3A_327 = tpu.vector_load %arg10[%parallel_loop3A_326] {strides = array<i32>} : memref<4080xf32, #tpu.memory_space<vmem>>, vector<16xf32>,
        tpu.vector_store %arg10[%parallel_loop3A_326], %parallel_loop3A_323 {strides = array<i32>} : memref<4080xf32, #tpu.memory_space<vmem>>, vector<16xf32>,
        %parallel_loop3A_328 = arith.constant 7 : i32
        %parallel_loop3A_329 = arith.addi %parallel_loop3A_206, %parallel_loop3A_328 : i32
        %parallel_loop3A_330 = arith.index_cast %parallel_loop3A_329 : i32 to index
        %parallel_loop3A_331 = arith.constant 0 : index
        %parallel_loop3A_332 = tpu.vector_load %arg4[%parallel_loop3A_330, %parallel_loop3A_331] {strides = array<i32>} : memref<240x32xf32, #tpu.memory_space<vmem>>, vector<16xf32>,
        %parallel_loop3A_333 = arith.constant 7 : i32
        %parallel_loop3A_334 = arith.addi %parallel_loop3A_206, %parallel_loop3A_333 : i32
        %parallel_loop3A_335 = arith.index_cast %parallel_loop3A_334 : i32 to index
        %parallel_loop3A_336 = arith.constant 16 : index
        %parallel_loop3A_337 = tpu.vector_load %arg4[%parallel_loop3A_335, %parallel_loop3A_336] {strides = array<i32>} : memref<240x32xf32, #tpu.memory_space<vmem>>, vector<16xf32>,
        %parallel_loop3A_338 = arith.mulf %parallel_loop3A_332, %parallel_loop3A_332 : vector<16xf32>
        %parallel_loop3A_339 = arith.mulf %parallel_loop3A_337, %parallel_loop3A_337 : vector<16xf32>
        %parallel_loop3A_340 = arith.addf %parallel_loop3A_338, %parallel_loop3A_339 : vector<16xf32>
        %parallel_loop3A_341 = arith.constant 119 : i32
        %parallel_loop3A_342 = arith.addi %parallel_loop3A_208, %parallel_loop3A_341 : i32
        %parallel_loop3A_343 = arith.index_cast %parallel_loop3A_342 : i32 to index
        %parallel_loop3A_344 = tpu.vector_load %arg10[%parallel_loop3A_343] {strides = array<i32>} : memref<4080xf32, #tpu.memory_space<vmem>>, vector<16xf32>,
        tpu.vector_store %arg10[%parallel_loop3A_343], %parallel_loop3A_340 {strides = array<i32>} : memref<4080xf32, #tpu.memory_space<vmem>>, vector<16xf32>,
        %parallel_loop3A_345 = arith.constant 8 : i32
        %parallel_loop3A_346 = arith.addi %parallel_loop3A_206, %parallel_loop3A_345 : i32
        %parallel_loop3A_347 = arith.index_cast %parallel_loop3A_346 : i32 to index
        %parallel_loop3A_348 = arith.constant 0 : index
        %parallel_loop3A_349 = tpu.vector_load %arg4[%parallel_loop3A_347, %parallel_loop3A_348] {strides = array<i32>} : memref<240x32xf32, #tpu.memory_space<vmem>>, vector<16xf32>,
        %parallel_loop3A_350 = arith.constant 8 : i32
        %parallel_loop3A_351 = arith.addi %parallel_loop3A_206, %parallel_loop3A_350 : i32
        %parallel_loop3A_352 = arith.index_cast %parallel_loop3A_351 : i32 to index
        %parallel_loop3A_353 = arith.constant 16 : index
        %parallel_loop3A_354 = tpu.vector_load %arg4[%parallel_loop3A_352, %parallel_loop3A_353] {strides = array<i32>} : memref<240x32xf32, #tpu.memory_space<vmem>>, vector<16xf32>,
        %parallel_loop3A_355 = arith.mulf %parallel_loop3A_349, %parallel_loop3A_349 : vector<16xf32>
        %parallel_loop3A_356 = arith.mulf %parallel_loop3A_354, %parallel_loop3A_354 : vector<16xf32>
        %parallel_loop3A_357 = arith.addf %parallel_loop3A_355, %parallel_loop3A_356 : vector<16xf32>
        %parallel_loop3A_358 = arith.constant 136 : i32
        %parallel_loop3A_359 = arith.addi %parallel_loop3A_208, %parallel_loop3A_358 : i32
        %parallel_loop3A_360 = arith.index_cast %parallel_loop3A_359 : i32 to index
        %parallel_loop3A_361 = tpu.vector_load %arg10[%parallel_loop3A_360] {strides = array<i32>} : memref<4080xf32, #tpu.memory_space<vmem>>, vector<16xf32>,
        tpu.vector_store %arg10[%parallel_loop3A_360], %parallel_loop3A_357 {strides = array<i32>} : memref<4080xf32, #tpu.memory_space<vmem>>, vector<16xf32>,
        %parallel_loop3A_362 = arith.constant 9 : i32
        %parallel_loop3A_363 = arith.addi %parallel_loop3A_206, %parallel_loop3A_362 : i32
        %parallel_loop3A_364 = arith.index_cast %parallel_loop3A_363 : i32 to index
        %parallel_loop3A_365 = arith.constant 0 : index
        %parallel_loop3A_366 = tpu.vector_load %arg4[%parallel_loop3A_364, %parallel_loop3A_365] {strides = array<i32>} : memref<240x32xf32, #tpu.memory_space<vmem>>, vector<16xf32>,
        %parallel_loop3A_367 = arith.constant 9 : i32
        %parallel_loop3A_368 = arith.addi %parallel_loop3A_206, %parallel_loop3A_367 : i32
        %parallel_loop3A_369 = arith.index_cast %parallel_loop3A_368 : i32 to index
        %parallel_loop3A_370 = arith.constant 16 : index
        %parallel_loop3A_371 = tpu.vector_load %arg4[%parallel_loop3A_369, %parallel_loop3A_370] {strides = array<i32>} : memref<240x32xf32, #tpu.memory_space<vmem>>, vector<16xf32>,
        %parallel_loop3A_372 = arith.mulf %parallel_loop3A_366, %parallel_loop3A_366 : vector<16xf32>
        %parallel_loop3A_373 = arith.mulf %parallel_loop3A_371, %parallel_loop3A_371 : vector<16xf32>
        %parallel_loop3A_374 = arith.addf %parallel_loop3A_372, %parallel_loop3A_373 : vector<16xf32>
        %parallel_loop3A_375 = arith.constant 153 : i32
        %parallel_loop3A_376 = arith.addi %parallel_loop3A_208, %parallel_loop3A_375 : i32
        %parallel_loop3A_377 = arith.index_cast %parallel_loop3A_376 : i32 to index
        %parallel_loop3A_378 = tpu.vector_load %arg10[%parallel_loop3A_377] {strides = array<i32>} : memref<4080xf32, #tpu.memory_space<vmem>>, vector<16xf32>,
        tpu.vector_store %arg10[%parallel_loop3A_377], %parallel_loop3A_374 {strides = array<i32>} : memref<4080xf32, #tpu.memory_space<vmem>>, vector<16xf32>,
        %parallel_loop3A_379 = arith.constant 10 : i32
        %parallel_loop3A_380 = arith.addi %parallel_loop3A_206, %parallel_loop3A_379 : i32
        %parallel_loop3A_381 = arith.index_cast %parallel_loop3A_380 : i32 to index
        %parallel_loop3A_382 = arith.constant 0 : index
        %parallel_loop3A_383 = tpu.vector_load %arg4[%parallel_loop3A_381, %parallel_loop3A_382] {strides = array<i32>} : memref<240x32xf32, #tpu.memory_space<vmem>>, vector<16xf32>,
        %parallel_loop3A_384 = arith.constant 10 : i32
        %parallel_loop3A_385 = arith.addi %parallel_loop3A_206, %parallel_loop3A_384 : i32
        %parallel_loop3A_386 = arith.index_cast %parallel_loop3A_385 : i32 to index
        %parallel_loop3A_387 = arith.constant 16 : index
        %parallel_loop3A_388 = tpu.vector_load %arg4[%parallel_loop3A_386, %parallel_loop3A_387] {strides = array<i32>} : memref<240x32xf32, #tpu.memory_space<vmem>>, vector<16xf32>,
        %parallel_loop3A_389 = arith.mulf %parallel_loop3A_383, %parallel_loop3A_383 : vector<16xf32>
        %parallel_loop3A_390 = arith.mulf %parallel_loop3A_388, %parallel_loop3A_388 : vector<16xf32>
        %parallel_loop3A_391 = arith.addf %parallel_loop3A_389, %parallel_loop3A_390 : vector<16xf32>
        %parallel_loop3A_392 = arith.constant 170 : i32
        %parallel_loop3A_393 = arith.addi %parallel_loop3A_208, %parallel_loop3A_392 : i32
        %parallel_loop3A_394 = arith.index_cast %parallel_loop3A_393 : i32 to index
        %parallel_loop3A_395 = tpu.vector_load %arg10[%parallel_loop3A_394] {strides = array<i32>} : memref<4080xf32, #tpu.memory_space<vmem>>, vector<16xf32>,
        tpu.vector_store %arg10[%parallel_loop3A_394], %parallel_loop3A_391 {strides = array<i32>} : memref<4080xf32, #tpu.memory_space<vmem>>, vector<16xf32>,
        %parallel_loop3A_396 = arith.constant 11 : i32
        %parallel_loop3A_397 = arith.addi %parallel_loop3A_206, %parallel_loop3A_396 : i32
        %parallel_loop3A_398 = arith.index_cast %parallel_loop3A_397 : i32 to index
        %parallel_loop3A_399 = arith.constant 0 : index
        %parallel_loop3A_400 = tpu.vector_load %arg4[%parallel_loop3A_398, %parallel_loop3A_399] {strides = array<i32>} : memref<240x32xf32, #tpu.memory_space<vmem>>, vector<16xf32>,
        %parallel_loop3A_401 = arith.constant 11 : i32
        %parallel_loop3A_402 = arith.addi %parallel_loop3A_206, %parallel_loop3A_401 : i32
        %parallel_loop3A_403 = arith.index_cast %parallel_loop3A_402 : i32 to index
        %parallel_loop3A_404 = arith.constant 16 : index
        %parallel_loop3A_405 = tpu.vector_load %arg4[%parallel_loop3A_403, %parallel_loop3A_404] {strides = array<i32>} : memref<240x32xf32, #tpu.memory_space<vmem>>, vector<16xf32>,
        %parallel_loop3A_406 = arith.mulf %parallel_loop3A_400, %parallel_loop3A_400 : vector<16xf32>
        %parallel_loop3A_407 = arith.mulf %parallel_loop3A_405, %parallel_loop3A_405 : vector<16xf32>
        %parallel_loop3A_408 = arith.addf %parallel_loop3A_406, %parallel_loop3A_407 : vector<16xf32>
        %parallel_loop3A_409 = arith.constant 187 : i32
        %parallel_loop3A_410 = arith.addi %parallel_loop3A_208, %parallel_loop3A_409 : i32
        %parallel_loop3A_411 = arith.index_cast %parallel_loop3A_410 : i32 to index
        %parallel_loop3A_412 = tpu.vector_load %arg10[%parallel_loop3A_411] {strides = array<i32>} : memref<4080xf32, #tpu.memory_space<vmem>>, vector<16xf32>,
        tpu.vector_store %arg10[%parallel_loop3A_411], %parallel_loop3A_408 {strides = array<i32>} : memref<4080xf32, #tpu.memory_space<vmem>>, vector<16xf32>,
        %parallel_loop3A_413 = arith.constant 12 : i32
        %parallel_loop3A_414 = arith.addi %parallel_loop3A_206, %parallel_loop3A_413 : i32
        %parallel_loop3A_415 = arith.index_cast %parallel_loop3A_414 : i32 to index
        %parallel_loop3A_416 = arith.constant 0 : index
        %parallel_loop3A_417 = tpu.vector_load %arg4[%parallel_loop3A_415, %parallel_loop3A_416] {strides = array<i32>} : memref<240x32xf32, #tpu.memory_space<vmem>>, vector<16xf32>,
        %parallel_loop3A_418 = arith.constant 12 : i32
        %parallel_loop3A_419 = arith.addi %parallel_loop3A_206, %parallel_loop3A_418 : i32
        %parallel_loop3A_420 = arith.index_cast %parallel_loop3A_419 : i32 to index
        %parallel_loop3A_421 = arith.constant 16 : index
        %parallel_loop3A_422 = tpu.vector_load %arg4[%parallel_loop3A_420, %parallel_loop3A_421] {strides = array<i32>} : memref<240x32xf32, #tpu.memory_space<vmem>>, vector<16xf32>,
        %parallel_loop3A_423 = arith.mulf %parallel_loop3A_417, %parallel_loop3A_417 : vector<16xf32>
        %parallel_loop3A_424 = arith.mulf %parallel_loop3A_422, %parallel_loop3A_422 : vector<16xf32>
        %parallel_loop3A_425 = arith.addf %parallel_loop3A_423, %parallel_loop3A_424 : vector<16xf32>
        %parallel_loop3A_426 = arith.constant 204 : i32
        %parallel_loop3A_427 = arith.addi %parallel_loop3A_208, %parallel_loop3A_426 : i32
        %parallel_loop3A_428 = arith.index_cast %parallel_loop3A_427 : i32 to index
        %parallel_loop3A_429 = tpu.vector_load %arg10[%parallel_loop3A_428] {strides = array<i32>} : memref<4080xf32, #tpu.memory_space<vmem>>, vector<16xf32>,
        tpu.vector_store %arg10[%parallel_loop3A_428], %parallel_loop3A_425 {strides = array<i32>} : memref<4080xf32, #tpu.memory_space<vmem>>, vector<16xf32>,
        %parallel_loop3A_430 = arith.constant 13 : i32
        %parallel_loop3A_431 = arith.addi %parallel_loop3A_206, %parallel_loop3A_430 : i32
        %parallel_loop3A_432 = arith.index_cast %parallel_loop3A_431 : i32 to index
        %parallel_loop3A_433 = arith.constant 0 : index
        %parallel_loop3A_434 = tpu.vector_load %arg4[%parallel_loop3A_432, %parallel_loop3A_433] {strides = array<i32>} : memref<240x32xf32, #tpu.memory_space<vmem>>, vector<16xf32>,
        %parallel_loop3A_435 = arith.constant 13 : i32
        %parallel_loop3A_436 = arith.addi %parallel_loop3A_206, %parallel_loop3A_435 : i32
        %parallel_loop3A_437 = arith.index_cast %parallel_loop3A_436 : i32 to index
        %parallel_loop3A_438 = arith.constant 16 : index
        %parallel_loop3A_439 = tpu.vector_load %arg4[%parallel_loop3A_437, %parallel_loop3A_438] {strides = array<i32>} : memref<240x32xf32, #tpu.memory_space<vmem>>, vector<16xf32>,
        %parallel_loop3A_440 = arith.mulf %parallel_loop3A_434, %parallel_loop3A_434 : vector<16xf32>
        %parallel_loop3A_441 = arith.mulf %parallel_loop3A_439, %parallel_loop3A_439 : vector<16xf32>
        %parallel_loop3A_442 = arith.addf %parallel_loop3A_440, %parallel_loop3A_441 : vector<16xf32>
        %parallel_loop3A_443 = arith.constant 221 : i32
        %parallel_loop3A_444 = arith.addi %parallel_loop3A_208, %parallel_loop3A_443 : i32
        %parallel_loop3A_445 = arith.index_cast %parallel_loop3A_444 : i32 to index
        %parallel_loop3A_446 = tpu.vector_load %arg10[%parallel_loop3A_445] {strides = array<i32>} : memref<4080xf32, #tpu.memory_space<vmem>>, vector<16xf32>,
        tpu.vector_store %arg10[%parallel_loop3A_445], %parallel_loop3A_442 {strides = array<i32>} : memref<4080xf32, #tpu.memory_space<vmem>>, vector<16xf32>,
        %parallel_loop3A_447 = arith.constant 14 : i32
        %parallel_loop3A_448 = arith.addi %parallel_loop3A_206, %parallel_loop3A_447 : i32
        %parallel_loop3A_449 = arith.index_cast %parallel_loop3A_448 : i32 to index
        %parallel_loop3A_450 = arith.constant 0 : index
        %parallel_loop3A_451 = tpu.vector_load %arg4[%parallel_loop3A_449, %parallel_loop3A_450] {strides = array<i32>} : memref<240x32xf32, #tpu.memory_space<vmem>>, vector<16xf32>,
        %parallel_loop3A_452 = arith.constant 14 : i32
        %parallel_loop3A_453 = arith.addi %parallel_loop3A_206, %parallel_loop3A_452 : i32
        %parallel_loop3A_454 = arith.index_cast %parallel_loop3A_453 : i32 to index
        %parallel_loop3A_455 = arith.constant 16 : index
        %parallel_loop3A_456 = tpu.vector_load %arg4[%parallel_loop3A_454, %parallel_loop3A_455] {strides = array<i32>} : memref<240x32xf32, #tpu.memory_space<vmem>>, vector<16xf32>,
        %parallel_loop3A_457 = arith.mulf %parallel_loop3A_451, %parallel_loop3A_451 : vector<16xf32>
        %parallel_loop3A_458 = arith.mulf %parallel_loop3A_456, %parallel_loop3A_456 : vector<16xf32>
        %parallel_loop3A_459 = arith.addf %parallel_loop3A_457, %parallel_loop3A_458 : vector<16xf32>
        %parallel_loop3A_460 = arith.constant 238 : i32
        %parallel_loop3A_461 = arith.addi %parallel_loop3A_208, %parallel_loop3A_460 : i32
        %parallel_loop3A_462 = arith.index_cast %parallel_loop3A_461 : i32 to index
        %parallel_loop3A_463 = tpu.vector_load %arg10[%parallel_loop3A_462] {strides = array<i32>} : memref<4080xf32, #tpu.memory_space<vmem>>, vector<16xf32>,
        tpu.vector_store %arg10[%parallel_loop3A_462], %parallel_loop3A_459 {strides = array<i32>} : memref<4080xf32, #tpu.memory_space<vmem>>, vector<16xf32>,
        %parallel_loop3A_464 = arith.constant 15 : i32
        %parallel_loop3A_465 = arith.addi %parallel_loop3A_206, %parallel_loop3A_464 : i32
        %parallel_loop3A_466 = arith.index_cast %parallel_loop3A_465 : i32 to index
        %parallel_loop3A_467 = arith.constant 0 : index
        %parallel_loop3A_468 = tpu.vector_load %arg4[%parallel_loop3A_466, %parallel_loop3A_467] {strides = array<i32>} : memref<240x32xf32, #tpu.memory_space<vmem>>, vector<16xf32>,
        %parallel_loop3A_469 = arith.constant 15 : i32
        %parallel_loop3A_470 = arith.addi %parallel_loop3A_206, %parallel_loop3A_469 : i32
        %parallel_loop3A_471 = arith.index_cast %parallel_loop3A_470 : i32 to index
        %parallel_loop3A_472 = arith.constant 16 : index
        %parallel_loop3A_473 = tpu.vector_load %arg4[%parallel_loop3A_471, %parallel_loop3A_472] {strides = array<i32>} : memref<240x32xf32, #tpu.memory_space<vmem>>, vector<16xf32>,
        %parallel_loop3A_474 = arith.mulf %parallel_loop3A_468, %parallel_loop3A_468 : vector<16xf32>
        %parallel_loop3A_475 = arith.mulf %parallel_loop3A_473, %parallel_loop3A_473 : vector<16xf32>
        %parallel_loop3A_476 = arith.addf %parallel_loop3A_474, %parallel_loop3A_475 : vector<16xf32>
        %parallel_loop3A_477 = arith.constant 255 : i32
        %parallel_loop3A_478 = arith.addi %parallel_loop3A_208, %parallel_loop3A_477 : i32
        %parallel_loop3A_479 = arith.index_cast %parallel_loop3A_478 : i32 to index
        %parallel_loop3A_480 = tpu.vector_load %arg10[%parallel_loop3A_479] {strides = array<i32>} : memref<4080xf32, #tpu.memory_space<vmem>>, vector<16xf32>,
        tpu.vector_store %arg10[%parallel_loop3A_479], %parallel_loop3A_476 {strides = array<i32>} : memref<4080xf32, #tpu.memory_space<vmem>>, vector<16xf32>,
        %parallel_loop3A_481 = arith.constant 0.000000e+00 : f32
        %parallel_loop3A_482 = vector.broadcast %parallel_loop3A_481 : f32 to vector<16xf32>
        %parallel_loop3A_483 = vector.broadcast %parallel_loop3A_208 : i32 to vector<16xi32>
        %parallel_loop3A_484 = arith.addi %parallel_loop3A_483, %mul3A_145 : vector<16xi32>
        %parallel_loop3A_485 = arith.constant 0 : i32
        %parallel_loop3A_486 = vector.broadcast %parallel_loop3A_485 : i32 to vector<16xi32>
        %parallel_loop3A_487 = arith.addi %parallel_loop3A_484, %parallel_loop3A_486 : vector<16xi32>
        %parallel_loop3A_488 = tpu.vector_load_idx %arg10[%parallel_loop3A_487] : memref<4080xf32, #tpu.memory_space<vmem>>[vector<16xi32>], vector<16xf32>,
        %parallel_loop3A_489 = arith.addf %parallel_loop3A_482, %parallel_loop3A_488 : vector<16xf32>
        %parallel_loop3A_490 = vector.broadcast %parallel_loop3A_208 : i32 to vector<16xi32>
        %parallel_loop3A_491 = arith.addi %parallel_loop3A_490, %mul3A_145 : vector<16xi32>
        %parallel_loop3A_492 = arith.constant 1 : i32
        %parallel_loop3A_493 = vector.broadcast %parallel_loop3A_492 : i32 to vector<16xi32>
        %parallel_loop3A_494 = arith.addi %parallel_loop3A_491, %parallel_loop3A_493 : vector<16xi32>
        %parallel_loop3A_495 = tpu.vector_load_idx %arg10[%parallel_loop3A_494] : memref<4080xf32, #tpu.memory_space<vmem>>[vector<16xi32>], vector<16xf32>,
        %parallel_loop3A_496 = arith.addf %parallel_loop3A_489, %parallel_loop3A_495 : vector<16xf32>
        %parallel_loop3A_497 = vector.broadcast %parallel_loop3A_208 : i32 to vector<16xi32>
        %parallel_loop3A_498 = arith.addi %parallel_loop3A_497, %mul3A_145 : vector<16xi32>
        %parallel_loop3A_499 = arith.constant 2 : i32
        %parallel_loop3A_500 = vector.broadcast %parallel_loop3A_499 : i32 to vector<16xi32>
        %parallel_loop3A_501 = arith.addi %parallel_loop3A_498, %parallel_loop3A_500 : vector<16xi32>
        %parallel_loop3A_502 = tpu.vector_load_idx %arg10[%parallel_loop3A_501] : memref<4080xf32, #tpu.memory_space<vmem>>[vector<16xi32>], vector<16xf32>,
        %parallel_loop3A_503 = arith.addf %parallel_loop3A_496, %parallel_loop3A_502 : vector<16xf32>
        %parallel_loop3A_504 = vector.broadcast %parallel_loop3A_208 : i32 to vector<16xi32>
        %parallel_loop3A_505 = arith.addi %parallel_loop3A_504, %mul3A_145 : vector<16xi32>
        %parallel_loop3A_506 = arith.constant 3 : i32
        %parallel_loop3A_507 = vector.broadcast %parallel_loop3A_506 : i32 to vector<16xi32>
        %parallel_loop3A_508 = arith.addi %parallel_loop3A_505, %parallel_loop3A_507 : vector<16xi32>
        %parallel_loop3A_509 = tpu.vector_load_idx %arg10[%parallel_loop3A_508] : memref<4080xf32, #tpu.memory_space<vmem>>[vector<16xi32>], vector<16xf32>,
        %parallel_loop3A_510 = arith.addf %parallel_loop3A_503, %parallel_loop3A_509 : vector<16xf32>
        %parallel_loop3A_511 = vector.broadcast %parallel_loop3A_208 : i32 to vector<16xi32>
        %parallel_loop3A_512 = arith.addi %parallel_loop3A_511, %mul3A_145 : vector<16xi32>
        %parallel_loop3A_513 = arith.constant 4 : i32
        %parallel_loop3A_514 = vector.broadcast %parallel_loop3A_513 : i32 to vector<16xi32>
        %parallel_loop3A_515 = arith.addi %parallel_loop3A_512, %parallel_loop3A_514 : vector<16xi32>
        %parallel_loop3A_516 = tpu.vector_load_idx %arg10[%parallel_loop3A_515] : memref<4080xf32, #tpu.memory_space<vmem>>[vector<16xi32>], vector<16xf32>,
        %parallel_loop3A_517 = arith.addf %parallel_loop3A_510, %parallel_loop3A_516 : vector<16xf32>
        %parallel_loop3A_518 = vector.broadcast %parallel_loop3A_208 : i32 to vector<16xi32>
        %parallel_loop3A_519 = arith.addi %parallel_loop3A_518, %mul3A_145 : vector<16xi32>
        %parallel_loop3A_520 = arith.constant 5 : i32
        %parallel_loop3A_521 = vector.broadcast %parallel_loop3A_520 : i32 to vector<16xi32>
        %parallel_loop3A_522 = arith.addi %parallel_loop3A_519, %parallel_loop3A_521 : vector<16xi32>
        %parallel_loop3A_523 = tpu.vector_load_idx %arg10[%parallel_loop3A_522] : memref<4080xf32, #tpu.memory_space<vmem>>[vector<16xi32>], vector<16xf32>,
        %parallel_loop3A_524 = arith.addf %parallel_loop3A_517, %parallel_loop3A_523 : vector<16xf32>
        %parallel_loop3A_525 = vector.broadcast %parallel_loop3A_208 : i32 to vector<16xi32>
        %parallel_loop3A_526 = arith.addi %parallel_loop3A_525, %mul3A_145 : vector<16xi32>
        %parallel_loop3A_527 = arith.constant 6 : i32
        %parallel_loop3A_528 = vector.broadcast %parallel_loop3A_527 : i32 to vector<16xi32>
        %parallel_loop3A_529 = arith.addi %parallel_loop3A_526, %parallel_loop3A_528 : vector<16xi32>
        %parallel_loop3A_530 = tpu.vector_load_idx %arg10[%parallel_loop3A_529] : memref<4080xf32, #tpu.memory_space<vmem>>[vector<16xi32>], vector<16xf32>,
        %parallel_loop3A_531 = arith.addf %parallel_loop3A_524, %parallel_loop3A_530 : vector<16xf32>
        %parallel_loop3A_532 = vector.broadcast %parallel_loop3A_208 : i32 to vector<16xi32>
        %parallel_loop3A_533 = arith.addi %parallel_loop3A_532, %mul3A_145 : vector<16xi32>
        %parallel_loop3A_534 = arith.constant 7 : i32
        %parallel_loop3A_535 = vector.broadcast %parallel_loop3A_534 : i32 to vector<16xi32>
        %parallel_loop3A_536 = arith.addi %parallel_loop3A_533, %parallel_loop3A_535 : vector<16xi32>
        %parallel_loop3A_537 = tpu.vector_load_idx %arg10[%parallel_loop3A_536] : memref<4080xf32, #tpu.memory_space<vmem>>[vector<16xi32>], vector<16xf32>,
        %parallel_loop3A_538 = arith.addf %parallel_loop3A_531, %parallel_loop3A_537 : vector<16xf32>
        %parallel_loop3A_539 = vector.broadcast %parallel_loop3A_208 : i32 to vector<16xi32>
        %parallel_loop3A_540 = arith.addi %parallel_loop3A_539, %mul3A_145 : vector<16xi32>
        %parallel_loop3A_541 = arith.constant 8 : i32
        %parallel_loop3A_542 = vector.broadcast %parallel_loop3A_541 : i32 to vector<16xi32>
        %parallel_loop3A_543 = arith.addi %parallel_loop3A_540, %parallel_loop3A_542 : vector<16xi32>
        %parallel_loop3A_544 = tpu.vector_load_idx %arg10[%parallel_loop3A_543] : memref<4080xf32, #tpu.memory_space<vmem>>[vector<16xi32>], vector<16xf32>,
        %parallel_loop3A_545 = arith.addf %parallel_loop3A_538, %parallel_loop3A_544 : vector<16xf32>
        %parallel_loop3A_546 = vector.broadcast %parallel_loop3A_208 : i32 to vector<16xi32>
        %parallel_loop3A_547 = arith.addi %parallel_loop3A_546, %mul3A_145 : vector<16xi32>
        %parallel_loop3A_548 = arith.constant 9 : i32
        %parallel_loop3A_549 = vector.broadcast %parallel_loop3A_548 : i32 to vector<16xi32>
        %parallel_loop3A_550 = arith.addi %parallel_loop3A_547, %parallel_loop3A_549 : vector<16xi32>
        %parallel_loop3A_551 = tpu.vector_load_idx %arg10[%parallel_loop3A_550] : memref<4080xf32, #tpu.memory_space<vmem>>[vector<16xi32>], vector<16xf32>,
        %parallel_loop3A_552 = arith.addf %parallel_loop3A_545, %parallel_loop3A_551 : vector<16xf32>
        %parallel_loop3A_553 = vector.broadcast %parallel_loop3A_208 : i32 to vector<16xi32>
        %parallel_loop3A_554 = arith.addi %parallel_loop3A_553, %mul3A_145 : vector<16xi32>
        %parallel_loop3A_555 = arith.constant 10 : i32
        %parallel_loop3A_556 = vector.broadcast %parallel_loop3A_555 : i32 to vector<16xi32>
        %parallel_loop3A_557 = arith.addi %parallel_loop3A_554, %parallel_loop3A_556 : vector<16xi32>
        %parallel_loop3A_558 = tpu.vector_load_idx %arg10[%parallel_loop3A_557] : memref<4080xf32, #tpu.memory_space<vmem>>[vector<16xi32>], vector<16xf32>,
        %parallel_loop3A_559 = arith.addf %parallel_loop3A_552, %parallel_loop3A_558 : vector<16xf32>
        %parallel_loop3A_560 = vector.broadcast %parallel_loop3A_208 : i32 to vector<16xi32>
        %parallel_loop3A_561 = arith.addi %parallel_loop3A_560, %mul3A_145 : vector<16xi32>
        %parallel_loop3A_562 = arith.constant 11 : i32
        %parallel_loop3A_563 = vector.broadcast %parallel_loop3A_562 : i32 to vector<16xi32>
        %parallel_loop3A_564 = arith.addi %parallel_loop3A_561, %parallel_loop3A_563 : vector<16xi32>
        %parallel_loop3A_565 = tpu.vector_load_idx %arg10[%parallel_loop3A_564] : memref<4080xf32, #tpu.memory_space<vmem>>[vector<16xi32>], vector<16xf32>,
        %parallel_loop3A_566 = arith.addf %parallel_loop3A_559, %parallel_loop3A_565 : vector<16xf32>
        %parallel_loop3A_567 = vector.broadcast %parallel_loop3A_208 : i32 to vector<16xi32>
        %parallel_loop3A_568 = arith.addi %parallel_loop3A_567, %mul3A_145 : vector<16xi32>
        %parallel_loop3A_569 = arith.constant 12 : i32
        %parallel_loop3A_570 = vector.broadcast %parallel_loop3A_569 : i32 to vector<16xi32>
        %parallel_loop3A_571 = arith.addi %parallel_loop3A_568, %parallel_loop3A_570 : vector<16xi32>
        %parallel_loop3A_572 = tpu.vector_load_idx %arg10[%parallel_loop3A_571] : memref<4080xf32, #tpu.memory_space<vmem>>[vector<16xi32>], vector<16xf32>,
        %parallel_loop3A_573 = arith.addf %parallel_loop3A_566, %parallel_loop3A_572 : vector<16xf32>
        %parallel_loop3A_574 = vector.broadcast %parallel_loop3A_208 : i32 to vector<16xi32>
        %parallel_loop3A_575 = arith.addi %parallel_loop3A_574, %mul3A_145 : vector<16xi32>
        %parallel_loop3A_576 = arith.constant 13 : i32
        %parallel_loop3A_577 = vector.broadcast %parallel_loop3A_576 : i32 to vector<16xi32>
        %parallel_loop3A_578 = arith.addi %parallel_loop3A_575, %parallel_loop3A_577 : vector<16xi32>
        %parallel_loop3A_579 = tpu.vector_load_idx %arg10[%parallel_loop3A_578] : memref<4080xf32, #tpu.memory_space<vmem>>[vector<16xi32>], vector<16xf32>,
        %parallel_loop3A_580 = arith.addf %parallel_loop3A_573, %parallel_loop3A_579 : vector<16xf32>
        %parallel_loop3A_581 = vector.broadcast %parallel_loop3A_208 : i32 to vector<16xi32>
        %parallel_loop3A_582 = arith.addi %parallel_loop3A_581, %mul3A_145 : vector<16xi32>
        %parallel_loop3A_583 = arith.constant 14 : i32
        %parallel_loop3A_584 = vector.broadcast %parallel_loop3A_583 : i32 to vector<16xi32>
        %parallel_loop3A_585 = arith.addi %parallel_loop3A_582, %parallel_loop3A_584 : vector<16xi32>
        %parallel_loop3A_586 = tpu.vector_load_idx %arg10[%parallel_loop3A_585] : memref<4080xf32, #tpu.memory_space<vmem>>[vector<16xi32>], vector<16xf32>,
        %parallel_loop3A_587 = arith.addf %parallel_loop3A_580, %parallel_loop3A_586 : vector<16xf32>
        %parallel_loop3A_588 = vector.broadcast %parallel_loop3A_208 : i32 to vector<16xi32>
        %parallel_loop3A_589 = arith.addi %parallel_loop3A_588, %mul3A_145 : vector<16xi32>
        %parallel_loop3A_590 = arith.constant 15 : i32
        %parallel_loop3A_591 = vector.broadcast %parallel_loop3A_590 : i32 to vector<16xi32>
        %parallel_loop3A_592 = arith.addi %parallel_loop3A_589, %parallel_loop3A_591 : vector<16xi32>
        %parallel_loop3A_593 = tpu.vector_load_idx %arg10[%parallel_loop3A_592] : memref<4080xf32, #tpu.memory_space<vmem>>[vector<16xi32>], vector<16xf32>,
        %parallel_loop3A_594 = arith.addf %parallel_loop3A_587, %parallel_loop3A_593 : vector<16xf32>
        %parallel_loop3A_595 = arith.constant 1.000000e-16 : f32
        %parallel_loop3A_596 = vector.broadcast %parallel_loop3A_595 : f32 to vector<16xf32>
        %parallel_loop3A_597 = arith.maximumf %parallel_loop3A_594, %parallel_loop3A_596 : vector<16xf32>
        %parallel_loop3A_598 = vector.bitcast %parallel_loop3A_597 : vector<16xf32> to vector<16xi32>
        %parallel_loop3A_599 = arith.constant 1 : i32
        %parallel_loop3A_600 = vector.broadcast %parallel_loop3A_599 : i32 to vector<16xi32>
        %parallel_loop3A_601 = arith.shrui %parallel_loop3A_598, %parallel_loop3A_600 : vector<16xi32>
        %parallel_loop3A_602 = arith.constant 1597463007 : i32
        %parallel_loop3A_603 = vector.broadcast %parallel_loop3A_602 : i32 to vector<16xi32>
        %parallel_loop3A_604 = arith.subi %parallel_loop3A_603, %parallel_loop3A_601 : vector<16xi32>
        %parallel_loop3A_605 = vector.bitcast %parallel_loop3A_604 : vector<16xi32> to vector<16xf32>
        %parallel_loop3A_606 = arith.constant 5.000000e-01 : f32
        %parallel_loop3A_607 = vector.broadcast %parallel_loop3A_606 : f32 to vector<16xf32>
        %parallel_loop3A_608 = arith.mulf %parallel_loop3A_607, %parallel_loop3A_597 : vector<16xf32>
        %parallel_loop3A_609 = arith.mulf %parallel_loop3A_608, %parallel_loop3A_605 : vector<16xf32>
        %parallel_loop3A_610 = arith.mulf %parallel_loop3A_609, %parallel_loop3A_605 : vector<16xf32>
        %parallel_loop3A_611 = arith.constant 1.500000e+00 : f32
        %parallel_loop3A_612 = vector.broadcast %parallel_loop3A_611 : f32 to vector<16xf32>
        %parallel_loop3A_613 = arith.subf %parallel_loop3A_612, %parallel_loop3A_610 : vector<16xf32>
        %parallel_loop3A_614 = arith.mulf %parallel_loop3A_605, %parallel_loop3A_613 : vector<16xf32>
        %parallel_loop3A_615 = arith.constant 5.000000e-01 : f32
        %parallel_loop3A_616 = vector.broadcast %parallel_loop3A_615 : f32 to vector<16xf32>
        %parallel_loop3A_617 = arith.mulf %parallel_loop3A_616, %parallel_loop3A_597 : vector<16xf32>
        %parallel_loop3A_618 = arith.mulf %parallel_loop3A_617, %parallel_loop3A_614 : vector<16xf32>
        %parallel_loop3A_619 = arith.mulf %parallel_loop3A_618, %parallel_loop3A_614 : vector<16xf32>
        %parallel_loop3A_620 = arith.constant 1.500000e+00 : f32
        %parallel_loop3A_621 = vector.broadcast %parallel_loop3A_620 : f32 to vector<16xf32>
        %parallel_loop3A_622 = arith.subf %parallel_loop3A_621, %parallel_loop3A_619 : vector<16xf32>
        %parallel_loop3A_623 = arith.mulf %parallel_loop3A_614, %parallel_loop3A_622 : vector<16xf32>
        %parallel_loop3A_624 = arith.constant 5.000000e-01 : f32
        %parallel_loop3A_625 = vector.broadcast %parallel_loop3A_624 : f32 to vector<16xf32>
        %parallel_loop3A_626 = arith.mulf %parallel_loop3A_625, %parallel_loop3A_597 : vector<16xf32>
        %parallel_loop3A_627 = arith.mulf %parallel_loop3A_626, %parallel_loop3A_623 : vector<16xf32>
        %parallel_loop3A_628 = arith.mulf %parallel_loop3A_627, %parallel_loop3A_623 : vector<16xf32>
        %parallel_loop3A_629 = arith.constant 1.500000e+00 : f32
        %parallel_loop3A_630 = vector.broadcast %parallel_loop3A_629 : f32 to vector<16xf32>
        %parallel_loop3A_631 = arith.subf %parallel_loop3A_630, %parallel_loop3A_628 : vector<16xf32>
        %parallel_loop3A_632 = arith.mulf %parallel_loop3A_623, %parallel_loop3A_631 : vector<16xf32>
        %parallel_loop3A_633 = arith.mulf %parallel_loop3A_597, %parallel_loop3A_632 : vector<16xf32>
        %parallel_loop3A_634 = math.exp %parallel_loop3A_633 : vector<16xf32>
        %parallel_loop3A_635 = arith.constant 0.000000e+00 : f32
        %parallel_loop3A_636 = vector.broadcast %parallel_loop3A_635 : f32 to vector<16xf32>
        %parallel_loop3A_637 = arith.subf %parallel_loop3A_636, %parallel_loop3A_633 : vector<16xf32>
        %parallel_loop3A_638 = math.exp %parallel_loop3A_637 : vector<16xf32>
        %parallel_loop3A_639 = arith.subf %parallel_loop3A_634, %parallel_loop3A_638 : vector<16xf32>
        %parallel_loop3A_640 = arith.constant 5.000000e-01 : f32
        %parallel_loop3A_641 = vector.broadcast %parallel_loop3A_640 : f32 to vector<16xf32>
        %parallel_loop3A_642 = arith.mulf %parallel_loop3A_639, %parallel_loop3A_641 : vector<16xf32>
        %parallel_loop3A_643 = arith.mulf %parallel_loop3A_642, %parallel_loop3A_632 : vector<16xf32>
        %parallel_loop3A_644 = arith.constant 1.000000e-03 : f32
        %parallel_loop3A_645 = vector.broadcast %parallel_loop3A_644 : f32 to vector<16xf32>
        %parallel_loop3A_646 = arith.cmpf olt, %parallel_loop3A_633, %parallel_loop3A_645 : vector<16xf32>
        %parallel_loop3A_647 = arith.constant 0.166666672 : f32
        %parallel_loop3A_648 = vector.broadcast %parallel_loop3A_647 : f32 to vector<16xf32>
        %parallel_loop3A_649 = arith.mulf %parallel_loop3A_597, %parallel_loop3A_648 : vector<16xf32>
        %parallel_loop3A_650 = arith.constant 1.000000e+00 : f32
        %parallel_loop3A_651 = vector.broadcast %parallel_loop3A_650 : f32 to vector<16xf32>
        %parallel_loop3A_652 = arith.addf %parallel_loop3A_651, %parallel_loop3A_649 : vector<16xf32>
        %parallel_loop3A_653 = arith.select %parallel_loop3A_646, %parallel_loop3A_652, %parallel_loop3A_643 : vector<16xi1>, vector<16xf32>
        %parallel_loop3A_654 = vector.extract_strided_slice %parallel_loop3A_653 {offsets = [0], sizes = [1], strides = [1]} : vector<16xf32> to vector<1xf32>
        %parallel_loop3A_655 = vector.extract %parallel_loop3A_654[0] : f32 from vector<1xf32>
        %parallel_loop3A_656 = vector.broadcast %parallel_loop3A_655 : f32 to vector<16xf32>
        %parallel_loop3A_657 = arith.constant 0 : i32
        %parallel_loop3A_658 = arith.addi %parallel_loop3A_206, %parallel_loop3A_657 : i32
        %parallel_loop3A_659 = arith.index_cast %parallel_loop3A_658 : i32 to index
        %parallel_loop3A_660 = arith.constant 0 : index
        %parallel_loop3A_661 = tpu.vector_load %arg4[%parallel_loop3A_659, %parallel_loop3A_660] {strides = array<i32>} : memref<240x32xf32, #tpu.memory_space<vmem>>, vector<16xf32>,
        %parallel_loop3A_662 = arith.mulf %parallel_loop3A_661, %parallel_loop3A_656 : vector<16xf32>
        %parallel_loop3A_663 = arith.constant 0 : i32
        %parallel_loop3A_664 = arith.addi %parallel_loop3A_206, %parallel_loop3A_663 : i32
        %parallel_loop3A_665 = arith.index_cast %parallel_loop3A_664 : i32 to index
        %parallel_loop3A_666 = arith.constant 0 : index
        %parallel_loop3A_667 = tpu.vector_load %arg8[%parallel_loop3A_665, %parallel_loop3A_666] {strides = array<i32>} : memref<240x32xf32, #tpu.memory_space<vmem>>, vector<16xf32>,
        tpu.vector_store %arg8[%parallel_loop3A_665, %parallel_loop3A_666], %parallel_loop3A_662 {strides = array<i32>} : memref<240x32xf32, #tpu.memory_space<vmem>>, vector<16xf32>,
        %parallel_loop3A_668 = arith.constant 0 : i32
        %parallel_loop3A_669 = arith.addi %parallel_loop3A_206, %parallel_loop3A_668 : i32
        %parallel_loop3A_670 = arith.index_cast %parallel_loop3A_669 : i32 to index
        %parallel_loop3A_671 = arith.constant 16 : index
        %parallel_loop3A_672 = tpu.vector_load %arg4[%parallel_loop3A_670, %parallel_loop3A_671] {strides = array<i32>} : memref<240x32xf32, #tpu.memory_space<vmem>>, vector<16xf32>,
        %parallel_loop3A_673 = arith.mulf %parallel_loop3A_672, %parallel_loop3A_656 : vector<16xf32>
        %parallel_loop3A_674 = arith.constant 0 : i32
        %parallel_loop3A_675 = arith.addi %parallel_loop3A_206, %parallel_loop3A_674 : i32
        %parallel_loop3A_676 = arith.index_cast %parallel_loop3A_675 : i32 to index
        %parallel_loop3A_677 = arith.constant 16 : index
        %parallel_loop3A_678 = tpu.vector_load %arg8[%parallel_loop3A_676, %parallel_loop3A_677] {strides = array<i32>} : memref<240x32xf32, #tpu.memory_space<vmem>>, vector<16xf32>,
        tpu.vector_store %arg8[%parallel_loop3A_676, %parallel_loop3A_677], %parallel_loop3A_673 {strides = array<i32>} : memref<240x32xf32, #tpu.memory_space<vmem>>, vector<16xf32>,
        %parallel_loop3A_679 = vector.extract_strided_slice %parallel_loop3A_653 {offsets = [1], sizes = [1], strides = [1]} : vector<16xf32> to vector<1xf32>
        %parallel_loop3A_680 = vector.extract %parallel_loop3A_679[0] : f32 from vector<1xf32>
        %parallel_loop3A_681 = vector.broadcast %parallel_loop3A_680 : f32 to vector<16xf32>
        %parallel_loop3A_682 = arith.constant 1 : i32
        %parallel_loop3A_683 = arith.addi %parallel_loop3A_206, %parallel_loop3A_682 : i32
        %parallel_loop3A_684 = arith.index_cast %parallel_loop3A_683 : i32 to index
        %parallel_loop3A_685 = arith.constant 0 : index
        %parallel_loop3A_686 = tpu.vector_load %arg4[%parallel_loop3A_684, %parallel_loop3A_685] {strides = array<i32>} : memref<240x32xf32, #tpu.memory_space<vmem>>, vector<16xf32>,
        %parallel_loop3A_687 = arith.mulf %parallel_loop3A_686, %parallel_loop3A_681 : vector<16xf32>
        %parallel_loop3A_688 = arith.constant 1 : i32
        %parallel_loop3A_689 = arith.addi %parallel_loop3A_206, %parallel_loop3A_688 : i32
        %parallel_loop3A_690 = arith.index_cast %parallel_loop3A_689 : i32 to index
        %parallel_loop3A_691 = arith.constant 0 : index
        %parallel_loop3A_692 = tpu.vector_load %arg8[%parallel_loop3A_690, %parallel_loop3A_691] {strides = array<i32>} : memref<240x32xf32, #tpu.memory_space<vmem>>, vector<16xf32>,
        tpu.vector_store %arg8[%parallel_loop3A_690, %parallel_loop3A_691], %parallel_loop3A_687 {strides = array<i32>} : memref<240x32xf32, #tpu.memory_space<vmem>>, vector<16xf32>,
        %parallel_loop3A_693 = arith.constant 1 : i32
        %parallel_loop3A_694 = arith.addi %parallel_loop3A_206, %parallel_loop3A_693 : i32
        %parallel_loop3A_695 = arith.index_cast %parallel_loop3A_694 : i32 to index
        %parallel_loop3A_696 = arith.constant 16 : index
        %parallel_loop3A_697 = tpu.vector_load %arg4[%parallel_loop3A_695, %parallel_loop3A_696] {strides = array<i32>} : memref<240x32xf32, #tpu.memory_space<vmem>>, vector<16xf32>,
        %parallel_loop3A_698 = arith.mulf %parallel_loop3A_697, %parallel_loop3A_681 : vector<16xf32>
        %parallel_loop3A_699 = arith.constant 1 : i32
        %parallel_loop3A_700 = arith.addi %parallel_loop3A_206, %parallel_loop3A_699 : i32
        %parallel_loop3A_701 = arith.index_cast %parallel_loop3A_700 : i32 to index
        %parallel_loop3A_702 = arith.constant 16 : index
        %parallel_loop3A_703 = tpu.vector_load %arg8[%parallel_loop3A_701, %parallel_loop3A_702] {strides = array<i32>} : memref<240x32xf32, #tpu.memory_space<vmem>>, vector<16xf32>,
        tpu.vector_store %arg8[%parallel_loop3A_701, %parallel_loop3A_702], %parallel_loop3A_698 {strides = array<i32>} : memref<240x32xf32, #tpu.memory_space<vmem>>, vector<16xf32>,
        %parallel_loop3A_704 = vector.extract_strided_slice %parallel_loop3A_653 {offsets = [2], sizes = [1], strides = [1]} : vector<16xf32> to vector<1xf32>
        %parallel_loop3A_705 = vector.extract %parallel_loop3A_704[0] : f32 from vector<1xf32>
        %parallel_loop3A_706 = vector.broadcast %parallel_loop3A_705 : f32 to vector<16xf32>
        %parallel_loop3A_707 = arith.constant 2 : i32
        %parallel_loop3A_708 = arith.addi %parallel_loop3A_206, %parallel_loop3A_707 : i32
        %parallel_loop3A_709 = arith.index_cast %parallel_loop3A_708 : i32 to index
        %parallel_loop3A_710 = arith.constant 0 : index
        %parallel_loop3A_711 = tpu.vector_load %arg4[%parallel_loop3A_709, %parallel_loop3A_710] {strides = array<i32>} : memref<240x32xf32, #tpu.memory_space<vmem>>, vector<16xf32>,
        %parallel_loop3A_712 = arith.mulf %parallel_loop3A_711, %parallel_loop3A_706 : vector<16xf32>
        %parallel_loop3A_713 = arith.constant 2 : i32
        %parallel_loop3A_714 = arith.addi %parallel_loop3A_206, %parallel_loop3A_713 : i32
        %parallel_loop3A_715 = arith.index_cast %parallel_loop3A_714 : i32 to index
        %parallel_loop3A_716 = arith.constant 0 : index
        %parallel_loop3A_717 = tpu.vector_load %arg8[%parallel_loop3A_715, %parallel_loop3A_716] {strides = array<i32>} : memref<240x32xf32, #tpu.memory_space<vmem>>, vector<16xf32>,
        tpu.vector_store %arg8[%parallel_loop3A_715, %parallel_loop3A_716], %parallel_loop3A_712 {strides = array<i32>} : memref<240x32xf32, #tpu.memory_space<vmem>>, vector<16xf32>,
        %parallel_loop3A_718 = arith.constant 2 : i32
        %parallel_loop3A_719 = arith.addi %parallel_loop3A_206, %parallel_loop3A_718 : i32
        %parallel_loop3A_720 = arith.index_cast %parallel_loop3A_719 : i32 to index
        %parallel_loop3A_721 = arith.constant 16 : index
        %parallel_loop3A_722 = tpu.vector_load %arg4[%parallel_loop3A_720, %parallel_loop3A_721] {strides = array<i32>} : memref<240x32xf32, #tpu.memory_space<vmem>>, vector<16xf32>,
        %parallel_loop3A_723 = arith.mulf %parallel_loop3A_722, %parallel_loop3A_706 : vector<16xf32>
        %parallel_loop3A_724 = arith.constant 2 : i32
        %parallel_loop3A_725 = arith.addi %parallel_loop3A_206, %parallel_loop3A_724 : i32
        %parallel_loop3A_726 = arith.index_cast %parallel_loop3A_725 : i32 to index
        %parallel_loop3A_727 = arith.constant 16 : index
        %parallel_loop3A_728 = tpu.vector_load %arg8[%parallel_loop3A_726, %parallel_loop3A_727] {strides = array<i32>} : memref<240x32xf32, #tpu.memory_space<vmem>>, vector<16xf32>,
        tpu.vector_store %arg8[%parallel_loop3A_726, %parallel_loop3A_727], %parallel_loop3A_723 {strides = array<i32>} : memref<240x32xf32, #tpu.memory_space<vmem>>, vector<16xf32>,
        %parallel_loop3A_729 = vector.extract_strided_slice %parallel_loop3A_653 {offsets = [3], sizes = [1], strides = [1]} : vector<16xf32> to vector<1xf32>
        %parallel_loop3A_730 = vector.extract %parallel_loop3A_729[0] : f32 from vector<1xf32>
        %parallel_loop3A_731 = vector.broadcast %parallel_loop3A_730 : f32 to vector<16xf32>
        %parallel_loop3A_732 = arith.constant 3 : i32
        %parallel_loop3A_733 = arith.addi %parallel_loop3A_206, %parallel_loop3A_732 : i32
        %parallel_loop3A_734 = arith.index_cast %parallel_loop3A_733 : i32 to index
        %parallel_loop3A_735 = arith.constant 0 : index
        %parallel_loop3A_736 = tpu.vector_load %arg4[%parallel_loop3A_734, %parallel_loop3A_735] {strides = array<i32>} : memref<240x32xf32, #tpu.memory_space<vmem>>, vector<16xf32>,
        %parallel_loop3A_737 = arith.mulf %parallel_loop3A_736, %parallel_loop3A_731 : vector<16xf32>
        %parallel_loop3A_738 = arith.constant 3 : i32
        %parallel_loop3A_739 = arith.addi %parallel_loop3A_206, %parallel_loop3A_738 : i32
        %parallel_loop3A_740 = arith.index_cast %parallel_loop3A_739 : i32 to index
        %parallel_loop3A_741 = arith.constant 0 : index
        %parallel_loop3A_742 = tpu.vector_load %arg8[%parallel_loop3A_740, %parallel_loop3A_741] {strides = array<i32>} : memref<240x32xf32, #tpu.memory_space<vmem>>, vector<16xf32>,
        tpu.vector_store %arg8[%parallel_loop3A_740, %parallel_loop3A_741], %parallel_loop3A_737 {strides = array<i32>} : memref<240x32xf32, #tpu.memory_space<vmem>>, vector<16xf32>,
        %parallel_loop3A_743 = arith.constant 3 : i32
        %parallel_loop3A_744 = arith.addi %parallel_loop3A_206, %parallel_loop3A_743 : i32
        %parallel_loop3A_745 = arith.index_cast %parallel_loop3A_744 : i32 to index
        %parallel_loop3A_746 = arith.constant 16 : index
        %parallel_loop3A_747 = tpu.vector_load %arg4[%parallel_loop3A_745, %parallel_loop3A_746] {strides = array<i32>} : memref<240x32xf32, #tpu.memory_space<vmem>>, vector<16xf32>,
        %parallel_loop3A_748 = arith.mulf %parallel_loop3A_747, %parallel_loop3A_731 : vector<16xf32>
        %parallel_loop3A_749 = arith.constant 3 : i32
        %parallel_loop3A_750 = arith.addi %parallel_loop3A_206, %parallel_loop3A_749 : i32
        %parallel_loop3A_751 = arith.index_cast %parallel_loop3A_750 : i32 to index
        %parallel_loop3A_752 = arith.constant 16 : index
        %parallel_loop3A_753 = tpu.vector_load %arg8[%parallel_loop3A_751, %parallel_loop3A_752] {strides = array<i32>} : memref<240x32xf32, #tpu.memory_space<vmem>>, vector<16xf32>,
        tpu.vector_store %arg8[%parallel_loop3A_751, %parallel_loop3A_752], %parallel_loop3A_748 {strides = array<i32>} : memref<240x32xf32, #tpu.memory_space<vmem>>, vector<16xf32>,
        %parallel_loop3A_754 = vector.extract_strided_slice %parallel_loop3A_653 {offsets = [4], sizes = [1], strides = [1]} : vector<16xf32> to vector<1xf32>
        %parallel_loop3A_755 = vector.extract %parallel_loop3A_754[0] : f32 from vector<1xf32>
        %parallel_loop3A_756 = vector.broadcast %parallel_loop3A_755 : f32 to vector<16xf32>
        %parallel_loop3A_757 = arith.constant 4 : i32
        %parallel_loop3A_758 = arith.addi %parallel_loop3A_206, %parallel_loop3A_757 : i32
        %parallel_loop3A_759 = arith.index_cast %parallel_loop3A_758 : i32 to index
        %parallel_loop3A_760 = arith.constant 0 : index
        %parallel_loop3A_761 = tpu.vector_load %arg4[%parallel_loop3A_759, %parallel_loop3A_760] {strides = array<i32>} : memref<240x32xf32, #tpu.memory_space<vmem>>, vector<16xf32>,
        %parallel_loop3A_762 = arith.mulf %parallel_loop3A_761, %parallel_loop3A_756 : vector<16xf32>
        %parallel_loop3A_763 = arith.constant 4 : i32
        %parallel_loop3A_764 = arith.addi %parallel_loop3A_206, %parallel_loop3A_763 : i32
        %parallel_loop3A_765 = arith.index_cast %parallel_loop3A_764 : i32 to index
        %parallel_loop3A_766 = arith.constant 0 : index
        %parallel_loop3A_767 = tpu.vector_load %arg8[%parallel_loop3A_765, %parallel_loop3A_766] {strides = array<i32>} : memref<240x32xf32, #tpu.memory_space<vmem>>, vector<16xf32>,
        tpu.vector_store %arg8[%parallel_loop3A_765, %parallel_loop3A_766], %parallel_loop3A_762 {strides = array<i32>} : memref<240x32xf32, #tpu.memory_space<vmem>>, vector<16xf32>,
        %parallel_loop3A_768 = arith.constant 4 : i32
        %parallel_loop3A_769 = arith.addi %parallel_loop3A_206, %parallel_loop3A_768 : i32
        %parallel_loop3A_770 = arith.index_cast %parallel_loop3A_769 : i32 to index
        %parallel_loop3A_771 = arith.constant 16 : index
        %parallel_loop3A_772 = tpu.vector_load %arg4[%parallel_loop3A_770, %parallel_loop3A_771] {strides = array<i32>} : memref<240x32xf32, #tpu.memory_space<vmem>>, vector<16xf32>,
        %parallel_loop3A_773 = arith.mulf %parallel_loop3A_772, %parallel_loop3A_756 : vector<16xf32>
        %parallel_loop3A_774 = arith.constant 4 : i32
        %parallel_loop3A_775 = arith.addi %parallel_loop3A_206, %parallel_loop3A_774 : i32
        %parallel_loop3A_776 = arith.index_cast %parallel_loop3A_775 : i32 to index
        %parallel_loop3A_777 = arith.constant 16 : index
        %parallel_loop3A_778 = tpu.vector_load %arg8[%parallel_loop3A_776, %parallel_loop3A_777] {strides = array<i32>} : memref<240x32xf32, #tpu.memory_space<vmem>>, vector<16xf32>,
        tpu.vector_store %arg8[%parallel_loop3A_776, %parallel_loop3A_777], %parallel_loop3A_773 {strides = array<i32>} : memref<240x32xf32, #tpu.memory_space<vmem>>, vector<16xf32>,
        %parallel_loop3A_779 = vector.extract_strided_slice %parallel_loop3A_653 {offsets = [5], sizes = [1], strides = [1]} : vector<16xf32> to vector<1xf32>
        %parallel_loop3A_780 = vector.extract %parallel_loop3A_779[0] : f32 from vector<1xf32>
        %parallel_loop3A_781 = vector.broadcast %parallel_loop3A_780 : f32 to vector<16xf32>
        %parallel_loop3A_782 = arith.constant 5 : i32
        %parallel_loop3A_783 = arith.addi %parallel_loop3A_206, %parallel_loop3A_782 : i32
        %parallel_loop3A_784 = arith.index_cast %parallel_loop3A_783 : i32 to index
        %parallel_loop3A_785 = arith.constant 0 : index
        %parallel_loop3A_786 = tpu.vector_load %arg4[%parallel_loop3A_784, %parallel_loop3A_785] {strides = array<i32>} : memref<240x32xf32, #tpu.memory_space<vmem>>, vector<16xf32>,
        %parallel_loop3A_787 = arith.mulf %parallel_loop3A_786, %parallel_loop3A_781 : vector<16xf32>
        %parallel_loop3A_788 = arith.constant 5 : i32
        %parallel_loop3A_789 = arith.addi %parallel_loop3A_206, %parallel_loop3A_788 : i32
        %parallel_loop3A_790 = arith.index_cast %parallel_loop3A_789 : i32 to index
        %parallel_loop3A_791 = arith.constant 0 : index
        %parallel_loop3A_792 = tpu.vector_load %arg8[%parallel_loop3A_790, %parallel_loop3A_791] {strides = array<i32>} : memref<240x32xf32, #tpu.memory_space<vmem>>, vector<16xf32>,
        tpu.vector_store %arg8[%parallel_loop3A_790, %parallel_loop3A_791], %parallel_loop3A_787 {strides = array<i32>} : memref<240x32xf32, #tpu.memory_space<vmem>>, vector<16xf32>,
        %parallel_loop3A_793 = arith.constant 5 : i32
        %parallel_loop3A_794 = arith.addi %parallel_loop3A_206, %parallel_loop3A_793 : i32
        %parallel_loop3A_795 = arith.index_cast %parallel_loop3A_794 : i32 to index
        %parallel_loop3A_796 = arith.constant 16 : index
        %parallel_loop3A_797 = tpu.vector_load %arg4[%parallel_loop3A_795, %parallel_loop3A_796] {strides = array<i32>} : memref<240x32xf32, #tpu.memory_space<vmem>>, vector<16xf32>,
        %parallel_loop3A_798 = arith.mulf %parallel_loop3A_797, %parallel_loop3A_781 : vector<16xf32>
        %parallel_loop3A_799 = arith.constant 5 : i32
        %parallel_loop3A_800 = arith.addi %parallel_loop3A_206, %parallel_loop3A_799 : i32
        %parallel_loop3A_801 = arith.index_cast %parallel_loop3A_800 : i32 to index
        %parallel_loop3A_802 = arith.constant 16 : index
        %parallel_loop3A_803 = tpu.vector_load %arg8[%parallel_loop3A_801, %parallel_loop3A_802] {strides = array<i32>} : memref<240x32xf32, #tpu.memory_space<vmem>>, vector<16xf32>,
        tpu.vector_store %arg8[%parallel_loop3A_801, %parallel_loop3A_802], %parallel_loop3A_798 {strides = array<i32>} : memref<240x32xf32, #tpu.memory_space<vmem>>, vector<16xf32>,
        %parallel_loop3A_804 = vector.extract_strided_slice %parallel_loop3A_653 {offsets = [6], sizes = [1], strides = [1]} : vector<16xf32> to vector<1xf32>
        %parallel_loop3A_805 = vector.extract %parallel_loop3A_804[0] : f32 from vector<1xf32>
        %parallel_loop3A_806 = vector.broadcast %parallel_loop3A_805 : f32 to vector<16xf32>
        %parallel_loop3A_807 = arith.constant 6 : i32
        %parallel_loop3A_808 = arith.addi %parallel_loop3A_206, %parallel_loop3A_807 : i32
        %parallel_loop3A_809 = arith.index_cast %parallel_loop3A_808 : i32 to index
        %parallel_loop3A_810 = arith.constant 0 : index
        %parallel_loop3A_811 = tpu.vector_load %arg4[%parallel_loop3A_809, %parallel_loop3A_810] {strides = array<i32>} : memref<240x32xf32, #tpu.memory_space<vmem>>, vector<16xf32>,
        %parallel_loop3A_812 = arith.mulf %parallel_loop3A_811, %parallel_loop3A_806 : vector<16xf32>
        %parallel_loop3A_813 = arith.constant 6 : i32
        %parallel_loop3A_814 = arith.addi %parallel_loop3A_206, %parallel_loop3A_813 : i32
        %parallel_loop3A_815 = arith.index_cast %parallel_loop3A_814 : i32 to index
        %parallel_loop3A_816 = arith.constant 0 : index
        %parallel_loop3A_817 = tpu.vector_load %arg8[%parallel_loop3A_815, %parallel_loop3A_816] {strides = array<i32>} : memref<240x32xf32, #tpu.memory_space<vmem>>, vector<16xf32>,
        tpu.vector_store %arg8[%parallel_loop3A_815, %parallel_loop3A_816], %parallel_loop3A_812 {strides = array<i32>} : memref<240x32xf32, #tpu.memory_space<vmem>>, vector<16xf32>,
        %parallel_loop3A_818 = arith.constant 6 : i32
        %parallel_loop3A_819 = arith.addi %parallel_loop3A_206, %parallel_loop3A_818 : i32
        %parallel_loop3A_820 = arith.index_cast %parallel_loop3A_819 : i32 to index
        %parallel_loop3A_821 = arith.constant 16 : index
        %parallel_loop3A_822 = tpu.vector_load %arg4[%parallel_loop3A_820, %parallel_loop3A_821] {strides = array<i32>} : memref<240x32xf32, #tpu.memory_space<vmem>>, vector<16xf32>,
        %parallel_loop3A_823 = arith.mulf %parallel_loop3A_822, %parallel_loop3A_806 : vector<16xf32>
        %parallel_loop3A_824 = arith.constant 6 : i32
        %parallel_loop3A_825 = arith.addi %parallel_loop3A_206, %parallel_loop3A_824 : i32
        %parallel_loop3A_826 = arith.index_cast %parallel_loop3A_825 : i32 to index
        %parallel_loop3A_827 = arith.constant 16 : index
        %parallel_loop3A_828 = tpu.vector_load %arg8[%parallel_loop3A_826, %parallel_loop3A_827] {strides = array<i32>} : memref<240x32xf32, #tpu.memory_space<vmem>>, vector<16xf32>,
        tpu.vector_store %arg8[%parallel_loop3A_826, %parallel_loop3A_827], %parallel_loop3A_823 {strides = array<i32>} : memref<240x32xf32, #tpu.memory_space<vmem>>, vector<16xf32>,
        %parallel_loop3A_829 = vector.extract_strided_slice %parallel_loop3A_653 {offsets = [7], sizes = [1], strides = [1]} : vector<16xf32> to vector<1xf32>
        %parallel_loop3A_830 = vector.extract %parallel_loop3A_829[0] : f32 from vector<1xf32>
        %parallel_loop3A_831 = vector.broadcast %parallel_loop3A_830 : f32 to vector<16xf32>
        %parallel_loop3A_832 = arith.constant 7 : i32
        %parallel_loop3A_833 = arith.addi %parallel_loop3A_206, %parallel_loop3A_832 : i32
        %parallel_loop3A_834 = arith.index_cast %parallel_loop3A_833 : i32 to index
        %parallel_loop3A_835 = arith.constant 0 : index
        %parallel_loop3A_836 = tpu.vector_load %arg4[%parallel_loop3A_834, %parallel_loop3A_835] {strides = array<i32>} : memref<240x32xf32, #tpu.memory_space<vmem>>, vector<16xf32>,
        %parallel_loop3A_837 = arith.mulf %parallel_loop3A_836, %parallel_loop3A_831 : vector<16xf32>
        %parallel_loop3A_838 = arith.constant 7 : i32
        %parallel_loop3A_839 = arith.addi %parallel_loop3A_206, %parallel_loop3A_838 : i32
        %parallel_loop3A_840 = arith.index_cast %parallel_loop3A_839 : i32 to index
        %parallel_loop3A_841 = arith.constant 0 : index
        %parallel_loop3A_842 = tpu.vector_load %arg8[%parallel_loop3A_840, %parallel_loop3A_841] {strides = array<i32>} : memref<240x32xf32, #tpu.memory_space<vmem>>, vector<16xf32>,
        tpu.vector_store %arg8[%parallel_loop3A_840, %parallel_loop3A_841], %parallel_loop3A_837 {strides = array<i32>} : memref<240x32xf32, #tpu.memory_space<vmem>>, vector<16xf32>,
        %parallel_loop3A_843 = arith.constant 7 : i32
        %parallel_loop3A_844 = arith.addi %parallel_loop3A_206, %parallel_loop3A_843 : i32
        %parallel_loop3A_845 = arith.index_cast %parallel_loop3A_844 : i32 to index
        %parallel_loop3A_846 = arith.constant 16 : index
        %parallel_loop3A_847 = tpu.vector_load %arg4[%parallel_loop3A_845, %parallel_loop3A_846] {strides = array<i32>} : memref<240x32xf32, #tpu.memory_space<vmem>>, vector<16xf32>,
        %parallel_loop3A_848 = arith.mulf %parallel_loop3A_847, %parallel_loop3A_831 : vector<16xf32>
        %parallel_loop3A_849 = arith.constant 7 : i32
        %parallel_loop3A_850 = arith.addi %parallel_loop3A_206, %parallel_loop3A_849 : i32
        %parallel_loop3A_851 = arith.index_cast %parallel_loop3A_850 : i32 to index
        %parallel_loop3A_852 = arith.constant 16 : index
        %parallel_loop3A_853 = tpu.vector_load %arg8[%parallel_loop3A_851, %parallel_loop3A_852] {strides = array<i32>} : memref<240x32xf32, #tpu.memory_space<vmem>>, vector<16xf32>,
        tpu.vector_store %arg8[%parallel_loop3A_851, %parallel_loop3A_852], %parallel_loop3A_848 {strides = array<i32>} : memref<240x32xf32, #tpu.memory_space<vmem>>, vector<16xf32>,
        %parallel_loop3A_854 = vector.extract_strided_slice %parallel_loop3A_653 {offsets = [8], sizes = [1], strides = [1]} : vector<16xf32> to vector<1xf32>
        %parallel_loop3A_855 = vector.extract %parallel_loop3A_854[0] : f32 from vector<1xf32>
        %parallel_loop3A_856 = vector.broadcast %parallel_loop3A_855 : f32 to vector<16xf32>
        %parallel_loop3A_857 = arith.constant 8 : i32
        %parallel_loop3A_858 = arith.addi %parallel_loop3A_206, %parallel_loop3A_857 : i32
        %parallel_loop3A_859 = arith.index_cast %parallel_loop3A_858 : i32 to index
        %parallel_loop3A_860 = arith.constant 0 : index
        %parallel_loop3A_861 = tpu.vector_load %arg4[%parallel_loop3A_859, %parallel_loop3A_860] {strides = array<i32>} : memref<240x32xf32, #tpu.memory_space<vmem>>, vector<16xf32>,
        %parallel_loop3A_862 = arith.mulf %parallel_loop3A_861, %parallel_loop3A_856 : vector<16xf32>
        %parallel_loop3A_863 = arith.constant 8 : i32
        %parallel_loop3A_864 = arith.addi %parallel_loop3A_206, %parallel_loop3A_863 : i32
        %parallel_loop3A_865 = arith.index_cast %parallel_loop3A_864 : i32 to index
        %parallel_loop3A_866 = arith.constant 0 : index
        %parallel_loop3A_867 = tpu.vector_load %arg8[%parallel_loop3A_865, %parallel_loop3A_866] {strides = array<i32>} : memref<240x32xf32, #tpu.memory_space<vmem>>, vector<16xf32>,
        tpu.vector_store %arg8[%parallel_loop3A_865, %parallel_loop3A_866], %parallel_loop3A_862 {strides = array<i32>} : memref<240x32xf32, #tpu.memory_space<vmem>>, vector<16xf32>,
        %parallel_loop3A_868 = arith.constant 8 : i32
        %parallel_loop3A_869 = arith.addi %parallel_loop3A_206, %parallel_loop3A_868 : i32
        %parallel_loop3A_870 = arith.index_cast %parallel_loop3A_869 : i32 to index
        %parallel_loop3A_871 = arith.constant 16 : index
        %parallel_loop3A_872 = tpu.vector_load %arg4[%parallel_loop3A_870, %parallel_loop3A_871] {strides = array<i32>} : memref<240x32xf32, #tpu.memory_space<vmem>>, vector<16xf32>,
        %parallel_loop3A_873 = arith.mulf %parallel_loop3A_872, %parallel_loop3A_856 : vector<16xf32>
        %parallel_loop3A_874 = arith.constant 8 : i32
        %parallel_loop3A_875 = arith.addi %parallel_loop3A_206, %parallel_loop3A_874 : i32
        %parallel_loop3A_876 = arith.index_cast %parallel_loop3A_875 : i32 to index
        %parallel_loop3A_877 = arith.constant 16 : index
        %parallel_loop3A_878 = tpu.vector_load %arg8[%parallel_loop3A_876, %parallel_loop3A_877] {strides = array<i32>} : memref<240x32xf32, #tpu.memory_space<vmem>>, vector<16xf32>,
        tpu.vector_store %arg8[%parallel_loop3A_876, %parallel_loop3A_877], %parallel_loop3A_873 {strides = array<i32>} : memref<240x32xf32, #tpu.memory_space<vmem>>, vector<16xf32>,
        %parallel_loop3A_879 = vector.extract_strided_slice %parallel_loop3A_653 {offsets = [9], sizes = [1], strides = [1]} : vector<16xf32> to vector<1xf32>
        %parallel_loop3A_880 = vector.extract %parallel_loop3A_879[0] : f32 from vector<1xf32>
        %parallel_loop3A_881 = vector.broadcast %parallel_loop3A_880 : f32 to vector<16xf32>
        %parallel_loop3A_882 = arith.constant 9 : i32
        %parallel_loop3A_883 = arith.addi %parallel_loop3A_206, %parallel_loop3A_882 : i32
        %parallel_loop3A_884 = arith.index_cast %parallel_loop3A_883 : i32 to index
        %parallel_loop3A_885 = arith.constant 0 : index
        %parallel_loop3A_886 = tpu.vector_load %arg4[%parallel_loop3A_884, %parallel_loop3A_885] {strides = array<i32>} : memref<240x32xf32, #tpu.memory_space<vmem>>, vector<16xf32>,
        %parallel_loop3A_887 = arith.mulf %parallel_loop3A_886, %parallel_loop3A_881 : vector<16xf32>
        %parallel_loop3A_888 = arith.constant 9 : i32
        %parallel_loop3A_889 = arith.addi %parallel_loop3A_206, %parallel_loop3A_888 : i32
        %parallel_loop3A_890 = arith.index_cast %parallel_loop3A_889 : i32 to index
        %parallel_loop3A_891 = arith.constant 0 : index
        %parallel_loop3A_892 = tpu.vector_load %arg8[%parallel_loop3A_890, %parallel_loop3A_891] {strides = array<i32>} : memref<240x32xf32, #tpu.memory_space<vmem>>, vector<16xf32>,
        tpu.vector_store %arg8[%parallel_loop3A_890, %parallel_loop3A_891], %parallel_loop3A_887 {strides = array<i32>} : memref<240x32xf32, #tpu.memory_space<vmem>>, vector<16xf32>,
        %parallel_loop3A_893 = arith.constant 9 : i32
        %parallel_loop3A_894 = arith.addi %parallel_loop3A_206, %parallel_loop3A_893 : i32
        %parallel_loop3A_895 = arith.index_cast %parallel_loop3A_894 : i32 to index
        %parallel_loop3A_896 = arith.constant 16 : index
        %parallel_loop3A_897 = tpu.vector_load %arg4[%parallel_loop3A_895, %parallel_loop3A_896] {strides = array<i32>} : memref<240x32xf32, #tpu.memory_space<vmem>>, vector<16xf32>,
        %parallel_loop3A_898 = arith.mulf %parallel_loop3A_897, %parallel_loop3A_881 : vector<16xf32>
        %parallel_loop3A_899 = arith.constant 9 : i32
        %parallel_loop3A_900 = arith.addi %parallel_loop3A_206, %parallel_loop3A_899 : i32
        %parallel_loop3A_901 = arith.index_cast %parallel_loop3A_900 : i32 to index
        %parallel_loop3A_902 = arith.constant 16 : index
        %parallel_loop3A_903 = tpu.vector_load %arg8[%parallel_loop3A_901, %parallel_loop3A_902] {strides = array<i32>} : memref<240x32xf32, #tpu.memory_space<vmem>>, vector<16xf32>,
        tpu.vector_store %arg8[%parallel_loop3A_901, %parallel_loop3A_902], %parallel_loop3A_898 {strides = array<i32>} : memref<240x32xf32, #tpu.memory_space<vmem>>, vector<16xf32>,
        %parallel_loop3A_904 = vector.extract_strided_slice %parallel_loop3A_653 {offsets = [10], sizes = [1], strides = [1]} : vector<16xf32> to vector<1xf32>
        %parallel_loop3A_905 = vector.extract %parallel_loop3A_904[0] : f32 from vector<1xf32>
        %parallel_loop3A_906 = vector.broadcast %parallel_loop3A_905 : f32 to vector<16xf32>
        %parallel_loop3A_907 = arith.constant 10 : i32
        %parallel_loop3A_908 = arith.addi %parallel_loop3A_206, %parallel_loop3A_907 : i32
        %parallel_loop3A_909 = arith.index_cast %parallel_loop3A_908 : i32 to index
        %parallel_loop3A_910 = arith.constant 0 : index
        %parallel_loop3A_911 = tpu.vector_load %arg4[%parallel_loop3A_909, %parallel_loop3A_910] {strides = array<i32>} : memref<240x32xf32, #tpu.memory_space<vmem>>, vector<16xf32>,
        %parallel_loop3A_912 = arith.mulf %parallel_loop3A_911, %parallel_loop3A_906 : vector<16xf32>
        %parallel_loop3A_913 = arith.constant 10 : i32
        %parallel_loop3A_914 = arith.addi %parallel_loop3A_206, %parallel_loop3A_913 : i32
        %parallel_loop3A_915 = arith.index_cast %parallel_loop3A_914 : i32 to index
        %parallel_loop3A_916 = arith.constant 0 : index
        %parallel_loop3A_917 = tpu.vector_load %arg8[%parallel_loop3A_915, %parallel_loop3A_916] {strides = array<i32>} : memref<240x32xf32, #tpu.memory_space<vmem>>, vector<16xf32>,
        tpu.vector_store %arg8[%parallel_loop3A_915, %parallel_loop3A_916], %parallel_loop3A_912 {strides = array<i32>} : memref<240x32xf32, #tpu.memory_space<vmem>>, vector<16xf32>,
        %parallel_loop3A_918 = arith.constant 10 : i32
        %parallel_loop3A_919 = arith.addi %parallel_loop3A_206, %parallel_loop3A_918 : i32
        %parallel_loop3A_920 = arith.index_cast %parallel_loop3A_919 : i32 to index
        %parallel_loop3A_921 = arith.constant 16 : index
        %parallel_loop3A_922 = tpu.vector_load %arg4[%parallel_loop3A_920, %parallel_loop3A_921] {strides = array<i32>} : memref<240x32xf32, #tpu.memory_space<vmem>>, vector<16xf32>,
        %parallel_loop3A_923 = arith.mulf %parallel_loop3A_922, %parallel_loop3A_906 : vector<16xf32>
        %parallel_loop3A_924 = arith.constant 10 : i32
        %parallel_loop3A_925 = arith.addi %parallel_loop3A_206, %parallel_loop3A_924 : i32
        %parallel_loop3A_926 = arith.index_cast %parallel_loop3A_925 : i32 to index
        %parallel_loop3A_927 = arith.constant 16 : index
        %parallel_loop3A_928 = tpu.vector_load %arg8[%parallel_loop3A_926, %parallel_loop3A_927] {strides = array<i32>} : memref<240x32xf32, #tpu.memory_space<vmem>>, vector<16xf32>,
        tpu.vector_store %arg8[%parallel_loop3A_926, %parallel_loop3A_927], %parallel_loop3A_923 {strides = array<i32>} : memref<240x32xf32, #tpu.memory_space<vmem>>, vector<16xf32>,
        %parallel_loop3A_929 = vector.extract_strided_slice %parallel_loop3A_653 {offsets = [11], sizes = [1], strides = [1]} : vector<16xf32> to vector<1xf32>
        %parallel_loop3A_930 = vector.extract %parallel_loop3A_929[0] : f32 from vector<1xf32>
        %parallel_loop3A_931 = vector.broadcast %parallel_loop3A_930 : f32 to vector<16xf32>
        %parallel_loop3A_932 = arith.constant 11 : i32
        %parallel_loop3A_933 = arith.addi %parallel_loop3A_206, %parallel_loop3A_932 : i32
        %parallel_loop3A_934 = arith.index_cast %parallel_loop3A_933 : i32 to index
        %parallel_loop3A_935 = arith.constant 0 : index
        %parallel_loop3A_936 = tpu.vector_load %arg4[%parallel_loop3A_934, %parallel_loop3A_935] {strides = array<i32>} : memref<240x32xf32, #tpu.memory_space<vmem>>, vector<16xf32>,
        %parallel_loop3A_937 = arith.mulf %parallel_loop3A_936, %parallel_loop3A_931 : vector<16xf32>
        %parallel_loop3A_938 = arith.constant 11 : i32
        %parallel_loop3A_939 = arith.addi %parallel_loop3A_206, %parallel_loop3A_938 : i32
        %parallel_loop3A_940 = arith.index_cast %parallel_loop3A_939 : i32 to index
        %parallel_loop3A_941 = arith.constant 0 : index
        %parallel_loop3A_942 = tpu.vector_load %arg8[%parallel_loop3A_940, %parallel_loop3A_941] {strides = array<i32>} : memref<240x32xf32, #tpu.memory_space<vmem>>, vector<16xf32>,
        tpu.vector_store %arg8[%parallel_loop3A_940, %parallel_loop3A_941], %parallel_loop3A_937 {strides = array<i32>} : memref<240x32xf32, #tpu.memory_space<vmem>>, vector<16xf32>,
        %parallel_loop3A_943 = arith.constant 11 : i32
        %parallel_loop3A_944 = arith.addi %parallel_loop3A_206, %parallel_loop3A_943 : i32
        %parallel_loop3A_945 = arith.index_cast %parallel_loop3A_944 : i32 to index
        %parallel_loop3A_946 = arith.constant 16 : index
        %parallel_loop3A_947 = tpu.vector_load %arg4[%parallel_loop3A_945, %parallel_loop3A_946] {strides = array<i32>} : memref<240x32xf32, #tpu.memory_space<vmem>>, vector<16xf32>,
        %parallel_loop3A_948 = arith.mulf %parallel_loop3A_947, %parallel_loop3A_931 : vector<16xf32>
        %parallel_loop3A_949 = arith.constant 11 : i32
        %parallel_loop3A_950 = arith.addi %parallel_loop3A_206, %parallel_loop3A_949 : i32
        %parallel_loop3A_951 = arith.index_cast %parallel_loop3A_950 : i32 to index
        %parallel_loop3A_952 = arith.constant 16 : index
        %parallel_loop3A_953 = tpu.vector_load %arg8[%parallel_loop3A_951, %parallel_loop3A_952] {strides = array<i32>} : memref<240x32xf32, #tpu.memory_space<vmem>>, vector<16xf32>,
        tpu.vector_store %arg8[%parallel_loop3A_951, %parallel_loop3A_952], %parallel_loop3A_948 {strides = array<i32>} : memref<240x32xf32, #tpu.memory_space<vmem>>, vector<16xf32>,
        %parallel_loop3A_954 = vector.extract_strided_slice %parallel_loop3A_653 {offsets = [12], sizes = [1], strides = [1]} : vector<16xf32> to vector<1xf32>
        %parallel_loop3A_955 = vector.extract %parallel_loop3A_954[0] : f32 from vector<1xf32>
        %parallel_loop3A_956 = vector.broadcast %parallel_loop3A_955 : f32 to vector<16xf32>
        %parallel_loop3A_957 = arith.constant 12 : i32
        %parallel_loop3A_958 = arith.addi %parallel_loop3A_206, %parallel_loop3A_957 : i32
        %parallel_loop3A_959 = arith.index_cast %parallel_loop3A_958 : i32 to index
        %parallel_loop3A_960 = arith.constant 0 : index
        %parallel_loop3A_961 = tpu.vector_load %arg4[%parallel_loop3A_959, %parallel_loop3A_960] {strides = array<i32>} : memref<240x32xf32, #tpu.memory_space<vmem>>, vector<16xf32>,
        %parallel_loop3A_962 = arith.mulf %parallel_loop3A_961, %parallel_loop3A_956 : vector<16xf32>
        %parallel_loop3A_963 = arith.constant 12 : i32
        %parallel_loop3A_964 = arith.addi %parallel_loop3A_206, %parallel_loop3A_963 : i32
        %parallel_loop3A_965 = arith.index_cast %parallel_loop3A_964 : i32 to index
        %parallel_loop3A_966 = arith.constant 0 : index
        %parallel_loop3A_967 = tpu.vector_load %arg8[%parallel_loop3A_965, %parallel_loop3A_966] {strides = array<i32>} : memref<240x32xf32, #tpu.memory_space<vmem>>, vector<16xf32>,
        tpu.vector_store %arg8[%parallel_loop3A_965, %parallel_loop3A_966], %parallel_loop3A_962 {strides = array<i32>} : memref<240x32xf32, #tpu.memory_space<vmem>>, vector<16xf32>,
        %parallel_loop3A_968 = arith.constant 12 : i32
        %parallel_loop3A_969 = arith.addi %parallel_loop3A_206, %parallel_loop3A_968 : i32
        %parallel_loop3A_970 = arith.index_cast %parallel_loop3A_969 : i32 to index
        %parallel_loop3A_971 = arith.constant 16 : index
        %parallel_loop3A_972 = tpu.vector_load %arg4[%parallel_loop3A_970, %parallel_loop3A_971] {strides = array<i32>} : memref<240x32xf32, #tpu.memory_space<vmem>>, vector<16xf32>,
        %parallel_loop3A_973 = arith.mulf %parallel_loop3A_972, %parallel_loop3A_956 : vector<16xf32>
        %parallel_loop3A_974 = arith.constant 12 : i32
        %parallel_loop3A_975 = arith.addi %parallel_loop3A_206, %parallel_loop3A_974 : i32
        %parallel_loop3A_976 = arith.index_cast %parallel_loop3A_975 : i32 to index
        %parallel_loop3A_977 = arith.constant 16 : index
        %parallel_loop3A_978 = tpu.vector_load %arg8[%parallel_loop3A_976, %parallel_loop3A_977] {strides = array<i32>} : memref<240x32xf32, #tpu.memory_space<vmem>>, vector<16xf32>,
        tpu.vector_store %arg8[%parallel_loop3A_976, %parallel_loop3A_977], %parallel_loop3A_973 {strides = array<i32>} : memref<240x32xf32, #tpu.memory_space<vmem>>, vector<16xf32>,
        %parallel_loop3A_979 = vector.extract_strided_slice %parallel_loop3A_653 {offsets = [13], sizes = [1], strides = [1]} : vector<16xf32> to vector<1xf32>
        %parallel_loop3A_980 = vector.extract %parallel_loop3A_979[0] : f32 from vector<1xf32>
        %parallel_loop3A_981 = vector.broadcast %parallel_loop3A_980 : f32 to vector<16xf32>
        %parallel_loop3A_982 = arith.constant 13 : i32
        %parallel_loop3A_983 = arith.addi %parallel_loop3A_206, %parallel_loop3A_982 : i32
        %parallel_loop3A_984 = arith.index_cast %parallel_loop3A_983 : i32 to index
        %parallel_loop3A_985 = arith.constant 0 : index
        %parallel_loop3A_986 = tpu.vector_load %arg4[%parallel_loop3A_984, %parallel_loop3A_985] {strides = array<i32>} : memref<240x32xf32, #tpu.memory_space<vmem>>, vector<16xf32>,
        %parallel_loop3A_987 = arith.mulf %parallel_loop3A_986, %parallel_loop3A_981 : vector<16xf32>
        %parallel_loop3A_988 = arith.constant 13 : i32
        %parallel_loop3A_989 = arith.addi %parallel_loop3A_206, %parallel_loop3A_988 : i32
        %parallel_loop3A_990 = arith.index_cast %parallel_loop3A_989 : i32 to index
        %parallel_loop3A_991 = arith.constant 0 : index
        %parallel_loop3A_992 = tpu.vector_load %arg8[%parallel_loop3A_990, %parallel_loop3A_991] {strides = array<i32>} : memref<240x32xf32, #tpu.memory_space<vmem>>, vector<16xf32>,
        tpu.vector_store %arg8[%parallel_loop3A_990, %parallel_loop3A_991], %parallel_loop3A_987 {strides = array<i32>} : memref<240x32xf32, #tpu.memory_space<vmem>>, vector<16xf32>,
        %parallel_loop3A_993 = arith.constant 13 : i32
        %parallel_loop3A_994 = arith.addi %parallel_loop3A_206, %parallel_loop3A_993 : i32
        %parallel_loop3A_995 = arith.index_cast %parallel_loop3A_994 : i32 to index
        %parallel_loop3A_996 = arith.constant 16 : index
        %parallel_loop3A_997 = tpu.vector_load %arg4[%parallel_loop3A_995, %parallel_loop3A_996] {strides = array<i32>} : memref<240x32xf32, #tpu.memory_space<vmem>>, vector<16xf32>,
        %parallel_loop3A_998 = arith.mulf %parallel_loop3A_997, %parallel_loop3A_981 : vector<16xf32>
        %parallel_loop3A_999 = arith.constant 13 : i32
        %parallel_loop3A_1000 = arith.addi %parallel_loop3A_206, %parallel_loop3A_999 : i32
        %parallel_loop3A_1001 = arith.index_cast %parallel_loop3A_1000 : i32 to index
        %parallel_loop3A_1002 = arith.constant 16 : index
        %parallel_loop3A_1003 = tpu.vector_load %arg8[%parallel_loop3A_1001, %parallel_loop3A_1002] {strides = array<i32>} : memref<240x32xf32, #tpu.memory_space<vmem>>, vector<16xf32>,
        tpu.vector_store %arg8[%parallel_loop3A_1001, %parallel_loop3A_1002], %parallel_loop3A_998 {strides = array<i32>} : memref<240x32xf32, #tpu.memory_space<vmem>>, vector<16xf32>,
        %parallel_loop3A_1004 = vector.extract_strided_slice %parallel_loop3A_653 {offsets = [14], sizes = [1], strides = [1]} : vector<16xf32> to vector<1xf32>
        %parallel_loop3A_1005 = vector.extract %parallel_loop3A_1004[0] : f32 from vector<1xf32>
        %parallel_loop3A_1006 = vector.broadcast %parallel_loop3A_1005 : f32 to vector<16xf32>
        %parallel_loop3A_1007 = arith.constant 14 : i32
        %parallel_loop3A_1008 = arith.addi %parallel_loop3A_206, %parallel_loop3A_1007 : i32
        %parallel_loop3A_1009 = arith.index_cast %parallel_loop3A_1008 : i32 to index
        %parallel_loop3A_1010 = arith.constant 0 : index
        %parallel_loop3A_1011 = tpu.vector_load %arg4[%parallel_loop3A_1009, %parallel_loop3A_1010] {strides = array<i32>} : memref<240x32xf32, #tpu.memory_space<vmem>>, vector<16xf32>,
        %parallel_loop3A_1012 = arith.mulf %parallel_loop3A_1011, %parallel_loop3A_1006 : vector<16xf32>
        %parallel_loop3A_1013 = arith.constant 14 : i32
        %parallel_loop3A_1014 = arith.addi %parallel_loop3A_206, %parallel_loop3A_1013 : i32
        %parallel_loop3A_1015 = arith.index_cast %parallel_loop3A_1014 : i32 to index
        %parallel_loop3A_1016 = arith.constant 0 : index
        %parallel_loop3A_1017 = tpu.vector_load %arg8[%parallel_loop3A_1015, %parallel_loop3A_1016] {strides = array<i32>} : memref<240x32xf32, #tpu.memory_space<vmem>>, vector<16xf32>,
        tpu.vector_store %arg8[%parallel_loop3A_1015, %parallel_loop3A_1016], %parallel_loop3A_1012 {strides = array<i32>} : memref<240x32xf32, #tpu.memory_space<vmem>>, vector<16xf32>,
        %parallel_loop3A_1018 = arith.constant 14 : i32
        %parallel_loop3A_1019 = arith.addi %parallel_loop3A_206, %parallel_loop3A_1018 : i32
        %parallel_loop3A_1020 = arith.index_cast %parallel_loop3A_1019 : i32 to index
        %parallel_loop3A_1021 = arith.constant 16 : index
        %parallel_loop3A_1022 = tpu.vector_load %arg4[%parallel_loop3A_1020, %parallel_loop3A_1021] {strides = array<i32>} : memref<240x32xf32, #tpu.memory_space<vmem>>, vector<16xf32>,
        %parallel_loop3A_1023 = arith.mulf %parallel_loop3A_1022, %parallel_loop3A_1006 : vector<16xf32>
        %parallel_loop3A_1024 = arith.constant 14 : i32
        %parallel_loop3A_1025 = arith.addi %parallel_loop3A_206, %parallel_loop3A_1024 : i32
        %parallel_loop3A_1026 = arith.index_cast %parallel_loop3A_1025 : i32 to index
        %parallel_loop3A_1027 = arith.constant 16 : index
        %parallel_loop3A_1028 = tpu.vector_load %arg8[%parallel_loop3A_1026, %parallel_loop3A_1027] {strides = array<i32>} : memref<240x32xf32, #tpu.memory_space<vmem>>, vector<16xf32>,
        tpu.vector_store %arg8[%parallel_loop3A_1026, %parallel_loop3A_1027], %parallel_loop3A_1023 {strides = array<i32>} : memref<240x32xf32, #tpu.memory_space<vmem>>, vector<16xf32>,
        %parallel_loop3A_1029 = vector.extract_strided_slice %parallel_loop3A_653 {offsets = [15], sizes = [1], strides = [1]} : vector<16xf32> to vector<1xf32>
        %parallel_loop3A_1030 = vector.extract %parallel_loop3A_1029[0] : f32 from vector<1xf32>
        %parallel_loop3A_1031 = vector.broadcast %parallel_loop3A_1030 : f32 to vector<16xf32>
        %parallel_loop3A_1032 = arith.constant 15 : i32
        %parallel_loop3A_1033 = arith.addi %parallel_loop3A_206, %parallel_loop3A_1032 : i32
        %parallel_loop3A_1034 = arith.index_cast %parallel_loop3A_1033 : i32 to index
        %parallel_loop3A_1035 = arith.constant 0 : index
        %parallel_loop3A_1036 = tpu.vector_load %arg4[%parallel_loop3A_1034, %parallel_loop3A_1035] {strides = array<i32>} : memref<240x32xf32, #tpu.memory_space<vmem>>, vector<16xf32>,
        %parallel_loop3A_1037 = arith.mulf %parallel_loop3A_1036, %parallel_loop3A_1031 : vector<16xf32>
        %parallel_loop3A_1038 = arith.constant 15 : i32
        %parallel_loop3A_1039 = arith.addi %parallel_loop3A_206, %parallel_loop3A_1038 : i32
        %parallel_loop3A_1040 = arith.index_cast %parallel_loop3A_1039 : i32 to index
        %parallel_loop3A_1041 = arith.constant 0 : index
        %parallel_loop3A_1042 = tpu.vector_load %arg8[%parallel_loop3A_1040, %parallel_loop3A_1041] {strides = array<i32>} : memref<240x32xf32, #tpu.memory_space<vmem>>, vector<16xf32>,
        tpu.vector_store %arg8[%parallel_loop3A_1040, %parallel_loop3A_1041], %parallel_loop3A_1037 {strides = array<i32>} : memref<240x32xf32, #tpu.memory_space<vmem>>, vector<16xf32>,
        %parallel_loop3A_1043 = arith.constant 15 : i32
        %parallel_loop3A_1044 = arith.addi %parallel_loop3A_206, %parallel_loop3A_1043 : i32
        %parallel_loop3A_1045 = arith.index_cast %parallel_loop3A_1044 : i32 to index
        %parallel_loop3A_1046 = arith.constant 16 : index
        %parallel_loop3A_1047 = tpu.vector_load %arg4[%parallel_loop3A_1045, %parallel_loop3A_1046] {strides = array<i32>} : memref<240x32xf32, #tpu.memory_space<vmem>>, vector<16xf32>,
        %parallel_loop3A_1048 = arith.mulf %parallel_loop3A_1047, %parallel_loop3A_1031 : vector<16xf32>
        %parallel_loop3A_1049 = arith.constant 15 : i32
        %parallel_loop3A_1050 = arith.addi %parallel_loop3A_206, %parallel_loop3A_1049 : i32
        %parallel_loop3A_1051 = arith.index_cast %parallel_loop3A_1050 : i32 to index
        %parallel_loop3A_1052 = arith.constant 16 : index
        %parallel_loop3A_1053 = tpu.vector_load %arg8[%parallel_loop3A_1051, %parallel_loop3A_1052] {strides = array<i32>} : memref<240x32xf32, #tpu.memory_space<vmem>>, vector<16xf32>,
        tpu.vector_store %arg8[%parallel_loop3A_1051, %parallel_loop3A_1052], %parallel_loop3A_1048 {strides = array<i32>} : memref<240x32xf32, #tpu.memory_space<vmem>>, vector<16xf32>,
      } {sc.loop_unroll_factor = 4 : i64, sc.parallel_access}
      %add3A_148 = arith.constant 130 : i32
      %add3A_149 = arith.addi %select_n3A, %add3A_148 : i32
      %mul3A_150 = arith.constant 240 : i32
      %mul3A_151 = arith.muli %add3A_149, %mul3A_150 : i32
      %min3A_152 = arith.constant 999760 : i32
      %min3A_153 = arith.minsi %mul3A_151, %min3A_152 : i32
      %multiple_of3A_154 = tpu.assume_multiple %min3A_153, 8 : i32
      %add3A_155 = arith.constant 0 : i32
      %add3A_156 = arith.addi %multiple_of3A_154, %add3A_155 : i32
      %dma_start3A_157 = arith.constant 0 : i32
      %dma_start3A_158 = arith.constant 0 : i32
      %dma_start3A_159 = tpu.memref_slice %arg8[%dma_start3A_157, %dma_start3A_158] : memref<240x32xf32, #tpu.memory_space<vmem>> -> memref<64x32xf32, #tpu.memory_space<vmem>>
      %dma_start3A_160 = arith.constant 0 : i32
      %dma_start3A_161 = tpu.memref_slice %arg3[%add3A_156, %dma_start3A_160] : memref<1000000x32xf32, #tpu.memory_space<hbm>> -> memref<64x32xf32, #tpu.memory_space<hbm>>
      %dma_start3A_162 = arith.constant 0 : i32
      %dma_start3A_163 = tpu.memref_slice %arg3[%add3A_156, %dma_start3A_162] : memref<1000000x32xf32, #tpu.memory_space<hbm>> -> memref<64x32xf32, #tpu.memory_space<hbm>>
      %dma_start3A_164 = arith.constant 0 : i32
      %dma_start3A_165 = arith.constant 0 : i32
      %dma_start3A_166 = tpu.memref_slice %arg8[%dma_start3A_164, %dma_start3A_165] : memref<240x32xf32, #tpu.memory_space<vmem>> -> memref<64x32xf32, #tpu.memory_space<vmem>>
      tpu.enqueue_dma source(%dma_start3A_166 : memref<64x32xf32, #tpu.memory_space<vmem>>) target(%dma_start3A_163 : memref<64x32xf32, #tpu.memory_space<hbm>>) target_semaphore(%arg11 : memref<!tpu.dma_semaphore, #tpu.memory_space<semaphore_mem>>)
      %add3A_167 = arith.constant 64 : i32
      %add3A_168 = arith.addi %multiple_of3A_154, %add3A_167 : i32
      %dma_start3A_169 = arith.constant 64 : i32
      %dma_start3A_170 = arith.constant 0 : i32
      %dma_start3A_171 = tpu.memref_slice %arg8[%dma_start3A_169, %dma_start3A_170] : memref<240x32xf32, #tpu.memory_space<vmem>> -> memref<64x32xf32, #tpu.memory_space<vmem>>
      %dma_start3A_172 = arith.constant 0 : i32
      %dma_start3A_173 = tpu.memref_slice %arg3[%add3A_168, %dma_start3A_172] : memref<1000000x32xf32, #tpu.memory_space<hbm>> -> memref<64x32xf32, #tpu.memory_space<hbm>>
      %dma_start3A_174 = arith.constant 0 : i32
      %dma_start3A_175 = tpu.memref_slice %arg3[%add3A_168, %dma_start3A_174] : memref<1000000x32xf32, #tpu.memory_space<hbm>> -> memref<64x32xf32, #tpu.memory_space<hbm>>
      %dma_start3A_176 = arith.constant 64 : i32
      %dma_start3A_177 = arith.constant 0 : i32
      %dma_start3A_178 = tpu.memref_slice %arg8[%dma_start3A_176, %dma_start3A_177] : memref<240x32xf32, #tpu.memory_space<vmem>> -> memref<64x32xf32, #tpu.memory_space<vmem>>
      tpu.enqueue_dma source(%dma_start3A_178 : memref<64x32xf32, #tpu.memory_space<vmem>>) target(%dma_start3A_175 : memref<64x32xf32, #tpu.memory_space<hbm>>) target_semaphore(%arg11 : memref<!tpu.dma_semaphore, #tpu.memory_space<semaphore_mem>>)
      %add3A_179 = arith.constant 128 : i32
      %add3A_180 = arith.addi %multiple_of3A_154, %add3A_179 : i32
      %dma_start3A_181 = arith.constant 128 : i32
      %dma_start3A_182 = arith.constant 0 : i32
      %dma_start3A_183 = tpu.memref_slice %arg8[%dma_start3A_181, %dma_start3A_182] : memref<240x32xf32, #tpu.memory_space<vmem>> -> memref<64x32xf32, #tpu.memory_space<vmem>>
      %dma_start3A_184 = arith.constant 0 : i32
      %dma_start3A_185 = tpu.memref_slice %arg3[%add3A_180, %dma_start3A_184] : memref<1000000x32xf32, #tpu.memory_space<hbm>> -> memref<64x32xf32, #tpu.memory_space<hbm>>
      %dma_start3A_186 = arith.constant 0 : i32
      %dma_start3A_187 = tpu.memref_slice %arg3[%add3A_180, %dma_start3A_186] : memref<1000000x32xf32, #tpu.memory_space<hbm>> -> memref<64x32xf32, #tpu.memory_space<hbm>>
      %dma_start3A_188 = arith.constant 128 : i32
      %dma_start3A_189 = arith.constant 0 : i32
      %dma_start3A_190 = tpu.memref_slice %arg8[%dma_start3A_188, %dma_start3A_189] : memref<240x32xf32, #tpu.memory_space<vmem>> -> memref<64x32xf32, #tpu.memory_space<vmem>>
      tpu.enqueue_dma source(%dma_start3A_190 : memref<64x32xf32, #tpu.memory_space<vmem>>) target(%dma_start3A_187 : memref<64x32xf32, #tpu.memory_space<hbm>>) target_semaphore(%arg11 : memref<!tpu.dma_semaphore, #tpu.memory_space<semaphore_mem>>)
      %add3A_191 = arith.constant 192 : i32
      %add3A_192 = arith.addi %multiple_of3A_154, %add3A_191 : i32
      %dma_start3A_193 = arith.constant 192 : i32
      %dma_start3A_194 = arith.constant 0 : i32
      %dma_start3A_195 = tpu.memref_slice %arg8[%dma_start3A_193, %dma_start3A_194] : memref<240x32xf32, #tpu.memory_space<vmem>> -> memref<48x32xf32, #tpu.memory_space<vmem>>
      %dma_start3A_196 = arith.constant 0 : i32
      %dma_start3A_197 = tpu.memref_slice %arg3[%add3A_192, %dma_start3A_196] : memref<1000000x32xf32, #tpu.memory_space<hbm>> -> memref<48x32xf32, #tpu.memory_space<hbm>>
      %dma_start3A_198 = arith.constant 0 : i32
      %dma_start3A_199 = tpu.memref_slice %arg3[%add3A_192, %dma_start3A_198] : memref<1000000x32xf32, #tpu.memory_space<hbm>> -> memref<48x32xf32, #tpu.memory_space<hbm>>
      %dma_start3A_200 = arith.constant 192 : i32
      %dma_start3A_201 = arith.constant 0 : i32
      %dma_start3A_202 = tpu.memref_slice %arg8[%dma_start3A_200, %dma_start3A_201] : memref<240x32xf32, #tpu.memory_space<vmem>> -> memref<48x32xf32, #tpu.memory_space<vmem>>
      tpu.enqueue_dma source(%dma_start3A_202 : memref<48x32xf32, #tpu.memory_space<vmem>>) target(%dma_start3A_199 : memref<48x32xf32, #tpu.memory_space<hbm>>) target_semaphore(%arg11 : memref<!tpu.dma_semaphore, #tpu.memory_space<semaphore_mem>>)
    } else {
    }
    %dma_wait3A = arith.constant 0 : i32
    %dma_wait3A_120 = arith.constant 0 : i32
    %dma_wait3A_121 = tpu.memref_slice %arg2[%dma_wait3A, %dma_wait3A_120] : memref<1000000x32xf32, #tpu.memory_space<hbm>> -> memref<240x32xf32, #tpu.memory_space<hbm>>
    %dma_wait3A_122 = arith.constant 0 : i32
    %dma_wait3A_123 = arith.constant 0 : i32
    %dma_wait3A_124 = tpu.memref_slice %arg2[%dma_wait3A_122, %dma_wait3A_123] : memref<1000000x32xf32, #tpu.memory_space<hbm>> -> memref<240x32xf32, #tpu.memory_space<hbm>>
    tpu.wait_dma2 semaphore(%arg11 : memref<!tpu.dma_semaphore, #tpu.memory_space<semaphore_mem>>) src(%dma_wait3A_124 : memref<240x32xf32, #tpu.memory_space<hbm>>) dst(%arg8 : memref<240x32xf32, #tpu.memory_space<vmem>>)
    %dma_wait3A_125 = arith.constant 0 : i32
    %dma_wait3A_126 = arith.constant 0 : i32
    %dma_wait3A_127 = tpu.memref_slice %arg2[%dma_wait3A_125, %dma_wait3A_126] : memref<1000000x32xf32, #tpu.memory_space<hbm>> -> memref<240x32xf32, #tpu.memory_space<hbm>>
    %dma_wait3A_128 = arith.constant 0 : i32
    %dma_wait3A_129 = arith.constant 0 : i32
    %dma_wait3A_130 = tpu.memref_slice %arg2[%dma_wait3A_128, %dma_wait3A_129] : memref<1000000x32xf32, #tpu.memory_space<hbm>> -> memref<240x32xf32, #tpu.memory_space<hbm>>
    tpu.wait_dma2 semaphore(%arg12 : memref<!tpu.dma_semaphore, #tpu.memory_space<semaphore_mem>>) src(%dma_wait3A_130 : memref<240x32xf32, #tpu.memory_space<hbm>>) dst(%arg9 : memref<240x32xf32, #tpu.memory_space<vmem>>)
    return
  }
}

</mosaic_0001>

<sc_bundles>
// kernel: lorentz_exp_map0_sc.3.cloned.1.call-start
scs
__scs_entry_jumppad:
0x0: {  	(pc) =	sbr.rel $0x88, $3  }
0x1: {  	(tag) =	ssettag $0x0;
	lr =	simm.s32 $0x1  }
0x2: {  	[smem:$0x3FA0] =	sst lr;
	_ =	strace $0xD0000000  }
0x3: {  	_ = 	snop  }
0x4: {  	_ = 	snop  }
0x5: {  	_ = 	snop  }
0x6: {  	_ = 	snop  }
0x7: {  	_ = 	snop  }
__scs_overlays_trampoline_lowered:
0x8: {  	[smem:$0x3FAF] =	sst s0  }
0x9: {  	[smem:$0x3FB0] =	sst s1  }
0xa: {  	[smem:$0x3FB1] =	sst s2  }
0xb: {  	[smem:$0x3FB2] =	sst s3  }
0xc: {  	[smem:$0x3FB3] =	sst s4  }
0xd: {  	[smem:$0x3FB4] =	sst s5  }
0xe: {  	[smem:$0x3FB5] =	sst s6  }
0xf: {  	[smem:$0x3FB6] =	sst s7  }
0x10: {  	[smem:$0x3FB7] =	sst s8  }
0x11: {  	[smem:$0x3FB8] =	sst s9;
	s0 =	simm.s32 @!p0 $0x0  }
0x12: {  	s1 =	sld [smem:$0x3F9E];
	s0 =	simm.s32 @p0 $0x1  }
0x13: {  	[smem:$0x3FB9] =	sst s0;
	s0 =	simm.s32 @!p1 $0x0  }
0x14: {  	s2 =	sld [smem:$0x3F9D];
	s0 =	simm.s32 @p1 $0x1  }
0x15: {  	[smem:$0x3FBA] =	sst s0;
	s0 =	simm.s32 @!p2 $0x0  }
0x16: {  	s3 =	sld [smem:$0x3FDB];
	s0 =	simm.s32 @p2 $0x1  }
0x17: {  	s4 =	simm.s32 $0x1BF5;
	[smem:$0x3FBC] =	sst s0  }
0x18: {  	s0 =	sld [smem:$0x3F9F];
	_ =	swait.ge [sflag:s4], $0x0  }
0x19: {  	s7 =	sld [smem:$0x3FA0]  }
0x1a: {  	s8 =	sadd.s32 $0xFFFFE003, lr  }
0x1b: {  	s9 =	sadd.s32 $0xFFFFFEF7, lr;
	s5 =	simm.s32 $0xFFFFFFFF;
	p2 =	slt.u32 s8, $0xFFFFF086  }
0x1c: {  	p1 =	slt.u32 s9, $0xF7A;
	s5 =	simm.s32 @!p2 $0x0  }
0x1d: {  	s5 =	simm.s32 @p1 $0x1;
	p0 =	seq.s32 s7, s2  }
0x1e: {  	s7 =	smul.u32 @!p0 $0xF7A, s2;
	p2 =	seq.s32 @!p0 s5, $0x0  }
0x1f: {  	s9 =	smul.u32 $0xF7A, s1;
	s8 =	simm.s32 @!p0 $0x1BF5;
	p2 =	por !p2, p0  }
0x20: {  	[sflag:s8] =	ssyncset.s32 @!p0 $0xFFFFF086;
	s6 =	sadd.s32 @!p0 s3, s7;
	s7 =	simm.s32 @!p0 $0x108  }
0x21: {  	s3 =	sadd.s32 s3, s9;
	s6 =	sadd.s32 @!p0 $0x88, s6;
	s7 =	simm.s32 @p2 $0x1082  }
0x22: {  	[simem:s7], [sflag:s8] =	dma.local @!p0 [hbm:s6], $0xF7A  }
0x23: {  	s9 =	sor.u32 $0xD0000000, s2;
	s6 =	simm.s32 $0x108;
	_ =	swait.ge @!p0 [sflag:s8], $0x0  }
0x24: {  	s3 =	sadd.s32 $0x88, s3;
	s6 =	simm.s32 @!p1 $0x1082;
	[sflag:s4] =	ssyncset.s32 $0xFFFFF086  }
0x25: {  	[simem:s6], [sflag:s4] =	dma.local [hbm:s3], $0xF7A  }
0x26: {  	[smem:$0x3FA0] =	sst s1;
	(tag) =	ssettag s2;
	_ =	strace s9  }
0x27: {  	s1 =	sld [smem:$0x3FB0]  }
0x28: {  	s2 =	sld [smem:$0x3FB1]  }
0x29: {  	s4 =	sld [smem:$0x3FB3]  }
0x2a: {  	p0 =	seq.s32 s5, $0x0;
	s5 =	sld [smem:$0x3FB4]  }
0x2b: {  	s6 =	sld [smem:$0x3FB5]  }
0x2c: {  	s7 =	sld [smem:$0x3FB6]  }
0x2d: {  	s3 =	simm.s32 $0x108;
	s8 =	sld [smem:$0x3FB7]  }
0x2e: {  	s3 =	simm.s32 @!p0 $0x1082;
	s9 =	sld [smem:$0x3FB8]  }
0x2f: {  	lr =	sadd.s32 s0, s3;
	s0 =	sld [smem:$0x3FAF]  }
0x30: {  	s3 =	sld [smem:$0x3FB2]  }
0x31: {  	[smem:$0x3FBB] =	sst s10  }
0x32: {  	s10 =	sld [smem:$0x3FB9];
	_ =	sdelay $0x3  }
0x33: {  	p0 =	seq.s32 s10, $0x1;
	s10 =	sld [smem:$0x3FBB];
	_ =	sdelay $0x3  }
0x34: {  	[smem:$0x3FBB] =	sst s10  }
0x35: {  	s10 =	sld [smem:$0x3FBA];
	_ =	sdelay $0x3  }
0x36: {  	p1 =	seq.s32 s10, $0x1;
	s10 =	sld [smem:$0x3FBB];
	_ =	sdelay $0x3  }
0x37: {  	[smem:$0x3FBB] =	sst s10  }
0x38: {  	s10 =	sld [smem:$0x3FBC]  }
0x39: {  	_ = 	snop;
	(pc) =	sbr.ind lr, $3  }
0x3a: {  	_ = 	snop  }
0x3b: {  	_ = 	snop  }
0x3c: {  	p2 =	seq.s32 s10, $0x1;
	s10 =	sld [smem:$0x3FBB]  }
0x3d: {  	_ =	shalt  }
0x3e: {  	_ =	shalt  }
0x3f: {  	_ =	shalt  }
0x40: {  	_ =	shalt  }
0x41: {  	_ =	shalt  }
0x42: {  	_ =	shalt  }
0x43: {  	_ =	shalt  }
0x44: {  	_ =	shalt  }
0x45: {  	_ =	shalt  }
0x46: {  	_ =	shalt  }
0x47: {  	_ =	shalt  }
0x48: {  	_ =	shalt  }
0x49: {  	_ =	shalt  }
0x4a: {  	_ =	shalt  }
0x4b: {  	_ =	shalt  }
0x4c: {  	_ =	shalt  }
0x4d: {  	_ =	shalt  }
0x4e: {  	_ =	shalt  }
0x4f: {  	_ =	shalt  }
0x50: {  	_ =	shalt  }
0x51: {  	_ =	shalt  }
0x52: {  	_ =	shalt  }
0x53: {  	_ =	shalt  }
0x54: {  	_ =	shalt  }
0x55: {  	_ =	shalt  }
0x56: {  	_ =	shalt  }
0x57: {  	_ =	shalt  }
0x58: {  	_ =	shalt  }
0x59: {  	_ =	shalt  }
0x5a: {  	_ =	shalt  }
0x5b: {  	_ =	shalt  }
0x5c: {  	_ =	shalt  }
0x5d: {  	_ =	shalt  }
0x5e: {  	_ =	shalt  }
0x5f: {  	_ =	shalt  }
0x60: {  	_ =	shalt  }
0x61: {  	_ =	shalt  }
0x62: {  	_ =	shalt  }
0x63: {  	_ =	shalt  }
0x64: {  	_ =	shalt  }
0x65: {  	_ =	shalt  }
0x66: {  	_ =	shalt  }
0x67: {  	_ =	shalt  }
0x68: {  	_ =	shalt  }
0x69: {  	_ =	shalt  }
0x6a: {  	_ =	shalt  }
0x6b: {  	_ =	shalt  }
0x6c: {  	_ =	shalt  }
0x6d: {  	_ =	shalt  }
0x6e: {  	_ =	shalt  }
0x6f: {  	_ =	shalt  }
0x70: {  	_ =	shalt  }
0x71: {  	_ =	shalt  }
0x72: {  	_ =	shalt  }
0x73: {  	_ =	shalt  }
0x74: {  	_ =	shalt  }
0x75: {  	_ =	shalt  }
0x76: {  	_ =	shalt  }
0x77: {  	_ =	shalt  }
0x78: {  	_ =	shalt  }
0x79: {  	_ =	shalt  }
0x7a: {  	_ =	shalt  }
0x7b: {  	_ =	shalt  }
0x7c: {  	_ =	shalt  }
0x7d: {  	_ =	shalt  }
0x7e: {  	_ =	shalt  }
0x7f: {  	_ =	shalt  }
0x80: {  	_ =	shalt  }
0x81: {  	_ =	shalt  }
0x82: {  	_ =	shalt  }
0x83: {  	_ =	shalt  }
0x84: {  	_ =	shalt  }
0x85: {  	_ =	shalt  }
0x86: {  	_ =	shalt  }
0x87: {  	_ =	shalt  }
.Lfunc_end0:
.L_simem_size_0:
called_computation_lowered:
.L_overlay_start_0:
0x88: {  	s2 =	sld [smem:$0x3FD9]  }
0x89: {  	s3 =	sld [smem:$0x3FFE];
	_ =	sdelay $0x1  }
0x8a: {  	s1 =	srdreg.scid  }
0x8b: {  	s0 =	sand.u32 $0x1, s1  }
0x8c: {  	s16 =	sshll.u32 s0, $0xA;
	s2 =	sadd.s32 s3, s2  }
0x8d: {  	s2 =	sadd.s32 s2, s16  }
0x8e: {  	[smem:$0x3FC7] =	sst s2  }
0x8f: {  	_ = 	snop  }
0x90: {  	(tm) =	ssettm $0x1  }
0x91: {  	s17 =	sld [smem:$0x3FFB];
	_ =	sdelay $0x3  }
0x92: {  	_ =	strace s17  }
0x93: {  	s2 =	sld [smem:$0x3FFC];
	_ =	sdelay $0x3  }
0x94: {  	_ =	strace s2  }
0x95: {  	s2 =	sld [smem:$0x3FFD];
	_ =	sdelay $0x3  }
0x96: {  	_ =	strace s2  }
0x97: {  	_ =	strace $0x8FFFFFFF  }
0x98: {  	s18 =	sld [smem:$0x3FDB];
	_ =	sdelay $0x1  }
0x99: {  	s19 =	simm.s32 $_scs_section_size  }
0x9a: {  	s4 =	simm.s32 $_size__tile_overlayer_lowered;
	s5 =	simm.s32 $_tile_overlayer_lowered  }
0x9b: {  	s22 =	simm.s32 $0x1BFF;
	s21 =	sshll.u32 s5, $0x1;
	s2 =	sadd.s32 s19, s18  }
0x9c: {  	s6 =	simm.s32 $0x0;
	s20 =	sshll.u32 s4, $0x1;
	s4 =	sadd.s32 s21, s2  }
0x9d: {  	[timem:s6], [sflag:s22] =	dma.local [hbm:s4], s20  }
0x9e: {  	_ =	swait.ge [sflag:s22], s20  }
0x9f: {  	s3 =	ssub.s32 $0x0, s20;
	[sflag:s22] =	ssyncset.done $0x0  }
0xa0: {  	[sflag:s22] =	ssyncadd.s32 s3;
	_ =	sdelay $0x1  }
0xa1: {  	s23 =	simm.s32 $0x1B8B  }
0xa2: {  	_ =	swait.ge [sflag:s23], $0x1  }
0xa3: {  	[sflag:s23] =	ssyncset.done $0x0  }
0xa4: {  	s25 =	simm.s32 $0x1B8E;
	s24 =	sld [smem:$0x3FFE];
	[sflag:s23] =	ssyncadd.s32 $0xFFFFFFFF  }
0xa5: {  	s26 =	simm.s32 $execute0_lowered;
	[smem:$0x3FD2] =	sst s25  }
0xa6: {  	s4 =	sshll.u32 s26, $0x1;
	_ =	strace $0x80000046;
	[dreg:$0x1] =	wrdreg $0xFFFFFFFF  }
0xa7: {  	s28 =	simm.s32 $_size_execute0_lowered;
	s2 =	sadd.s32 s2, s4;
	[dreg:$0x0] =	wrdreg $0x0  }
0xa8: {  	s4 =	sshll.u32 s28, $0x1;
	[dreg:$0x2] =	wrdreg s2  }
0xa9: {  	[dreg:$0x3] =	wrdreg s4  }
0xaa: {  	[dreg:$0x4] =	wrdreg $0xC0  }
0xab: {  	_ =	task [dreg:s6], $0x5FFFF  }
0xac: {  	[dreg:$0x1] =	wrdreg $0xFFFFFFFF  }
0xad: {  	[dreg:$0x0] =	wrdreg $0x60  }
0xae: {  	[dreg:$0x2] =	wrdreg s24  }
0xaf: {  	[dreg:$0x3] =	wrdreg $0x9  }
0xb0: {  	_ =	task.clear_ibuf [dreg:s6], $0x4FFFF;
	_ =	strace $0x90000046  }
0xb1: {  	s29 =	simm.s32 $0x9;
	_ =	strace $0x80000048  }
0xb2: {  	_ =	swait.ge [sflag:s29], $0x1  }
0xb3: {  	[sflag:s29] =	ssyncadd.s32 $0xFFFFFFFF  }
0xb4: {  	_ =	strace $0x90000048  }
0xb5: {  	_ =	sfence  }
0xb6: {  	s30 =	sld [smem:$0x0];
	_ =	sdelay $0x2  }
0xb7: {  	s31 =	sshll.u32 s1, $0xD;
	s1 =	sshrl.u32 s1, $0x2  }
0xb8: {  	s3 =	sand.u32 $0x4000, s31;
	s1 =	sadd.s32 s1, s30  }
0xb9: {  	s0 =	sor.u32 s3, s0;
	s1 =	sshll.u32 s1, $0x11  }
0xba: {  	s0 =	sor.u32 s1, s0  }
0xbb: {  	s0 =	sadd.s32 $0x8F2B, s0  }
0xbc: {  	[sflag:s0] =	ssyncadd.remote.s32 $0x1  }
0xbd: {  	_ =	sfence.sel $0xFFFF  }
0xbe: {  	[dreg:$0x0] =	wrdreg $0xFFFFFFFF;
	(pc) =	sbr.abs _section_cstart, $3  }
0xbf: {  	[dreg:$0x1] =	wrdreg $0xFFFFFFFF  }
0xc0: {  	_ =	task.clear_ibuf [dreg:s6], $0x2FFFF;
	_ =	strace $0x9FFFFFFF  }
0xc1: {  	(tm) =	ssettm $0x7FFFFFFF  }
tec
execute0_lowered:
.L_overlay_start_1:
0x0: {  	(tag) =	ssettag $0x1  }
0x1: {  	s0 =	srdreg.scid;
	s1 =	stileid.u32  }
0x2: {  	s0 =	sand.u32 $0x1, s0;
	s1 =	sshll.u32 s1, $0x1  }
0x3: {  	s5 =	rddreg [dreg:$0x0];
	s3 =	simm.s32 $0x0;
	s1 =	sor.u32 s0, s1  }
0x4: {  	s29 =	simm.s32 $0xD800;
	s30 =	simm.s32 $0x1;
	s2 =	smul.u32 $0x82, s1  }
0x5: {  	s31 =	simm.s32 $0x1E000;
	s0 =	ssub.s32 $0x2, s0;
	s4 =	smul.u32 $0x83, s1  }
0x6: {  	p0 =	slt.u32 s1, $0x7;
	s7 =	sshrl.u32 s0, $0x1;
	s2 =	sadd.s32 $0x7, s2  }
0x7: {  	[smem:$0x7FF] =	sst s3;
	s0 =	ssub.s32 s0, s7;
	s2 =	smov.u32 @p0 s4  }
0x8: {  	_ =	strace $0x80000047;
	s0 =	smax.u32 s0, $0x1;
	s6 =	smul.u32 $0xF00, s2  }
0x9: {  	s4 =	sadd.s32 $0x400, s5;
	[dreg:$0xf] =	wrdreg s0;
	s24 =	sadd.s32 $0x2, s2  }
0xa: {  	s9 =	simm.s32 $0x1C800;
	[dreg:$0xa] =	wrdreg s24;
	s8 =	sadd.s32 s4, s6  }
0xb: {  	s11 =	simm.s32 $0x4;
	s17 =	sadd.s32 $0x400, s8;
	[dreg:$0x2] =	wrdreg s8  }
0xc: {  	s10 =	simm.s32 $0x0;
	s18 =	sadd.s32 $0x800, s8;
	[dreg:$0x3] =	wrdreg s17  }
0xd: {  	p1 =	sgt.u32 s1, $0x6;
	s19 =	sadd.s32 $0xC00, s8;
	[dreg:$0x4] =	wrdreg s18  }
0xe: {  	s1 =	simm.s32 $0xF000;
	s20 =	sadd.s32 $0xF00, s8;
	[dreg:$0x5] =	wrdreg s19  }
0xf: {  	s7 =	simm.s32 $0x18800;
	s21 =	sadd.s32 $0x1300, s8;
	[dreg:$0x6] =	wrdreg s20  }
0x10: {  	v0 =	vlaneseq.u32;
	s5 =	sadd.s32 $0xF42800, s5;
	s22 =	sadd.s32 $0x1700, s8;
	[dreg:$0x7] =	wrdreg s21  }
0x11: {  	v0 =	vmul.u32 $0x11, v0;
	s6 =	sadd.s32 s6, s5;
	s23 =	sadd.s32 $0x1B00, s8;
	[dreg:$0x8] =	wrdreg s22  }
0x12: {  	s0 =	simm.s32 $0x11000;
	s25 =	sadd.s32 $0x79E00, s6;
	[dreg:$0x9] =	wrdreg s23  }
.Ltmp0:
0x13: {  	v1 =	vadd.s32 $0x1, v0;
	v2 =	vadd.s32 $0x2, v0;
	v3 =	vadd.s32 $0x3, v0;
	s26 =	sadd.s32 $0x7A200, s6;
	[dreg:$0xb] =	wrdreg s25;
	(pc) =	sbr.rel .LBB2_1-.Ltmp0, $4  }
0x14: {  	v4 =	vadd.s32 $0x4, v0;
	v5 =	vadd.s32 $0x5, v0;
	v6 =	vadd.s32 $0x6, v0;
	s15 =	sadd.s32 $0x1, s2;
	s28 =	sadd.s32 $0x7A600, s6;
	[dreg:$0xc] =	wrdreg s26  }
0x15: {  	v7 =	vadd.s32 $0x7, v0;
	v8 =	vadd.s32 $0x8, v0;
	v9 =	vadd.s32 $0x9, v0;
	s16 =	sadd.s32 $0x3, s2;
	s6 =	sadd.s32 $0x7AA00, s6;
	[dreg:$0xd] =	wrdreg s28  }
0x16: {  	v10 =	vadd.s32 $0xA, v0;
	v11 =	vadd.s32 $0xB, v0;
	v12 =	vadd.s32 $0xC, v0;
	s8 =	simm.s32 $0x1A800;
	[dreg:$0xe] =	wrdreg s6;
	s17 =	simm.s32 $0x13000  }
0x17: {  	v13 =	vadd.s32 $0xD, v0;
	v14 =	vadd.s32 $0xE, v0;
	v15 =	vadd.s32 $0xF, v0;
	s18 =	simm.s32 $0x15000;
	s19 =	simm.s32 $0x2;
	s20 =	simm.s32 $0x16800  }
.LBB2_19:
0x18: {  	s6 =	simm.s32 $0x3  }
0x19: {  	_ =	swait.ge [sflag:s6], $0x7800  }
0x1a: {  	[sflag:s6] =	ssyncset.done $0x0  }
0x1b: {  	[sflag:s6] =	ssyncadd.s32 $0xFFFF8800  }
0x1c: {  	_ =	swait.ge [sflag:s11], $0x7800  }
0x1d: {  	s10 =	sadd.s32 $0x1, s10;
	s28 =	rddreg [dreg:$0xf]  }
0x1e: {  	p2 =	sne.s32 s10, s28  }
.Ltmp1:
0x1f: {  	_ = 	snop;
	(pc) =	sbr.rel @!p2 .LBB2_20-.Ltmp1, $3  }
0x20: {  	_ =	sdelay $0x1  }
0x21: {  	[sflag:s11] =	ssyncset.done $0x0  }
0x22: {  	[sflag:s11] =	ssyncadd.s32 $0xFFFF8800  }
.LBB2_1:
0x23: {  	[dreg:$0x10] =	wrdreg s10  }
0x24: {  	s6 =	rddreg [dreg:$0x2]  }
0x25: {  	[tilespmem:s3], [sflag:$0x1] =	stream.linear.gather [hbm4b:s6+s3], $0x2000, $0x38;
	[tilespmem:$0x1F000] =	vst v63  }
0x26: {  	s26 =	rddreg [dreg:$0x3];
	s28 =	simm.s32 $0x2000  }
0x27: {  	[tilespmem:s28], [sflag:$0x1] =	stream.linear.gather [hbm4b:s26+s3], $0x2000, $0x38;
	[tilespmem:$0x1F000] =	vst v63  }
0x28: {  	s10 =	rddreg [dreg:$0x4];
	s12 =	simm.s32 $0x4000  }
0x29: {  	[tilespmem:s12], [sflag:$0x1] =	stream.linear.gather [hbm4b:s10+s3], $0x2000, $0x38;
	[tilespmem:$0x1F000] =	vst v63  }
0x2a: {  	s13 =	rddreg [dreg:$0x5];
	s14 =	simm.s32 $0x6000  }
0x2b: {  	[tilespmem:s14], [sflag:$0x1] =	stream.linear.gather [hbm4b:s13+s3], $0x1800, $0x38;
	[tilespmem:$0x1F000] =	vst v63  }
0x2c: {  	s21 =	rddreg [dreg:$0x6];
	s22 =	simm.s32 $0x7800  }
0x2d: {  	[tilespmem:s22], [sflag:$0x2] =	stream.linear.gather [hbm4b:s21+s3], $0x2000, $0x38;
	[tilespmem:$0x1F000] =	vst v63  }
0x2e: {  	s23 =	rddreg [dreg:$0x7];
	s24 =	simm.s32 $0x9800  }
0x2f: {  	[tilespmem:s24], [sflag:$0x2] =	stream.linear.gather [hbm4b:s23+s3], $0x2000, $0x38;
	[tilespmem:$0x1F000] =	vst v63  }
0x30: {  	s25 =	rddreg [dreg:$0x8];
	s26 =	simm.s32 $0xB800  }
0x31: {  	[tilespmem:s26], [sflag:$0x2] =	stream.linear.gather [hbm4b:s25+s3], $0x2000, $0x38;
	[tilespmem:$0x1F000] =	vst v63  }
0x32: {  	s28 =	rddreg [dreg:$0x9];
	s13 =	simm.s32 $0x0  }
0x33: {  	[tilespmem:s29], [sflag:$0x2] =	stream.linear.gather [hbm4b:s28+s3], $0x1800, $0x38;
	[tilespmem:$0x1F000] =	vst v63  }
.LBB2_2:
0x34: {  	_ =	swait.ge [sflag:s30], $0x7800  }
0x35: {  	p2 =	seq.s32 s13, $0x0;
	[sflag:s30] =	ssyncset.done $0x0  }
0x36: {  	s6 =	simm.s32 @!p2 $0x3;
	[sflag:s30] =	ssyncadd.s32 $0xFFFF8800  }
0x37: {  	_ =	swait.ge @!p2 [sflag:s6], $0x7800  }
0x38: {  	s21 =	sshll.u32 s13, $0x1;
	[sflag:s6] =	ssyncset.done @!p2 $0x0  }
0x39: {  	s10 =	simm.s32 $0x0;
	[sflag:s6] =	ssyncadd.s32 @!p2 $0xFFFF8800;
	s6 =	simm.s32 $0x0  }
.LBB2_3:
0x3a: {  	s12 =	sshll.u32 s10, $0xB  }
0x3b: {  	v16 =	vld [tilespmem:s12+$0x0]  }
0x3c: {  	v17 =	vld [tilespmem:s12+$0x10];
	_ =	sdelay $0x4  }
0x3d: {  	v16 =	vmul.f32 v16, v16;
	v17 =	vmul.f32 v17, v17;
	_ =	sdelay $0x1  }
0x3e: {  	s28 =	smul.u32 $0x110, s10;
	v16 =	vadd.f32 v17, v16;
	_ =	sdelay $0x1  }
0x3f: {  	[tilespmem:s28+$0x1E000] =	vst v16  }
0x40: {  	v16 =	vld [tilespmem:s12+$0x80]  }
0x41: {  	v17 =	vld [tilespmem:s12+$0x90];
	_ =	sdelay $0x4  }
0x42: {  	v16 =	vmul.f32 v16, v16;
	v17 =	vmul.f32 v17, v17;
	_ =	sdelay $0x1  }
0x43: {  	v16 =	vadd.f32 v17, v16;
	_ =	sdelay $0x1  }
0x44: {  	[tilespmem:s28+$0x1E011] =	vst v16  }
0x45: {  	v16 =	vld [tilespmem:s12+$0x100]  }
0x46: {  	v17 =	vld [tilespmem:s12+$0x110];
	_ =	sdelay $0x4  }
0x47: {  	v16 =	vmul.f32 v16, v16;
	v17 =	vmul.f32 v17, v17;
	_ =	sdelay $0x1  }
0x48: {  	v16 =	vadd.f32 v17, v16;
	_ =	sdelay $0x1  }
0x49: {  	[tilespmem:s28+$0x1E022] =	vst v16  }
0x4a: {  	v16 =	vld [tilespmem:s12+$0x180]  }
0x4b: {  	v17 =	vld [tilespmem:s12+$0x190];
	_ =	sdelay $0x4  }
0x4c: {  	v16 =	vmul.f32 v16, v16;
	v17 =	vmul.f32 v17, v17;
	_ =	sdelay $0x1  }
0x4d: {  	v16 =	vadd.f32 v17, v16;
	_ =	sdelay $0x1  }
0x4e: {  	[tilespmem:s28+$0x1E033] =	vst v16  }
0x4f: {  	v16 =	vld [tilespmem:s12+$0x200]  }
0x50: {  	v17 =	vld [tilespmem:s12+$0x210];
	_ =	sdelay $0x4  }
0x51: {  	v16 =	vmul.f32 v16, v16;
	v17 =	vmul.f32 v17, v17;
	_ =	sdelay $0x1  }
0x52: {  	v16 =	vadd.f32 v17, v16;
	_ =	sdelay $0x1  }
0x53: {  	[tilespmem:s28+$0x1E044] =	vst v16  }
0x54: {  	v16 =	vld [tilespmem:s12+$0x280]  }
0x55: {  	v17 =	vld [tilespmem:s12+$0x290];
	_ =	sdelay $0x4  }
0x56: {  	v16 =	vmul.f32 v16, v16;
	v17 =	vmul.f32 v17, v17;
	_ =	sdelay $0x1  }
0x57: {  	v16 =	vadd.f32 v17, v16;
	_ =	sdelay $0x1  }
0x58: {  	[tilespmem:s28+$0x1E055] =	vst v16  }
0x59: {  	v16 =	vld [tilespmem:s12+$0x300]  }
0x5a: {  	v17 =	vld [tilespmem:s12+$0x310];
	_ =	sdelay $0x4  }
0x5b: {  	v16 =	vmul.f32 v16, v16;
	v17 =	vmul.f32 v17, v17;
	_ =	sdelay $0x1  }
0x5c: {  	v16 =	vadd.f32 v17, v16;
	_ =	sdelay $0x1  }
0x5d: {  	[tilespmem:s28+$0x1E066] =	vst v16  }
0x5e: {  	v16 =	vld [tilespmem:s12+$0x380]  }
0x5f: {  	v17 =	vld [tilespmem:s12+$0x390];
	_ =	sdelay $0x4  }
0x60: {  	v16 =	vmul.f32 v16, v16;
	v17 =	vmul.f32 v17, v17;
	_ =	sdelay $0x1  }
0x61: {  	v16 =	vadd.f32 v17, v16;
	_ =	sdelay $0x1  }
0x62: {  	[tilespmem:s28+$0x1E077] =	vst v16  }
0x63: {  	v16 =	vld [tilespmem:s12+$0x400]  }
0x64: {  	v17 =	vld [tilespmem:s12+$0x410];
	_ =	sdelay $0x4  }
0x65: {  	v16 =	vmul.f32 v16, v16;
	v17 =	vmul.f32 v17, v17;
	_ =	sdelay $0x1  }
0x66: {  	v16 =	vadd.f32 v17, v16;
	_ =	sdelay $0x1  }
0x67: {  	[tilespmem:s28+$0x1E088] =	vst v16  }
0x68: {  	s14 =	sor.u32 $0x1, s10;
	v16 =	vld [tilespmem:s12+$0x480]  }
0x69: {  	s24 =	sshll.u32 s14, $0xB;
	v17 =	vld [tilespmem:s12+$0x490]  }
0x6a: {  	v18 =	vld [tilespmem:s24+$0x0]  }
0x6b: {  	v19 =	vld [tilespmem:s24+$0x10];
	_ =	sdelay $0x4  }
0x6c: {  	v18 =	vmul.f32 v18, v18;
	v19 =	vmul.f32 v19, v19;
	_ =	sdelay $0x1  }
0x6d: {  	s26 =	smul.u32 $0x110, s14;
	v18 =	vadd.f32 v19, v18;
	_ =	sdelay $0x1  }
0x6e: {  	[tilespmem:s26+$0x1E000] =	vst v18  }
0x6f: {  	v18 =	vld [tilespmem:s24+$0x80]  }
0x70: {  	v36 =	vld [tilespmem:s24+$0x90];
	_ =	sdelay $0x4  }
0x71: {  	v18 =	vmul.f32 v18, v18;
	v19 =	vmul.f32 v36, v36;
	_ =	sdelay $0x1  }
0x72: {  	v18 =	vadd.f32 v19, v18;
	_ =	sdelay $0x1  }
0x73: {  	[tilespmem:s26+$0x1E011] =	vst v18  }
0x74: {  	v18 =	vld [tilespmem:s24+$0x100]  }
0x75: {  	v37 =	vld [tilespmem:s24+$0x110];
	_ =	sdelay $0x4  }
0x76: {  	v18 =	vmul.f32 v18, v18;
	v19 =	vmul.f32 v37, v37;
	_ =	sdelay $0x1  }
0x77: {  	v18 =	vadd.f32 v19, v18;
	_ =	sdelay $0x1  }
0x78: {  	[tilespmem:s26+$0x1E022] =	vst v18  }
0x79: {  	v18 =	vld [tilespmem:s24+$0x180]  }
0x7a: {  	v38 =	vld [tilespmem:s24+$0x190];
	_ =	sdelay $0x4  }
0x7b: {  	v18 =	vmul.f32 v18, v18;
	v19 =	vmul.f32 v38, v38  }
0x7c: {  	s25 =	sor.u32 $0x2, s10  }
0x7d: {  	s23 =	sshll.u32 s25, $0xB;
	v18 =	vadd.f32 v19, v18  }
0x7e: {  	v20 =	vld [tilespmem:s23+$0x0]  }
0x7f: {  	v21 =	vld [tilespmem:s23+$0x10];
	[tilespmem:s26+$0x1E033] =	vst v18  }
0x80: {  	v18 =	vld [tilespmem:s24+$0x200]  }
0x81: {  	v39 =	vld [tilespmem:s24+$0x210];
	_ =	sdelay $0x2  }
0x82: {  	v16 =	vmul.f32 v16, v16;
	v17 =	vmul.f32 v17, v17  }
0x83: {  	v40 =	vmul.f32 v20, v20;
	v41 =	vmul.f32 v21, v21  }
0x84: {  	v16 =	vadd.f32 v17, v16;
	v18 =	vmul.f32 v18, v18;
	v19 =	vmul.f32 v39, v39;
	_ =	sdelay $0x1  }
0x85: {  	s25 =	smul.u32 $0x110, s25;
	[tilespmem:s28+$0x1E099] =	vst v16;
	v18 =	vadd.f32 v19, v18;
	v19 =	vadd.f32 v41, v40  }
0x86: {  	v44 =	vld [tilespmem:s12+$0x500]  }
0x87: {  	v45 =	vld [tilespmem:s12+$0x510];
	[tilespmem:s25+$0x1E000] =	vst v19  }
0x88: {  	v19 =	vld [tilespmem:s23+$0x80]  }
0x89: {  	v17 =	vld [tilespmem:s23+$0x90];
	_ =	sdelay $0x2  }
0x8a: {  	v48 =	vmul.f32 v44, v44;
	v49 =	vmul.f32 v45, v45;
	[tilespmem:s26+$0x1E044] =	vst v18  }
0x8b: {  	v18 =	vld [tilespmem:s24+$0x280]  }
0x8c: {  	v42 =	vld [tilespmem:s24+$0x290];
	v46 =	vmul.f32 v19, v19;
	v17 =	vmul.f32 v17, v17;
	v19 =	vadd.f32 v49, v48;
	_ =	sdelay $0x1  }
0x8d: {  	v17 =	vadd.f32 v17, v46;
	[tilespmem:s28+$0x1E0AA] =	vst v19  }
0x8e: {  	v19 =	vld [tilespmem:s12+$0x580]  }
0x8f: {  	v51 =	vld [tilespmem:s12+$0x590];
	[tilespmem:s25+$0x1E011] =	vst v17  }
0x90: {  	v16 =	vmul.f32 v18, v18;
	v43 =	vmul.f32 v42, v42;
	v17 =	vld [tilespmem:s23+$0x100]  }
0x91: {  	v50 =	vld [tilespmem:s23+$0x110]  }
0x92: {  	v16 =	vadd.f32 v43, v16;
	_ =	sdelay $0x1  }
0x93: {  	[tilespmem:s26+$0x1E055] =	vst v16;
	v19 =	vmul.f32 v19, v19;
	v54 =	vmul.f32 v51, v51  }
0x94: {  	v16 =	vld [tilespmem:s24+$0x300]  }
0x95: {  	v47 =	vld [tilespmem:s24+$0x310];
	v17 =	vmul.f32 v17, v17;
	v52 =	vmul.f32 v50, v50;
	v19 =	vadd.f32 v54, v19;
	_ =	sdelay $0x1  }
0x96: {  	v17 =	vadd.f32 v52, v17;
	[tilespmem:s28+$0x1E0BB] =	vst v19  }
0x97: {  	v22 =	vld [tilespmem:s12+$0x600]  }
0x98: {  	v23 =	vld [tilespmem:s12+$0x610];
	[tilespmem:s25+$0x1E022] =	vst v17  }
0x99: {  	s14 =	sor.u32 $0x3, s10;
	v16 =	vmul.f32 v16, v16;
	v18 =	vmul.f32 v47, v47;
	v17 =	vld [tilespmem:s23+$0x180]  }
0x9a: {  	s22 =	sshll.u32 s14, $0xB;
	v55 =	vld [tilespmem:s23+$0x190]  }
0x9b: {  	v56 =	vld [tilespmem:s22+$0x0];
	v16 =	vadd.f32 v18, v16  }
0x9c: {  	v57 =	vld [tilespmem:s22+$0x10]  }
0x9d: {  	[tilespmem:s26+$0x1E066] =	vst v16;
	v61 =	vmul.f32 v22, v22;
	v62 =	vmul.f32 v23, v23  }
0x9e: {  	v16 =	vld [tilespmem:s24+$0x380]  }
0x9f: {  	v53 =	vld [tilespmem:s24+$0x390];
	v17 =	vmul.f32 v17, v17;
	v58 =	vmul.f32 v55, v55;
	v24 =	vadd.f32 v62, v61;
	_ =	sdelay $0x1  }
0xa0: {  	v59 =	vmul.f32 v56, v56;
	v19 =	vmul.f32 v57, v57;
	v17 =	vadd.f32 v58, v17;
	[tilespmem:s28+$0x1E0CC] =	vst v24  }
0xa1: {  	v28 =	vld [tilespmem:s12+$0x680]  }
0xa2: {  	s14 =	smul.u32 $0x110, s14;
	v29 =	vld [tilespmem:s12+$0x690];
	[tilespmem:s25+$0x1E033] =	vst v17;
	v17 =	vadd.f32 v19, v59  }
0xa3: {  	v16 =	vmul.f32 v16, v16;
	v18 =	vmul.f32 v53, v53;
	v63 =	vld [tilespmem:s23+$0x200]  }
0xa4: {  	v25 =	vld [tilespmem:s23+$0x210];
	[tilespmem:s14+$0x1E000] =	vst v17  }
0xa5: {  	v16 =	vadd.f32 v18, v16;
	v17 =	vld [tilespmem:s22+$0x80]  }
0xa6: {  	v27 =	vld [tilespmem:s22+$0x90]  }
0xa7: {  	[tilespmem:s26+$0x1E077] =	vst v16;
	v33 =	vmul.f32 v28, v28;
	v34 =	vmul.f32 v29, v29  }
0xa8: {  	v16 =	vld [tilespmem:s24+$0x400]  }
0xa9: {  	v60 =	vld [tilespmem:s24+$0x410];
	v18 =	vmul.f32 v63, v63;
	v30 =	vmul.f32 v25, v25;
	v35 =	vadd.f32 v34, v33;
	_ =	sdelay $0x1  }
0xaa: {  	v18 =	vadd.f32 v30, v18;
	v17 =	vmul.f32 v17, v17;
	v31 =	vmul.f32 v27, v27;
	[tilespmem:s28+$0x1E0DD] =	vst v35  }
0xab: {  	v39 =	vld [tilespmem:s12+$0x700]  }
0xac: {  	v40 =	vld [tilespmem:s12+$0x710];
	[tilespmem:s25+$0x1E044] =	vst v18;
	v17 =	vadd.f32 v31, v17  }
0xad: {  	v16 =	vmul.f32 v16, v16;
	v26 =	vmul.f32 v60, v60;
	v18 =	vld [tilespmem:s23+$0x280]  }
0xae: {  	v36 =	vld [tilespmem:s23+$0x290];
	[tilespmem:s14+$0x1E011] =	vst v17  }
0xaf: {  	v16 =	vadd.f32 v26, v16;
	v17 =	vld [tilespmem:s22+$0x100]  }
0xb0: {  	v38 =	vld [tilespmem:s22+$0x110]  }
0xb1: {  	[tilespmem:s26+$0x1E088] =	vst v16  }
0xb2: {  	v16 =	vld [tilespmem:s24+$0x480];
	v44 =	vmul.f32 v39, v39;
	v45 =	vmul.f32 v40, v40  }
0xb3: {  	v32 =	vld [tilespmem:s24+$0x490];
	v18 =	vmul.f32 v18, v18;
	v41 =	vmul.f32 v36, v36  }
0xb4: {  	v46 =	vadd.f32 v45, v44  }
0xb5: {  	v18 =	vadd.f32 v41, v18;
	v17 =	vmul.f32 v17, v17;
	v42 =	vmul.f32 v38, v38  }
0xb6: {  	[tilespmem:s28+$0x1E0EE] =	vst v46  }
0xb7: {  	v50 =	vld [tilespmem:s12+$0x780];
	[tilespmem:s25+$0x1E055] =	vst v18;
	v17 =	vadd.f32 v42, v17  }
0xb8: {  	v16 =	vmul.f32 v16, v16;
	v37 =	vmul.f32 v32, v32;
	v18 =	vld [tilespmem:s23+$0x300]  }
0xb9: {  	v47 =	vld [tilespmem:s23+$0x310];
	[tilespmem:s14+$0x1E022] =	vst v17  }
0xba: {  	v16 =	vadd.f32 v37, v16;
	v17 =	vld [tilespmem:s22+$0x180]  }
0xbb: {  	v49 =	vld [tilespmem:s22+$0x190]  }
0xbc: {  	v51 =	vld [tilespmem:s12+$0x790];
	[tilespmem:s26+$0x1E099] =	vst v16  }
0xbd: {  	v16 =	vld [tilespmem:s24+$0x500]  }
0xbe: {  	v43 =	vld [tilespmem:s24+$0x510];
	v18 =	vmul.f32 v18, v18;
	v52 =	vmul.f32 v47, v47;
	_ =	sdelay $0x1  }
0xbf: {  	v18 =	vadd.f32 v52, v18;
	v17 =	vmul.f32 v17, v17;
	v53 =	vmul.f32 v49, v49  }
0xc0: {  	v57 =	vadd.s32 s28, v0  }
0xc1: {  	v54 =	vmul.f32 v50, v50;
	v56 =	vmul.f32 v51, v51;
	[tilespmem:s25+$0x1E066] =	vst v18;
	v17 =	vadd.f32 v53, v17  }
0xc2: {  	v16 =	vmul.f32 v16, v16;
	v48 =	vmul.f32 v43, v43;
	v59 =	vld [tilespmem:s23+$0x380]  }
0xc3: {  	v20 =	vadd.f32 v56, v54;
	v24 =	vld [tilespmem:s23+$0x390];
	[tilespmem:s14+$0x1E033] =	vst v17  }
0xc4: {  	v58 =	vadd.s32 s28, v1;
	v16 =	vadd.f32 v48, v16;
	v25 =	vld [tilespmem:s22+$0x200]  }
0xc5: {  	v60 =	vadd.s32 s28, v2;
	[tilespmem:s28+$0x1E0FF] =	vst v20;
	v62 =	vld [tilespmem:s22+$0x210]  }
0xc6: {  	v26 =	vadd.s32 s28, v4;
	v23 =	vld.idx.msk [tilespmem:v57+s31+$0x0], $0xffff;
	[tilespmem:s26+$0x1E0AA] =	vst v16  }
0xc7: {  	v16 =	vld [tilespmem:s24+$0x580];
	v17 =	vadd.s32 s28, v3  }
0xc8: {  	v55 =	vld [tilespmem:s24+$0x590];
	v19 =	vmul.f32 v59, v59;
	v31 =	vmul.f32 v24, v24  }
0xc9: {  	v18 =	vld.idx.msk [tilespmem:v58+s31+$0x0], $0xffff  }
0xca: {  	v63 =	vld.idx.msk [tilespmem:v60+s31+$0x0], $0xffff;
	v19 =	vadd.f32 v31, v19;
	v32 =	vmul.f32 v25, v25;
	v21 =	vmul.f32 v62, v62  }
0xcb: {  	v34 =	vld.idx.msk [tilespmem:v26+s31+$0x0], $0xffff  }
0xcc: {  	v35 =	vadd.s32 s28, v5;
	v23 =	vadd.f32 $0.0e+00, v23;
	v17 =	vld.idx.msk [tilespmem:v17+s31+$0x0], $0xffff;
	[tilespmem:s25+$0x1E077] =	vst v19;
	v36 =	vadd.f32 v21, v32  }
0xcd: {  	v16 =	vmul.f32 v16, v16;
	v61 =	vmul.f32 v55, v55;
	v38 =	vld [tilespmem:s23+$0x400]  }
0xce: {  	v18 =	vadd.f32 v18, v23;
	v27 =	vld [tilespmem:s23+$0x410];
	[tilespmem:s14+$0x1E044] =	vst v36  }
0xcf: {  	v37 =	vadd.s32 s28, v6;
	v16 =	vadd.f32 v61, v16;
	v28 =	vld [tilespmem:s22+$0x280]  }
0xd0: {  	v39 =	vadd.s32 s28, v7;
	v18 =	vadd.f32 v63, v18;
	v42 =	vld [tilespmem:s22+$0x290]  }
0xd1: {  	v40 =	vadd.s32 s28, v8;
	v26 =	vld.idx.msk [tilespmem:v35+s31+$0x0], $0xffff;
	[tilespmem:s26+$0x1E0BB] =	vst v16  }
0xd2: {  	v44 =	vadd.s32 s28, v9;
	v16 =	vld [tilespmem:s24+$0x600];
	v17 =	vadd.f32 v17, v18  }
0xd3: {  	v33 =	vld [tilespmem:s24+$0x610];
	v22 =	vmul.f32 v38, v38;
	v46 =	vmul.f32 v27, v27  }
0xd4: {  	v43 =	vld.idx.msk [tilespmem:v37+s31+$0x0], $0xffff;
	v17 =	vadd.f32 v34, v17  }
0xd5: {  	v45 =	vld.idx.msk [tilespmem:v39+s31+$0x0], $0xffff;
	v22 =	vadd.f32 v46, v22;
	v47 =	vmul.f32 v28, v28;
	v24 =	vmul.f32 v42, v42  }
0xd6: {  	v19 =	vld.idx.msk [tilespmem:v40+s31+$0x0], $0xffff  }
0xd7: {  	v49 =	vadd.s32 s28, v10;
	v21 =	vld.idx.msk [tilespmem:v44+s31+$0x0], $0xffff;
	v17 =	vadd.f32 v26, v17;
	[tilespmem:s25+$0x1E088] =	vst v22;
	v50 =	vadd.f32 v24, v47  }
0xd8: {  	v16 =	vmul.f32 v16, v16;
	v41 =	vmul.f32 v33, v33;
	v52 =	vld [tilespmem:s23+$0x480]  }
0xd9: {  	v17 =	vadd.f32 v43, v17;
	v54 =	vld [tilespmem:s23+$0x490];
	[tilespmem:s14+$0x1E055] =	vst v50  }
0xda: {  	v51 =	vadd.s32 s28, v11;
	v16 =	vadd.f32 v41, v16;
	v56 =	vld [tilespmem:s22+$0x300]  }
0xdb: {  	v60 =	vadd.s32 s28, v14;
	v17 =	vadd.f32 v45, v17;
	v58 =	vld [tilespmem:s22+$0x310]  }
0xdc: {  	v53 =	vadd.s32 s28, v12;
	v26 =	vld.idx.msk [tilespmem:v49+s31+$0x0], $0xffff;
	[tilespmem:s26+$0x1E0CC] =	vst v16  }
0xdd: {  	v55 =	vadd.s32 s28, v13;
	v16 =	vld [tilespmem:s24+$0x680];
	v17 =	vadd.f32 v19, v17  }
0xde: {  	v48 =	vld [tilespmem:s24+$0x690];
	v61 =	vmul.f32 v52, v52;
	v62 =	vmul.f32 v54, v54  }
0xdf: {  	v59 =	vld.idx.msk [tilespmem:v51+s31+$0x0], $0xffff;
	v17 =	vadd.f32 v21, v17  }
0xe0: {  	v23 =	vld.idx.msk [tilespmem:v60+s31+$0x0], $0xffff;
	v20 =	vadd.f32 v62, v61;
	v28 =	vmul.f32 v56, v56;
	v29 =	vmul.f32 v58, v58  }
0xe1: {  	v18 =	vld.idx.msk [tilespmem:v53+s31+$0x0], $0xffff  }
0xe2: {  	v32 =	vadd.s32 s28, v15;
	v63 =	vld.idx.msk [tilespmem:v55+s31+$0x0], $0xffff;
	v17 =	vadd.f32 v26, v17;
	[tilespmem:s25+$0x1E099] =	vst v20;
	v31 =	vadd.f32 v29, v28  }
0xe3: {  	v16 =	vmul.f32 v16, v16;
	v57 =	vmul.f32 v48, v48;
	v33 =	vld [tilespmem:s23+$0x500]  }
0xe4: {  	v17 =	vadd.f32 v59, v17;
	v34 =	vld [tilespmem:s23+$0x510];
	[tilespmem:s14+$0x1E066] =	vst v31  }
0xe5: {  	v16 =	vadd.f32 v57, v16;
	v20 =	vld [tilespmem:s22+$0x380]  }
0xe6: {  	v17 =	vadd.f32 v18, v17;
	v36 =	vld [tilespmem:s22+$0x390]  }
0xe7: {  	v37 =	vld.idx.msk [tilespmem:v32+s31+$0x0], $0xffff;
	[tilespmem:s26+$0x1E0DD] =	vst v16  }
0xe8: {  	v16 =	vld [tilespmem:s24+$0x700];
	v17 =	vadd.f32 v63, v17  }
0xe9: {  	v30 =	vld [tilespmem:s24+$0x710];
	v38 =	vmul.f32 v33, v33;
	v19 =	vmul.f32 v34, v34  }
0xea: {  	v17 =	vadd.f32 v23, v17  }
0xeb: {  	v18 =	vadd.f32 v19, v38;
	v39 =	vmul.f32 v20, v20;
	v40 =	vmul.f32 v36, v36;
	_ =	sdelay $0x1  }
0xec: {  	v17 =	vadd.f32 v37, v17;
	[tilespmem:s25+$0x1E0AA] =	vst v18;
	v19 =	vadd.f32 v40, v39  }
0xed: {  	v16 =	vmul.f32 v16, v16;
	v35 =	vmul.f32 v30, v30;
	v42 =	vld [tilespmem:s23+$0x580]  }
0xee: {  	v18 =	vmax.f32 v17, $1.000000020e-16;
	v17 =	vld [tilespmem:s23+$0x590];
	[tilespmem:s14+$0x1E077] =	vst v19  }
0xef: {  	v16 =	vadd.f32 v35, v16;
	v45 =	vld [tilespmem:s22+$0x400]  }
0xf0: {  	v43 =	vshrl.u32 v18, $0x1;
	v44 =	vmul.f32 $5.000000000e-01, v18;
	v47 =	vld [tilespmem:s22+$0x410]  }
0xf1: {  	[tilespmem:s26+$0x1E0EE] =	vst v16;
	v48 =	vsub.s32 $0x5F3759DF, v43  }
0xf2: {  	v16 =	vld [tilespmem:s24+$0x780];
	v50 =	vmul.f32 v48, v44  }
0xf3: {  	v41 =	vld [tilespmem:s24+$0x790];
	v20 =	vmul.f32 v42, v42;
	v29 =	vmul.f32 v17, v17  }
0xf4: {  	v19 =	vld [tilespmem:s12+$0x0];
	v28 =	vmul.f32 v48, v50  }
0xf5: {  	v17 =	vld [tilespmem:s12+$0x10];
	v20 =	vadd.f32 v29, v20;
	v21 =	vmul.f32 v45, v45;
	v52 =	vmul.f32 v47, v47  }
0xf6: {  	v54 =	vsub.f32 $1.500000000e+00, v28;
	v28 =	vld [tilespmem:s12+$0x180]  }
0xf7: {  	[tilespmem:s25+$0x1E0BB] =	vst v20;
	v55 =	vadd.f32 v52, v21;
	v20 =	vld [tilespmem:s12+$0x80]  }
0xf8: {  	v46 =	vadd.s32 s26, v0;
	v16 =	vmul.f32 v16, v16;
	v22 =	vmul.f32 v41, v41;
	v57 =	vld [tilespmem:s23+$0x600]  }
0xf9: {  	v49 =	vadd.s32 s26, v1;
	v58 =	vld [tilespmem:s23+$0x610];
	[tilespmem:s14+$0x1E088] =	vst v55  }
0xfa: {  	v51 =	vadd.s32 s26, v2;
	v16 =	vadd.f32 v22, v16;
	v60 =	vld [tilespmem:s22+$0x480]  }
0xfb: {  	v56 =	vadd.s32 s26, v3;
	v26 =	vmul.f32 v48, v54;
	v32 =	vld [tilespmem:s22+$0x490]  }
0xfc: {  	v59 =	vadd.s32 s26, v4;
	[tilespmem:s26+$0x1E0FF] =	vst v16;
	v21 =	vld [tilespmem:s12+$0x90]  }
0xfd: {  	v31 =	vadd.s32 s26, v5;
	v16 =	vld.idx.msk [tilespmem:v46+s31+$0x0], $0xffff;
	v30 =	vmul.f32 v26, v44  }
0xfe: {  	v53 =	vld.idx.msk [tilespmem:v49+s31+$0x0], $0xffff;
	v24 =	vmul.f32 v57, v57;
	v27 =	vmul.f32 v58, v58  }
0xff: {  	v22 =	vld.idx.msk [tilespmem:v51+s31+$0x0], $0xffff;
	v30 =	vmul.f32 v30, v26  }
0x100: {  	v61 =	vld.idx.msk [tilespmem:v56+s31+$0x0], $0xffff;
	v24 =	vadd.f32 v27, v24;
	v35 =	vmul.f32 v60, v60;
	v36 =	vmul.f32 v32, v32  }
0x101: {  	v62 =	vld.idx.msk [tilespmem:v59+s31+$0x0], $0xffff;
	v30 =	vsub.f32 $1.500000000e+00, v30  }
0x102: {  	v33 =	vadd.s32 s26, v6;
	v63 =	vld.idx.msk [tilespmem:v31+s31+$0x0], $0xffff;
	v16 =	vadd.f32 $0.0e+00, v16;
	[tilespmem:s25+$0x1E0CC] =	vst v24;
	v39 =	vadd.f32 v36, v35  }
0x103: {  	v34 =	vadd.s32 s26, v7;
	v26 =	vmul.f32 v30, v26;
	v41 =	vld [tilespmem:s23+$0x680]  }
0x104: {  	v16 =	vadd.f32 v53, v16;
	v42 =	vld [tilespmem:s23+$0x690];
	[tilespmem:s14+$0x1E099] =	vst v39  }
0x105: {  	v23 =	vmul.f32 v26, v44;
	v44 =	vld [tilespmem:s22+$0x500]  }
0x106: {  	v48 =	vadd.s32 s26, v11;
	v16 =	vadd.f32 v22, v16;
	v47 =	vld [tilespmem:s22+$0x510]  }
0x107: {  	v40 =	vadd.s32 s26, v8;
	v37 =	vld.idx.msk [tilespmem:v33+s31+$0x0], $0xffff  }
0x108: {  	v43 =	vadd.s32 s26, v9;
	v38 =	vld.idx.msk [tilespmem:v34+s31+$0x0], $0xffff;
	v16 =	vadd.f32 v61, v16  }
0x109: {  	v33 =	vld [tilespmem:s12+$0x200];
	v29 =	vmul.f32 v41, v41;
	v31 =	vmul.f32 v42, v42  }
0x10a: {  	v34 =	vld [tilespmem:s12+$0x290];
	v16 =	vadd.f32 v62, v16  }
0x10b: {  	v54 =	vld.idx.msk [tilespmem:v48+s31+$0x0], $0xffff;
	v51 =	vadd.f32 v31, v29;
	v52 =	vmul.f32 v44, v44;
	v53 =	vmul.f32 v47, v47  }
0x10c: {  	v27 =	vld.idx.msk [tilespmem:v40+s31+$0x0], $0xffff;
	v16 =	vadd.f32 v63, v16  }
0x10d: {  	v46 =	vadd.s32 s26, v10;
	v24 =	vld.idx.msk [tilespmem:v43+s31+$0x0], $0xffff;
	v45 =	vmul.f32 v23, v26;
	[tilespmem:s25+$0x1E0DD] =	vst v51;
	v56 =	vadd.f32 v53, v52  }
0x10e: {  	v49 =	vadd.s32 s26, v12;
	v16 =	vadd.f32 v37, v16;
	v58 =	vld [tilespmem:s23+$0x700]  }
0x10f: {  	v35 =	vsub.f32 $1.500000000e+00, v45;
	v60 =	vld [tilespmem:s23+$0x710];
	[tilespmem:s14+$0x1E0AA] =	vst v56  }
0x110: {  	v16 =	vadd.f32 v38, v16;
	v63 =	vld [tilespmem:s22+$0x580]  }
0x111: {  	v26 =	vmul.f32 v35, v26;
	v40 =	vld [tilespmem:s22+$0x590]  }
0x112: {  	v50 =	vld.idx.msk [tilespmem:v46+s31+$0x0], $0xffff;
	v57 =	vadd.s32 s26, v13;
	v16 =	vadd.f32 v27, v16  }
0x113: {  	v55 =	vld.idx.msk [tilespmem:v49+s31+$0x0], $0xffff;
	v62 =	vadd.s32 s26, v14;
	v32 =	vmul.f32 v26, v18  }
0x114: {  	v22 =	vld [tilespmem:s12+$0x110];
	v16 =	vadd.f32 v24, v16;
	v30 =	vmul.f32 v58, v58;
	v24 =	vmul.f32 v60, v60  }
0x115: {  	v23 =	vld [tilespmem:s12+$0x100];
	v59 =	vsub.f32 $0.0e+00, v32;
	v61 =	vmul.f32 $1.442695020e+00, v32  }
0x116: {  	v39 =	vld [tilespmem:s12+$0x310];
	v24 =	vadd.f32 v24, v30;
	v42 =	vmul.f32 v63, v63;
	v25 =	vmul.f32 v40, v40  }
0x117: {  	v36 =	vadd.s32 s26, v15;
	v29 =	vld.idx.msk [tilespmem:v57+s31+$0x0], $0xffff;
	v31 =	vmul.f32 $1.442695020e+00, v59  }
0x118: {  	v41 =	vld.idx.msk [tilespmem:v62+s31+$0x0], $0xffff;
	(erf) = vpow2.f32 v61;
	v16 =	vadd.f32 v50, v16;
	[tilespmem:s25+$0x1E0EE] =	vst v24;
	v44 =	vadd.f32 v25, v42  }
0x119: {  	(erf) = vpow2.f32 v31;
	v45 =	vld [tilespmem:s23+$0x780]  }
0x11a: {  	v16 =	vadd.f32 v54, v16;
	v46 =	vld [tilespmem:s23+$0x790];
	[tilespmem:s14+$0x1E0BB] =	vst v44  }
0x11b: {  	v24 =	vld [tilespmem:s22+$0x600]  }
0x11c: {  	v16 =	vadd.f32 v55, v16;
	v48 =	vld [tilespmem:s22+$0x610]  }
0x11d: {  	v43 =	vld.idx.msk [tilespmem:v36+s31+$0x0], $0xffff  }
0x11e: {  	v35 =	vld [tilespmem:s12+$0x210];
	v16 =	vadd.f32 v29, v16  }
0x11f: {  	v36 =	vld [tilespmem:s12+$0x280];
	v38 =	vadd.s32 s25, v0;
	v25 =	vmul.f32 v45, v45;
	v27 =	vmul.f32 v46, v46  }
0x120: {  	v37 =	vld [tilespmem:s12+$0x300];
	v42 =	vadd.s32 s25, v1;
	v16 =	vadd.f32 v41, v16  }
0x121: {  	v31 =	vld [tilespmem:s12+$0x190];
	v47 =	vpop (erf);
	v25 =	vadd.f32 v27, v25;
	v24 =	vmul.f32 v24, v24;
	v50 =	vmul.f32 v48, v48  }
0x122: {  	v30 =	vld [tilespmem:s12+$0x390];
	v49 =	vpop (erf);
	v16 =	vadd.f32 v43, v16  }
0x123: {  	v44 =	vld [tilespmem:s12+$0x400];
	v29 =	vsub.f32 v47, v49;
	[tilespmem:s25+$0x1E0FF] =	vst v25;
	v24 =	vadd.f32 v50, v24  }
0x124: {  	v18 =	vmul.f32 $1.666666720e-01, v18;
	v51 =	vadd.s32 s25, v2;
	v16 =	vmax.f32 v16, $1.000000020e-16;
	v52 =	vld.idx.msk [tilespmem:v38+s31+$0x0], $0xffff  }
0x125: {  	v29 =	vmul.f32 $5.000000000e-01, v29;
	v40 =	vshrl.u32 v16, $0x1;
	v41 =	vmul.f32 $5.000000000e-01, v16;
	v54 =	vld.idx.msk [tilespmem:v42+s31+$0x0], $0xffff;
	[tilespmem:s14+$0x1E0CC] =	vst v24  }
0x126: {  	v55 =	vadd.s32 s25, v3;
	v40 =	vsub.s32 $0x5F3759DF, v40;
	v24 =	vld [tilespmem:s22+$0x680]  }
0x127: {  	v18 =	vadd.f32 $1.000000000e+00, v18;
	v26 =	vmul.f32 v29, v26;
	v45 =	vmul.f32 v40, v41;
	v58 =	vld [tilespmem:s22+$0x690]  }
0x128: {  	v57 =	vadd.s32 s25, v4;
	vm0 =	vlt.f32 v32, $1.000000050e-03;
	v43 =	vld [tilespmem:s12+$0x380]  }
0x129: {  	v60 =	vadd.s32 s25, v5;
	v18 =	vsel vm0, v18, v26;
	v25 =	vld.idx.msk [tilespmem:v51+s31+$0x0], $0xffff;
	v53 =	vmul.f32 v40, v45  }
0x12a: {  	v47 =	vadd.s32 s25, v6;
	v46 =	vld [tilespmem:s12+$0x410];
	v59 =	vbroadcast v18, $0x0;
	v27 =	vadd.f32 $0.0e+00, v52  }
0x12b: {  	v62 =	vbroadcast v18, $0x1;
	v63 =	vbroadcast v18, $0x2;
	v42 =	vld.idx.msk [tilespmem:v55+s31+$0x0], $0xffff;
	v56 =	vsub.f32 $1.500000000e+00, v53  }
0x12c: {  	v48 =	vld [tilespmem:s12+$0x480];
	v27 =	vadd.f32 v54, v27;
	v24 =	vmul.f32 v24, v24;
	v32 =	vmul.f32 v58, v58  }
0x12d: {  	v61 =	vadd.s32 s25, v7;
	v29 =	vld.idx.msk [tilespmem:v57+s31+$0x0], $0xffff;
	v55 =	vbroadcast v18, $0x3;
	v51 =	vbroadcast v18, $0x5  }
0x12e: {  	v50 =	vld [tilespmem:s12+$0x490];
	v26 =	vmul.f32 v40, v56;
	v25 =	vadd.f32 v25, v27;
	v24 =	vadd.f32 v32, v24  }
0x12f: {  	v19 =	vmul.f32 v59, v19;
	v17 =	vmul.f32 v59, v17;
	v40 =	vld.idx.msk [tilespmem:v60+s31+$0x0], $0xffff  }
0x130: {  	v53 =	vadd.s32 s25, v8;
	v52 =	vld.idx.msk [tilespmem:v47+s31+$0x0], $0xffff;
	v49 =	vmul.f32 v26, v41;
	v25 =	vadd.f32 v42, v25;
	[tilespmem:s14+$0x1E0DD] =	vst v24  }
0x131: {  	v20 =	vmul.f32 v62, v20;
	v21 =	vmul.f32 v62, v21;
	v57 =	vld [tilespmem:s22+$0x700]  }
0x132: {  	v56 =	vadd.s32 s25, v9;
	v49 =	vmul.f32 v49, v26;
	v58 =	vld [tilespmem:s22+$0x710];
	v25 =	vadd.f32 v29, v25  }
0x133: {  	v38 =	vld.idx.msk [tilespmem:v61+s31+$0x0], $0xffff;
	v23 =	vmul.f32 v63, v23;
	v22 =	vmul.f32 v63, v22  }
0x134: {  	v59 =	vadd.s32 s25, v10;
	v45 =	vld [tilespmem:s12+$0x500];
	v54 =	vsub.f32 $1.500000000e+00, v49;
	v25 =	vadd.f32 v40, v25  }
0x135: {  	v62 =	vbroadcast v18, $0x4;
	v63 =	vadd.s32 s25, v11;
	v34 =	vmul.f32 v51, v34;
	v61 =	vld.idx.msk [tilespmem:v53+s31+$0x0], $0xffff  }
0x136: {  	[tilespmem:s12+$0xF090] =	vst v21;
	v21 =	vld [tilespmem:s12+$0x690];
	v26 =	vmul.f32 v54, v26;
	v25 =	vadd.f32 v52, v25;
	v52 =	vadd.s32 s25, v12  }
0x137: {  	v29 =	vld.idx.msk [tilespmem:v56+s31+$0x0], $0xffff;
	v54 =	vmul.f32 v57, v57;
	v27 =	vmul.f32 v58, v58  }
0x138: {  	v28 =	vmul.f32 v55, v28;
	v33 =	vmul.f32 v62, v33;
	[tilespmem:s12+$0xF290] =	vst v34;
	v34 =	vld [tilespmem:s24+$0x100];
	v25 =	vadd.f32 v38, v25  }
0x139: {  	v35 =	vmul.f32 v62, v35;
	v62 =	vbroadcast v18, $0x8;
	v40 =	vld.idx.msk [tilespmem:v59+s31+$0x0], $0xffff;
	v27 =	vadd.f32 v27, v54  }
0x13a: {  	v36 =	vmul.f32 v51, v36;
	v32 =	vld.idx.msk [tilespmem:v63+s31+$0x0], $0xffff;
	v60 =	vmul.f32 v26, v41;
	v25 =	vadd.f32 v61, v25  }
0x13b: {  	v44 =	vmul.f32 v44, v62;
	v24 =	vmul.f32 v55, v31;
	[tilespmem:s14+$0x1E0EE] =	vst v27;
	v57 =	vld.idx.msk [tilespmem:v52+s31+$0x0], $0xffff  }
0x13c: {  	v41 =	vadd.s32 s25, v13;
	v31 =	vmul.f32 v60, v26;
	v59 =	vld [tilespmem:s22+$0x780];
	v25 =	vadd.f32 v29, v25  }
0x13d: {  	v55 =	vbroadcast v18, $0x6;
	v56 =	vbroadcast v18, $0x7;
	v60 =	vld [tilespmem:s22+$0x790]  }
0x13e: {  	v47 =	vld [tilespmem:s12+$0x610];
	v58 =	vadd.s32 s25, v14;
	v31 =	vsub.f32 $1.500000000e+00, v31;
	v25 =	vadd.f32 v40, v25  }
0x13f: {  	v46 =	vmul.f32 v46, v62;
	v53 =	vld [tilespmem:s12+$0x580];
	v30 =	vmul.f32 v30, v56;
	v61 =	vadd.s32 s25, v15  }
0x140: {  	v42 =	vld [tilespmem:s12+$0x590];
	v26 =	vmul.f32 v31, v26;
	v31 =	vmul.f32 v55, v39;
	v25 =	vadd.f32 v32, v25  }
0x141: {  	[tilespmem:s12+$0xF010] =	vst v17;
	v41 =	vld.idx.msk [tilespmem:v41+s31+$0x0], $0xffff;
	v39 =	vmul.f32 v43, v56;
	v17 =	vmul.f32 v59, v59  }
0x142: {  	v49 =	vld [tilespmem:s12+$0x510];
	v56 =	vmul.f32 v60, v60;
	v25 =	vadd.f32 v57, v25;
	v57 =	vadd.s32 s14, v0  }
0x143: {  	[tilespmem:s12+$0xF080] =	vst v20;
	v27 =	vmul.f32 v55, v37;
	v55 =	vld.idx.msk [tilespmem:v58+s31+$0x0], $0xffff;
	v43 =	vmul.f32 v26, v16  }
0x144: {  	[tilespmem:s12+$0xF100] =	vst v23;
	v52 =	vld [tilespmem:s12+$0x600];
	v58 =	vbroadcast v18, $0x9;
	v60 =	vadd.s32 s14, v1;
	v17 =	vadd.f32 v56, v17  }
0x145: {  	v62 =	vadd.s32 s14, v2;
	[tilespmem:s12+$0xF300] =	vst v27;
	v54 =	vmul.f32 $1.442695020e+00, v43;
	v63 =	vsub.f32 $0.0e+00, v43;
	v59 =	vld.idx.msk [tilespmem:v61+s31+$0x0], $0xffff  }
0x146: {  	v27 =	vld [tilespmem:s24+$0x10];
	v23 =	vmul.f32 v48, v58;
	v20 =	vmul.f32 v50, v58;
	v25 =	vadd.f32 v41, v25;
	[tilespmem:s14+$0x1E0FF] =	vst v17  }
0x147: {  	(erf) = vpow2.f32 v54;
	v54 =	vmul.f32 $1.442695020e+00, v63;
	v38 =	vld.idx.msk [tilespmem:v57+s31+$0x0], $0xffff  }
0x148: {  	[tilespmem:s12+$0xF000] =	vst v19;
	v48 =	vld [tilespmem:s12+$0x710];
	v61 =	vbroadcast v18, $0xA;
	v63 =	vadd.s32 s14, v3;
	v25 =	vadd.f32 v55, v25  }
0x149: {  	[tilespmem:s12+$0xF110] =	vst v22;
	(erf) = vpow2.f32 v54;
	v17 =	vbroadcast v18, $0xB;
	v37 =	vld.idx.msk [tilespmem:v60+s31+$0x0], $0xffff  }
0x14a: {  	[tilespmem:s12+$0xF180] =	vst v28;
	v50 =	vld [tilespmem:s24+$0x0];
	v22 =	vmul.f32 v45, v61;
	v56 =	vadd.s32 s14, v4;
	v19 =	vadd.f32 v59, v25  }
0x14b: {  	[tilespmem:s12+$0xF190] =	vst v24;
	v28 =	vmul.f32 v49, v61;
	v29 =	vld.idx.msk [tilespmem:v62+s31+$0x0], $0xffff;
	v60 =	vadd.s32 s14, v5;
	v24 =	vmul.f32 v53, v17  }
0x14c: {  	[tilespmem:s12+$0xF200] =	vst v33;
	v40 =	vld [tilespmem:s12+$0x780];
	v33 =	vmul.f32 v42, v17;
	v17 =	vmax.f32 v19, $1.000000020e-16;
	v38 =	vadd.f32 $0.0e+00, v38  }
0x14d: {  	[tilespmem:s12+$0xF280] =	vst v36;
	v55 =	vbroadcast v18, $0xC;
	v25 =	vld.idx.msk [tilespmem:v63+s31+$0x0], $0xffff;
	v58 =	vshrl.u32 v17, $0x1;
	v51 =	vmul.f32 $5.000000000e-01, v17  }
0x14e: {  	[tilespmem:s12+$0xF210] =	vst v35;
	v32 =	vld [tilespmem:s12+$0x680];
	v63 =	vadd.s32 s14, v6;
	v62 =	vsub.s32 $0x5F3759DF, v58;
	v37 =	vadd.f32 v37, v38  }
0x14f: {  	[tilespmem:s12+$0xF400] =	vst v44;
	v35 =	vmul.f32 v52, v55;
	v19 =	vld.idx.msk [tilespmem:v56+s31+$0x0], $0xffff;
	v49 =	vmul.f32 v62, v51  }
0x150: {  	[tilespmem:s12+$0xF410] =	vst v46;
	v41 =	vld [tilespmem:s12+$0x700];
	v45 =	vmul.f32 v47, v55;
	v55 =	vadd.s32 s14, v7;
	v29 =	vadd.f32 v29, v37  }
0x151: {  	[tilespmem:s12+$0xF390] =	vst v30;
	v61 =	vbroadcast v18, $0xD;
	v57 =	vpop (erf);
	v56 =	vld.idx.msk [tilespmem:v60+s31+$0x0], $0xffff;
	v54 =	vmul.f32 v62, v49  }
0x152: {  	v16 =	vmul.f32 $1.666666720e-01, v16;
	[tilespmem:s12+$0xF500] =	vst v22;
	v22 =	vld [tilespmem:s24+$0x110];
	v59 =	vpop (erf);
	v58 =	vadd.s32 s14, v8;
	v25 =	vadd.f32 v25, v29  }
0x153: {  	[tilespmem:s12+$0xF310] =	vst v31;
	v21 =	vmul.f32 v21, v61;
	v36 =	vsub.f32 v57, v59;
	v38 =	vld.idx.msk [tilespmem:v63+s31+$0x0], $0xffff;
	v57 =	vsub.f32 $1.500000000e+00, v54  }
0x154: {  	[tilespmem:s12+$0xF380] =	vst v39;
	v31 =	vmul.f32 v32, v61;
	v32 =	vld [tilespmem:s24+$0x90];
	v61 =	vadd.s32 s14, v9;
	v19 =	vadd.f32 v19, v25  }
0x155: {  	[tilespmem:s12+$0xF480] =	vst v23;
	v59 =	vbroadcast v18, $0xE;
	v37 =	vld.idx.msk [tilespmem:v55+s31+$0x0], $0xffff;
	v60 =	vmul.f32 v62, v57  }
0x156: {  	[tilespmem:s12+$0xF490] =	vst v20;
	v42 =	vld [tilespmem:s12+$0x790];
	v63 =	vadd.s32 s14, v10;
	v53 =	vmul.f32 $5.000000000e-01, v36;
	v30 =	vadd.f32 v56, v19  }
0x157: {  	vm13 =	vlt.f32 v43, $1.000000050e-03;
	[tilespmem:s12+$0xF510] =	vst v28;
	v20 =	vmul.f32 v41, v59;
	v46 =	vld.idx.msk [tilespmem:v58+s31+$0x0], $0xffff;
	v62 =	vmul.f32 v60, v51  }
0x158: {  	[tilespmem:s12+$0xF580] =	vst v24;
	v24 =	vld [tilespmem:s24+$0x180];
	v44 =	vmul.f32 v48, v59;
	v49 =	vadd.s32 s14, v11;
	v48 =	vadd.f32 v38, v30  }
0x159: {  	v16 =	vadd.f32 $1.000000000e+00, v16;
	[tilespmem:s12+$0xF690] =	vst v21;
	v26 =	vmul.f32 v53, v26;
	v25 =	vld.idx.msk [tilespmem:v61+s31+$0x0], $0xffff;
	v47 =	vmul.f32 v62, v60  }
0x15a: {  	[tilespmem:s12+$0xF680] =	vst v31;
	v36 =	vld [tilespmem:s24+$0x80];
	v59 =	vadd.s32 s14, v13;
	v55 =	vadd.s32 s14, v12;
	v29 =	vadd.f32 v37, v48  }
0x15b: {  	[tilespmem:s12+$0xF590] =	vst v33;
	v57 =	vld.idx.msk [tilespmem:v63+s31+$0x0], $0xffff;
	v19 =	vsel vm13, v16, v26;
	v16 =	vbroadcast v18, $0xF;
	v26 =	vsub.f32 $1.500000000e+00, v47  }
0x15c: {  	[tilespmem:s12+$0xF610] =	vst v45;
	v45 =	vld [tilespmem:s24+$0x280];
	v53 =	vbroadcast v19, $0x0;
	v61 =	vbroadcast v19, $0x1;
	v18 =	vadd.f32 v46, v29  }
0x15d: {  	v41 =	vadd.s32 s14, v14;
	[tilespmem:s12+$0xF710] =	vst v44;
	v44 =	vbroadcast v19, $0x2;
	v30 =	vld.idx.msk [tilespmem:v49+s31+$0x0], $0xffff;
	v23 =	vmul.f32 v26, v60  }
0x15e: {  	[tilespmem:s12+$0xF600] =	vst v35;
	v58 =	vld [tilespmem:s24+$0x200];
	v52 =	vmul.f32 v40, v16;
	v16 =	vmul.f32 v42, v16;
	v18 =	vadd.f32 v25, v18  }
0x15f: {  	[tilespmem:s12+$0xF700] =	vst v20;
	v42 =	vadd.s32 s14, v15;
	v49 =	vbroadcast v19, $0x4;
	v37 =	vld.idx.msk [tilespmem:v55+s31+$0x0], $0xffff;
	v63 =	vmul.f32 v23, v51  }
0x160: {  	v62 =	vld [tilespmem:s24+$0x210];
	v56 =	vmul.f32 v53, v50;
	v43 =	vmul.f32 v61, v36;
	[tilespmem:s12+$0xF780] =	vst v52;
	v18 =	vadd.f32 v57, v18  }
0x161: {  	v22 =	vmul.f32 v44, v22;
	[tilespmem:s12+$0xF790] =	vst v16;
	v29 =	vld.idx.msk [tilespmem:v59+s31+$0x0], $0xffff;
	v31 =	vmul.f32 v63, v23  }
0x162: {  	v54 =	vld [tilespmem:s24+$0x190];
	v36 =	vbroadcast v19, $0x7;
	v16 =	vmul.f32 v44, v34;
	[tilespmem:s24+$0xF000] =	vst v56;
	v18 =	vadd.f32 v30, v18  }
0x163: {  	v52 =	vbroadcast v19, $0x5;
	v60 =	vmul.f32 v53, v27;
	[tilespmem:s24+$0xF080] =	vst v43;
	v25 =	vld.idx.msk [tilespmem:v41+s31+$0x0], $0xffff;
	v31 =	vsub.f32 $1.500000000e+00, v31  }
0x164: {  	v47 =	vld [tilespmem:s24+$0x290];
	v27 =	vmul.f32 v61, v32;
	v26 =	vmul.f32 v49, v58;
	[tilespmem:s24+$0xF110] =	vst v22;
	v18 =	vadd.f32 v37, v18  }
0x165: {  	v46 =	vbroadcast v19, $0x3;
	[tilespmem:s24+$0xF100] =	vst v16;
	v53 =	vld.idx.msk [tilespmem:v42+s31+$0x0], $0xffff;
	v23 =	vmul.f32 v31, v23  }
0x166: {  	v38 =	vld [tilespmem:s24+$0x480];
	v56 =	vbroadcast v19, $0x6;
	v16 =	vmul.f32 v49, v62;
	[tilespmem:s24+$0xF010] =	vst v60;
	v18 =	vadd.f32 v29, v18  }
0x167: {  	v59 =	vld [tilespmem:s24+$0x390];
	[tilespmem:s24+$0xF090] =	vst v27;
	v48 =	vmul.f32 v46, v24;
	v24 =	vmul.f32 v23, v17  }
0x168: {  	v40 =	vld [tilespmem:s24+$0x490];
	v55 =	vmul.f32 v52, v45;
	v45 =	vbroadcast v19, $0x9;
	[tilespmem:s24+$0xF200] =	vst v26;
	v18 =	vadd.f32 v25, v18  }
0x169: {  	v62 =	vld [tilespmem:s24+$0x400];
	v50 =	vmul.f32 v46, v54;
	v58 =	vmul.f32 v52, v47;
	[tilespmem:s24+$0xF210] =	vst v16;
	v60 =	vsub.f32 $0.0e+00, v24  }
0x16a: {  	v51 =	vld [tilespmem:s24+$0x300];
	[tilespmem:s24+$0xF280] =	vst v55;
	v41 =	vbroadcast v19, $0x8;
	v63 =	vmul.f32 $1.442695020e+00, v24;
	v18 =	vadd.f32 v53, v18  }
0x16b: {  	v54 =	vld [tilespmem:s24+$0x310];
	[tilespmem:s24+$0xF190] =	vst v50;
	v50 =	vmul.f32 v38, v45;
	v30 =	vmul.f32 $1.442695020e+00, v60  }
0x16c: {  	v42 =	vld [tilespmem:s24+$0x500];
	[tilespmem:s24+$0xF180] =	vst v48;
	v44 =	vmul.f32 v59, v36;
	(erf) = vpow2.f32 v63;
	v16 =	vmax.f32 v18, $1.000000020e-16  }
0x16d: {  	v46 =	vld [tilespmem:s24+$0x510];
	[tilespmem:s24+$0xF290] =	vst v58;
	(erf) = vpow2.f32 v30;
	v43 =	vshrl.u32 v16, $0x1;
	v32 =	vmul.f32 $5.000000000e-01, v16  }
0x16e: {  	v57 =	vld [tilespmem:s24+$0x380];
	v47 =	vmul.f32 v62, v41;
	[tilespmem:s24+$0xF480] =	vst v50;
	v30 =	vsub.s32 $0x5F3759DF, v43  }
0x16f: {  	v48 =	vld [tilespmem:s24+$0x580];
	v61 =	vmul.f32 v56, v51;
	[tilespmem:s24+$0xF390] =	vst v44;
	v49 =	vmul.f32 v30, v32  }
0x170: {  	v52 =	vbroadcast v19, $0xA;
	v59 =	vld [tilespmem:s24+$0x680];
	v20 =	vmul.f32 v56, v54;
	[tilespmem:s24+$0xF400] =	vst v47  }
0x171: {  	v54 =	vmul.f32 v40, v45;
	v37 =	vld [tilespmem:s24+$0x410];
	[tilespmem:s24+$0xF300] =	vst v61;
	v33 =	vmul.f32 v30, v49  }
0x172: {  	v55 =	vbroadcast v19, $0xB;
	v51 =	vld [tilespmem:s24+$0x590];
	v58 =	vmul.f32 v46, v52;
	[tilespmem:s24+$0xF310] =	vst v20  }
0x173: {  	v62 =	vbroadcast v19, $0xC;
	v56 =	vld [tilespmem:s24+$0x610];
	v39 =	vmul.f32 v57, v36;
	[tilespmem:s24+$0xF490] =	vst v54;
	v60 =	vsub.f32 $1.500000000e+00, v33  }
0x174: {  	v50 =	vld [tilespmem:s23+$0x0];
	v40 =	vbroadcast v19, $0xD;
	v57 =	vmul.f32 v42, v52;
	[tilespmem:s24+$0xF510] =	vst v58  }
0x175: {  	v61 =	vmul.f32 v48, v55;
	[tilespmem:s24+$0xF380] =	vst v39;
	v53 =	vld [tilespmem:s24+$0x600];
	v63 =	vpop (erf);
	v27 =	vmul.f32 v30, v60  }
0x176: {  	v45 =	vmul.f32 v59, v40;
	[tilespmem:s24+$0xF500] =	vst v57;
	v18 =	vmul.f32 v37, v41;
	v37 =	vld [tilespmem:s24+$0x690];
	v38 =	vpop (erf)  }
0x177: {  	v36 =	vmul.f32 v51, v55;
	[tilespmem:s24+$0xF580] =	vst v61;
	v41 =	vld [tilespmem:s24+$0x700];
	v29 =	vsub.f32 v63, v38;
	v44 =	vmul.f32 v27, v32  }
0x178: {  	v17 =	vmul.f32 $1.666666720e-01, v17;
	v42 =	vmul.f32 v56, v62;
	[tilespmem:s24+$0xF680] =	vst v45;
	v43 =	vld [tilespmem:s24+$0x710]  }
0x179: {  	v46 =	vld [tilespmem:s24+$0x780];
	[tilespmem:s24+$0xF590] =	vst v36;
	v29 =	vmul.f32 $5.000000000e-01, v29;
	v31 =	vmul.f32 v44, v27  }
0x17a: {  	v47 =	vld [tilespmem:s24+$0x790];
	v17 =	vadd.f32 $1.000000000e+00, v17;
	[tilespmem:s24+$0xF610] =	vst v42;
	v39 =	vmul.f32 v53, v62;
	v49 =	vbroadcast v19, $0xE  }
0x17b: {  	v52 =	vld [tilespmem:s23+$0x10];
	[tilespmem:s24+$0xF410] =	vst v18;
	v48 =	vmul.f32 v37, v40;
	v51 =	vmul.f32 v29, v23;
	v53 =	vsub.f32 $1.500000000e+00, v31  }
0x17c: {  	vm14 =	vlt.f32 v24, $1.000000050e-03;
	v55 =	vld [tilespmem:s23+$0x80];
	[tilespmem:s24+$0xF600] =	vst v39;
	v19 =	vbroadcast v19, $0xF;
	v54 =	vmul.f32 v41, v49  }
0x17d: {  	v57 =	vld [tilespmem:s23+$0x90];
	[tilespmem:s24+$0xF690] =	vst v48;
	v56 =	vmul.f32 v43, v49;
	v17 =	vsel vm14, v17, v51;
	v58 =	vmul.f32 v53, v27  }
0x17e: {  	v61 =	vld [tilespmem:s23+$0x100];
	v59 =	vmul.f32 v46, v19;
	[tilespmem:s24+$0xF700] =	vst v54;
	v60 =	vbroadcast v17, $0x0  }
0x17f: {  	v36 =	vld [tilespmem:s23+$0x180];
	v62 =	vmul.f32 v47, v19;
	[tilespmem:s24+$0xF710] =	vst v56;
	v33 =	vmul.f32 v58, v32  }
0x180: {  	v63 =	vld [tilespmem:s23+$0x110];
	[tilespmem:s24+$0xF780] =	vst v59;
	v35 =	vbroadcast v17, $0x1;
	v34 =	vmul.f32 v60, v50  }
0x181: {  	v41 =	vld [tilespmem:s23+$0x200];
	[tilespmem:s24+$0xF790] =	vst v62;
	v37 =	vmul.f32 v60, v52;
	v20 =	vmul.f32 v33, v58  }
0x182: {  	v38 =	vld [tilespmem:s23+$0x190];
	v40 =	vbroadcast v17, $0x2;
	v39 =	vmul.f32 v35, v55;
	[tilespmem:s23+$0xF000] =	vst v34  }
0x183: {  	v46 =	vld [tilespmem:s23+$0x280];
	v43 =	vbroadcast v17, $0x3;
	v42 =	vmul.f32 v35, v57;
	[tilespmem:s23+$0xF010] =	vst v37;
	v20 =	vsub.f32 $1.500000000e+00, v20  }
0x184: {  	v44 =	vld [tilespmem:s23+$0x210];
	v49 =	vbroadcast v17, $0x4;
	v45 =	vmul.f32 v40, v61;
	[tilespmem:s23+$0xF080] =	vst v39  }
0x185: {  	v48 =	vld [tilespmem:s23+$0x290];
	v19 =	vmul.f32 v40, v63;
	[tilespmem:s23+$0xF090] =	vst v42;
	v20 =	vmul.f32 v20, v58  }
0x186: {  	v54 =	vld [tilespmem:s23+$0x380];
	v51 =	vbroadcast v17, $0x5;
	v47 =	vmul.f32 v43, v36;
	[tilespmem:s23+$0xF100] =	vst v45  }
0x187: {  	v21 =	vmul.f32 v43, v38;
	v50 =	vld [tilespmem:s23+$0x300];
	[tilespmem:s23+$0xF110] =	vst v19;
	v29 =	vmul.f32 v20, v16  }
0x188: {  	v56 =	vbroadcast v17, $0x6;
	v52 =	vld [tilespmem:s23+$0x310];
	v53 =	vmul.f32 v49, v41;
	[tilespmem:s23+$0xF180] =	vst v47  }
0x189: {  	v31 =	vld [tilespmem:s23+$0x780];
	v22 =	vmul.f32 v49, v44;
	v55 =	vmul.f32 v51, v46;
	[tilespmem:s23+$0xF190] =	vst v21;
	v58 =	vsub.f32 $0.0e+00, v29  }
0x18a: {  	v57 =	vld [tilespmem:s23+$0x390];
	v59 =	vmul.f32 v51, v48;
	[tilespmem:s23+$0xF200] =	vst v53;
	v61 =	vmul.f32 $1.442695020e+00, v29  }
0x18b: {  	v60 =	vld [tilespmem:s23+$0x400];
	[tilespmem:s23+$0xF210] =	vst v22;
	v33 =	vbroadcast v17, $0x7;
	v30 =	vmul.f32 $1.442695020e+00, v58  }
0x18c: {  	v63 =	vld [tilespmem:s23+$0x410];
	[tilespmem:s23+$0xF280] =	vst v55;
	v62 =	vmul.f32 v56, v50;
	(erf) = vpow2.f32 v61  }
0x18d: {  	v36 =	vld [tilespmem:s23+$0x490];
	[tilespmem:s23+$0xF290] =	vst v59;
	v35 =	vmul.f32 v56, v52;
	(erf) = vpow2.f32 v30  }
0x18e: {  	v38 =	vbroadcast v17, $0x8;
	v41 =	vld [tilespmem:s23+$0x510];
	v37 =	vmul.f32 v54, v33;
	[tilespmem:s23+$0xF300] =	vst v62  }
0x18f: {  	v48 =	vld [tilespmem:s23+$0x600];
	v40 =	vmul.f32 v57, v33;
	[tilespmem:s23+$0xF310] =	vst v35  }
0x190: {  	v34 =	vld [tilespmem:s23+$0x480];
	v42 =	vbroadcast v17, $0x9;
	v19 =	vmul.f32 v60, v38;
	[tilespmem:s23+$0xF380] =	vst v37  }
0x191: {  	v39 =	vld [tilespmem:s23+$0x500];
	v47 =	vbroadcast v17, $0xA;
	v44 =	vmul.f32 v63, v38;
	[tilespmem:s23+$0xF390] =	vst v40  }
0x192: {  	v43 =	vld [tilespmem:s23+$0x580];
	v55 =	vbroadcast v17, $0xC;
	v49 =	vmul.f32 v36, v42;
	[tilespmem:s23+$0xF400] =	vst v19  }
0x193: {  	v45 =	vld [tilespmem:s23+$0x590];
	v52 =	vbroadcast v17, $0xB;
	v54 =	vmul.f32 v41, v47;
	[tilespmem:s23+$0xF410] =	vst v44  }
0x194: {  	v60 =	vmul.f32 v48, v55;
	v63 =	vbroadcast v17, $0xD;
	[tilespmem:s23+$0xF490] =	vst v49  }
0x195: {  	v50 =	vld [tilespmem:s23+$0x610];
	v33 =	vbroadcast v17, $0xE;
	v46 =	vmul.f32 v34, v42;
	[tilespmem:s23+$0xF510] =	vst v54;
	v53 =	vpop (erf)  }
0x196: {  	v56 =	vld [tilespmem:s23+$0x680];
	v17 =	vbroadcast v17, $0xF;
	v51 =	vmul.f32 v39, v47;
	[tilespmem:s23+$0xF600] =	vst v60;
	v30 =	vpop (erf)  }
0x197: {  	v57 =	vmul.f32 v43, v52;
	v34 =	vld [tilespmem:s23+$0x790];
	[tilespmem:s23+$0xF480] =	vst v46;
	v26 =	vsub.f32 v53, v30  }
0x198: {  	v59 =	vmul.f32 v45, v52;
	v18 =	vmul.f32 v31, v17;
	[tilespmem:s23+$0xF500] =	vst v51;
	v58 =	vld [tilespmem:s23+$0x690]  }
0x199: {  	[tilespmem:s23+$0xF580] =	vst v57;
	v16 =	vmul.f32 $1.666666720e-01, v16;
	v61 =	vld [tilespmem:s23+$0x700];
	v26 =	vmul.f32 $5.000000000e-01, v26  }
0x19a: {  	[tilespmem:s23+$0xF590] =	vst v59;
	v62 =	vmul.f32 v50, v55;
	v30 =	vld [tilespmem:s23+$0x710]  }
0x19b: {  	v36 =	vld [tilespmem:s22+$0x0];
	[tilespmem:s23+$0xF780] =	vst v18;
	v32 =	vmul.f32 v56, v63;
	v16 =	vadd.f32 $1.000000000e+00, v16;
	v20 =	vmul.f32 v26, v20  }
0x19c: {  	v38 =	vld [tilespmem:s22+$0x10];
	vm15 =	vlt.f32 v29, $1.000000050e-03;
	[tilespmem:s23+$0xF610] =	vst v62;
	v17 =	vmul.f32 v34, v17  }
0x19d: {  	v40 =	vld [tilespmem:s22+$0x80];
	[tilespmem:s23+$0xF680] =	vst v32;
	v35 =	vmul.f32 v58, v63;
	v16 =	vsel vm15, v16, v20  }
0x19e: {  	v43 =	vld [tilespmem:s22+$0x100];
	[tilespmem:s23+$0xF790] =	vst v17;
	v37 =	vmul.f32 v61, v33;
	v41 =	vbroadcast v16, $0x0  }
0x19f: {  	v47 =	vld [tilespmem:s22+$0x180];
	[tilespmem:s23+$0xF690] =	vst v35;
	v39 =	vmul.f32 v30, v33  }
0x1a0: {  	v42 =	vld [tilespmem:s22+$0x90];
	[tilespmem:s23+$0xF700] =	vst v37;
	v45 =	vbroadcast v16, $0x1;
	v44 =	vmul.f32 v41, v36  }
0x1a1: {  	v51 =	vld [tilespmem:s22+$0x200];
	[tilespmem:s23+$0xF710] =	vst v39;
	v49 =	vbroadcast v16, $0x2;
	v17 =	vmul.f32 v41, v38  }
0x1a2: {  	v46 =	vld [tilespmem:s22+$0x110];
	v53 =	vbroadcast v16, $0x3;
	v48 =	vmul.f32 v45, v40;
	[tilespmem:s22+$0xF000] =	vst v44  }
0x1a3: {  	v55 =	vld [tilespmem:s22+$0x280];
	v52 =	vmul.f32 v49, v43;
	[tilespmem:s22+$0xF010] =	vst v17  }
0x1a4: {  	v50 =	vld [tilespmem:s22+$0x190];
	v57 =	vbroadcast v16, $0x4;
	v56 =	vmul.f32 v53, v47;
	[tilespmem:s22+$0xF080] =	vst v48  }
0x1a5: {  	v59 =	vld [tilespmem:s22+$0x300];
	v17 =	vmul.f32 v45, v42;
	[tilespmem:s22+$0xF100] =	vst v52  }
0x1a6: {  	v54 =	vld [tilespmem:s22+$0x210];
	v61 =	vbroadcast v16, $0x5;
	v60 =	vmul.f32 v57, v51;
	[tilespmem:s22+$0xF180] =	vst v56  }
0x1a7: {  	v63 =	vld [tilespmem:s22+$0x380];
	[tilespmem:s22+$0xF090] =	vst v17;
	v17 =	vmul.f32 v49, v46  }
0x1a8: {  	v58 =	vld [tilespmem:s22+$0x290];
	v28 =	vbroadcast v16, $0x6;
	v27 =	vmul.f32 v61, v55;
	[tilespmem:s22+$0xF200] =	vst v60  }
0x1a9: {  	v30 =	vld [tilespmem:s22+$0x400];
	[tilespmem:s22+$0xF110] =	vst v17;
	v17 =	vmul.f32 v53, v50  }
0x1aa: {  	v62 =	vld [tilespmem:s22+$0x310];
	v32 =	vbroadcast v16, $0x7;
	v31 =	vmul.f32 v28, v59;
	[tilespmem:s22+$0xF280] =	vst v27  }
0x1ab: {  	v34 =	vld [tilespmem:s22+$0x480];
	[tilespmem:s22+$0xF190] =	vst v17;
	v17 =	vmul.f32 v57, v54  }
0x1ac: {  	v29 =	vld [tilespmem:s22+$0x390];
	v35 =	vmul.f32 v63, v32;
	v36 =	vbroadcast v16, $0x8;
	[tilespmem:s22+$0xF300] =	vst v31  }
0x1ad: {  	v38 =	vld [tilespmem:s22+$0x500];
	[tilespmem:s22+$0xF210] =	vst v17;
	v17 =	vmul.f32 v61, v58  }
0x1ae: {  	v33 =	vld [tilespmem:s22+$0x410];
	v40 =	vbroadcast v16, $0x9;
	[tilespmem:s22+$0xF380] =	vst v35;
	v39 =	vmul.f32 v30, v36  }
0x1af: {  	v42 =	vld [tilespmem:s22+$0x580];
	[tilespmem:s22+$0xF290] =	vst v17;
	v17 =	vmul.f32 v28, v62  }
0x1b0: {  	v37 =	vld [tilespmem:s22+$0x490];
	v43 =	vmul.f32 v34, v40;
	v44 =	vbroadcast v16, $0xA;
	[tilespmem:s22+$0xF400] =	vst v39  }
0x1b1: {  	v46 =	vld [tilespmem:s22+$0x600];
	[tilespmem:s22+$0xF310] =	vst v17;
	v17 =	vmul.f32 v29, v32  }
0x1b2: {  	v41 =	vld [tilespmem:s22+$0x510];
	v48 =	vbroadcast v16, $0xB;
	[tilespmem:s22+$0xF480] =	vst v43;
	v47 =	vmul.f32 v38, v44  }
0x1b3: {  	v50 =	vld [tilespmem:s22+$0x680];
	[tilespmem:s22+$0xF390] =	vst v17;
	v17 =	vmul.f32 v33, v36  }
0x1b4: {  	v45 =	vld [tilespmem:s22+$0x590];
	v52 =	vbroadcast v16, $0xC;
	[tilespmem:s22+$0xF500] =	vst v47;
	v51 =	vmul.f32 v42, v48  }
0x1b5: {  	v54 =	vld [tilespmem:s22+$0x700];
	[tilespmem:s22+$0xF410] =	vst v17;
	v17 =	vmul.f32 v37, v40  }
0x1b6: {  	v56 =	vbroadcast v16, $0xD;
	v49 =	vld [tilespmem:s22+$0x610];
	[tilespmem:s22+$0xF580] =	vst v51;
	v55 =	vmul.f32 v46, v52  }
0x1b7: {  	v58 =	vld [tilespmem:s22+$0x780];
	[tilespmem:s22+$0xF490] =	vst v17;
	v17 =	vmul.f32 v41, v44  }
0x1b8: {  	v60 =	vbroadcast v16, $0xE;
	v53 =	vld [tilespmem:s22+$0x690];
	[tilespmem:s22+$0xF600] =	vst v55;
	v59 =	vmul.f32 v50, v56  }
0x1b9: {  	v61 =	vld [tilespmem:s22+$0x790];
	[tilespmem:s22+$0xF510] =	vst v17;
	v17 =	vmul.f32 v45, v48  }
0x1ba: {  	v16 =	vbroadcast v16, $0xF;
	v57 =	vld [tilespmem:s22+$0x710];
	[tilespmem:s22+$0xF680] =	vst v59;
	v62 =	vmul.f32 v54, v60  }
0x1bb: {  	[tilespmem:s22+$0xF590] =	vst v17;
	v17 =	vmul.f32 v49, v52  }
0x1bc: {  	p3 =	slt.u32 s10, $0x8;
	[tilespmem:s22+$0xF700] =	vst v62;
	v63 =	vmul.f32 v58, v16  }
.Ltmp2:
0x1bd: {  	[tilespmem:s22+$0xF610] =	vst v17;
	v17 =	vmul.f32 v53, v56;
	(pc) =	sbr.rel @p3 .LBB2_3-.Ltmp2, $4  }
0x1be: {  	v16 =	vmul.f32 v61, v16;
	[tilespmem:s22+$0xF780] =	vst v63  }
0x1bf: {  	[tilespmem:s22+$0xF690] =	vst v17;
	v17 =	vmul.f32 v57, v60  }
0x1c0: {  	s28 =	sadd.s32 $0x4, s10;
	[tilespmem:s22+$0xF790] =	vst v16  }
0x1c1: {  	s10 =	smov.u32 s28;
	s14 =	simm.s32 $0xCC0;
	s12 =	simm.s32 $0x1ECC0;
	[tilespmem:s22+$0xF710] =	vst v17  }
.LBB2_4:
0x1c2: {  	s10 =	sshra.s32 s6, $0x2  }
0x1c3: {  	v16 =	vld [tilespmem:s10+$0x6000]  }
0x1c4: {  	v17 =	vld [tilespmem:s10+$0x6010];
	_ =	sdelay $0x4  }
0x1c5: {  	v16 =	vmul.f32 v16, v16;
	v17 =	vmul.f32 v17, v17;
	_ =	sdelay $0x1  }
0x1c6: {  	v16 =	vadd.f32 v17, v16;
	_ =	sdelay $0x1  }
0x1c7: {  	[tilespmem:s12+$0x0] =	vst v16  }
0x1c8: {  	v16 =	vld [tilespmem:s10+$0x6080]  }
0x1c9: {  	v17 =	vld [tilespmem:s10+$0x6090];
	_ =	sdelay $0x4  }
0x1ca: {  	v16 =	vmul.f32 v16, v16;
	v17 =	vmul.f32 v17, v17;
	_ =	sdelay $0x1  }
0x1cb: {  	v16 =	vadd.f32 v17, v16;
	_ =	sdelay $0x1  }
0x1cc: {  	[tilespmem:s12+$0x11] =	vst v16  }
0x1cd: {  	v16 =	vld [tilespmem:s10+$0x6100]  }
0x1ce: {  	v17 =	vld [tilespmem:s10+$0x6110];
	_ =	sdelay $0x4  }
0x1cf: {  	v16 =	vmul.f32 v16, v16;
	v17 =	vmul.f32 v17, v17;
	_ =	sdelay $0x1  }
0x1d0: {  	v16 =	vadd.f32 v17, v16;
	_ =	sdelay $0x1  }
0x1d1: {  	[tilespmem:s12+$0x22] =	vst v16  }
0x1d2: {  	v16 =	vld [tilespmem:s10+$0x6180]  }
0x1d3: {  	v17 =	vld [tilespmem:s10+$0x6190];
	_ =	sdelay $0x4  }
0x1d4: {  	v16 =	vmul.f32 v16, v16;
	v17 =	vmul.f32 v17, v17;
	_ =	sdelay $0x1  }
0x1d5: {  	v16 =	vadd.f32 v17, v16;
	_ =	sdelay $0x1  }
0x1d6: {  	[tilespmem:s12+$0x33] =	vst v16  }
0x1d7: {  	v16 =	vld [tilespmem:s10+$0x6200]  }
0x1d8: {  	v17 =	vld [tilespmem:s10+$0x6210];
	_ =	sdelay $0x4  }
0x1d9: {  	v16 =	vmul.f32 v16, v16;
	v17 =	vmul.f32 v17, v17;
	_ =	sdelay $0x1  }
0x1da: {  	v16 =	vadd.f32 v17, v16;
	_ =	sdelay $0x1  }
0x1db: {  	[tilespmem:s12+$0x44] =	vst v16  }
0x1dc: {  	v16 =	vld [tilespmem:s10+$0x6280]  }
0x1dd: {  	v17 =	vld [tilespmem:s10+$0x6290];
	_ =	sdelay $0x4  }
0x1de: {  	v16 =	vmul.f32 v16, v16;
	v17 =	vmul.f32 v17, v17;
	_ =	sdelay $0x1  }
0x1df: {  	v16 =	vadd.f32 v17, v16;
	_ =	sdelay $0x1  }
0x1e0: {  	[tilespmem:s12+$0x55] =	vst v16  }
0x1e1: {  	v16 =	vld [tilespmem:s10+$0x6300]  }
0x1e2: {  	v17 =	vld [tilespmem:s10+$0x6310];
	_ =	sdelay $0x4  }
0x1e3: {  	v16 =	vmul.f32 v16, v16;
	v17 =	vmul.f32 v17, v17;
	_ =	sdelay $0x1  }
0x1e4: {  	v16 =	vadd.f32 v17, v16;
	_ =	sdelay $0x1  }
0x1e5: {  	[tilespmem:s12+$0x66] =	vst v16  }
0x1e6: {  	v16 =	vld [tilespmem:s10+$0x6380]  }
0x1e7: {  	v17 =	vld [tilespmem:s10+$0x6390];
	_ =	sdelay $0x4  }
0x1e8: {  	v16 =	vmul.f32 v16, v16;
	v17 =	vmul.f32 v17, v17;
	_ =	sdelay $0x1  }
0x1e9: {  	v16 =	vadd.f32 v17, v16;
	_ =	sdelay $0x1  }
0x1ea: {  	[tilespmem:s12+$0x77] =	vst v16  }
0x1eb: {  	v16 =	vld [tilespmem:s10+$0x6400]  }
0x1ec: {  	v17 =	vld [tilespmem:s10+$0x6410];
	_ =	sdelay $0x4  }
0x1ed: {  	v16 =	vmul.f32 v16, v16;
	v17 =	vmul.f32 v17, v17;
	_ =	sdelay $0x1  }
0x1ee: {  	v16 =	vadd.f32 v17, v16;
	_ =	sdelay $0x1  }
0x1ef: {  	[tilespmem:s12+$0x88] =	vst v16  }
0x1f0: {  	v16 =	vld [tilespmem:s10+$0x6480]  }
0x1f1: {  	v17 =	vld [tilespmem:s10+$0x6490];
	_ =	sdelay $0x4  }
0x1f2: {  	v16 =	vmul.f32 v16, v16;
	v17 =	vmul.f32 v17, v17;
	_ =	sdelay $0x1  }
0x1f3: {  	v16 =	vadd.f32 v17, v16;
	_ =	sdelay $0x1  }
0x1f4: {  	[tilespmem:s12+$0x99] =	vst v16  }
0x1f5: {  	v16 =	vld [tilespmem:s10+$0x6500]  }
0x1f6: {  	v17 =	vld [tilespmem:s10+$0x6510];
	_ =	sdelay $0x4  }
0x1f7: {  	v16 =	vmul.f32 v16, v16;
	v17 =	vmul.f32 v17, v17;
	_ =	sdelay $0x1  }
0x1f8: {  	v16 =	vadd.f32 v17, v16;
	_ =	sdelay $0x1  }
0x1f9: {  	[tilespmem:s12+$0xAA] =	vst v16  }
0x1fa: {  	v16 =	vld [tilespmem:s10+$0x6580]  }
0x1fb: {  	v17 =	vld [tilespmem:s10+$0x6590];
	_ =	sdelay $0x4  }
0x1fc: {  	v16 =	vmul.f32 v16, v16;
	v17 =	vmul.f32 v17, v17;
	_ =	sdelay $0x1  }
0x1fd: {  	v16 =	vadd.f32 v17, v16;
	_ =	sdelay $0x1  }
0x1fe: {  	[tilespmem:s12+$0xBB] =	vst v16  }
0x1ff: {  	v16 =	vld [tilespmem:s10+$0x6600]  }
0x200: {  	v17 =	vld [tilespmem:s10+$0x6610];
	_ =	sdelay $0x4  }
0x201: {  	v16 =	vmul.f32 v16, v16;
	v17 =	vmul.f32 v17, v17;
	_ =	sdelay $0x1  }
0x202: {  	v16 =	vadd.f32 v17, v16;
	_ =	sdelay $0x1  }
0x203: {  	[tilespmem:s12+$0xCC] =	vst v16  }
0x204: {  	v16 =	vld [tilespmem:s10+$0x6680]  }
0x205: {  	v17 =	vld [tilespmem:s10+$0x6690];
	_ =	sdelay $0x4  }
0x206: {  	v16 =	vmul.f32 v16, v16;
	v17 =	vmul.f32 v17, v17;
	_ =	sdelay $0x1  }
0x207: {  	v16 =	vadd.f32 v17, v16;
	_ =	sdelay $0x1  }
0x208: {  	[tilespmem:s12+$0xDD] =	vst v16  }
0x209: {  	v16 =	vld [tilespmem:s10+$0x6700]  }
0x20a: {  	v17 =	vld [tilespmem:s10+$0x6710];
	_ =	sdelay $0x4  }
0x20b: {  	v16 =	vmul.f32 v16, v16;
	v17 =	vmul.f32 v17, v17;
	_ =	sdelay $0x1  }
0x20c: {  	v16 =	vadd.f32 v17, v16;
	_ =	sdelay $0x1  }
0x20d: {  	[tilespmem:s12+$0xEE] =	vst v16  }
0x20e: {  	v16 =	vld [tilespmem:s10+$0x6780]  }
0x20f: {  	v17 =	vld [tilespmem:s10+$0x6790];
	_ =	sdelay $0x4  }
0x210: {  	v18 =	vadd.s32 s14, v0;
	v16 =	vmul.f32 v16, v16;
	v17 =	vmul.f32 v17, v17;
	_ =	sdelay $0x1  }
0x211: {  	v16 =	vadd.f32 v17, v16;
	v17 =	vadd.s32 s14, v1;
	_ =	sdelay $0x1  }
0x212: {  	[tilespmem:s12+$0xFF] =	vst v16;
	v16 =	vadd.s32 s14, v2  }
0x213: {  	v18 =	vld.idx.msk [tilespmem:v18+s31+$0x0], $0xffff  }
0x214: {  	v19 =	vadd.s32 s14, v3  }
0x215: {  	v17 =	vld.idx.msk [tilespmem:v17+s31+$0x0], $0xffff  }
0x216: {  	v20 =	vadd.s32 s14, v4  }
0x217: {  	v16 =	vld.idx.msk [tilespmem:v16+s31+$0x0], $0xffff  }
0x218: {  	v21 =	vadd.s32 s14, v5;
	v18 =	vadd.f32 $0.0e+00, v18  }
0x219: {  	v19 =	vld.idx.msk [tilespmem:v19+s31+$0x0], $0xffff  }
0x21a: {  	v29 =	vadd.s32 s14, v6;
	v17 =	vadd.f32 v17, v18  }
0x21b: {  	v20 =	vld.idx.msk [tilespmem:v20+s31+$0x0], $0xffff  }
0x21c: {  	v16 =	vadd.f32 v16, v17;
	v17 =	vadd.s32 s14, v7  }
0x21d: {  	v21 =	vld.idx.msk [tilespmem:v21+s31+$0x0], $0xffff  }
0x21e: {  	v30 =	vadd.s32 s14, v8;
	v16 =	vadd.f32 v19, v16  }
0x21f: {  	v18 =	vld.idx.msk [tilespmem:v29+s31+$0x0], $0xffff  }
0x220: {  	v31 =	vadd.s32 s14, v9;
	v16 =	vadd.f32 v20, v16  }
0x221: {  	v17 =	vld.idx.msk [tilespmem:v17+s31+$0x0], $0xffff  }
0x222: {  	v32 =	vadd.s32 s14, v10;
	v16 =	vadd.f32 v21, v16  }
0x223: {  	v19 =	vld.idx.msk [tilespmem:v30+s31+$0x0], $0xffff  }
0x224: {  	v33 =	vadd.s32 s14, v11;
	v16 =	vadd.f32 v18, v16  }
0x225: {  	v20 =	vld.idx.msk [tilespmem:v31+s31+$0x0], $0xffff  }
0x226: {  	v16 =	vadd.f32 v17, v16;
	v17 =	vadd.s32 s14, v12  }
0x227: {  	v21 =	vld.idx.msk [tilespmem:v32+s31+$0x0], $0xffff  }
0x228: {  	v34 =	vadd.s32 s14, v13;
	v16 =	vadd.f32 v19, v16  }
0x229: {  	v18 =	vld.idx.msk [tilespmem:v33+s31+$0x0], $0xffff  }
0x22a: {  	v35 =	vadd.s32 s14, v14;
	v16 =	vadd.f32 v20, v16  }
0x22b: {  	v17 =	vld.idx.msk [tilespmem:v17+s31+$0x0], $0xffff  }
0x22c: {  	v36 =	vadd.s32 s14, v15;
	v16 =	vadd.f32 v21, v16  }
0x22d: {  	v19 =	vld.idx.msk [tilespmem:v34+s31+$0x0], $0xffff  }
0x22e: {  	v16 =	vadd.f32 v18, v16  }
0x22f: {  	v37 =	vld.idx.msk [tilespmem:v35+s31+$0x0], $0xffff  }
0x230: {  	v16 =	vadd.f32 v17, v16  }
0x231: {  	v17 =	vld.idx.msk [tilespmem:v36+s31+$0x0], $0xffff  }
0x232: {  	v16 =	vadd.f32 v19, v16;
	_ =	sdelay $0x1  }
0x233: {  	v16 =	vadd.f32 v37, v16;
	_ =	sdelay $0x1  }
0x234: {  	v16 =	vadd.f32 v17, v16;
	_ =	sdelay $0x1  }
0x235: {  	v16 =	vmax.f32 v16, $1.000000020e-16  }
0x236: {  	v17 =	vshrl.u32 v16, $0x1;
	v38 =	vmul.f32 $5.000000000e-01, v16  }
0x237: {  	v17 =	vsub.s32 $0x5F3759DF, v17  }
0x238: {  	v39 =	vmul.f32 v17, v38;
	_ =	sdelay $0x1  }
0x239: {  	v19 =	vmul.f32 v17, v39;
	_ =	sdelay $0x1  }
0x23a: {  	v19 =	vsub.f32 $1.500000000e+00, v19;
	_ =	sdelay $0x1  }
0x23b: {  	v17 =	vmul.f32 v17, v19;
	_ =	sdelay $0x1  }
0x23c: {  	v19 =	vmul.f32 v17, v38;
	_ =	sdelay $0x1  }
0x23d: {  	v19 =	vmul.f32 v19, v17;
	_ =	sdelay $0x1  }
0x23e: {  	v19 =	vsub.f32 $1.500000000e+00, v19;
	_ =	sdelay $0x1  }
0x23f: {  	v17 =	vmul.f32 v19, v17;
	_ =	sdelay $0x1  }
0x240: {  	v18 =	vmul.f32 v17, v38;
	_ =	sdelay $0x1  }
0x241: {  	v18 =	vmul.f32 v18, v17;
	_ =	sdelay $0x1  }
0x242: {  	v18 =	vsub.f32 $1.500000000e+00, v18;
	_ =	sdelay $0x1  }
0x243: {  	v17 =	vmul.f32 v18, v17;
	_ =	sdelay $0x1  }
0x244: {  	v18 =	vmul.f32 v17, v16;
	_ =	sdelay $0x1  }
0x245: {  	v40 =	vsub.f32 $0.0e+00, v18  }
0x246: {  	v41 =	vmul.f32 $1.442695020e+00, v18  }
0x247: {  	v19 =	vmul.f32 $1.442695020e+00, v40  }
0x248: {  	(erf) = vpow2.f32 v41  }
0x249: {  	(erf) = vpow2.f32 v19;
	_ =	sdelay $0x7  }
0x24a: {  	v42 =	vpop (erf)  }
0x24b: {  	v43 =	vpop (erf)  }
0x24c: {  	v19 =	vsub.f32 v42, v43;
	_ =	sdelay $0x1  }
0x24d: {  	v16 =	vmul.f32 $1.666666720e-01, v16;
	v19 =	vmul.f32 $5.000000000e-01, v19;
	_ =	sdelay $0x1  }
0x24e: {  	v44 =	vld [tilespmem:s10+$0x6000];
	v16 =	vadd.f32 $1.000000000e+00, v16;
	v17 =	vmul.f32 v19, v17  }
0x24f: {  	v45 =	vld [tilespmem:s10+$0x6010];
	vm0 =	vlt.f32 v18, $1.000000050e-03  }
0x250: {  	v16 =	vsel vm0, v16, v17;
	v17 =	vld [tilespmem:s10+$0x6080]  }
0x251: {  	v47 =	vld [tilespmem:s10+$0x6090];
	v46 =	vbroadcast v16, $0x0  }
0x252: {  	v22 =	vld [tilespmem:s10+$0x6100]  }
0x253: {  	v24 =	vld [tilespmem:s10+$0x6110];
	v23 =	vbroadcast v16, $0x1;
	v19 =	vmul.f32 v46, v44  }
0x254: {  	v48 =	vld [tilespmem:s10+$0x6180];
	v18 =	vmul.f32 v46, v45  }
0x255: {  	v25 =	vld [tilespmem:s10+$0x6190];
	v49 =	vbroadcast v16, $0x2;
	[tilespmem:s10+$0x15000] =	vst v19;
	v17 =	vmul.f32 v23, v17  }
0x256: {  	v51 =	vld [tilespmem:s10+$0x6200];
	v50 =	vmul.f32 v23, v47;
	[tilespmem:s10+$0x15010] =	vst v18  }
0x257: {  	v53 =	vld [tilespmem:s10+$0x6210];
	v52 =	vbroadcast v16, $0x3;
	[tilespmem:s10+$0x15080] =	vst v17;
	v17 =	vmul.f32 v49, v22  }
0x258: {  	v55 =	vld [tilespmem:s10+$0x6280];
	v54 =	vmul.f32 v49, v24;
	[tilespmem:s10+$0x15090] =	vst v50  }
0x259: {  	v57 =	vld [tilespmem:s10+$0x6290];
	v56 =	vbroadcast v16, $0x4;
	[tilespmem:s10+$0x15100] =	vst v17;
	v17 =	vmul.f32 v52, v48  }
0x25a: {  	v59 =	vld [tilespmem:s10+$0x6300];
	v58 =	vmul.f32 v52, v25;
	[tilespmem:s10+$0x15110] =	vst v54  }
0x25b: {  	v61 =	vld [tilespmem:s10+$0x6310];
	v60 =	vbroadcast v16, $0x5;
	[tilespmem:s10+$0x15180] =	vst v17;
	v17 =	vmul.f32 v56, v51  }
0x25c: {  	v63 =	vld [tilespmem:s10+$0x6380];
	v62 =	vmul.f32 v56, v53;
	[tilespmem:s10+$0x15190] =	vst v58  }
0x25d: {  	v29 =	vld [tilespmem:s10+$0x6390];
	v28 =	vbroadcast v16, $0x6;
	[tilespmem:s10+$0x15200] =	vst v17;
	v17 =	vmul.f32 v60, v55  }
0x25e: {  	v31 =	vld [tilespmem:s10+$0x6400];
	v30 =	vmul.f32 v60, v57;
	[tilespmem:s10+$0x15210] =	vst v62  }
0x25f: {  	v33 =	vld [tilespmem:s10+$0x6410];
	v32 =	vbroadcast v16, $0x7;
	[tilespmem:s10+$0x15280] =	vst v17;
	v17 =	vmul.f32 v28, v59  }
0x260: {  	v35 =	vld [tilespmem:s10+$0x6480];
	v34 =	vmul.f32 v28, v61;
	[tilespmem:s10+$0x15290] =	vst v30  }
0x261: {  	v37 =	vld [tilespmem:s10+$0x6490];
	v36 =	vbroadcast v16, $0x8;
	[tilespmem:s10+$0x15300] =	vst v17;
	v17 =	vmul.f32 v63, v32  }
0x262: {  	v39 =	vld [tilespmem:s10+$0x6500];
	v38 =	vmul.f32 v29, v32;
	[tilespmem:s10+$0x15310] =	vst v34  }
0x263: {  	v41 =	vld [tilespmem:s10+$0x6510];
	v40 =	vbroadcast v16, $0x9;
	[tilespmem:s10+$0x15380] =	vst v17;
	v17 =	vmul.f32 v31, v36  }
0x264: {  	v43 =	vld [tilespmem:s10+$0x6580];
	v42 =	vmul.f32 v33, v36;
	[tilespmem:s10+$0x15390] =	vst v38  }
0x265: {  	v44 =	vbroadcast v16, $0xA;
	v45 =	vld [tilespmem:s10+$0x6590];
	[tilespmem:s10+$0x15400] =	vst v17;
	v17 =	vmul.f32 v35, v40  }
0x266: {  	v46 =	vmul.f32 v37, v40;
	v47 =	vld [tilespmem:s10+$0x6600];
	[tilespmem:s10+$0x15410] =	vst v42  }
0x267: {  	v49 =	vld [tilespmem:s10+$0x6610];
	v48 =	vbroadcast v16, $0xB;
	[tilespmem:s10+$0x15480] =	vst v17;
	v17 =	vmul.f32 v39, v44  }
0x268: {  	[tilespmem:s10+$0x15490] =	vst v46;
	v50 =	vmul.f32 v41, v44;
	v51 =	vld [tilespmem:s10+$0x6680]  }
0x269: {  	v53 =	vld [tilespmem:s10+$0x6690];
	v52 =	vbroadcast v16, $0xC;
	[tilespmem:s10+$0x15500] =	vst v17;
	v17 =	vmul.f32 v43, v48  }
0x26a: {  	[tilespmem:s10+$0x15510] =	vst v50;
	v54 =	vmul.f32 v45, v48;
	v55 =	vld [tilespmem:s10+$0x6700]  }
0x26b: {  	v57 =	vld [tilespmem:s10+$0x6710];
	v56 =	vbroadcast v16, $0xD;
	[tilespmem:s10+$0x15580] =	vst v17;
	v17 =	vmul.f32 v47, v52  }
0x26c: {  	v58 =	vmul.f32 v49, v52;
	[tilespmem:s10+$0x15590] =	vst v54;
	v59 =	vld [tilespmem:s10+$0x6780]  }
0x26d: {  	v61 =	vld [tilespmem:s10+$0x6790];
	v60 =	vbroadcast v16, $0xE;
	[tilespmem:s10+$0x15600] =	vst v17;
	v17 =	vmul.f32 v51, v56  }
0x26e: {  	v62 =	vmul.f32 v53, v56;
	[tilespmem:s10+$0x15610] =	vst v58  }
0x26f: {  	p3 =	sne.s32 s6, $0x4000;
	v16 =	vbroadcast v16, $0xF;
	[tilespmem:s10+$0x15680] =	vst v17;
	v17 =	vmul.f32 v55, v60  }
.Ltmp3:
0x270: {  	[tilespmem:s10+$0x15690] =	vst v62;
	v63 =	vmul.f32 v57, v60;
	(pc) =	sbr.rel @p3 .LBB2_4-.Ltmp3, $4  }
0x271: {  	[tilespmem:s10+$0x15700] =	vst v17;
	v17 =	vmul.f32 v59, v16  }
0x272: {  	[tilespmem:s10+$0x15710] =	vst v63;
	v16 =	vmul.f32 v61, v16  }
0x273: {  	[tilespmem:s10+$0x15780] =	vst v17  }
0x274: {  	s6 =	sadd.s32 $0x2000, s6;
	s12 =	sadd.s32 $0x110, s12;
	s14 =	sadd.s32 $0x110, s14;
	[tilespmem:s10+$0x15790] =	vst v16  }
0x275: {  	s6 =	sadd.s32 s2, s21  }
0x276: {  	s10 =	smul.u32 $0xF00, s6  }
0x277: {  	s6 =	smul.u32 $0x7800, s6;
	_ =	sdelay $0x1  }
0x278: {  	s10 =	sadd.s32 s5, s10;
	s6 =	sshrl.u32 s6, $0x3  }
0x279: {  	[hbm4b:s10+s3] =	stream.linear.scatter [tilespmem:s1], [sflag:$0x3], $0x2000, $0x38;
	[tilespmem:$0x1F000] =	vst v63  }
0x27a: {  	p3 =	sne.s32 @!p0 s13, $0x40;
	s6 =	sadd.s32 s5, s6  }
0x27b: {  	p3 =	por p0, p3;
	s26 =	sadd.s32 $0x400, s6  }
0x27c: {  	[hbm4b:s26+s3] =	stream.linear.scatter [tilespmem:s0], [sflag:$0x3], $0x2000, $0x38;
	[tilespmem:$0x1F000] =	vst v63  }
.Ltmp4:
0x27d: {  	_ = 	snop;
	(pc) =	sbr.rel @p3 .LBB2_7-.Ltmp4, $4  }
0x27e: {  	s28 =	sadd.s32 $0x800, s6  }
0x27f: {  	[hbm4b:s28+s3] =	stream.linear.scatter [tilespmem:s17], [sflag:$0x3], $0x2000, $0x38;
	[tilespmem:$0x1F000] =	vst v63  }
0x280: {  	s6 =	sadd.s32 $0xC00, s6  }
0x281: {  	[hbm4b:s6+s3] =	stream.linear.scatter [tilespmem:s18], [sflag:$0x3], $0x1800, $0x38;
	[tilespmem:$0x1F000] =	vst v63  }
.Ltmp5:
0x282: {  	(pc) =	sbr.rel .LBB2_8-.Ltmp5, $4  }
0x283: {  	_ = 	snop  }
0x284: {  	_ =	swait.ge [sflag:s19], $0x7800  }
0x285: {  	[sflag:s19] =	ssyncset.done $0x0  }
0x286: {  	[sflag:s19] =	ssyncadd.s32 $0xFFFF8800  }
.LBB2_7:
0x287: {  	s6 =	rddreg [dreg:$0xa]  }
0x288: {  	s6 =	sadd.s32 s21, s6  }
0x289: {  	s6 =	smul.u32 $0xF0, s6;
	_ =	sdelay $0x1  }
0x28a: {  	p3 =	slt.s32 s6, $0xF4150  }
0x28b: {  	s6 =	simm.s32 @!p3 $0xF4150  }
0x28c: {  	s10 =	sshll.u32 s6, $0x4;
	s6 =	sshll.u32 s6, $0x7  }
0x28d: {  	s10 =	sadd.s32 s4, s10;
	s24 =	sadd.s32 $0x2000, s6  }
0x28e: {  	[tilespmem:s3], [sflag:$0x1] =	stream.linear.gather [hbm4b:s10+s3], $0x2000, $0x38;
	[tilespmem:$0x1F000] =	vst v63  }
0x28f: {  	s10 =	sshrl.u32 s24, $0x3  }
0x290: {  	s12 =	simm.s32 $0x2000;
	s25 =	sadd.s32 $0x4000, s6;
	s10 =	sadd.s32 s4, s10  }
0x291: {  	[tilespmem:s12], [sflag:$0x1] =	stream.linear.gather [hbm4b:s10+s3], $0x2000, $0x38;
	[tilespmem:$0x1F000] =	vst v63  }
0x292: {  	s6 =	sadd.s32 $0x6000, s6;
	s10 =	sshrl.u32 s25, $0x3  }
0x293: {  	s26 =	simm.s32 $0x4000;
	s6 =	sshrl.u32 s6, $0x3;
	s10 =	sadd.s32 s4, s10  }
0x294: {  	[tilespmem:s26], [sflag:$0x1] =	stream.linear.gather [hbm4b:s10+s3], $0x2000, $0x38;
	[tilespmem:$0x1F000] =	vst v63  }
.Ltmp6:
0x295: {  	s28 =	simm.s32 $0x6000;
	s6 =	sadd.s32 s4, s6;
	(pc) =	sbr.rel @p2 .LBB2_9-.Ltmp6, $4  }
0x296: {  	[tilespmem:s28], [sflag:$0x1] =	stream.linear.gather [hbm4b:s6+s3], $0x1800, $0x38;
	[tilespmem:$0x1F000] =	vst v63  }
0x297: {  	_ =	swait.ge [sflag:s19], $0x7800  }
0x298: {  	[sflag:s19] =	ssyncset.done $0x0  }
0x299: {  	[sflag:s19] =	ssyncadd.s32 $0xFFFF8800  }
.LBB2_8:
0x29a: {  	_ =	swait.ge [sflag:s11], $0x7800  }
0x29b: {  	[sflag:s11] =	ssyncset.done $0x0  }
0x29c: {  	[sflag:s11] =	ssyncadd.s32 $0xFFFF8800  }
.LBB2_9:
0x29d: {  	s6 =	simm.s32 $0x0;
	s10 =	simm.s32 $0x0  }
.LBB2_10:
0x29e: {  	s12 =	sshll.u32 s10, $0xB  }
0x29f: {  	v16 =	vld [tilespmem:s12+$0x7800]  }
0x2a0: {  	v17 =	vld [tilespmem:s12+$0x7810];
	_ =	sdelay $0x4  }
0x2a1: {  	v16 =	vmul.f32 v16, v16;
	v17 =	vmul.f32 v17, v17;
	_ =	sdelay $0x1  }
0x2a2: {  	s28 =	smul.u32 $0x110, s10;
	v16 =	vadd.f32 v17, v16;
	_ =	sdelay $0x1  }
0x2a3: {  	[tilespmem:s28+$0x1E000] =	vst v16  }
0x2a4: {  	v16 =	vld [tilespmem:s12+$0x7880]  }
0x2a5: {  	v17 =	vld [tilespmem:s12+$0x7890];
	_ =	sdelay $0x4  }
0x2a6: {  	v16 =	vmul.f32 v16, v16;
	v17 =	vmul.f32 v17, v17;
	_ =	sdelay $0x1  }
0x2a7: {  	v16 =	vadd.f32 v17, v16;
	_ =	sdelay $0x1  }
0x2a8: {  	[tilespmem:s28+$0x1E011] =	vst v16  }
0x2a9: {  	v16 =	vld [tilespmem:s12+$0x7900]  }
0x2aa: {  	v17 =	vld [tilespmem:s12+$0x7910];
	_ =	sdelay $0x4  }
0x2ab: {  	v16 =	vmul.f32 v16, v16;
	v17 =	vmul.f32 v17, v17;
	_ =	sdelay $0x1  }
0x2ac: {  	v16 =	vadd.f32 v17, v16;
	_ =	sdelay $0x1  }
0x2ad: {  	[tilespmem:s28+$0x1E022] =	vst v16  }
0x2ae: {  	v16 =	vld [tilespmem:s12+$0x7980]  }
0x2af: {  	v17 =	vld [tilespmem:s12+$0x7990];
	_ =	sdelay $0x4  }
0x2b0: {  	v16 =	vmul.f32 v16, v16;
	v17 =	vmul.f32 v17, v17;
	_ =	sdelay $0x1  }
0x2b1: {  	v16 =	vadd.f32 v17, v16;
	_ =	sdelay $0x1  }
0x2b2: {  	[tilespmem:s28+$0x1E033] =	vst v16  }
0x2b3: {  	v16 =	vld [tilespmem:s12+$0x7A00]  }
0x2b4: {  	v17 =	vld [tilespmem:s12+$0x7A10];
	_ =	sdelay $0x4  }
0x2b5: {  	v16 =	vmul.f32 v16, v16;
	v17 =	vmul.f32 v17, v17;
	_ =	sdelay $0x1  }
0x2b6: {  	v16 =	vadd.f32 v17, v16;
	_ =	sdelay $0x1  }
0x2b7: {  	[tilespmem:s28+$0x1E044] =	vst v16  }
0x2b8: {  	v16 =	vld [tilespmem:s12+$0x7A80]  }
0x2b9: {  	v17 =	vld [tilespmem:s12+$0x7A90];
	_ =	sdelay $0x4  }
0x2ba: {  	v16 =	vmul.f32 v16, v16;
	v17 =	vmul.f32 v17, v17;
	_ =	sdelay $0x1  }
0x2bb: {  	v16 =	vadd.f32 v17, v16;
	_ =	sdelay $0x1  }
0x2bc: {  	[tilespmem:s28+$0x1E055] =	vst v16  }
0x2bd: {  	v16 =	vld [tilespmem:s12+$0x7B00]  }
0x2be: {  	v17 =	vld [tilespmem:s12+$0x7B10];
	_ =	sdelay $0x4  }
0x2bf: {  	v16 =	vmul.f32 v16, v16;
	v17 =	vmul.f32 v17, v17;
	_ =	sdelay $0x1  }
0x2c0: {  	v16 =	vadd.f32 v17, v16;
	_ =	sdelay $0x1  }
0x2c1: {  	[tilespmem:s28+$0x1E066] =	vst v16  }
0x2c2: {  	v16 =	vld [tilespmem:s12+$0x7B80]  }
0x2c3: {  	v17 =	vld [tilespmem:s12+$0x7B90];
	_ =	sdelay $0x4  }
0x2c4: {  	v16 =	vmul.f32 v16, v16;
	v17 =	vmul.f32 v17, v17;
	_ =	sdelay $0x1  }
0x2c5: {  	v16 =	vadd.f32 v17, v16;
	_ =	sdelay $0x1  }
0x2c6: {  	[tilespmem:s28+$0x1E077] =	vst v16  }
0x2c7: {  	v16 =	vld [tilespmem:s12+$0x7C00]  }
0x2c8: {  	v17 =	vld [tilespmem:s12+$0x7C10];
	_ =	sdelay $0x4  }
0x2c9: {  	v16 =	vmul.f32 v16, v16;
	v17 =	vmul.f32 v17, v17;
	_ =	sdelay $0x1  }
0x2ca: {  	v16 =	vadd.f32 v17, v16;
	_ =	sdelay $0x1  }
0x2cb: {  	[tilespmem:s28+$0x1E088] =	vst v16  }
0x2cc: {  	s14 =	sor.u32 $0x1, s10;
	v16 =	vld [tilespmem:s12+$0x7C80]  }
0x2cd: {  	s24 =	sshll.u32 s14, $0xB;
	v17 =	vld [tilespmem:s12+$0x7C90]  }
0x2ce: {  	v18 =	vld [tilespmem:s24+$0x7800]  }
0x2cf: {  	v19 =	vld [tilespmem:s24+$0x7810];
	_ =	sdelay $0x4  }
0x2d0: {  	v18 =	vmul.f32 v18, v18;
	v19 =	vmul.f32 v19, v19;
	_ =	sdelay $0x1  }
0x2d1: {  	s26 =	smul.u32 $0x110, s14;
	v18 =	vadd.f32 v19, v18;
	_ =	sdelay $0x1  }
0x2d2: {  	[tilespmem:s26+$0x1E000] =	vst v18  }
0x2d3: {  	v18 =	vld [tilespmem:s24+$0x7880]  }
0x2d4: {  	v36 =	vld [tilespmem:s24+$0x7890];
	_ =	sdelay $0x4  }
0x2d5: {  	v18 =	vmul.f32 v18, v18;
	v19 =	vmul.f32 v36, v36;
	_ =	sdelay $0x1  }
0x2d6: {  	v18 =	vadd.f32 v19, v18;
	_ =	sdelay $0x1  }
0x2d7: {  	[tilespmem:s26+$0x1E011] =	vst v18  }
0x2d8: {  	v18 =	vld [tilespmem:s24+$0x7900]  }
0x2d9: {  	v37 =	vld [tilespmem:s24+$0x7910];
	_ =	sdelay $0x4  }
0x2da: {  	v18 =	vmul.f32 v18, v18;
	v19 =	vmul.f32 v37, v37;
	_ =	sdelay $0x1  }
0x2db: {  	v18 =	vadd.f32 v19, v18;
	_ =	sdelay $0x1  }
0x2dc: {  	[tilespmem:s26+$0x1E022] =	vst v18  }
0x2dd: {  	v18 =	vld [tilespmem:s24+$0x7980]  }
0x2de: {  	v38 =	vld [tilespmem:s24+$0x7990];
	_ =	sdelay $0x4  }
0x2df: {  	v18 =	vmul.f32 v18, v18;
	v19 =	vmul.f32 v38, v38  }
0x2e0: {  	s25 =	sor.u32 $0x2, s10  }
0x2e1: {  	s23 =	sshll.u32 s25, $0xB;
	v18 =	vadd.f32 v19, v18  }
0x2e2: {  	v20 =	vld [tilespmem:s23+$0x7800]  }
0x2e3: {  	v21 =	vld [tilespmem:s23+$0x7810];
	[tilespmem:s26+$0x1E033] =	vst v18  }
0x2e4: {  	v18 =	vld [tilespmem:s24+$0x7A00]  }
0x2e5: {  	v39 =	vld [tilespmem:s24+$0x7A10];
	_ =	sdelay $0x2  }
0x2e6: {  	v16 =	vmul.f32 v16, v16;
	v17 =	vmul.f32 v17, v17  }
0x2e7: {  	v40 =	vmul.f32 v20, v20;
	v41 =	vmul.f32 v21, v21  }
0x2e8: {  	v16 =	vadd.f32 v17, v16;
	v18 =	vmul.f32 v18, v18;
	v19 =	vmul.f32 v39, v39;
	_ =	sdelay $0x1  }
0x2e9: {  	s25 =	smul.u32 $0x110, s25;
	[tilespmem:s28+$0x1E099] =	vst v16;
	v18 =	vadd.f32 v19, v18;
	v19 =	vadd.f32 v41, v40  }
0x2ea: {  	v44 =	vld [tilespmem:s12+$0x7D00]  }
0x2eb: {  	v45 =	vld [tilespmem:s12+$0x7D10];
	[tilespmem:s25+$0x1E000] =	vst v19  }
0x2ec: {  	v19 =	vld [tilespmem:s23+$0x7880]  }
0x2ed: {  	v17 =	vld [tilespmem:s23+$0x7890];
	_ =	sdelay $0x2  }
0x2ee: {  	v48 =	vmul.f32 v44, v44;
	v49 =	vmul.f32 v45, v45;
	[tilespmem:s26+$0x1E044] =	vst v18  }
0x2ef: {  	v18 =	vld [tilespmem:s24+$0x7A80]  }
0x2f0: {  	v42 =	vld [tilespmem:s24+$0x7A90];
	v46 =	vmul.f32 v19, v19;
	v17 =	vmul.f32 v17, v17;
	v19 =	vadd.f32 v49, v48;
	_ =	sdelay $0x1  }
0x2f1: {  	v17 =	vadd.f32 v17, v46;
	[tilespmem:s28+$0x1E0AA] =	vst v19  }
0x2f2: {  	v19 =	vld [tilespmem:s12+$0x7D80]  }
0x2f3: {  	v51 =	vld [tilespmem:s12+$0x7D90];
	[tilespmem:s25+$0x1E011] =	vst v17  }
0x2f4: {  	v16 =	vmul.f32 v18, v18;
	v43 =	vmul.f32 v42, v42;
	v17 =	vld [tilespmem:s23+$0x7900]  }
0x2f5: {  	v50 =	vld [tilespmem:s23+$0x7910]  }
0x2f6: {  	v16 =	vadd.f32 v43, v16;
	_ =	sdelay $0x1  }
0x2f7: {  	[tilespmem:s26+$0x1E055] =	vst v16;
	v19 =	vmul.f32 v19, v19;
	v54 =	vmul.f32 v51, v51  }
0x2f8: {  	v16 =	vld [tilespmem:s24+$0x7B00]  }
0x2f9: {  	v47 =	vld [tilespmem:s24+$0x7B10];
	v17 =	vmul.f32 v17, v17;
	v52 =	vmul.f32 v50, v50;
	v19 =	vadd.f32 v54, v19;
	_ =	sdelay $0x1  }
0x2fa: {  	v17 =	vadd.f32 v52, v17;
	[tilespmem:s28+$0x1E0BB] =	vst v19  }
0x2fb: {  	v22 =	vld [tilespmem:s12+$0x7E00]  }
0x2fc: {  	v23 =	vld [tilespmem:s12+$0x7E10];
	[tilespmem:s25+$0x1E022] =	vst v17  }
0x2fd: {  	s14 =	sor.u32 $0x3, s10;
	v16 =	vmul.f32 v16, v16;
	v18 =	vmul.f32 v47, v47;
	v17 =	vld [tilespmem:s23+$0x7980]  }
0x2fe: {  	s22 =	sshll.u32 s14, $0xB;
	v55 =	vld [tilespmem:s23+$0x7990]  }
0x2ff: {  	v56 =	vld [tilespmem:s22+$0x7800];
	v16 =	vadd.f32 v18, v16  }
0x300: {  	v57 =	vld [tilespmem:s22+$0x7810]  }
0x301: {  	[tilespmem:s26+$0x1E066] =	vst v16;
	v61 =	vmul.f32 v22, v22;
	v62 =	vmul.f32 v23, v23  }
0x302: {  	v16 =	vld [tilespmem:s24+$0x7B80]  }
0x303: {  	v53 =	vld [tilespmem:s24+$0x7B90];
	v17 =	vmul.f32 v17, v17;
	v58 =	vmul.f32 v55, v55;
	v24 =	vadd.f32 v62, v61;
	_ =	sdelay $0x1  }
0x304: {  	v59 =	vmul.f32 v56, v56;
	v19 =	vmul.f32 v57, v57;
	v17 =	vadd.f32 v58, v17;
	[tilespmem:s28+$0x1E0CC] =	vst v24  }
0x305: {  	v28 =	vld [tilespmem:s12+$0x7E80]  }
0x306: {  	s14 =	smul.u32 $0x110, s14;
	v29 =	vld [tilespmem:s12+$0x7E90];
	[tilespmem:s25+$0x1E033] =	vst v17;
	v17 =	vadd.f32 v19, v59  }
0x307: {  	v16 =	vmul.f32 v16, v16;
	v18 =	vmul.f32 v53, v53;
	v63 =	vld [tilespmem:s23+$0x7A00]  }
0x308: {  	v25 =	vld [tilespmem:s23+$0x7A10];
	[tilespmem:s14+$0x1E000] =	vst v17  }
0x309: {  	v16 =	vadd.f32 v18, v16;
	v17 =	vld [tilespmem:s22+$0x7880]  }
0x30a: {  	v27 =	vld [tilespmem:s22+$0x7890]  }
0x30b: {  	[tilespmem:s26+$0x1E077] =	vst v16;
	v33 =	vmul.f32 v28, v28;
	v34 =	vmul.f32 v29, v29  }
0x30c: {  	v16 =	vld [tilespmem:s24+$0x7C00]  }
0x30d: {  	v60 =	vld [tilespmem:s24+$0x7C10];
	v18 =	vmul.f32 v63, v63;
	v30 =	vmul.f32 v25, v25;
	v35 =	vadd.f32 v34, v33;
	_ =	sdelay $0x1  }
0x30e: {  	v18 =	vadd.f32 v30, v18;
	v17 =	vmul.f32 v17, v17;
	v31 =	vmul.f32 v27, v27;
	[tilespmem:s28+$0x1E0DD] =	vst v35  }
0x30f: {  	v39 =	vld [tilespmem:s12+$0x7F00]  }
0x310: {  	v40 =	vld [tilespmem:s12+$0x7F10];
	[tilespmem:s25+$0x1E044] =	vst v18;
	v17 =	vadd.f32 v31, v17  }
0x311: {  	v16 =	vmul.f32 v16, v16;
	v26 =	vmul.f32 v60, v60;
	v18 =	vld [tilespmem:s23+$0x7A80]  }
0x312: {  	v36 =	vld [tilespmem:s23+$0x7A90];
	[tilespmem:s14+$0x1E011] =	vst v17  }
0x313: {  	v16 =	vadd.f32 v26, v16;
	v17 =	vld [tilespmem:s22+$0x7900]  }
0x314: {  	v38 =	vld [tilespmem:s22+$0x7910]  }
0x315: {  	[tilespmem:s26+$0x1E088] =	vst v16  }
0x316: {  	v16 =	vld [tilespmem:s24+$0x7C80];
	v44 =	vmul.f32 v39, v39;
	v45 =	vmul.f32 v40, v40  }
0x317: {  	v32 =	vld [tilespmem:s24+$0x7C90];
	v18 =	vmul.f32 v18, v18;
	v41 =	vmul.f32 v36, v36  }
0x318: {  	v46 =	vadd.f32 v45, v44  }
0x319: {  	v18 =	vadd.f32 v41, v18;
	v17 =	vmul.f32 v17, v17;
	v42 =	vmul.f32 v38, v38  }
0x31a: {  	[tilespmem:s28+$0x1E0EE] =	vst v46  }
0x31b: {  	v50 =	vld [tilespmem:s12+$0x7F80];
	[tilespmem:s25+$0x1E055] =	vst v18;
	v17 =	vadd.f32 v42, v17  }
0x31c: {  	v16 =	vmul.f32 v16, v16;
	v37 =	vmul.f32 v32, v32;
	v18 =	vld [tilespmem:s23+$0x7B00]  }
0x31d: {  	v47 =	vld [tilespmem:s23+$0x7B10];
	[tilespmem:s14+$0x1E022] =	vst v17  }
0x31e: {  	v16 =	vadd.f32 v37, v16;
	v17 =	vld [tilespmem:s22+$0x7980]  }
0x31f: {  	v49 =	vld [tilespmem:s22+$0x7990]  }
0x320: {  	v51 =	vld [tilespmem:s12+$0x7F90];
	[tilespmem:s26+$0x1E099] =	vst v16  }
0x321: {  	v16 =	vld [tilespmem:s24+$0x7D00]  }
0x322: {  	v43 =	vld [tilespmem:s24+$0x7D10];
	v18 =	vmul.f32 v18, v18;
	v52 =	vmul.f32 v47, v47;
	_ =	sdelay $0x1  }
0x323: {  	v18 =	vadd.f32 v52, v18;
	v17 =	vmul.f32 v17, v17;
	v53 =	vmul.f32 v49, v49  }
0x324: {  	v57 =	vadd.s32 s28, v0  }
0x325: {  	v54 =	vmul.f32 v50, v50;
	v56 =	vmul.f32 v51, v51;
	[tilespmem:s25+$0x1E066] =	vst v18;
	v17 =	vadd.f32 v53, v17  }
0x326: {  	v16 =	vmul.f32 v16, v16;
	v48 =	vmul.f32 v43, v43;
	v59 =	vld [tilespmem:s23+$0x7B80]  }
0x327: {  	v20 =	vadd.f32 v56, v54;
	v24 =	vld [tilespmem:s23+$0x7B90];
	[tilespmem:s14+$0x1E033] =	vst v17  }
0x328: {  	v58 =	vadd.s32 s28, v1;
	v16 =	vadd.f32 v48, v16;
	v25 =	vld [tilespmem:s22+$0x7A00]  }
0x329: {  	v60 =	vadd.s32 s28, v2;
	[tilespmem:s28+$0x1E0FF] =	vst v20;
	v62 =	vld [tilespmem:s22+$0x7A10]  }
0x32a: {  	v26 =	vadd.s32 s28, v4;
	v23 =	vld.idx.msk [tilespmem:v57+s31+$0x0], $0xffff;
	[tilespmem:s26+$0x1E0AA] =	vst v16  }
0x32b: {  	v16 =	vld [tilespmem:s24+$0x7D80];
	v17 =	vadd.s32 s28, v3  }
0x32c: {  	v55 =	vld [tilespmem:s24+$0x7D90];
	v19 =	vmul.f32 v59, v59;
	v31 =	vmul.f32 v24, v24  }
0x32d: {  	v18 =	vld.idx.msk [tilespmem:v58+s31+$0x0], $0xffff  }
0x32e: {  	v63 =	vld.idx.msk [tilespmem:v60+s31+$0x0], $0xffff;
	v19 =	vadd.f32 v31, v19;
	v32 =	vmul.f32 v25, v25;
	v21 =	vmul.f32 v62, v62  }
0x32f: {  	v34 =	vld.idx.msk [tilespmem:v26+s31+$0x0], $0xffff  }
0x330: {  	v35 =	vadd.s32 s28, v5;
	v23 =	vadd.f32 $0.0e+00, v23;
	v17 =	vld.idx.msk [tilespmem:v17+s31+$0x0], $0xffff;
	[tilespmem:s25+$0x1E077] =	vst v19;
	v36 =	vadd.f32 v21, v32  }
0x331: {  	v16 =	vmul.f32 v16, v16;
	v61 =	vmul.f32 v55, v55;
	v38 =	vld [tilespmem:s23+$0x7C00]  }
0x332: {  	v18 =	vadd.f32 v18, v23;
	v27 =	vld [tilespmem:s23+$0x7C10];
	[tilespmem:s14+$0x1E044] =	vst v36  }
0x333: {  	v37 =	vadd.s32 s28, v6;
	v16 =	vadd.f32 v61, v16;
	v28 =	vld [tilespmem:s22+$0x7A80]  }
0x334: {  	v39 =	vadd.s32 s28, v7;
	v18 =	vadd.f32 v63, v18;
	v42 =	vld [tilespmem:s22+$0x7A90]  }
0x335: {  	v40 =	vadd.s32 s28, v8;
	v26 =	vld.idx.msk [tilespmem:v35+s31+$0x0], $0xffff;
	[tilespmem:s26+$0x1E0BB] =	vst v16  }
0x336: {  	v44 =	vadd.s32 s28, v9;
	v16 =	vld [tilespmem:s24+$0x7E00];
	v17 =	vadd.f32 v17, v18  }
0x337: {  	v33 =	vld [tilespmem:s24+$0x7E10];
	v22 =	vmul.f32 v38, v38;
	v46 =	vmul.f32 v27, v27  }
0x338: {  	v43 =	vld.idx.msk [tilespmem:v37+s31+$0x0], $0xffff;
	v17 =	vadd.f32 v34, v17  }
0x339: {  	v45 =	vld.idx.msk [tilespmem:v39+s31+$0x0], $0xffff;
	v22 =	vadd.f32 v46, v22;
	v47 =	vmul.f32 v28, v28;
	v24 =	vmul.f32 v42, v42  }
0x33a: {  	v19 =	vld.idx.msk [tilespmem:v40+s31+$0x0], $0xffff  }
0x33b: {  	v49 =	vadd.s32 s28, v10;
	v21 =	vld.idx.msk [tilespmem:v44+s31+$0x0], $0xffff;
	v17 =	vadd.f32 v26, v17;
	[tilespmem:s25+$0x1E088] =	vst v22;
	v50 =	vadd.f32 v24, v47  }
0x33c: {  	v16 =	vmul.f32 v16, v16;
	v41 =	vmul.f32 v33, v33;
	v52 =	vld [tilespmem:s23+$0x7C80]  }
0x33d: {  	v17 =	vadd.f32 v43, v17;
	v54 =	vld [tilespmem:s23+$0x7C90];
	[tilespmem:s14+$0x1E055] =	vst v50  }
0x33e: {  	v51 =	vadd.s32 s28, v11;
	v16 =	vadd.f32 v41, v16;
	v56 =	vld [tilespmem:s22+$0x7B00]  }
0x33f: {  	v60 =	vadd.s32 s28, v14;
	v17 =	vadd.f32 v45, v17;
	v58 =	vld [tilespmem:s22+$0x7B10]  }
0x340: {  	v53 =	vadd.s32 s28, v12;
	v26 =	vld.idx.msk [tilespmem:v49+s31+$0x0], $0xffff;
	[tilespmem:s26+$0x1E0CC] =	vst v16  }
0x341: {  	v55 =	vadd.s32 s28, v13;
	v16 =	vld [tilespmem:s24+$0x7E80];
	v17 =	vadd.f32 v19, v17  }
0x342: {  	v48 =	vld [tilespmem:s24+$0x7E90];
	v61 =	vmul.f32 v52, v52;
	v62 =	vmul.f32 v54, v54  }
0x343: {  	v59 =	vld.idx.msk [tilespmem:v51+s31+$0x0], $0xffff;
	v17 =	vadd.f32 v21, v17  }
0x344: {  	v23 =	vld.idx.msk [tilespmem:v60+s31+$0x0], $0xffff;
	v20 =	vadd.f32 v62, v61;
	v28 =	vmul.f32 v56, v56;
	v29 =	vmul.f32 v58, v58  }
0x345: {  	v18 =	vld.idx.msk [tilespmem:v53+s31+$0x0], $0xffff  }
0x346: {  	v32 =	vadd.s32 s28, v15;
	v63 =	vld.idx.msk [tilespmem:v55+s31+$0x0], $0xffff;
	v17 =	vadd.f32 v26, v17;
	[tilespmem:s25+$0x1E099] =	vst v20;
	v31 =	vadd.f32 v29, v28  }
0x347: {  	v16 =	vmul.f32 v16, v16;
	v57 =	vmul.f32 v48, v48;
	v33 =	vld [tilespmem:s23+$0x7D00]  }
0x348: {  	v17 =	vadd.f32 v59, v17;
	v34 =	vld [tilespmem:s23+$0x7D10];
	[tilespmem:s14+$0x1E066] =	vst v31  }
0x349: {  	v16 =	vadd.f32 v57, v16;
	v20 =	vld [tilespmem:s22+$0x7B80]  }
0x34a: {  	v17 =	vadd.f32 v18, v17;
	v36 =	vld [tilespmem:s22+$0x7B90]  }
0x34b: {  	v37 =	vld.idx.msk [tilespmem:v32+s31+$0x0], $0xffff;
	[tilespmem:s26+$0x1E0DD] =	vst v16  }
0x34c: {  	v16 =	vld [tilespmem:s24+$0x7F00];
	v17 =	vadd.f32 v63, v17  }
0x34d: {  	v30 =	vld [tilespmem:s24+$0x7F10];
	v38 =	vmul.f32 v33, v33;
	v19 =	vmul.f32 v34, v34  }
0x34e: {  	v17 =	vadd.f32 v23, v17  }
0x34f: {  	v18 =	vadd.f32 v19, v38;
	v39 =	vmul.f32 v20, v20;
	v40 =	vmul.f32 v36, v36;
	_ =	sdelay $0x1  }
0x350: {  	v17 =	vadd.f32 v37, v17;
	[tilespmem:s25+$0x1E0AA] =	vst v18;
	v19 =	vadd.f32 v40, v39  }
0x351: {  	v16 =	vmul.f32 v16, v16;
	v35 =	vmul.f32 v30, v30;
	v42 =	vld [tilespmem:s23+$0x7D80]  }
0x352: {  	v18 =	vmax.f32 v17, $1.000000020e-16;
	v17 =	vld [tilespmem:s23+$0x7D90];
	[tilespmem:s14+$0x1E077] =	vst v19  }
0x353: {  	v16 =	vadd.f32 v35, v16;
	v45 =	vld [tilespmem:s22+$0x7C00]  }
0x354: {  	v43 =	vshrl.u32 v18, $0x1;
	v44 =	vmul.f32 $5.000000000e-01, v18;
	v47 =	vld [tilespmem:s22+$0x7C10]  }
0x355: {  	[tilespmem:s26+$0x1E0EE] =	vst v16;
	v48 =	vsub.s32 $0x5F3759DF, v43  }
0x356: {  	v16 =	vld [tilespmem:s24+$0x7F80];
	v50 =	vmul.f32 v48, v44  }
0x357: {  	v41 =	vld [tilespmem:s24+$0x7F90];
	v20 =	vmul.f32 v42, v42;
	v29 =	vmul.f32 v17, v17  }
0x358: {  	v19 =	vld [tilespmem:s12+$0x7800];
	v28 =	vmul.f32 v48, v50  }
0x359: {  	v17 =	vld [tilespmem:s12+$0x7810];
	v20 =	vadd.f32 v29, v20;
	v21 =	vmul.f32 v45, v45;
	v52 =	vmul.f32 v47, v47  }
0x35a: {  	v54 =	vsub.f32 $1.500000000e+00, v28;
	v28 =	vld [tilespmem:s12+$0x7980]  }
0x35b: {  	[tilespmem:s25+$0x1E0BB] =	vst v20;
	v55 =	vadd.f32 v52, v21;
	v20 =	vld [tilespmem:s12+$0x7880]  }
0x35c: {  	v46 =	vadd.s32 s26, v0;
	v16 =	vmul.f32 v16, v16;
	v22 =	vmul.f32 v41, v41;
	v57 =	vld [tilespmem:s23+$0x7E00]  }
0x35d: {  	v49 =	vadd.s32 s26, v1;
	v58 =	vld [tilespmem:s23+$0x7E10];
	[tilespmem:s14+$0x1E088] =	vst v55  }
0x35e: {  	v51 =	vadd.s32 s26, v2;
	v16 =	vadd.f32 v22, v16;
	v60 =	vld [tilespmem:s22+$0x7C80]  }
0x35f: {  	v56 =	vadd.s32 s26, v3;
	v26 =	vmul.f32 v48, v54;
	v32 =	vld [tilespmem:s22+$0x7C90]  }
0x360: {  	v59 =	vadd.s32 s26, v4;
	[tilespmem:s26+$0x1E0FF] =	vst v16;
	v21 =	vld [tilespmem:s12+$0x7890]  }
0x361: {  	v31 =	vadd.s32 s26, v5;
	v16 =	vld.idx.msk [tilespmem:v46+s31+$0x0], $0xffff;
	v30 =	vmul.f32 v26, v44  }
0x362: {  	v53 =	vld.idx.msk [tilespmem:v49+s31+$0x0], $0xffff;
	v24 =	vmul.f32 v57, v57;
	v27 =	vmul.f32 v58, v58  }
0x363: {  	v22 =	vld.idx.msk [tilespmem:v51+s31+$0x0], $0xffff;
	v30 =	vmul.f32 v30, v26  }
0x364: {  	v61 =	vld.idx.msk [tilespmem:v56+s31+$0x0], $0xffff;
	v24 =	vadd.f32 v27, v24;
	v35 =	vmul.f32 v60, v60;
	v36 =	vmul.f32 v32, v32  }
0x365: {  	v62 =	vld.idx.msk [tilespmem:v59+s31+$0x0], $0xffff;
	v30 =	vsub.f32 $1.500000000e+00, v30  }
0x366: {  	v33 =	vadd.s32 s26, v6;
	v63 =	vld.idx.msk [tilespmem:v31+s31+$0x0], $0xffff;
	v16 =	vadd.f32 $0.0e+00, v16;
	[tilespmem:s25+$0x1E0CC] =	vst v24;
	v39 =	vadd.f32 v36, v35  }
0x367: {  	v34 =	vadd.s32 s26, v7;
	v26 =	vmul.f32 v30, v26;
	v41 =	vld [tilespmem:s23+$0x7E80]  }
0x368: {  	v16 =	vadd.f32 v53, v16;
	v42 =	vld [tilespmem:s23+$0x7E90];
	[tilespmem:s14+$0x1E099] =	vst v39  }
0x369: {  	v23 =	vmul.f32 v26, v44;
	v44 =	vld [tilespmem:s22+$0x7D00]  }
0x36a: {  	v48 =	vadd.s32 s26, v11;
	v16 =	vadd.f32 v22, v16;
	v47 =	vld [tilespmem:s22+$0x7D10]  }
0x36b: {  	v40 =	vadd.s32 s26, v8;
	v37 =	vld.idx.msk [tilespmem:v33+s31+$0x0], $0xffff  }
0x36c: {  	v43 =	vadd.s32 s26, v9;
	v38 =	vld.idx.msk [tilespmem:v34+s31+$0x0], $0xffff;
	v16 =	vadd.f32 v61, v16  }
0x36d: {  	v33 =	vld [tilespmem:s12+$0x7A00];
	v29 =	vmul.f32 v41, v41;
	v31 =	vmul.f32 v42, v42  }
0x36e: {  	v34 =	vld [tilespmem:s12+$0x7A90];
	v16 =	vadd.f32 v62, v16  }
0x36f: {  	v54 =	vld.idx.msk [tilespmem:v48+s31+$0x0], $0xffff;
	v51 =	vadd.f32 v31, v29;
	v52 =	vmul.f32 v44, v44;
	v53 =	vmul.f32 v47, v47  }
0x370: {  	v27 =	vld.idx.msk [tilespmem:v40+s31+$0x0], $0xffff;
	v16 =	vadd.f32 v63, v16  }
0x371: {  	v46 =	vadd.s32 s26, v10;
	v24 =	vld.idx.msk [tilespmem:v43+s31+$0x0], $0xffff;
	v45 =	vmul.f32 v23, v26;
	[tilespmem:s25+$0x1E0DD] =	vst v51;
	v56 =	vadd.f32 v53, v52  }
0x372: {  	v49 =	vadd.s32 s26, v12;
	v16 =	vadd.f32 v37, v16;
	v58 =	vld [tilespmem:s23+$0x7F00]  }
0x373: {  	v35 =	vsub.f32 $1.500000000e+00, v45;
	v60 =	vld [tilespmem:s23+$0x7F10];
	[tilespmem:s14+$0x1E0AA] =	vst v56  }
0x374: {  	v16 =	vadd.f32 v38, v16;
	v63 =	vld [tilespmem:s22+$0x7D80]  }
0x375: {  	v26 =	vmul.f32 v35, v26;
	v40 =	vld [tilespmem:s22+$0x7D90]  }
0x376: {  	v50 =	vld.idx.msk [tilespmem:v46+s31+$0x0], $0xffff;
	v57 =	vadd.s32 s26, v13;
	v16 =	vadd.f32 v27, v16  }
0x377: {  	v55 =	vld.idx.msk [tilespmem:v49+s31+$0x0], $0xffff;
	v62 =	vadd.s32 s26, v14;
	v32 =	vmul.f32 v26, v18  }
0x378: {  	v22 =	vld [tilespmem:s12+$0x7910];
	v16 =	vadd.f32 v24, v16;
	v30 =	vmul.f32 v58, v58;
	v24 =	vmul.f32 v60, v60  }
0x379: {  	v23 =	vld [tilespmem:s12+$0x7900];
	v59 =	vsub.f32 $0.0e+00, v32;
	v61 =	vmul.f32 $1.442695020e+00, v32  }
0x37a: {  	v39 =	vld [tilespmem:s12+$0x7B10];
	v24 =	vadd.f32 v24, v30;
	v42 =	vmul.f32 v63, v63;
	v25 =	vmul.f32 v40, v40  }
0x37b: {  	v36 =	vadd.s32 s26, v15;
	v29 =	vld.idx.msk [tilespmem:v57+s31+$0x0], $0xffff;
	v31 =	vmul.f32 $1.442695020e+00, v59  }
0x37c: {  	v41 =	vld.idx.msk [tilespmem:v62+s31+$0x0], $0xffff;
	(erf) = vpow2.f32 v61;
	v16 =	vadd.f32 v50, v16;
	[tilespmem:s25+$0x1E0EE] =	vst v24;
	v44 =	vadd.f32 v25, v42  }
0x37d: {  	(erf) = vpow2.f32 v31;
	v45 =	vld [tilespmem:s23+$0x7F80]  }
0x37e: {  	v16 =	vadd.f32 v54, v16;
	v46 =	vld [tilespmem:s23+$0x7F90];
	[tilespmem:s14+$0x1E0BB] =	vst v44  }
0x37f: {  	v24 =	vld [tilespmem:s22+$0x7E00]  }
0x380: {  	v16 =	vadd.f32 v55, v16;
	v48 =	vld [tilespmem:s22+$0x7E10]  }
0x381: {  	v43 =	vld.idx.msk [tilespmem:v36+s31+$0x0], $0xffff  }
0x382: {  	v35 =	vld [tilespmem:s12+$0x7A10];
	v16 =	vadd.f32 v29, v16  }
0x383: {  	v36 =	vld [tilespmem:s12+$0x7A80];
	v38 =	vadd.s32 s25, v0;
	v25 =	vmul.f32 v45, v45;
	v27 =	vmul.f32 v46, v46  }
0x384: {  	v37 =	vld [tilespmem:s12+$0x7B00];
	v42 =	vadd.s32 s25, v1;
	v16 =	vadd.f32 v41, v16  }
0x385: {  	v31 =	vld [tilespmem:s12+$0x7990];
	v47 =	vpop (erf);
	v25 =	vadd.f32 v27, v25;
	v24 =	vmul.f32 v24, v24;
	v50 =	vmul.f32 v48, v48  }
0x386: {  	v30 =	vld [tilespmem:s12+$0x7B90];
	v49 =	vpop (erf);
	v16 =	vadd.f32 v43, v16  }
0x387: {  	v44 =	vld [tilespmem:s12+$0x7C00];
	v29 =	vsub.f32 v47, v49;
	[tilespmem:s25+$0x1E0FF] =	vst v25;
	v24 =	vadd.f32 v50, v24  }
0x388: {  	v18 =	vmul.f32 $1.666666720e-01, v18;
	v51 =	vadd.s32 s25, v2;
	v16 =	vmax.f32 v16, $1.000000020e-16;
	v52 =	vld.idx.msk [tilespmem:v38+s31+$0x0], $0xffff  }
0x389: {  	v29 =	vmul.f32 $5.000000000e-01, v29;
	v40 =	vshrl.u32 v16, $0x1;
	v41 =	vmul.f32 $5.000000000e-01, v16;
	v54 =	vld.idx.msk [tilespmem:v42+s31+$0x0], $0xffff;
	[tilespmem:s14+$0x1E0CC] =	vst v24  }
0x38a: {  	v55 =	vadd.s32 s25, v3;
	v40 =	vsub.s32 $0x5F3759DF, v40;
	v24 =	vld [tilespmem:s22+$0x7E80]  }
0x38b: {  	v18 =	vadd.f32 $1.000000000e+00, v18;
	v26 =	vmul.f32 v29, v26;
	v45 =	vmul.f32 v40, v41;
	v58 =	vld [tilespmem:s22+$0x7E90]  }
0x38c: {  	v57 =	vadd.s32 s25, v4;
	vm0 =	vlt.f32 v32, $1.000000050e-03;
	v43 =	vld [tilespmem:s12+$0x7B80]  }
0x38d: {  	v60 =	vadd.s32 s25, v5;
	v18 =	vsel vm0, v18, v26;
	v25 =	vld.idx.msk [tilespmem:v51+s31+$0x0], $0xffff;
	v53 =	vmul.f32 v40, v45  }
0x38e: {  	v47 =	vadd.s32 s25, v6;
	v46 =	vld [tilespmem:s12+$0x7C10];
	v59 =	vbroadcast v18, $0x0;
	v27 =	vadd.f32 $0.0e+00, v52  }
0x38f: {  	v62 =	vbroadcast v18, $0x1;
	v63 =	vbroadcast v18, $0x2;
	v42 =	vld.idx.msk [tilespmem:v55+s31+$0x0], $0xffff;
	v56 =	vsub.f32 $1.500000000e+00, v53  }
0x390: {  	v48 =	vld [tilespmem:s12+$0x7C80];
	v27 =	vadd.f32 v54, v27;
	v24 =	vmul.f32 v24, v24;
	v32 =	vmul.f32 v58, v58  }
0x391: {  	v61 =	vadd.s32 s25, v7;
	v29 =	vld.idx.msk [tilespmem:v57+s31+$0x0], $0xffff;
	v55 =	vbroadcast v18, $0x3;
	v51 =	vbroadcast v18, $0x5  }
0x392: {  	v50 =	vld [tilespmem:s12+$0x7C90];
	v26 =	vmul.f32 v40, v56;
	v25 =	vadd.f32 v25, v27;
	v24 =	vadd.f32 v32, v24  }
0x393: {  	v19 =	vmul.f32 v59, v19;
	v17 =	vmul.f32 v59, v17;
	v40 =	vld.idx.msk [tilespmem:v60+s31+$0x0], $0xffff  }
0x394: {  	v53 =	vadd.s32 s25, v8;
	v52 =	vld.idx.msk [tilespmem:v47+s31+$0x0], $0xffff;
	v49 =	vmul.f32 v26, v41;
	v25 =	vadd.f32 v42, v25;
	[tilespmem:s14+$0x1E0DD] =	vst v24  }
0x395: {  	v20 =	vmul.f32 v62, v20;
	v21 =	vmul.f32 v62, v21;
	v57 =	vld [tilespmem:s22+$0x7F00]  }
0x396: {  	v56 =	vadd.s32 s25, v9;
	v49 =	vmul.f32 v49, v26;
	v58 =	vld [tilespmem:s22+$0x7F10];
	v25 =	vadd.f32 v29, v25  }
0x397: {  	v38 =	vld.idx.msk [tilespmem:v61+s31+$0x0], $0xffff;
	v23 =	vmul.f32 v63, v23;
	v22 =	vmul.f32 v63, v22  }
0x398: {  	v59 =	vadd.s32 s25, v10;
	v45 =	vld [tilespmem:s12+$0x7D00];
	v54 =	vsub.f32 $1.500000000e+00, v49;
	v25 =	vadd.f32 v40, v25  }
0x399: {  	v62 =	vbroadcast v18, $0x4;
	v63 =	vadd.s32 s25, v11;
	v34 =	vmul.f32 v51, v34;
	v61 =	vld.idx.msk [tilespmem:v53+s31+$0x0], $0xffff  }
0x39a: {  	[tilespmem:s12+$0x16890] =	vst v21;
	v21 =	vld [tilespmem:s12+$0x7E90];
	v26 =	vmul.f32 v54, v26;
	v25 =	vadd.f32 v52, v25;
	v52 =	vadd.s32 s25, v12  }
0x39b: {  	v29 =	vld.idx.msk [tilespmem:v56+s31+$0x0], $0xffff;
	v54 =	vmul.f32 v57, v57;
	v27 =	vmul.f32 v58, v58  }
0x39c: {  	v28 =	vmul.f32 v55, v28;
	v33 =	vmul.f32 v62, v33;
	[tilespmem:s12+$0x16A90] =	vst v34;
	v34 =	vld [tilespmem:s24+$0x7900];
	v25 =	vadd.f32 v38, v25  }
0x39d: {  	v35 =	vmul.f32 v62, v35;
	v62 =	vbroadcast v18, $0x8;
	v40 =	vld.idx.msk [tilespmem:v59+s31+$0x0], $0xffff;
	v27 =	vadd.f32 v27, v54  }
0x39e: {  	v36 =	vmul.f32 v51, v36;
	v32 =	vld.idx.msk [tilespmem:v63+s31+$0x0], $0xffff;
	v60 =	vmul.f32 v26, v41;
	v25 =	vadd.f32 v61, v25  }
0x39f: {  	v44 =	vmul.f32 v44, v62;
	v24 =	vmul.f32 v55, v31;
	[tilespmem:s14+$0x1E0EE] =	vst v27;
	v57 =	vld.idx.msk [tilespmem:v52+s31+$0x0], $0xffff  }
0x3a0: {  	v41 =	vadd.s32 s25, v13;
	v31 =	vmul.f32 v60, v26;
	v59 =	vld [tilespmem:s22+$0x7F80];
	v25 =	vadd.f32 v29, v25  }
0x3a1: {  	v55 =	vbroadcast v18, $0x6;
	v56 =	vbroadcast v18, $0x7;
	v60 =	vld [tilespmem:s22+$0x7F90]  }
0x3a2: {  	v47 =	vld [tilespmem:s12+$0x7E10];
	v58 =	vadd.s32 s25, v14;
	v31 =	vsub.f32 $1.500000000e+00, v31;
	v25 =	vadd.f32 v40, v25  }
0x3a3: {  	v46 =	vmul.f32 v46, v62;
	v53 =	vld [tilespmem:s12+$0x7D80];
	v30 =	vmul.f32 v30, v56;
	v61 =	vadd.s32 s25, v15  }
0x3a4: {  	v42 =	vld [tilespmem:s12+$0x7D90];
	v26 =	vmul.f32 v31, v26;
	v31 =	vmul.f32 v55, v39;
	v25 =	vadd.f32 v32, v25  }
0x3a5: {  	[tilespmem:s12+$0x16810] =	vst v17;
	v41 =	vld.idx.msk [tilespmem:v41+s31+$0x0], $0xffff;
	v39 =	vmul.f32 v43, v56;
	v17 =	vmul.f32 v59, v59  }
0x3a6: {  	v49 =	vld [tilespmem:s12+$0x7D10];
	v56 =	vmul.f32 v60, v60;
	v25 =	vadd.f32 v57, v25;
	v57 =	vadd.s32 s14, v0  }
0x3a7: {  	[tilespmem:s12+$0x16880] =	vst v20;
	v27 =	vmul.f32 v55, v37;
	v55 =	vld.idx.msk [tilespmem:v58+s31+$0x0], $0xffff;
	v43 =	vmul.f32 v26, v16  }
0x3a8: {  	[tilespmem:s12+$0x16900] =	vst v23;
	v52 =	vld [tilespmem:s12+$0x7E00];
	v58 =	vbroadcast v18, $0x9;
	v60 =	vadd.s32 s14, v1;
	v17 =	vadd.f32 v56, v17  }
0x3a9: {  	v62 =	vadd.s32 s14, v2;
	[tilespmem:s12+$0x16B00] =	vst v27;
	v54 =	vmul.f32 $1.442695020e+00, v43;
	v63 =	vsub.f32 $0.0e+00, v43;
	v59 =	vld.idx.msk [tilespmem:v61+s31+$0x0], $0xffff  }
0x3aa: {  	v27 =	vld [tilespmem:s24+$0x7810];
	v23 =	vmul.f32 v48, v58;
	v20 =	vmul.f32 v50, v58;
	v25 =	vadd.f32 v41, v25;
	[tilespmem:s14+$0x1E0FF] =	vst v17  }
0x3ab: {  	(erf) = vpow2.f32 v54;
	v54 =	vmul.f32 $1.442695020e+00, v63;
	v38 =	vld.idx.msk [tilespmem:v57+s31+$0x0], $0xffff  }
0x3ac: {  	[tilespmem:s12+$0x16800] =	vst v19;
	v48 =	vld [tilespmem:s12+$0x7F10];
	v61 =	vbroadcast v18, $0xA;
	v63 =	vadd.s32 s14, v3;
	v25 =	vadd.f32 v55, v25  }
0x3ad: {  	[tilespmem:s12+$0x16910] =	vst v22;
	(erf) = vpow2.f32 v54;
	v17 =	vbroadcast v18, $0xB;
	v37 =	vld.idx.msk [tilespmem:v60+s31+$0x0], $0xffff  }
0x3ae: {  	[tilespmem:s12+$0x16980] =	vst v28;
	v50 =	vld [tilespmem:s24+$0x7800];
	v22 =	vmul.f32 v45, v61;
	v56 =	vadd.s32 s14, v4;
	v19 =	vadd.f32 v59, v25  }
0x3af: {  	[tilespmem:s12+$0x16990] =	vst v24;
	v28 =	vmul.f32 v49, v61;
	v29 =	vld.idx.msk [tilespmem:v62+s31+$0x0], $0xffff;
	v60 =	vadd.s32 s14, v5;
	v24 =	vmul.f32 v53, v17  }
0x3b0: {  	[tilespmem:s12+$0x16A00] =	vst v33;
	v40 =	vld [tilespmem:s12+$0x7F80];
	v33 =	vmul.f32 v42, v17;
	v17 =	vmax.f32 v19, $1.000000020e-16;
	v38 =	vadd.f32 $0.0e+00, v38  }
0x3b1: {  	[tilespmem:s12+$0x16A80] =	vst v36;
	v55 =	vbroadcast v18, $0xC;
	v25 =	vld.idx.msk [tilespmem:v63+s31+$0x0], $0xffff;
	v58 =	vshrl.u32 v17, $0x1;
	v51 =	vmul.f32 $5.000000000e-01, v17  }
0x3b2: {  	[tilespmem:s12+$0x16A10] =	vst v35;
	v32 =	vld [tilespmem:s12+$0x7E80];
	v63 =	vadd.s32 s14, v6;
	v62 =	vsub.s32 $0x5F3759DF, v58;
	v37 =	vadd.f32 v37, v38  }
0x3b3: {  	[tilespmem:s12+$0x16C00] =	vst v44;
	v35 =	vmul.f32 v52, v55;
	v19 =	vld.idx.msk [tilespmem:v56+s31+$0x0], $0xffff;
	v49 =	vmul.f32 v62, v51  }
0x3b4: {  	[tilespmem:s12+$0x16C10] =	vst v46;
	v41 =	vld [tilespmem:s12+$0x7F00];
	v45 =	vmul.f32 v47, v55;
	v55 =	vadd.s32 s14, v7;
	v29 =	vadd.f32 v29, v37  }
0x3b5: {  	[tilespmem:s12+$0x16B90] =	vst v30;
	v61 =	vbroadcast v18, $0xD;
	v57 =	vpop (erf);
	v56 =	vld.idx.msk [tilespmem:v60+s31+$0x0], $0xffff;
	v54 =	vmul.f32 v62, v49  }
0x3b6: {  	v16 =	vmul.f32 $1.666666720e-01, v16;
	[tilespmem:s12+$0x16D00] =	vst v22;
	v22 =	vld [tilespmem:s24+$0x7910];
	v59 =	vpop (erf);
	v58 =	vadd.s32 s14, v8;
	v25 =	vadd.f32 v25, v29  }
0x3b7: {  	[tilespmem:s12+$0x16B10] =	vst v31;
	v21 =	vmul.f32 v21, v61;
	v36 =	vsub.f32 v57, v59;
	v38 =	vld.idx.msk [tilespmem:v63+s31+$0x0], $0xffff;
	v57 =	vsub.f32 $1.500000000e+00, v54  }
0x3b8: {  	[tilespmem:s12+$0x16B80] =	vst v39;
	v31 =	vmul.f32 v32, v61;
	v32 =	vld [tilespmem:s24+$0x7890];
	v61 =	vadd.s32 s14, v9;
	v19 =	vadd.f32 v19, v25  }
0x3b9: {  	[tilespmem:s12+$0x16C80] =	vst v23;
	v59 =	vbroadcast v18, $0xE;
	v37 =	vld.idx.msk [tilespmem:v55+s31+$0x0], $0xffff;
	v60 =	vmul.f32 v62, v57  }
0x3ba: {  	[tilespmem:s12+$0x16C90] =	vst v20;
	v42 =	vld [tilespmem:s12+$0x7F90];
	v63 =	vadd.s32 s14, v10;
	v53 =	vmul.f32 $5.000000000e-01, v36;
	v30 =	vadd.f32 v56, v19  }
0x3bb: {  	vm13 =	vlt.f32 v43, $1.000000050e-03;
	[tilespmem:s12+$0x16D10] =	vst v28;
	v20 =	vmul.f32 v41, v59;
	v46 =	vld.idx.msk [tilespmem:v58+s31+$0x0], $0xffff;
	v62 =	vmul.f32 v60, v51  }
0x3bc: {  	[tilespmem:s12+$0x16D80] =	vst v24;
	v24 =	vld [tilespmem:s24+$0x7980];
	v44 =	vmul.f32 v48, v59;
	v49 =	vadd.s32 s14, v11;
	v48 =	vadd.f32 v38, v30  }
0x3bd: {  	v16 =	vadd.f32 $1.000000000e+00, v16;
	[tilespmem:s12+$0x16E90] =	vst v21;
	v26 =	vmul.f32 v53, v26;
	v25 =	vld.idx.msk [tilespmem:v61+s31+$0x0], $0xffff;
	v47 =	vmul.f32 v62, v60  }
0x3be: {  	[tilespmem:s12+$0x16E80] =	vst v31;
	v36 =	vld [tilespmem:s24+$0x7880];
	v59 =	vadd.s32 s14, v13;
	v55 =	vadd.s32 s14, v12;
	v29 =	vadd.f32 v37, v48  }
0x3bf: {  	[tilespmem:s12+$0x16D90] =	vst v33;
	v57 =	vld.idx.msk [tilespmem:v63+s31+$0x0], $0xffff;
	v19 =	vsel vm13, v16, v26;
	v16 =	vbroadcast v18, $0xF;
	v26 =	vsub.f32 $1.500000000e+00, v47  }
0x3c0: {  	[tilespmem:s12+$0x16E10] =	vst v45;
	v45 =	vld [tilespmem:s24+$0x7A80];
	v53 =	vbroadcast v19, $0x0;
	v61 =	vbroadcast v19, $0x1;
	v18 =	vadd.f32 v46, v29  }
0x3c1: {  	v41 =	vadd.s32 s14, v14;
	[tilespmem:s12+$0x16F10] =	vst v44;
	v44 =	vbroadcast v19, $0x2;
	v30 =	vld.idx.msk [tilespmem:v49+s31+$0x0], $0xffff;
	v23 =	vmul.f32 v26, v60  }
0x3c2: {  	[tilespmem:s12+$0x16E00] =	vst v35;
	v58 =	vld [tilespmem:s24+$0x7A00];
	v52 =	vmul.f32 v40, v16;
	v16 =	vmul.f32 v42, v16;
	v18 =	vadd.f32 v25, v18  }
0x3c3: {  	[tilespmem:s12+$0x16F00] =	vst v20;
	v42 =	vadd.s32 s14, v15;
	v49 =	vbroadcast v19, $0x4;
	v37 =	vld.idx.msk [tilespmem:v55+s31+$0x0], $0xffff;
	v63 =	vmul.f32 v23, v51  }
0x3c4: {  	v62 =	vld [tilespmem:s24+$0x7A10];
	v56 =	vmul.f32 v53, v50;
	v43 =	vmul.f32 v61, v36;
	[tilespmem:s12+$0x16F80] =	vst v52;
	v18 =	vadd.f32 v57, v18  }
0x3c5: {  	v22 =	vmul.f32 v44, v22;
	[tilespmem:s12+$0x16F90] =	vst v16;
	v29 =	vld.idx.msk [tilespmem:v59+s31+$0x0], $0xffff;
	v31 =	vmul.f32 v63, v23  }
0x3c6: {  	v54 =	vld [tilespmem:s24+$0x7990];
	v36 =	vbroadcast v19, $0x7;
	v16 =	vmul.f32 v44, v34;
	[tilespmem:s24+$0x16800] =	vst v56;
	v18 =	vadd.f32 v30, v18  }
0x3c7: {  	v52 =	vbroadcast v19, $0x5;
	v60 =	vmul.f32 v53, v27;
	[tilespmem:s24+$0x16880] =	vst v43;
	v25 =	vld.idx.msk [tilespmem:v41+s31+$0x0], $0xffff;
	v31 =	vsub.f32 $1.500000000e+00, v31  }
0x3c8: {  	v47 =	vld [tilespmem:s24+$0x7A90];
	v27 =	vmul.f32 v61, v32;
	v26 =	vmul.f32 v49, v58;
	[tilespmem:s24+$0x16910] =	vst v22;
	v18 =	vadd.f32 v37, v18  }
0x3c9: {  	v46 =	vbroadcast v19, $0x3;
	[tilespmem:s24+$0x16900] =	vst v16;
	v53 =	vld.idx.msk [tilespmem:v42+s31+$0x0], $0xffff;
	v23 =	vmul.f32 v31, v23  }
0x3ca: {  	v38 =	vld [tilespmem:s24+$0x7C80];
	v56 =	vbroadcast v19, $0x6;
	v16 =	vmul.f32 v49, v62;
	[tilespmem:s24+$0x16810] =	vst v60;
	v18 =	vadd.f32 v29, v18  }
0x3cb: {  	v59 =	vld [tilespmem:s24+$0x7B90];
	[tilespmem:s24+$0x16890] =	vst v27;
	v48 =	vmul.f32 v46, v24;
	v24 =	vmul.f32 v23, v17  }
0x3cc: {  	v40 =	vld [tilespmem:s24+$0x7C90];
	v55 =	vmul.f32 v52, v45;
	v45 =	vbroadcast v19, $0x9;
	[tilespmem:s24+$0x16A00] =	vst v26;
	v18 =	vadd.f32 v25, v18  }
0x3cd: {  	v62 =	vld [tilespmem:s24+$0x7C00];
	v50 =	vmul.f32 v46, v54;
	v58 =	vmul.f32 v52, v47;
	[tilespmem:s24+$0x16A10] =	vst v16;
	v60 =	vsub.f32 $0.0e+00, v24  }
0x3ce: {  	v51 =	vld [tilespmem:s24+$0x7B00];
	[tilespmem:s24+$0x16A80] =	vst v55;
	v41 =	vbroadcast v19, $0x8;
	v63 =	vmul.f32 $1.442695020e+00, v24;
	v18 =	vadd.f32 v53, v18  }
0x3cf: {  	v54 =	vld [tilespmem:s24+$0x7B10];
	[tilespmem:s24+$0x16990] =	vst v50;
	v50 =	vmul.f32 v38, v45;
	v30 =	vmul.f32 $1.442695020e+00, v60  }
0x3d0: {  	v42 =	vld [tilespmem:s24+$0x7D00];
	[tilespmem:s24+$0x16980] =	vst v48;
	v44 =	vmul.f32 v59, v36;
	(erf) = vpow2.f32 v63;
	v16 =	vmax.f32 v18, $1.000000020e-16  }
0x3d1: {  	v46 =	vld [tilespmem:s24+$0x7D10];
	[tilespmem:s24+$0x16A90] =	vst v58;
	(erf) = vpow2.f32 v30;
	v43 =	vshrl.u32 v16, $0x1;
	v32 =	vmul.f32 $5.000000000e-01, v16  }
0x3d2: {  	v57 =	vld [tilespmem:s24+$0x7B80];
	v47 =	vmul.f32 v62, v41;
	[tilespmem:s24+$0x16C80] =	vst v50;
	v30 =	vsub.s32 $0x5F3759DF, v43  }
0x3d3: {  	v48 =	vld [tilespmem:s24+$0x7D80];
	v61 =	vmul.f32 v56, v51;
	[tilespmem:s24+$0x16B90] =	vst v44;
	v49 =	vmul.f32 v30, v32  }
0x3d4: {  	v52 =	vbroadcast v19, $0xA;
	v59 =	vld [tilespmem:s24+$0x7E80];
	v20 =	vmul.f32 v56, v54;
	[tilespmem:s24+$0x16C00] =	vst v47  }
0x3d5: {  	v54 =	vmul.f32 v40, v45;
	v37 =	vld [tilespmem:s24+$0x7C10];
	[tilespmem:s24+$0x16B00] =	vst v61;
	v33 =	vmul.f32 v30, v49  }
0x3d6: {  	v55 =	vbroadcast v19, $0xB;
	v51 =	vld [tilespmem:s24+$0x7D90];
	v58 =	vmul.f32 v46, v52;
	[tilespmem:s24+$0x16B10] =	vst v20  }
0x3d7: {  	v62 =	vbroadcast v19, $0xC;
	v56 =	vld [tilespmem:s24+$0x7E10];
	v39 =	vmul.f32 v57, v36;
	[tilespmem:s24+$0x16C90] =	vst v54;
	v60 =	vsub.f32 $1.500000000e+00, v33  }
0x3d8: {  	v50 =	vld [tilespmem:s23+$0x7800];
	v40 =	vbroadcast v19, $0xD;
	v57 =	vmul.f32 v42, v52;
	[tilespmem:s24+$0x16D10] =	vst v58  }
0x3d9: {  	v61 =	vmul.f32 v48, v55;
	[tilespmem:s24+$0x16B80] =	vst v39;
	v53 =	vld [tilespmem:s24+$0x7E00];
	v63 =	vpop (erf);
	v27 =	vmul.f32 v30, v60  }
0x3da: {  	v45 =	vmul.f32 v59, v40;
	[tilespmem:s24+$0x16D00] =	vst v57;
	v18 =	vmul.f32 v37, v41;
	v37 =	vld [tilespmem:s24+$0x7E90];
	v38 =	vpop (erf)  }
0x3db: {  	v36 =	vmul.f32 v51, v55;
	[tilespmem:s24+$0x16D80] =	vst v61;
	v41 =	vld [tilespmem:s24+$0x7F00];
	v29 =	vsub.f32 v63, v38;
	v44 =	vmul.f32 v27, v32  }
0x3dc: {  	v17 =	vmul.f32 $1.666666720e-01, v17;
	v42 =	vmul.f32 v56, v62;
	[tilespmem:s24+$0x16E80] =	vst v45;
	v43 =	vld [tilespmem:s24+$0x7F10]  }
0x3dd: {  	v46 =	vld [tilespmem:s24+$0x7F80];
	[tilespmem:s24+$0x16D90] =	vst v36;
	v29 =	vmul.f32 $5.000000000e-01, v29;
	v31 =	vmul.f32 v44, v27  }
0x3de: {  	v47 =	vld [tilespmem:s24+$0x7F90];
	v17 =	vadd.f32 $1.000000000e+00, v17;
	[tilespmem:s24+$0x16E10] =	vst v42;
	v39 =	vmul.f32 v53, v62;
	v49 =	vbroadcast v19, $0xE  }
0x3df: {  	v52 =	vld [tilespmem:s23+$0x7810];
	[tilespmem:s24+$0x16C10] =	vst v18;
	v48 =	vmul.f32 v37, v40;
	v51 =	vmul.f32 v29, v23;
	v53 =	vsub.f32 $1.500000000e+00, v31  }
0x3e0: {  	vm14 =	vlt.f32 v24, $1.000000050e-03;
	v55 =	vld [tilespmem:s23+$0x7880];
	[tilespmem:s24+$0x16E00] =	vst v39;
	v19 =	vbroadcast v19, $0xF;
	v54 =	vmul.f32 v41, v49  }
0x3e1: {  	v57 =	vld [tilespmem:s23+$0x7890];
	[tilespmem:s24+$0x16E90] =	vst v48;
	v56 =	vmul.f32 v43, v49;
	v17 =	vsel vm14, v17, v51;
	v58 =	vmul.f32 v53, v27  }
0x3e2: {  	v61 =	vld [tilespmem:s23+$0x7900];
	v59 =	vmul.f32 v46, v19;
	[tilespmem:s24+$0x16F00] =	vst v54;
	v60 =	vbroadcast v17, $0x0  }
0x3e3: {  	v36 =	vld [tilespmem:s23+$0x7980];
	v62 =	vmul.f32 v47, v19;
	[tilespmem:s24+$0x16F10] =	vst v56;
	v33 =	vmul.f32 v58, v32  }
0x3e4: {  	v63 =	vld [tilespmem:s23+$0x7910];
	[tilespmem:s24+$0x16F80] =	vst v59;
	v35 =	vbroadcast v17, $0x1;
	v34 =	vmul.f32 v60, v50  }
0x3e5: {  	v41 =	vld [tilespmem:s23+$0x7A00];
	[tilespmem:s24+$0x16F90] =	vst v62;
	v37 =	vmul.f32 v60, v52;
	v20 =	vmul.f32 v33, v58  }
0x3e6: {  	v38 =	vld [tilespmem:s23+$0x7990];
	v40 =	vbroadcast v17, $0x2;
	v39 =	vmul.f32 v35, v55;
	[tilespmem:s23+$0x16800] =	vst v34  }
0x3e7: {  	v46 =	vld [tilespmem:s23+$0x7A80];
	v43 =	vbroadcast v17, $0x3;
	v42 =	vmul.f32 v35, v57;
	[tilespmem:s23+$0x16810] =	vst v37;
	v20 =	vsub.f32 $1.500000000e+00, v20  }
0x3e8: {  	v44 =	vld [tilespmem:s23+$0x7A10];
	v49 =	vbroadcast v17, $0x4;
	v45 =	vmul.f32 v40, v61;
	[tilespmem:s23+$0x16880] =	vst v39  }
0x3e9: {  	v48 =	vld [tilespmem:s23+$0x7A90];
	v19 =	vmul.f32 v40, v63;
	[tilespmem:s23+$0x16890] =	vst v42;
	v20 =	vmul.f32 v20, v58  }
0x3ea: {  	v54 =	vld [tilespmem:s23+$0x7B80];
	v51 =	vbroadcast v17, $0x5;
	v47 =	vmul.f32 v43, v36;
	[tilespmem:s23+$0x16900] =	vst v45  }
0x3eb: {  	v21 =	vmul.f32 v43, v38;
	v50 =	vld [tilespmem:s23+$0x7B00];
	[tilespmem:s23+$0x16910] =	vst v19;
	v29 =	vmul.f32 v20, v16  }
0x3ec: {  	v56 =	vbroadcast v17, $0x6;
	v52 =	vld [tilespmem:s23+$0x7B10];
	v53 =	vmul.f32 v49, v41;
	[tilespmem:s23+$0x16980] =	vst v47  }
0x3ed: {  	v31 =	vld [tilespmem:s23+$0x7F80];
	v22 =	vmul.f32 v49, v44;
	v55 =	vmul.f32 v51, v46;
	[tilespmem:s23+$0x16990] =	vst v21;
	v58 =	vsub.f32 $0.0e+00, v29  }
0x3ee: {  	v57 =	vld [tilespmem:s23+$0x7B90];
	v59 =	vmul.f32 v51, v48;
	[tilespmem:s23+$0x16A00] =	vst v53;
	v61 =	vmul.f32 $1.442695020e+00, v29  }
0x3ef: {  	v60 =	vld [tilespmem:s23+$0x7C00];
	[tilespmem:s23+$0x16A10] =	vst v22;
	v33 =	vbroadcast v17, $0x7;
	v30 =	vmul.f32 $1.442695020e+00, v58  }
0x3f0: {  	v63 =	vld [tilespmem:s23+$0x7C10];
	[tilespmem:s23+$0x16A80] =	vst v55;
	v62 =	vmul.f32 v56, v50;
	(erf) = vpow2.f32 v61  }
0x3f1: {  	v36 =	vld [tilespmem:s23+$0x7C90];
	[tilespmem:s23+$0x16A90] =	vst v59;
	v35 =	vmul.f32 v56, v52;
	(erf) = vpow2.f32 v30  }
0x3f2: {  	v38 =	vbroadcast v17, $0x8;
	v41 =	vld [tilespmem:s23+$0x7D10];
	v37 =	vmul.f32 v54, v33;
	[tilespmem:s23+$0x16B00] =	vst v62  }
0x3f3: {  	v48 =	vld [tilespmem:s23+$0x7E00];
	v40 =	vmul.f32 v57, v33;
	[tilespmem:s23+$0x16B10] =	vst v35  }
0x3f4: {  	v34 =	vld [tilespmem:s23+$0x7C80];
	v42 =	vbroadcast v17, $0x9;
	v19 =	vmul.f32 v60, v38;
	[tilespmem:s23+$0x16B80] =	vst v37  }
0x3f5: {  	v39 =	vld [tilespmem:s23+$0x7D00];
	v47 =	vbroadcast v17, $0xA;
	v44 =	vmul.f32 v63, v38;
	[tilespmem:s23+$0x16B90] =	vst v40  }
0x3f6: {  	v43 =	vld [tilespmem:s23+$0x7D80];
	v55 =	vbroadcast v17, $0xC;
	v49 =	vmul.f32 v36, v42;
	[tilespmem:s23+$0x16C00] =	vst v19  }
0x3f7: {  	v45 =	vld [tilespmem:s23+$0x7D90];
	v52 =	vbroadcast v17, $0xB;
	v54 =	vmul.f32 v41, v47;
	[tilespmem:s23+$0x16C10] =	vst v44  }
0x3f8: {  	v60 =	vmul.f32 v48, v55;
	v63 =	vbroadcast v17, $0xD;
	[tilespmem:s23+$0x16C90] =	vst v49  }
0x3f9: {  	v50 =	vld [tilespmem:s23+$0x7E10];
	v33 =	vbroadcast v17, $0xE;
	v46 =	vmul.f32 v34, v42;
	[tilespmem:s23+$0x16D10] =	vst v54;
	v53 =	vpop (erf)  }
0x3fa: {  	v56 =	vld [tilespmem:s23+$0x7E80];
	v17 =	vbroadcast v17, $0xF;
	v51 =	vmul.f32 v39, v47;
	[tilespmem:s23+$0x16E00] =	vst v60;
	v30 =	vpop (erf)  }
0x3fb: {  	v57 =	vmul.f32 v43, v52;
	v34 =	vld [tilespmem:s23+$0x7F90];
	[tilespmem:s23+$0x16C80] =	vst v46;
	v26 =	vsub.f32 v53, v30  }
0x3fc: {  	v59 =	vmul.f32 v45, v52;
	v18 =	vmul.f32 v31, v17;
	[tilespmem:s23+$0x16D00] =	vst v51;
	v58 =	vld [tilespmem:s23+$0x7E90]  }
0x3fd: {  	[tilespmem:s23+$0x16D80] =	vst v57;
	v16 =	vmul.f32 $1.666666720e-01, v16;
	v61 =	vld [tilespmem:s23+$0x7F00];
	v26 =	vmul.f32 $5.000000000e-01, v26  }
0x3fe: {  	[tilespmem:s23+$0x16D90] =	vst v59;
	v62 =	vmul.f32 v50, v55;
	v30 =	vld [tilespmem:s23+$0x7F10]  }
0x3ff: {  	v36 =	vld [tilespmem:s22+$0x7800];
	[tilespmem:s23+$0x16F80] =	vst v18;
	v32 =	vmul.f32 v56, v63;
	v16 =	vadd.f32 $1.000000000e+00, v16;
	v20 =	vmul.f32 v26, v20  }
0x400: {  	v38 =	vld [tilespmem:s22+$0x7810];
	vm15 =	vlt.f32 v29, $1.000000050e-03;
	[tilespmem:s23+$0x16E10] =	vst v62;
	v17 =	vmul.f32 v34, v17  }
0x401: {  	v40 =	vld [tilespmem:s22+$0x7880];
	[tilespmem:s23+$0x16E80] =	vst v32;
	v35 =	vmul.f32 v58, v63;
	v16 =	vsel vm15, v16, v20  }
0x402: {  	v43 =	vld [tilespmem:s22+$0x7900];
	[tilespmem:s23+$0x16F90] =	vst v17;
	v37 =	vmul.f32 v61, v33;
	v41 =	vbroadcast v16, $0x0  }
0x403: {  	v47 =	vld [tilespmem:s22+$0x7980];
	[tilespmem:s23+$0x16E90] =	vst v35;
	v39 =	vmul.f32 v30, v33  }
0x404: {  	v42 =	vld [tilespmem:s22+$0x7890];
	[tilespmem:s23+$0x16F00] =	vst v37;
	v45 =	vbroadcast v16, $0x1;
	v44 =	vmul.f32 v41, v36  }
0x405: {  	v51 =	vld [tilespmem:s22+$0x7A00];
	[tilespmem:s23+$0x16F10] =	vst v39;
	v49 =	vbroadcast v16, $0x2;
	v17 =	vmul.f32 v41, v38  }
0x406: {  	v46 =	vld [tilespmem:s22+$0x7910];
	v53 =	vbroadcast v16, $0x3;
	v48 =	vmul.f32 v45, v40;
	[tilespmem:s22+$0x16800] =	vst v44  }
0x407: {  	v55 =	vld [tilespmem:s22+$0x7A80];
	v52 =	vmul.f32 v49, v43;
	[tilespmem:s22+$0x16810] =	vst v17  }
0x408: {  	v50 =	vld [tilespmem:s22+$0x7990];
	v57 =	vbroadcast v16, $0x4;
	v56 =	vmul.f32 v53, v47;
	[tilespmem:s22+$0x16880] =	vst v48  }
0x409: {  	v59 =	vld [tilespmem:s22+$0x7B00];
	v17 =	vmul.f32 v45, v42;
	[tilespmem:s22+$0x16900] =	vst v52  }
0x40a: {  	v54 =	vld [tilespmem:s22+$0x7A10];
	v61 =	vbroadcast v16, $0x5;
	v60 =	vmul.f32 v57, v51;
	[tilespmem:s22+$0x16980] =	vst v56  }
0x40b: {  	v63 =	vld [tilespmem:s22+$0x7B80];
	[tilespmem:s22+$0x16890] =	vst v17;
	v17 =	vmul.f32 v49, v46  }
0x40c: {  	v58 =	vld [tilespmem:s22+$0x7A90];
	v28 =	vbroadcast v16, $0x6;
	v27 =	vmul.f32 v61, v55;
	[tilespmem:s22+$0x16A00] =	vst v60  }
0x40d: {  	v30 =	vld [tilespmem:s22+$0x7C00];
	[tilespmem:s22+$0x16910] =	vst v17;
	v17 =	vmul.f32 v53, v50  }
0x40e: {  	v62 =	vld [tilespmem:s22+$0x7B10];
	v32 =	vbroadcast v16, $0x7;
	v31 =	vmul.f32 v28, v59;
	[tilespmem:s22+$0x16A80] =	vst v27  }
0x40f: {  	v34 =	vld [tilespmem:s22+$0x7C80];
	[tilespmem:s22+$0x16990] =	vst v17;
	v17 =	vmul.f32 v57, v54  }
0x410: {  	v29 =	vld [tilespmem:s22+$0x7B90];
	v35 =	vmul.f32 v63, v32;
	v36 =	vbroadcast v16, $0x8;
	[tilespmem:s22+$0x16B00] =	vst v31  }
0x411: {  	v38 =	vld [tilespmem:s22+$0x7D00];
	[tilespmem:s22+$0x16A10] =	vst v17;
	v17 =	vmul.f32 v61, v58  }
0x412: {  	v33 =	vld [tilespmem:s22+$0x7C10];
	v40 =	vbroadcast v16, $0x9;
	[tilespmem:s22+$0x16B80] =	vst v35;
	v39 =	vmul.f32 v30, v36  }
0x413: {  	v42 =	vld [tilespmem:s22+$0x7D80];
	[tilespmem:s22+$0x16A90] =	vst v17;
	v17 =	vmul.f32 v28, v62  }
0x414: {  	v37 =	vld [tilespmem:s22+$0x7C90];
	v43 =	vmul.f32 v34, v40;
	v44 =	vbroadcast v16, $0xA;
	[tilespmem:s22+$0x16C00] =	vst v39  }
0x415: {  	v46 =	vld [tilespmem:s22+$0x7E00];
	[tilespmem:s22+$0x16B10] =	vst v17;
	v17 =	vmul.f32 v29, v32  }
0x416: {  	v41 =	vld [tilespmem:s22+$0x7D10];
	v48 =	vbroadcast v16, $0xB;
	[tilespmem:s22+$0x16C80] =	vst v43;
	v47 =	vmul.f32 v38, v44  }
0x417: {  	v50 =	vld [tilespmem:s22+$0x7E80];
	[tilespmem:s22+$0x16B90] =	vst v17;
	v17 =	vmul.f32 v33, v36  }
0x418: {  	v45 =	vld [tilespmem:s22+$0x7D90];
	v52 =	vbroadcast v16, $0xC;
	[tilespmem:s22+$0x16D00] =	vst v47;
	v51 =	vmul.f32 v42, v48  }
0x419: {  	v54 =	vld [tilespmem:s22+$0x7F00];
	[tilespmem:s22+$0x16C10] =	vst v17;
	v17 =	vmul.f32 v37, v40  }
0x41a: {  	v56 =	vbroadcast v16, $0xD;
	v49 =	vld [tilespmem:s22+$0x7E10];
	[tilespmem:s22+$0x16D80] =	vst v51;
	v55 =	vmul.f32 v46, v52  }
0x41b: {  	v58 =	vld [tilespmem:s22+$0x7F80];
	[tilespmem:s22+$0x16C90] =	vst v17;
	v17 =	vmul.f32 v41, v44  }
0x41c: {  	v60 =	vbroadcast v16, $0xE;
	v53 =	vld [tilespmem:s22+$0x7E90];
	[tilespmem:s22+$0x16E00] =	vst v55;
	v59 =	vmul.f32 v50, v56  }
0x41d: {  	v61 =	vld [tilespmem:s22+$0x7F90];
	[tilespmem:s22+$0x16D10] =	vst v17;
	v17 =	vmul.f32 v45, v48  }
0x41e: {  	v16 =	vbroadcast v16, $0xF;
	v57 =	vld [tilespmem:s22+$0x7F10];
	[tilespmem:s22+$0x16E80] =	vst v59;
	v62 =	vmul.f32 v54, v60  }
0x41f: {  	[tilespmem:s22+$0x16D90] =	vst v17;
	v17 =	vmul.f32 v49, v52  }
0x420: {  	p2 =	slt.u32 s10, $0x8;
	[tilespmem:s22+$0x16F00] =	vst v62;
	v63 =	vmul.f32 v58, v16  }
.Ltmp7:
0x421: {  	[tilespmem:s22+$0x16E10] =	vst v17;
	v17 =	vmul.f32 v53, v56;
	(pc) =	sbr.rel @p2 .LBB2_10-.Ltmp7, $4  }
0x422: {  	v16 =	vmul.f32 v61, v16;
	[tilespmem:s22+$0x16F80] =	vst v63  }
0x423: {  	[tilespmem:s22+$0x16E90] =	vst v17;
	v17 =	vmul.f32 v57, v60  }
0x424: {  	s28 =	sadd.s32 $0x4, s10;
	[tilespmem:s22+$0x16F90] =	vst v16  }
0x425: {  	s10 =	smov.u32 s28;
	s14 =	simm.s32 $0xCC0;
	s12 =	simm.s32 $0x1ECC0;
	[tilespmem:s22+$0x16F10] =	vst v17  }
.LBB2_11:
0x426: {  	s10 =	sshra.s32 s6, $0x2  }
0x427: {  	v16 =	vld [tilespmem:s10+$0xD800]  }
0x428: {  	v17 =	vld [tilespmem:s10+$0xD810];
	_ =	sdelay $0x4  }
0x429: {  	v16 =	vmul.f32 v16, v16;
	v17 =	vmul.f32 v17, v17;
	_ =	sdelay $0x1  }
0x42a: {  	v16 =	vadd.f32 v17, v16;
	_ =	sdelay $0x1  }
0x42b: {  	[tilespmem:s12+$0x0] =	vst v16  }
0x42c: {  	v16 =	vld [tilespmem:s10+$0xD880]  }
0x42d: {  	v17 =	vld [tilespmem:s10+$0xD890];
	_ =	sdelay $0x4  }
0x42e: {  	v16 =	vmul.f32 v16, v16;
	v17 =	vmul.f32 v17, v17;
	_ =	sdelay $0x1  }
0x42f: {  	v16 =	vadd.f32 v17, v16;
	_ =	sdelay $0x1  }
0x430: {  	[tilespmem:s12+$0x11] =	vst v16  }
0x431: {  	v16 =	vld [tilespmem:s10+$0xD900]  }
0x432: {  	v17 =	vld [tilespmem:s10+$0xD910];
	_ =	sdelay $0x4  }
0x433: {  	v16 =	vmul.f32 v16, v16;
	v17 =	vmul.f32 v17, v17;
	_ =	sdelay $0x1  }
0x434: {  	v16 =	vadd.f32 v17, v16;
	_ =	sdelay $0x1  }
0x435: {  	[tilespmem:s12+$0x22] =	vst v16  }
0x436: {  	v16 =	vld [tilespmem:s10+$0xD980]  }
0x437: {  	v17 =	vld [tilespmem:s10+$0xD990];
	_ =	sdelay $0x4  }
0x438: {  	v16 =	vmul.f32 v16, v16;
	v17 =	vmul.f32 v17, v17;
	_ =	sdelay $0x1  }
0x439: {  	v16 =	vadd.f32 v17, v16;
	_ =	sdelay $0x1  }
0x43a: {  	[tilespmem:s12+$0x33] =	vst v16  }
0x43b: {  	v16 =	vld [tilespmem:s10+$0xDA00]  }
0x43c: {  	v17 =	vld [tilespmem:s10+$0xDA10];
	_ =	sdelay $0x4  }
0x43d: {  	v16 =	vmul.f32 v16, v16;
	v17 =	vmul.f32 v17, v17;
	_ =	sdelay $0x1  }
0x43e: {  	v16 =	vadd.f32 v17, v16;
	_ =	sdelay $0x1  }
0x43f: {  	[tilespmem:s12+$0x44] =	vst v16  }
0x440: {  	v16 =	vld [tilespmem:s10+$0xDA80]  }
0x441: {  	v17 =	vld [tilespmem:s10+$0xDA90];
	_ =	sdelay $0x4  }
0x442: {  	v16 =	vmul.f32 v16, v16;
	v17 =	vmul.f32 v17, v17;
	_ =	sdelay $0x1  }
0x443: {  	v16 =	vadd.f32 v17, v16;
	_ =	sdelay $0x1  }
0x444: {  	[tilespmem:s12+$0x55] =	vst v16  }
0x445: {  	v16 =	vld [tilespmem:s10+$0xDB00]  }
0x446: {  	v17 =	vld [tilespmem:s10+$0xDB10];
	_ =	sdelay $0x4  }
0x447: {  	v16 =	vmul.f32 v16, v16;
	v17 =	vmul.f32 v17, v17;
	_ =	sdelay $0x1  }
0x448: {  	v16 =	vadd.f32 v17, v16;
	_ =	sdelay $0x1  }
0x449: {  	[tilespmem:s12+$0x66] =	vst v16  }
0x44a: {  	v16 =	vld [tilespmem:s10+$0xDB80]  }
0x44b: {  	v17 =	vld [tilespmem:s10+$0xDB90];
	_ =	sdelay $0x4  }
0x44c: {  	v16 =	vmul.f32 v16, v16;
	v17 =	vmul.f32 v17, v17;
	_ =	sdelay $0x1  }
0x44d: {  	v16 =	vadd.f32 v17, v16;
	_ =	sdelay $0x1  }
0x44e: {  	[tilespmem:s12+$0x77] =	vst v16  }
0x44f: {  	v16 =	vld [tilespmem:s10+$0xDC00]  }
0x450: {  	v17 =	vld [tilespmem:s10+$0xDC10];
	_ =	sdelay $0x4  }
0x451: {  	v16 =	vmul.f32 v16, v16;
	v17 =	vmul.f32 v17, v17;
	_ =	sdelay $0x1  }
0x452: {  	v16 =	vadd.f32 v17, v16;
	_ =	sdelay $0x1  }
0x453: {  	[tilespmem:s12+$0x88] =	vst v16  }
0x454: {  	v16 =	vld [tilespmem:s10+$0xDC80]  }
0x455: {  	v17 =	vld [tilespmem:s10+$0xDC90];
	_ =	sdelay $0x4  }
0x456: {  	v16 =	vmul.f32 v16, v16;
	v17 =	vmul.f32 v17, v17;
	_ =	sdelay $0x1  }
0x457: {  	v16 =	vadd.f32 v17, v16;
	_ =	sdelay $0x1  }
0x458: {  	[tilespmem:s12+$0x99] =	vst v16  }
0x459: {  	v16 =	vld [tilespmem:s10+$0xDD00]  }
0x45a: {  	v17 =	vld [tilespmem:s10+$0xDD10];
	_ =	sdelay $0x4  }
0x45b: {  	v16 =	vmul.f32 v16, v16;
	v17 =	vmul.f32 v17, v17;
	_ =	sdelay $0x1  }
0x45c: {  	v16 =	vadd.f32 v17, v16;
	_ =	sdelay $0x1  }
0x45d: {  	[tilespmem:s12+$0xAA] =	vst v16  }
0x45e: {  	v16 =	vld [tilespmem:s10+$0xDD80]  }
0x45f: {  	v17 =	vld [tilespmem:s10+$0xDD90];
	_ =	sdelay $0x4  }
0x460: {  	v16 =	vmul.f32 v16, v16;
	v17 =	vmul.f32 v17, v17;
	_ =	sdelay $0x1  }
0x461: {  	v16 =	vadd.f32 v17, v16;
	_ =	sdelay $0x1  }
0x462: {  	[tilespmem:s12+$0xBB] =	vst v16  }
0x463: {  	v16 =	vld [tilespmem:s10+$0xDE00]  }
0x464: {  	v17 =	vld [tilespmem:s10+$0xDE10];
	_ =	sdelay $0x4  }
0x465: {  	v16 =	vmul.f32 v16, v16;
	v17 =	vmul.f32 v17, v17;
	_ =	sdelay $0x1  }
0x466: {  	v16 =	vadd.f32 v17, v16;
	_ =	sdelay $0x1  }
0x467: {  	[tilespmem:s12+$0xCC] =	vst v16  }
0x468: {  	v16 =	vld [tilespmem:s10+$0xDE80]  }
0x469: {  	v17 =	vld [tilespmem:s10+$0xDE90];
	_ =	sdelay $0x4  }
0x46a: {  	v16 =	vmul.f32 v16, v16;
	v17 =	vmul.f32 v17, v17;
	_ =	sdelay $0x1  }
0x46b: {  	v16 =	vadd.f32 v17, v16;
	_ =	sdelay $0x1  }
0x46c: {  	[tilespmem:s12+$0xDD] =	vst v16  }
0x46d: {  	v16 =	vld [tilespmem:s10+$0xDF00]  }
0x46e: {  	v17 =	vld [tilespmem:s10+$0xDF10];
	_ =	sdelay $0x4  }
0x46f: {  	v16 =	vmul.f32 v16, v16;
	v17 =	vmul.f32 v17, v17;
	_ =	sdelay $0x1  }
0x470: {  	v16 =	vadd.f32 v17, v16;
	_ =	sdelay $0x1  }
0x471: {  	[tilespmem:s12+$0xEE] =	vst v16  }
0x472: {  	v16 =	vld [tilespmem:s10+$0xDF80]  }
0x473: {  	v17 =	vld [tilespmem:s10+$0xDF90];
	_ =	sdelay $0x4  }
0x474: {  	v18 =	vadd.s32 s14, v0;
	v16 =	vmul.f32 v16, v16;
	v17 =	vmul.f32 v17, v17;
	_ =	sdelay $0x1  }
0x475: {  	v16 =	vadd.f32 v17, v16;
	v17 =	vadd.s32 s14, v1;
	_ =	sdelay $0x1  }
0x476: {  	[tilespmem:s12+$0xFF] =	vst v16;
	v16 =	vadd.s32 s14, v2  }
0x477: {  	v18 =	vld.idx.msk [tilespmem:v18+s31+$0x0], $0xffff  }
0x478: {  	v19 =	vadd.s32 s14, v3  }
0x479: {  	v17 =	vld.idx.msk [tilespmem:v17+s31+$0x0], $0xffff  }
0x47a: {  	v20 =	vadd.s32 s14, v4  }
0x47b: {  	v16 =	vld.idx.msk [tilespmem:v16+s31+$0x0], $0xffff  }
0x47c: {  	v21 =	vadd.s32 s14, v5;
	v18 =	vadd.f32 $0.0e+00, v18  }
0x47d: {  	v19 =	vld.idx.msk [tilespmem:v19+s31+$0x0], $0xffff  }
0x47e: {  	v29 =	vadd.s32 s14, v6;
	v17 =	vadd.f32 v17, v18  }
0x47f: {  	v20 =	vld.idx.msk [tilespmem:v20+s31+$0x0], $0xffff  }
0x480: {  	v16 =	vadd.f32 v16, v17;
	v17 =	vadd.s32 s14, v7  }
0x481: {  	v21 =	vld.idx.msk [tilespmem:v21+s31+$0x0], $0xffff  }
0x482: {  	v30 =	vadd.s32 s14, v8;
	v16 =	vadd.f32 v19, v16  }
0x483: {  	v18 =	vld.idx.msk [tilespmem:v29+s31+$0x0], $0xffff  }
0x484: {  	v31 =	vadd.s32 s14, v9;
	v16 =	vadd.f32 v20, v16  }
0x485: {  	v17 =	vld.idx.msk [tilespmem:v17+s31+$0x0], $0xffff  }
0x486: {  	v32 =	vadd.s32 s14, v10;
	v16 =	vadd.f32 v21, v16  }
0x487: {  	v19 =	vld.idx.msk [tilespmem:v30+s31+$0x0], $0xffff  }
0x488: {  	v33 =	vadd.s32 s14, v11;
	v16 =	vadd.f32 v18, v16  }
0x489: {  	v20 =	vld.idx.msk [tilespmem:v31+s31+$0x0], $0xffff  }
0x48a: {  	v16 =	vadd.f32 v17, v16;
	v17 =	vadd.s32 s14, v12  }
0x48b: {  	v21 =	vld.idx.msk [tilespmem:v32+s31+$0x0], $0xffff  }
0x48c: {  	v34 =	vadd.s32 s14, v13;
	v16 =	vadd.f32 v19, v16  }
0x48d: {  	v18 =	vld.idx.msk [tilespmem:v33+s31+$0x0], $0xffff  }
0x48e: {  	v35 =	vadd.s32 s14, v14;
	v16 =	vadd.f32 v20, v16  }
0x48f: {  	v17 =	vld.idx.msk [tilespmem:v17+s31+$0x0], $0xffff  }
0x490: {  	v36 =	vadd.s32 s14, v15;
	v16 =	vadd.f32 v21, v16  }
0x491: {  	v19 =	vld.idx.msk [tilespmem:v34+s31+$0x0], $0xffff  }
0x492: {  	v16 =	vadd.f32 v18, v16  }
0x493: {  	v37 =	vld.idx.msk [tilespmem:v35+s31+$0x0], $0xffff  }
0x494: {  	v16 =	vadd.f32 v17, v16  }
0x495: {  	v17 =	vld.idx.msk [tilespmem:v36+s31+$0x0], $0xffff  }
0x496: {  	v16 =	vadd.f32 v19, v16;
	_ =	sdelay $0x1  }
0x497: {  	v16 =	vadd.f32 v37, v16;
	_ =	sdelay $0x1  }
0x498: {  	v16 =	vadd.f32 v17, v16;
	_ =	sdelay $0x1  }
0x499: {  	v16 =	vmax.f32 v16, $1.000000020e-16  }
0x49a: {  	v17 =	vshrl.u32 v16, $0x1;
	v38 =	vmul.f32 $5.000000000e-01, v16  }
0x49b: {  	v17 =	vsub.s32 $0x5F3759DF, v17  }
0x49c: {  	v39 =	vmul.f32 v17, v38;
	_ =	sdelay $0x1  }
0x49d: {  	v19 =	vmul.f32 v17, v39;
	_ =	sdelay $0x1  }
0x49e: {  	v19 =	vsub.f32 $1.500000000e+00, v19;
	_ =	sdelay $0x1  }
0x49f: {  	v17 =	vmul.f32 v17, v19;
	_ =	sdelay $0x1  }
0x4a0: {  	v19 =	vmul.f32 v17, v38;
	_ =	sdelay $0x1  }
0x4a1: {  	v19 =	vmul.f32 v19, v17;
	_ =	sdelay $0x1  }
0x4a2: {  	v19 =	vsub.f32 $1.500000000e+00, v19;
	_ =	sdelay $0x1  }
0x4a3: {  	v17 =	vmul.f32 v19, v17;
	_ =	sdelay $0x1  }
0x4a4: {  	v18 =	vmul.f32 v17, v38;
	_ =	sdelay $0x1  }
0x4a5: {  	v18 =	vmul.f32 v18, v17;
	_ =	sdelay $0x1  }
0x4a6: {  	v18 =	vsub.f32 $1.500000000e+00, v18;
	_ =	sdelay $0x1  }
0x4a7: {  	v17 =	vmul.f32 v18, v17;
	_ =	sdelay $0x1  }
0x4a8: {  	v18 =	vmul.f32 v17, v16;
	_ =	sdelay $0x1  }
0x4a9: {  	v40 =	vsub.f32 $0.0e+00, v18  }
0x4aa: {  	v41 =	vmul.f32 $1.442695020e+00, v18  }
0x4ab: {  	v19 =	vmul.f32 $1.442695020e+00, v40  }
0x4ac: {  	(erf) = vpow2.f32 v41  }
0x4ad: {  	(erf) = vpow2.f32 v19;
	_ =	sdelay $0x7  }
0x4ae: {  	v42 =	vpop (erf)  }
0x4af: {  	v43 =	vpop (erf)  }
0x4b0: {  	v19 =	vsub.f32 v42, v43;
	_ =	sdelay $0x1  }
0x4b1: {  	v16 =	vmul.f32 $1.666666720e-01, v16;
	v19 =	vmul.f32 $5.000000000e-01, v19;
	_ =	sdelay $0x1  }
0x4b2: {  	v44 =	vld [tilespmem:s10+$0xD800];
	v16 =	vadd.f32 $1.000000000e+00, v16;
	v17 =	vmul.f32 v19, v17  }
0x4b3: {  	v45 =	vld [tilespmem:s10+$0xD810];
	vm0 =	vlt.f32 v18, $1.000000050e-03  }
0x4b4: {  	v16 =	vsel vm0, v16, v17;
	v17 =	vld [tilespmem:s10+$0xD880]  }
0x4b5: {  	v47 =	vld [tilespmem:s10+$0xD890];
	v46 =	vbroadcast v16, $0x0  }
0x4b6: {  	v22 =	vld [tilespmem:s10+$0xD900]  }
0x4b7: {  	v24 =	vld [tilespmem:s10+$0xD910];
	v23 =	vbroadcast v16, $0x1;
	v19 =	vmul.f32 v46, v44  }
0x4b8: {  	v48 =	vld [tilespmem:s10+$0xD980];
	v18 =	vmul.f32 v46, v45  }
0x4b9: {  	v25 =	vld [tilespmem:s10+$0xD990];
	v49 =	vbroadcast v16, $0x2;
	[tilespmem:s10+$0x1C800] =	vst v19;
	v17 =	vmul.f32 v23, v17  }
0x4ba: {  	v51 =	vld [tilespmem:s10+$0xDA00];
	v50 =	vmul.f32 v23, v47;
	[tilespmem:s10+$0x1C810] =	vst v18  }
0x4bb: {  	v53 =	vld [tilespmem:s10+$0xDA10];
	v52 =	vbroadcast v16, $0x3;
	[tilespmem:s10+$0x1C880] =	vst v17;
	v17 =	vmul.f32 v49, v22  }
0x4bc: {  	v55 =	vld [tilespmem:s10+$0xDA80];
	v54 =	vmul.f32 v49, v24;
	[tilespmem:s10+$0x1C890] =	vst v50  }
0x4bd: {  	v57 =	vld [tilespmem:s10+$0xDA90];
	v56 =	vbroadcast v16, $0x4;
	[tilespmem:s10+$0x1C900] =	vst v17;
	v17 =	vmul.f32 v52, v48  }
0x4be: {  	v59 =	vld [tilespmem:s10+$0xDB00];
	v58 =	vmul.f32 v52, v25;
	[tilespmem:s10+$0x1C910] =	vst v54  }
0x4bf: {  	v61 =	vld [tilespmem:s10+$0xDB10];
	v60 =	vbroadcast v16, $0x5;
	[tilespmem:s10+$0x1C980] =	vst v17;
	v17 =	vmul.f32 v56, v51  }
0x4c0: {  	v63 =	vld [tilespmem:s10+$0xDB80];
	v62 =	vmul.f32 v56, v53;
	[tilespmem:s10+$0x1C990] =	vst v58  }
0x4c1: {  	v29 =	vld [tilespmem:s10+$0xDB90];
	v28 =	vbroadcast v16, $0x6;
	[tilespmem:s10+$0x1CA00] =	vst v17;
	v17 =	vmul.f32 v60, v55  }
0x4c2: {  	v31 =	vld [tilespmem:s10+$0xDC00];
	v30 =	vmul.f32 v60, v57;
	[tilespmem:s10+$0x1CA10] =	vst v62  }
0x4c3: {  	v33 =	vld [tilespmem:s10+$0xDC10];
	v32 =	vbroadcast v16, $0x7;
	[tilespmem:s10+$0x1CA80] =	vst v17;
	v17 =	vmul.f32 v28, v59  }
0x4c4: {  	v35 =	vld [tilespmem:s10+$0xDC80];
	v34 =	vmul.f32 v28, v61;
	[tilespmem:s10+$0x1CA90] =	vst v30  }
0x4c5: {  	v37 =	vld [tilespmem:s10+$0xDC90];
	v36 =	vbroadcast v16, $0x8;
	[tilespmem:s10+$0x1CB00] =	vst v17;
	v17 =	vmul.f32 v63, v32  }
0x4c6: {  	v39 =	vld [tilespmem:s10+$0xDD00];
	v38 =	vmul.f32 v29, v32;
	[tilespmem:s10+$0x1CB10] =	vst v34  }
0x4c7: {  	v41 =	vld [tilespmem:s10+$0xDD10];
	v40 =	vbroadcast v16, $0x9;
	[tilespmem:s10+$0x1CB80] =	vst v17;
	v17 =	vmul.f32 v31, v36  }
0x4c8: {  	v43 =	vld [tilespmem:s10+$0xDD80];
	v42 =	vmul.f32 v33, v36;
	[tilespmem:s10+$0x1CB90] =	vst v38  }
0x4c9: {  	v44 =	vbroadcast v16, $0xA;
	v45 =	vld [tilespmem:s10+$0xDD90];
	[tilespmem:s10+$0x1CC00] =	vst v17;
	v17 =	vmul.f32 v35, v40  }
0x4ca: {  	v46 =	vmul.f32 v37, v40;
	v47 =	vld [tilespmem:s10+$0xDE00];
	[tilespmem:s10+$0x1CC10] =	vst v42  }
0x4cb: {  	v49 =	vld [tilespmem:s10+$0xDE10];
	v48 =	vbroadcast v16, $0xB;
	[tilespmem:s10+$0x1CC80] =	vst v17;
	v17 =	vmul.f32 v39, v44  }
0x4cc: {  	[tilespmem:s10+$0x1CC90] =	vst v46;
	v50 =	vmul.f32 v41, v44;
	v51 =	vld [tilespmem:s10+$0xDE80]  }
0x4cd: {  	v53 =	vld [tilespmem:s10+$0xDE90];
	v52 =	vbroadcast v16, $0xC;
	[tilespmem:s10+$0x1CD00] =	vst v17;
	v17 =	vmul.f32 v43, v48  }
0x4ce: {  	[tilespmem:s10+$0x1CD10] =	vst v50;
	v54 =	vmul.f32 v45, v48;
	v55 =	vld [tilespmem:s10+$0xDF00]  }
0x4cf: {  	v57 =	vld [tilespmem:s10+$0xDF10];
	v56 =	vbroadcast v16, $0xD;
	[tilespmem:s10+$0x1CD80] =	vst v17;
	v17 =	vmul.f32 v47, v52  }
0x4d0: {  	v58 =	vmul.f32 v49, v52;
	[tilespmem:s10+$0x1CD90] =	vst v54;
	v59 =	vld [tilespmem:s10+$0xDF80]  }
0x4d1: {  	v61 =	vld [tilespmem:s10+$0xDF90];
	v60 =	vbroadcast v16, $0xE;
	[tilespmem:s10+$0x1CE00] =	vst v17;
	v17 =	vmul.f32 v51, v56  }
0x4d2: {  	v62 =	vmul.f32 v53, v56;
	[tilespmem:s10+$0x1CE10] =	vst v58  }
0x4d3: {  	p2 =	sne.s32 s6, $0x4000;
	v16 =	vbroadcast v16, $0xF;
	[tilespmem:s10+$0x1CE80] =	vst v17;
	v17 =	vmul.f32 v55, v60  }
.Ltmp8:
0x4d4: {  	[tilespmem:s10+$0x1CE90] =	vst v62;
	v63 =	vmul.f32 v57, v60;
	(pc) =	sbr.rel @p2 .LBB2_11-.Ltmp8, $4  }
0x4d5: {  	[tilespmem:s10+$0x1CF00] =	vst v17;
	v17 =	vmul.f32 v59, v16  }
0x4d6: {  	[tilespmem:s10+$0x1CF10] =	vst v63;
	v16 =	vmul.f32 v61, v16  }
0x4d7: {  	[tilespmem:s10+$0x1CF80] =	vst v17  }
0x4d8: {  	s6 =	sadd.s32 $0x2000, s6;
	s12 =	sadd.s32 $0x110, s12;
	s14 =	sadd.s32 $0x110, s14;
	[tilespmem:s10+$0x1CF90] =	vst v16  }
0x4d9: {  	s6 =	sadd.s32 s21, s15  }
0x4da: {  	s6 =	smul.u32 $0xF0, s6;
	_ =	sdelay $0x1  }
0x4db: {  	s6 =	smin.u32 s6, $0xF4150  }
0x4dc: {  	s6 =	sshll.u32 s6, $0x4  }
0x4dd: {  	s6 =	sadd.s32 s5, s6  }
0x4de: {  	[hbm4b:s6+s3] =	stream.linear.scatter [tilespmem:s20], [sflag:$0x4], $0x2000, $0x38;
	[tilespmem:$0x1F000] =	vst v63  }
0x4df: {  	p2 =	seq.s32 s13, $0x40;
	s10 =	sadd.s32 $0x400, s6  }
0x4e0: {  	[hbm4b:s10+s3] =	stream.linear.scatter [tilespmem:s7], [sflag:$0x4], $0x2000, $0x38;
	[tilespmem:$0x1F000] =	vst v63  }
.Ltmp9:
0x4e1: {  	_ = 	snop;
	(pc) =	sbr.rel @p2 .LBB2_14-.Ltmp9, $4  }
0x4e2: {  	s28 =	sadd.s32 $0x800, s6  }
0x4e3: {  	[hbm4b:s28+s3] =	stream.linear.scatter [tilespmem:s8], [sflag:$0x4], $0x2000, $0x38;
	[tilespmem:$0x1F000] =	vst v63  }
0x4e4: {  	s6 =	sadd.s32 $0xC00, s6  }
0x4e5: {  	[hbm4b:s6+s3] =	stream.linear.scatter [tilespmem:s9], [sflag:$0x4], $0x1800, $0x38;
	[tilespmem:$0x1F000] =	vst v63  }
0x4e6: {  	s6 =	sadd.s32 s21, s16  }
0x4e7: {  	s6 =	smul.u32 $0xF0, s6;
	_ =	sdelay $0x1  }
0x4e8: {  	s6 =	smin.u32 s6, $0xF4150  }
0x4e9: {  	s6 =	sshll.u32 s6, $0x4  }
0x4ea: {  	s10 =	simm.s32 $0x7800;
	s6 =	sadd.s32 s4, s6  }
0x4eb: {  	[tilespmem:s10], [sflag:$0x2] =	stream.linear.gather [hbm4b:s6+s3], $0x2000, $0x38;
	[tilespmem:$0x1F000] =	vst v63  }
0x4ec: {  	s12 =	simm.s32 $0x9800;
	s25 =	sadd.s32 $0x400, s6  }
0x4ed: {  	[tilespmem:s12], [sflag:$0x2] =	stream.linear.gather [hbm4b:s25+s3], $0x2000, $0x38;
	[tilespmem:$0x1F000] =	vst v63  }
.Ltmp10:
0x4ee: {  	_ = 	snop;
	(pc) =	sbr.rel .LBB2_2-.Ltmp10, $4  }
0x4ef: {  	s28 =	simm.s32 $0xB800;
	s26 =	sadd.s32 $0x800, s6  }
0x4f0: {  	[tilespmem:s28], [sflag:$0x2] =	stream.linear.gather [hbm4b:s26+s3], $0x2000, $0x38;
	[tilespmem:$0x1F000] =	vst v63  }
0x4f1: {  	s13 =	sadd.s32 $0x1, s13;
	s6 =	sadd.s32 $0xC00, s6  }
0x4f2: {  	[tilespmem:s29], [sflag:$0x2] =	stream.linear.gather [hbm4b:s6+s3], $0x1800, $0x38;
	[tilespmem:$0x1F000] =	vst v63  }
.LBB2_14:
.Ltmp11:
0x4f3: {  	(pc) =	sbr.rel @p1 .LBB2_19-.Ltmp11, $2  }
0x4f4: {  	_ =	sdelay $0x2  }
0x4f5: {  	s10 =	rddreg [dreg:$0x10]  }
0x4f6: {  	_ =	swait.ge [sflag:s30], $0x7800  }
0x4f7: {  	[sflag:s30] =	ssyncset.done $0x0  }
0x4f8: {  	s6 =	simm.s32 $0x3;
	[sflag:s30] =	ssyncadd.s32 $0xFFFF8800  }
0x4f9: {  	_ =	swait.ge [sflag:s6], $0x7800  }
0x4fa: {  	[sflag:s6] =	ssyncset.done $0x0  }
0x4fb: {  	s10 =	simm.s32 $0x0;
	[sflag:s6] =	ssyncadd.s32 $0xFFFF8800;
	s6 =	simm.s32 $0x0  }
.LBB2_16:
0x4fc: {  	s12 =	sshll.u32 s10, $0xB  }
0x4fd: {  	v16 =	vld [tilespmem:s12+$0x0]  }
0x4fe: {  	v17 =	vld [tilespmem:s12+$0x10];
	_ =	sdelay $0x4  }
0x4ff: {  	v16 =	vmul.f32 v16, v16;
	v17 =	vmul.f32 v17, v17;
	_ =	sdelay $0x1  }
0x500: {  	s25 =	smul.u32 $0x110, s10;
	v16 =	vadd.f32 v17, v16;
	_ =	sdelay $0x1  }
0x501: {  	[tilespmem:s25+$0x1E000] =	vst v16  }
0x502: {  	v16 =	vld [tilespmem:s12+$0x80]  }
0x503: {  	v17 =	vld [tilespmem:s12+$0x90];
	_ =	sdelay $0x4  }
0x504: {  	v16 =	vmul.f32 v16, v16;
	v17 =	vmul.f32 v17, v17;
	_ =	sdelay $0x1  }
0x505: {  	v16 =	vadd.f32 v17, v16;
	_ =	sdelay $0x1  }
0x506: {  	[tilespmem:s25+$0x1E011] =	vst v16  }
0x507: {  	v16 =	vld [tilespmem:s12+$0x100]  }
0x508: {  	v17 =	vld [tilespmem:s12+$0x110];
	_ =	sdelay $0x4  }
0x509: {  	v16 =	vmul.f32 v16, v16;
	v17 =	vmul.f32 v17, v17;
	_ =	sdelay $0x1  }
0x50a: {  	v16 =	vadd.f32 v17, v16;
	_ =	sdelay $0x1  }
0x50b: {  	[tilespmem:s25+$0x1E022] =	vst v16  }
0x50c: {  	v16 =	vld [tilespmem:s12+$0x180]  }
0x50d: {  	v17 =	vld [tilespmem:s12+$0x190];
	_ =	sdelay $0x4  }
0x50e: {  	v16 =	vmul.f32 v16, v16;
	v17 =	vmul.f32 v17, v17;
	_ =	sdelay $0x1  }
0x50f: {  	v16 =	vadd.f32 v17, v16;
	_ =	sdelay $0x1  }
0x510: {  	[tilespmem:s25+$0x1E033] =	vst v16  }
0x511: {  	v16 =	vld [tilespmem:s12+$0x200]  }
0x512: {  	v17 =	vld [tilespmem:s12+$0x210];
	_ =	sdelay $0x4  }
0x513: {  	v16 =	vmul.f32 v16, v16;
	v17 =	vmul.f32 v17, v17;
	_ =	sdelay $0x1  }
0x514: {  	v16 =	vadd.f32 v17, v16;
	_ =	sdelay $0x1  }
0x515: {  	[tilespmem:s25+$0x1E044] =	vst v16  }
0x516: {  	v16 =	vld [tilespmem:s12+$0x280]  }
0x517: {  	v17 =	vld [tilespmem:s12+$0x290];
	_ =	sdelay $0x4  }
0x518: {  	v16 =	vmul.f32 v16, v16;
	v17 =	vmul.f32 v17, v17;
	_ =	sdelay $0x1  }
0x519: {  	v16 =	vadd.f32 v17, v16;
	_ =	sdelay $0x1  }
0x51a: {  	[tilespmem:s25+$0x1E055] =	vst v16  }
0x51b: {  	v16 =	vld [tilespmem:s12+$0x300]  }
0x51c: {  	v17 =	vld [tilespmem:s12+$0x310];
	_ =	sdelay $0x4  }
0x51d: {  	v16 =	vmul.f32 v16, v16;
	v17 =	vmul.f32 v17, v17;
	_ =	sdelay $0x1  }
0x51e: {  	v16 =	vadd.f32 v17, v16;
	_ =	sdelay $0x1  }
0x51f: {  	[tilespmem:s25+$0x1E066] =	vst v16  }
0x520: {  	v16 =	vld [tilespmem:s12+$0x380]  }
0x521: {  	v17 =	vld [tilespmem:s12+$0x390];
	_ =	sdelay $0x4  }
0x522: {  	v16 =	vmul.f32 v16, v16;
	v17 =	vmul.f32 v17, v17;
	_ =	sdelay $0x1  }
0x523: {  	v16 =	vadd.f32 v17, v16;
	_ =	sdelay $0x1  }
0x524: {  	[tilespmem:s25+$0x1E077] =	vst v16  }
0x525: {  	v16 =	vld [tilespmem:s12+$0x400]  }
0x526: {  	v17 =	vld [tilespmem:s12+$0x410];
	_ =	sdelay $0x4  }
0x527: {  	v16 =	vmul.f32 v16, v16;
	v17 =	vmul.f32 v17, v17;
	_ =	sdelay $0x1  }
0x528: {  	v16 =	vadd.f32 v17, v16;
	_ =	sdelay $0x1  }
0x529: {  	[tilespmem:s25+$0x1E088] =	vst v16  }
0x52a: {  	s13 =	sor.u32 $0x1, s10;
	v16 =	vld [tilespmem:s12+$0x480]  }
0x52b: {  	s22 =	sshll.u32 s13, $0xB;
	v17 =	vld [tilespmem:s12+$0x490]  }
0x52c: {  	v18 =	vld [tilespmem:s22+$0x0]  }
0x52d: {  	v19 =	vld [tilespmem:s22+$0x10];
	_ =	sdelay $0x4  }
0x52e: {  	v18 =	vmul.f32 v18, v18;
	v19 =	vmul.f32 v19, v19;
	_ =	sdelay $0x1  }
0x52f: {  	s24 =	smul.u32 $0x110, s13;
	v18 =	vadd.f32 v19, v18;
	_ =	sdelay $0x1  }
0x530: {  	[tilespmem:s24+$0x1E000] =	vst v18  }
0x531: {  	v18 =	vld [tilespmem:s22+$0x80]  }
0x532: {  	v36 =	vld [tilespmem:s22+$0x90];
	_ =	sdelay $0x4  }
0x533: {  	v18 =	vmul.f32 v18, v18;
	v19 =	vmul.f32 v36, v36;
	_ =	sdelay $0x1  }
0x534: {  	v18 =	vadd.f32 v19, v18;
	_ =	sdelay $0x1  }
0x535: {  	[tilespmem:s24+$0x1E011] =	vst v18  }
0x536: {  	v18 =	vld [tilespmem:s22+$0x100]  }
0x537: {  	v37 =	vld [tilespmem:s22+$0x110];
	_ =	sdelay $0x4  }
0x538: {  	v18 =	vmul.f32 v18, v18;
	v19 =	vmul.f32 v37, v37;
	_ =	sdelay $0x1  }
0x539: {  	v18 =	vadd.f32 v19, v18;
	_ =	sdelay $0x1  }
0x53a: {  	[tilespmem:s24+$0x1E022] =	vst v18  }
0x53b: {  	v18 =	vld [tilespmem:s22+$0x180]  }
0x53c: {  	v38 =	vld [tilespmem:s22+$0x190];
	_ =	sdelay $0x4  }
0x53d: {  	v18 =	vmul.f32 v18, v18;
	v19 =	vmul.f32 v38, v38  }
0x53e: {  	s23 =	sor.u32 $0x2, s10  }
0x53f: {  	s21 =	sshll.u32 s23, $0xB;
	v18 =	vadd.f32 v19, v18  }
0x540: {  	v20 =	vld [tilespmem:s21+$0x0]  }
0x541: {  	v21 =	vld [tilespmem:s21+$0x10];
	[tilespmem:s24+$0x1E033] =	vst v18  }
0x542: {  	v18 =	vld [tilespmem:s22+$0x200]  }
0x543: {  	v39 =	vld [tilespmem:s22+$0x210];
	_ =	sdelay $0x2  }
0x544: {  	v16 =	vmul.f32 v16, v16;
	v17 =	vmul.f32 v17, v17  }
0x545: {  	v40 =	vmul.f32 v20, v20;
	v41 =	vmul.f32 v21, v21  }
0x546: {  	v16 =	vadd.f32 v17, v16;
	v18 =	vmul.f32 v18, v18;
	v19 =	vmul.f32 v39, v39;
	_ =	sdelay $0x1  }
0x547: {  	s23 =	smul.u32 $0x110, s23;
	[tilespmem:s25+$0x1E099] =	vst v16;
	v18 =	vadd.f32 v19, v18;
	v19 =	vadd.f32 v41, v40  }
0x548: {  	v44 =	vld [tilespmem:s12+$0x500]  }
0x549: {  	v45 =	vld [tilespmem:s12+$0x510];
	[tilespmem:s23+$0x1E000] =	vst v19  }
0x54a: {  	v19 =	vld [tilespmem:s21+$0x80]  }
0x54b: {  	v17 =	vld [tilespmem:s21+$0x90];
	_ =	sdelay $0x2  }
0x54c: {  	v48 =	vmul.f32 v44, v44;
	v49 =	vmul.f32 v45, v45;
	[tilespmem:s24+$0x1E044] =	vst v18  }
0x54d: {  	v18 =	vld [tilespmem:s22+$0x280]  }
0x54e: {  	v42 =	vld [tilespmem:s22+$0x290];
	v46 =	vmul.f32 v19, v19;
	v17 =	vmul.f32 v17, v17;
	v19 =	vadd.f32 v49, v48;
	_ =	sdelay $0x1  }
0x54f: {  	v17 =	vadd.f32 v17, v46;
	[tilespmem:s25+$0x1E0AA] =	vst v19  }
0x550: {  	v19 =	vld [tilespmem:s12+$0x580]  }
0x551: {  	v51 =	vld [tilespmem:s12+$0x590];
	[tilespmem:s23+$0x1E011] =	vst v17  }
0x552: {  	v16 =	vmul.f32 v18, v18;
	v43 =	vmul.f32 v42, v42;
	v17 =	vld [tilespmem:s21+$0x100]  }
0x553: {  	v50 =	vld [tilespmem:s21+$0x110]  }
0x554: {  	v16 =	vadd.f32 v43, v16;
	_ =	sdelay $0x1  }
0x555: {  	[tilespmem:s24+$0x1E055] =	vst v16;
	v19 =	vmul.f32 v19, v19;
	v54 =	vmul.f32 v51, v51  }
0x556: {  	v16 =	vld [tilespmem:s22+$0x300]  }
0x557: {  	v47 =	vld [tilespmem:s22+$0x310];
	v17 =	vmul.f32 v17, v17;
	v52 =	vmul.f32 v50, v50;
	v19 =	vadd.f32 v54, v19;
	_ =	sdelay $0x1  }
0x558: {  	v17 =	vadd.f32 v52, v17;
	[tilespmem:s25+$0x1E0BB] =	vst v19  }
0x559: {  	v22 =	vld [tilespmem:s12+$0x600]  }
0x55a: {  	v23 =	vld [tilespmem:s12+$0x610];
	[tilespmem:s23+$0x1E022] =	vst v17  }
0x55b: {  	s14 =	sor.u32 $0x3, s10;
	v16 =	vmul.f32 v16, v16;
	v18 =	vmul.f32 v47, v47;
	v17 =	vld [tilespmem:s21+$0x180]  }
0x55c: {  	s26 =	sshll.u32 s14, $0xB;
	v55 =	vld [tilespmem:s21+$0x190]  }
0x55d: {  	v56 =	vld [tilespmem:s26+$0x0];
	v16 =	vadd.f32 v18, v16  }
0x55e: {  	v57 =	vld [tilespmem:s26+$0x10]  }
0x55f: {  	[tilespmem:s24+$0x1E066] =	vst v16;
	v61 =	vmul.f32 v22, v22;
	v62 =	vmul.f32 v23, v23  }
0x560: {  	v16 =	vld [tilespmem:s22+$0x380]  }
0x561: {  	v53 =	vld [tilespmem:s22+$0x390];
	v17 =	vmul.f32 v17, v17;
	v58 =	vmul.f32 v55, v55;
	v24 =	vadd.f32 v62, v61;
	_ =	sdelay $0x1  }
0x562: {  	v59 =	vmul.f32 v56, v56;
	v19 =	vmul.f32 v57, v57;
	v17 =	vadd.f32 v58, v17;
	[tilespmem:s25+$0x1E0CC] =	vst v24  }
0x563: {  	v28 =	vld [tilespmem:s12+$0x680]  }
0x564: {  	s14 =	smul.u32 $0x110, s14;
	v29 =	vld [tilespmem:s12+$0x690];
	[tilespmem:s23+$0x1E033] =	vst v17;
	v17 =	vadd.f32 v19, v59  }
0x565: {  	v16 =	vmul.f32 v16, v16;
	v18 =	vmul.f32 v53, v53;
	v63 =	vld [tilespmem:s21+$0x200]  }
0x566: {  	v25 =	vld [tilespmem:s21+$0x210];
	[tilespmem:s14+$0x1E000] =	vst v17  }
0x567: {  	v16 =	vadd.f32 v18, v16;
	v17 =	vld [tilespmem:s26+$0x80]  }
0x568: {  	v27 =	vld [tilespmem:s26+$0x90]  }
0x569: {  	[tilespmem:s24+$0x1E077] =	vst v16;
	v33 =	vmul.f32 v28, v28;
	v34 =	vmul.f32 v29, v29  }
0x56a: {  	v16 =	vld [tilespmem:s22+$0x400]  }
0x56b: {  	v60 =	vld [tilespmem:s22+$0x410];
	v18 =	vmul.f32 v63, v63;
	v30 =	vmul.f32 v25, v25;
	v35 =	vadd.f32 v34, v33;
	_ =	sdelay $0x1  }
0x56c: {  	v18 =	vadd.f32 v30, v18;
	v17 =	vmul.f32 v17, v17;
	v31 =	vmul.f32 v27, v27;
	[tilespmem:s25+$0x1E0DD] =	vst v35  }
0x56d: {  	v39 =	vld [tilespmem:s12+$0x700]  }
0x56e: {  	v40 =	vld [tilespmem:s12+$0x710];
	[tilespmem:s23+$0x1E044] =	vst v18;
	v17 =	vadd.f32 v31, v17  }
0x56f: {  	v16 =	vmul.f32 v16, v16;
	v26 =	vmul.f32 v60, v60;
	v18 =	vld [tilespmem:s21+$0x280]  }
0x570: {  	v36 =	vld [tilespmem:s21+$0x290];
	[tilespmem:s14+$0x1E011] =	vst v17  }
0x571: {  	v16 =	vadd.f32 v26, v16;
	v17 =	vld [tilespmem:s26+$0x100]  }
0x572: {  	v38 =	vld [tilespmem:s26+$0x110]  }
0x573: {  	[tilespmem:s24+$0x1E088] =	vst v16  }
0x574: {  	v16 =	vld [tilespmem:s22+$0x480];
	v44 =	vmul.f32 v39, v39;
	v45 =	vmul.f32 v40, v40  }
0x575: {  	v32 =	vld [tilespmem:s22+$0x490];
	v18 =	vmul.f32 v18, v18;
	v41 =	vmul.f32 v36, v36  }
0x576: {  	v46 =	vadd.f32 v45, v44  }
0x577: {  	v18 =	vadd.f32 v41, v18;
	v17 =	vmul.f32 v17, v17;
	v42 =	vmul.f32 v38, v38  }
0x578: {  	[tilespmem:s25+$0x1E0EE] =	vst v46  }
0x579: {  	v50 =	vld [tilespmem:s12+$0x780];
	[tilespmem:s23+$0x1E055] =	vst v18;
	v17 =	vadd.f32 v42, v17  }
0x57a: {  	v16 =	vmul.f32 v16, v16;
	v37 =	vmul.f32 v32, v32;
	v18 =	vld [tilespmem:s21+$0x300]  }
0x57b: {  	v47 =	vld [tilespmem:s21+$0x310];
	[tilespmem:s14+$0x1E022] =	vst v17  }
0x57c: {  	v16 =	vadd.f32 v37, v16;
	v17 =	vld [tilespmem:s26+$0x180]  }
0x57d: {  	v49 =	vld [tilespmem:s26+$0x190]  }
0x57e: {  	v51 =	vld [tilespmem:s12+$0x790];
	[tilespmem:s24+$0x1E099] =	vst v16  }
0x57f: {  	v16 =	vld [tilespmem:s22+$0x500]  }
0x580: {  	v43 =	vld [tilespmem:s22+$0x510];
	v18 =	vmul.f32 v18, v18;
	v52 =	vmul.f32 v47, v47;
	_ =	sdelay $0x1  }
0x581: {  	v18 =	vadd.f32 v52, v18;
	v17 =	vmul.f32 v17, v17;
	v53 =	vmul.f32 v49, v49  }
0x582: {  	v57 =	vadd.s32 s25, v0  }
0x583: {  	v54 =	vmul.f32 v50, v50;
	v56 =	vmul.f32 v51, v51;
	[tilespmem:s23+$0x1E066] =	vst v18;
	v17 =	vadd.f32 v53, v17  }
0x584: {  	v16 =	vmul.f32 v16, v16;
	v48 =	vmul.f32 v43, v43;
	v59 =	vld [tilespmem:s21+$0x380]  }
0x585: {  	v20 =	vadd.f32 v56, v54;
	v24 =	vld [tilespmem:s21+$0x390];
	[tilespmem:s14+$0x1E033] =	vst v17  }
0x586: {  	v58 =	vadd.s32 s25, v1;
	v16 =	vadd.f32 v48, v16;
	v25 =	vld [tilespmem:s26+$0x200]  }
0x587: {  	v60 =	vadd.s32 s25, v2;
	[tilespmem:s25+$0x1E0FF] =	vst v20;
	v62 =	vld [tilespmem:s26+$0x210]  }
0x588: {  	v26 =	vadd.s32 s25, v4;
	v23 =	vld.idx.msk [tilespmem:v57+s31+$0x0], $0xffff;
	[tilespmem:s24+$0x1E0AA] =	vst v16  }
0x589: {  	v16 =	vld [tilespmem:s22+$0x580];
	v17 =	vadd.s32 s25, v3  }
0x58a: {  	v55 =	vld [tilespmem:s22+$0x590];
	v19 =	vmul.f32 v59, v59;
	v31 =	vmul.f32 v24, v24  }
0x58b: {  	v18 =	vld.idx.msk [tilespmem:v58+s31+$0x0], $0xffff  }
0x58c: {  	v63 =	vld.idx.msk [tilespmem:v60+s31+$0x0], $0xffff;
	v19 =	vadd.f32 v31, v19;
	v32 =	vmul.f32 v25, v25;
	v21 =	vmul.f32 v62, v62  }
0x58d: {  	v34 =	vld.idx.msk [tilespmem:v26+s31+$0x0], $0xffff  }
0x58e: {  	v35 =	vadd.s32 s25, v5;
	v23 =	vadd.f32 $0.0e+00, v23;
	v17 =	vld.idx.msk [tilespmem:v17+s31+$0x0], $0xffff;
	[tilespmem:s23+$0x1E077] =	vst v19;
	v36 =	vadd.f32 v21, v32  }
0x58f: {  	v16 =	vmul.f32 v16, v16;
	v61 =	vmul.f32 v55, v55;
	v38 =	vld [tilespmem:s21+$0x400]  }
0x590: {  	v18 =	vadd.f32 v18, v23;
	v27 =	vld [tilespmem:s21+$0x410];
	[tilespmem:s14+$0x1E044] =	vst v36  }
0x591: {  	v37 =	vadd.s32 s25, v6;
	v16 =	vadd.f32 v61, v16;
	v28 =	vld [tilespmem:s26+$0x280]  }
0x592: {  	v39 =	vadd.s32 s25, v7;
	v18 =	vadd.f32 v63, v18;
	v42 =	vld [tilespmem:s26+$0x290]  }
0x593: {  	v40 =	vadd.s32 s25, v8;
	v26 =	vld.idx.msk [tilespmem:v35+s31+$0x0], $0xffff;
	[tilespmem:s24+$0x1E0BB] =	vst v16  }
0x594: {  	v44 =	vadd.s32 s25, v9;
	v16 =	vld [tilespmem:s22+$0x600];
	v17 =	vadd.f32 v17, v18  }
0x595: {  	v33 =	vld [tilespmem:s22+$0x610];
	v22 =	vmul.f32 v38, v38;
	v46 =	vmul.f32 v27, v27  }
0x596: {  	v43 =	vld.idx.msk [tilespmem:v37+s31+$0x0], $0xffff;
	v17 =	vadd.f32 v34, v17  }
0x597: {  	v45 =	vld.idx.msk [tilespmem:v39+s31+$0x0], $0xffff;
	v22 =	vadd.f32 v46, v22;
	v47 =	vmul.f32 v28, v28;
	v24 =	vmul.f32 v42, v42  }
0x598: {  	v19 =	vld.idx.msk [tilespmem:v40+s31+$0x0], $0xffff  }
0x599: {  	v49 =	vadd.s32 s25, v10;
	v21 =	vld.idx.msk [tilespmem:v44+s31+$0x0], $0xffff;
	v17 =	vadd.f32 v26, v17;
	[tilespmem:s23+$0x1E088] =	vst v22;
	v50 =	vadd.f32 v24, v47  }
0x59a: {  	v16 =	vmul.f32 v16, v16;
	v41 =	vmul.f32 v33, v33;
	v52 =	vld [tilespmem:s21+$0x480]  }
0x59b: {  	v17 =	vadd.f32 v43, v17;
	v54 =	vld [tilespmem:s21+$0x490];
	[tilespmem:s14+$0x1E055] =	vst v50  }
0x59c: {  	v51 =	vadd.s32 s25, v11;
	v16 =	vadd.f32 v41, v16;
	v56 =	vld [tilespmem:s26+$0x300]  }
0x59d: {  	v60 =	vadd.s32 s25, v14;
	v17 =	vadd.f32 v45, v17;
	v58 =	vld [tilespmem:s26+$0x310]  }
0x59e: {  	v53 =	vadd.s32 s25, v12;
	v26 =	vld.idx.msk [tilespmem:v49+s31+$0x0], $0xffff;
	[tilespmem:s24+$0x1E0CC] =	vst v16  }
0x59f: {  	v55 =	vadd.s32 s25, v13;
	v16 =	vld [tilespmem:s22+$0x680];
	v17 =	vadd.f32 v19, v17  }
0x5a0: {  	v48 =	vld [tilespmem:s22+$0x690];
	v61 =	vmul.f32 v52, v52;
	v62 =	vmul.f32 v54, v54  }
0x5a1: {  	v59 =	vld.idx.msk [tilespmem:v51+s31+$0x0], $0xffff;
	v17 =	vadd.f32 v21, v17  }
0x5a2: {  	v23 =	vld.idx.msk [tilespmem:v60+s31+$0x0], $0xffff;
	v20 =	vadd.f32 v62, v61;
	v28 =	vmul.f32 v56, v56;
	v29 =	vmul.f32 v58, v58  }
0x5a3: {  	v18 =	vld.idx.msk [tilespmem:v53+s31+$0x0], $0xffff  }
0x5a4: {  	v32 =	vadd.s32 s25, v15;
	v63 =	vld.idx.msk [tilespmem:v55+s31+$0x0], $0xffff;
	v17 =	vadd.f32 v26, v17;
	[tilespmem:s23+$0x1E099] =	vst v20;
	v31 =	vadd.f32 v29, v28  }
0x5a5: {  	v16 =	vmul.f32 v16, v16;
	v57 =	vmul.f32 v48, v48;
	v33 =	vld [tilespmem:s21+$0x500]  }
0x5a6: {  	v17 =	vadd.f32 v59, v17;
	v34 =	vld [tilespmem:s21+$0x510];
	[tilespmem:s14+$0x1E066] =	vst v31  }
0x5a7: {  	v16 =	vadd.f32 v57, v16;
	v20 =	vld [tilespmem:s26+$0x380]  }
0x5a8: {  	v17 =	vadd.f32 v18, v17;
	v36 =	vld [tilespmem:s26+$0x390]  }
0x5a9: {  	v37 =	vld.idx.msk [tilespmem:v32+s31+$0x0], $0xffff;
	[tilespmem:s24+$0x1E0DD] =	vst v16  }
0x5aa: {  	v16 =	vld [tilespmem:s22+$0x700];
	v17 =	vadd.f32 v63, v17  }
0x5ab: {  	v30 =	vld [tilespmem:s22+$0x710];
	v38 =	vmul.f32 v33, v33;
	v19 =	vmul.f32 v34, v34  }
0x5ac: {  	v17 =	vadd.f32 v23, v17  }
0x5ad: {  	v18 =	vadd.f32 v19, v38;
	v39 =	vmul.f32 v20, v20;
	v40 =	vmul.f32 v36, v36;
	_ =	sdelay $0x1  }
0x5ae: {  	v17 =	vadd.f32 v37, v17;
	[tilespmem:s23+$0x1E0AA] =	vst v18;
	v19 =	vadd.f32 v40, v39  }
0x5af: {  	v16 =	vmul.f32 v16, v16;
	v35 =	vmul.f32 v30, v30;
	v42 =	vld [tilespmem:s21+$0x580]  }
0x5b0: {  	v18 =	vmax.f32 v17, $1.000000020e-16;
	v17 =	vld [tilespmem:s21+$0x590];
	[tilespmem:s14+$0x1E077] =	vst v19  }
0x5b1: {  	v16 =	vadd.f32 v35, v16;
	v45 =	vld [tilespmem:s26+$0x400]  }
0x5b2: {  	v43 =	vshrl.u32 v18, $0x1;
	v44 =	vmul.f32 $5.000000000e-01, v18;
	v47 =	vld [tilespmem:s26+$0x410]  }
0x5b3: {  	[tilespmem:s24+$0x1E0EE] =	vst v16;
	v48 =	vsub.s32 $0x5F3759DF, v43  }
0x5b4: {  	v16 =	vld [tilespmem:s22+$0x780];
	v50 =	vmul.f32 v48, v44  }
0x5b5: {  	v41 =	vld [tilespmem:s22+$0x790];
	v20 =	vmul.f32 v42, v42;
	v29 =	vmul.f32 v17, v17  }
0x5b6: {  	v19 =	vld [tilespmem:s12+$0x0];
	v28 =	vmul.f32 v48, v50  }
0x5b7: {  	v17 =	vld [tilespmem:s12+$0x10];
	v20 =	vadd.f32 v29, v20;
	v21 =	vmul.f32 v45, v45;
	v52 =	vmul.f32 v47, v47  }
0x5b8: {  	v54 =	vsub.f32 $1.500000000e+00, v28;
	v28 =	vld [tilespmem:s12+$0x180]  }
0x5b9: {  	[tilespmem:s23+$0x1E0BB] =	vst v20;
	v55 =	vadd.f32 v52, v21;
	v20 =	vld [tilespmem:s12+$0x80]  }
0x5ba: {  	v46 =	vadd.s32 s24, v0;
	v16 =	vmul.f32 v16, v16;
	v22 =	vmul.f32 v41, v41;
	v57 =	vld [tilespmem:s21+$0x600]  }
0x5bb: {  	v49 =	vadd.s32 s24, v1;
	v58 =	vld [tilespmem:s21+$0x610];
	[tilespmem:s14+$0x1E088] =	vst v55  }
0x5bc: {  	v51 =	vadd.s32 s24, v2;
	v16 =	vadd.f32 v22, v16;
	v60 =	vld [tilespmem:s26+$0x480]  }
0x5bd: {  	v56 =	vadd.s32 s24, v3;
	v26 =	vmul.f32 v48, v54;
	v32 =	vld [tilespmem:s26+$0x490]  }
0x5be: {  	v59 =	vadd.s32 s24, v4;
	[tilespmem:s24+$0x1E0FF] =	vst v16;
	v21 =	vld [tilespmem:s12+$0x90]  }
0x5bf: {  	v31 =	vadd.s32 s24, v5;
	v16 =	vld.idx.msk [tilespmem:v46+s31+$0x0], $0xffff;
	v30 =	vmul.f32 v26, v44  }
0x5c0: {  	v53 =	vld.idx.msk [tilespmem:v49+s31+$0x0], $0xffff;
	v24 =	vmul.f32 v57, v57;
	v27 =	vmul.f32 v58, v58  }
0x5c1: {  	v22 =	vld.idx.msk [tilespmem:v51+s31+$0x0], $0xffff;
	v30 =	vmul.f32 v30, v26  }
0x5c2: {  	v61 =	vld.idx.msk [tilespmem:v56+s31+$0x0], $0xffff;
	v24 =	vadd.f32 v27, v24;
	v35 =	vmul.f32 v60, v60;
	v36 =	vmul.f32 v32, v32  }
0x5c3: {  	v62 =	vld.idx.msk [tilespmem:v59+s31+$0x0], $0xffff;
	v30 =	vsub.f32 $1.500000000e+00, v30  }
0x5c4: {  	v33 =	vadd.s32 s24, v6;
	v63 =	vld.idx.msk [tilespmem:v31+s31+$0x0], $0xffff;
	v16 =	vadd.f32 $0.0e+00, v16;
	[tilespmem:s23+$0x1E0CC] =	vst v24;
	v39 =	vadd.f32 v36, v35  }
0x5c5: {  	v34 =	vadd.s32 s24, v7;
	v26 =	vmul.f32 v30, v26;
	v41 =	vld [tilespmem:s21+$0x680]  }
0x5c6: {  	v16 =	vadd.f32 v53, v16;
	v42 =	vld [tilespmem:s21+$0x690];
	[tilespmem:s14+$0x1E099] =	vst v39  }
0x5c7: {  	v23 =	vmul.f32 v26, v44;
	v44 =	vld [tilespmem:s26+$0x500]  }
0x5c8: {  	v48 =	vadd.s32 s24, v11;
	v16 =	vadd.f32 v22, v16;
	v47 =	vld [tilespmem:s26+$0x510]  }
0x5c9: {  	v40 =	vadd.s32 s24, v8;
	v37 =	vld.idx.msk [tilespmem:v33+s31+$0x0], $0xffff  }
0x5ca: {  	v43 =	vadd.s32 s24, v9;
	v38 =	vld.idx.msk [tilespmem:v34+s31+$0x0], $0xffff;
	v16 =	vadd.f32 v61, v16  }
0x5cb: {  	v33 =	vld [tilespmem:s12+$0x200];
	v29 =	vmul.f32 v41, v41;
	v31 =	vmul.f32 v42, v42  }
0x5cc: {  	v34 =	vld [tilespmem:s12+$0x290];
	v16 =	vadd.f32 v62, v16  }
0x5cd: {  	v54 =	vld.idx.msk [tilespmem:v48+s31+$0x0], $0xffff;
	v51 =	vadd.f32 v31, v29;
	v52 =	vmul.f32 v44, v44;
	v53 =	vmul.f32 v47, v47  }
0x5ce: {  	v27 =	vld.idx.msk [tilespmem:v40+s31+$0x0], $0xffff;
	v16 =	vadd.f32 v63, v16  }
0x5cf: {  	v46 =	vadd.s32 s24, v10;
	v24 =	vld.idx.msk [tilespmem:v43+s31+$0x0], $0xffff;
	v45 =	vmul.f32 v23, v26;
	[tilespmem:s23+$0x1E0DD] =	vst v51;
	v56 =	vadd.f32 v53, v52  }
0x5d0: {  	v49 =	vadd.s32 s24, v12;
	v16 =	vadd.f32 v37, v16;
	v58 =	vld [tilespmem:s21+$0x700]  }
0x5d1: {  	v35 =	vsub.f32 $1.500000000e+00, v45;
	v60 =	vld [tilespmem:s21+$0x710];
	[tilespmem:s14+$0x1E0AA] =	vst v56  }
0x5d2: {  	v16 =	vadd.f32 v38, v16;
	v63 =	vld [tilespmem:s26+$0x580]  }
0x5d3: {  	v26 =	vmul.f32 v35, v26;
	v40 =	vld [tilespmem:s26+$0x590]  }
0x5d4: {  	v50 =	vld.idx.msk [tilespmem:v46+s31+$0x0], $0xffff;
	v57 =	vadd.s32 s24, v13;
	v16 =	vadd.f32 v27, v16  }
0x5d5: {  	v55 =	vld.idx.msk [tilespmem:v49+s31+$0x0], $0xffff;
	v62 =	vadd.s32 s24, v14;
	v32 =	vmul.f32 v26, v18  }
0x5d6: {  	v22 =	vld [tilespmem:s12+$0x110];
	v16 =	vadd.f32 v24, v16;
	v30 =	vmul.f32 v58, v58;
	v24 =	vmul.f32 v60, v60  }
0x5d7: {  	v23 =	vld [tilespmem:s12+$0x100];
	v59 =	vsub.f32 $0.0e+00, v32;
	v61 =	vmul.f32 $1.442695020e+00, v32  }
0x5d8: {  	v39 =	vld [tilespmem:s12+$0x310];
	v24 =	vadd.f32 v24, v30;
	v42 =	vmul.f32 v63, v63;
	v25 =	vmul.f32 v40, v40  }
0x5d9: {  	v36 =	vadd.s32 s24, v15;
	v29 =	vld.idx.msk [tilespmem:v57+s31+$0x0], $0xffff;
	v31 =	vmul.f32 $1.442695020e+00, v59  }
0x5da: {  	v41 =	vld.idx.msk [tilespmem:v62+s31+$0x0], $0xffff;
	(erf) = vpow2.f32 v61;
	v16 =	vadd.f32 v50, v16;
	[tilespmem:s23+$0x1E0EE] =	vst v24;
	v44 =	vadd.f32 v25, v42  }
0x5db: {  	(erf) = vpow2.f32 v31;
	v45 =	vld [tilespmem:s21+$0x780]  }
0x5dc: {  	v16 =	vadd.f32 v54, v16;
	v46 =	vld [tilespmem:s21+$0x790];
	[tilespmem:s14+$0x1E0BB] =	vst v44  }
0x5dd: {  	v24 =	vld [tilespmem:s26+$0x600]  }
0x5de: {  	v16 =	vadd.f32 v55, v16;
	v48 =	vld [tilespmem:s26+$0x610]  }
0x5df: {  	v43 =	vld.idx.msk [tilespmem:v36+s31+$0x0], $0xffff  }
0x5e0: {  	v35 =	vld [tilespmem:s12+$0x210];
	v16 =	vadd.f32 v29, v16  }
0x5e1: {  	v36 =	vld [tilespmem:s12+$0x280];
	v38 =	vadd.s32 s23, v0;
	v25 =	vmul.f32 v45, v45;
	v27 =	vmul.f32 v46, v46  }
0x5e2: {  	v37 =	vld [tilespmem:s12+$0x300];
	v42 =	vadd.s32 s23, v1;
	v16 =	vadd.f32 v41, v16  }
0x5e3: {  	v31 =	vld [tilespmem:s12+$0x190];
	v47 =	vpop (erf);
	v25 =	vadd.f32 v27, v25;
	v24 =	vmul.f32 v24, v24;
	v50 =	vmul.f32 v48, v48  }
0x5e4: {  	v30 =	vld [tilespmem:s12+$0x390];
	v49 =	vpop (erf);
	v16 =	vadd.f32 v43, v16  }
0x5e5: {  	v44 =	vld [tilespmem:s12+$0x400];
	v29 =	vsub.f32 v47, v49;
	[tilespmem:s23+$0x1E0FF] =	vst v25;
	v24 =	vadd.f32 v50, v24  }
0x5e6: {  	v18 =	vmul.f32 $1.666666720e-01, v18;
	v51 =	vadd.s32 s23, v2;
	v16 =	vmax.f32 v16, $1.000000020e-16;
	v52 =	vld.idx.msk [tilespmem:v38+s31+$0x0], $0xffff  }
0x5e7: {  	v29 =	vmul.f32 $5.000000000e-01, v29;
	v40 =	vshrl.u32 v16, $0x1;
	v41 =	vmul.f32 $5.000000000e-01, v16;
	v54 =	vld.idx.msk [tilespmem:v42+s31+$0x0], $0xffff;
	[tilespmem:s14+$0x1E0CC] =	vst v24  }
0x5e8: {  	v55 =	vadd.s32 s23, v3;
	v40 =	vsub.s32 $0x5F3759DF, v40;
	v24 =	vld [tilespmem:s26+$0x680]  }
0x5e9: {  	v18 =	vadd.f32 $1.000000000e+00, v18;
	v26 =	vmul.f32 v29, v26;
	v45 =	vmul.f32 v40, v41;
	v58 =	vld [tilespmem:s26+$0x690]  }
0x5ea: {  	v57 =	vadd.s32 s23, v4;
	vm0 =	vlt.f32 v32, $1.000000050e-03;
	v43 =	vld [tilespmem:s12+$0x380]  }
0x5eb: {  	v60 =	vadd.s32 s23, v5;
	v18 =	vsel vm0, v18, v26;
	v25 =	vld.idx.msk [tilespmem:v51+s31+$0x0], $0xffff;
	v53 =	vmul.f32 v40, v45  }
0x5ec: {  	v47 =	vadd.s32 s23, v6;
	v46 =	vld [tilespmem:s12+$0x410];
	v59 =	vbroadcast v18, $0x0;
	v27 =	vadd.f32 $0.0e+00, v52  }
0x5ed: {  	v62 =	vbroadcast v18, $0x1;
	v63 =	vbroadcast v18, $0x2;
	v42 =	vld.idx.msk [tilespmem:v55+s31+$0x0], $0xffff;
	v56 =	vsub.f32 $1.500000000e+00, v53  }
0x5ee: {  	v48 =	vld [tilespmem:s12+$0x480];
	v27 =	vadd.f32 v54, v27;
	v24 =	vmul.f32 v24, v24;
	v32 =	vmul.f32 v58, v58  }
0x5ef: {  	v61 =	vadd.s32 s23, v7;
	v29 =	vld.idx.msk [tilespmem:v57+s31+$0x0], $0xffff;
	v55 =	vbroadcast v18, $0x3;
	v51 =	vbroadcast v18, $0x5  }
0x5f0: {  	v50 =	vld [tilespmem:s12+$0x490];
	v26 =	vmul.f32 v40, v56;
	v25 =	vadd.f32 v25, v27;
	v24 =	vadd.f32 v32, v24  }
0x5f1: {  	v19 =	vmul.f32 v59, v19;
	v17 =	vmul.f32 v59, v17;
	v40 =	vld.idx.msk [tilespmem:v60+s31+$0x0], $0xffff  }
0x5f2: {  	v53 =	vadd.s32 s23, v8;
	v52 =	vld.idx.msk [tilespmem:v47+s31+$0x0], $0xffff;
	v49 =	vmul.f32 v26, v41;
	v25 =	vadd.f32 v42, v25;
	[tilespmem:s14+$0x1E0DD] =	vst v24  }
0x5f3: {  	v20 =	vmul.f32 v62, v20;
	v21 =	vmul.f32 v62, v21;
	v57 =	vld [tilespmem:s26+$0x700]  }
0x5f4: {  	v56 =	vadd.s32 s23, v9;
	v49 =	vmul.f32 v49, v26;
	v58 =	vld [tilespmem:s26+$0x710];
	v25 =	vadd.f32 v29, v25  }
0x5f5: {  	v38 =	vld.idx.msk [tilespmem:v61+s31+$0x0], $0xffff;
	v23 =	vmul.f32 v63, v23;
	v22 =	vmul.f32 v63, v22  }
0x5f6: {  	v59 =	vadd.s32 s23, v10;
	v45 =	vld [tilespmem:s12+$0x500];
	v54 =	vsub.f32 $1.500000000e+00, v49;
	v25 =	vadd.f32 v40, v25  }
0x5f7: {  	v62 =	vbroadcast v18, $0x4;
	v63 =	vadd.s32 s23, v11;
	v34 =	vmul.f32 v51, v34;
	v61 =	vld.idx.msk [tilespmem:v53+s31+$0x0], $0xffff  }
0x5f8: {  	[tilespmem:s12+$0xF090] =	vst v21;
	v21 =	vld [tilespmem:s12+$0x690];
	v26 =	vmul.f32 v54, v26;
	v25 =	vadd.f32 v52, v25;
	v52 =	vadd.s32 s23, v12  }
0x5f9: {  	v29 =	vld.idx.msk [tilespmem:v56+s31+$0x0], $0xffff;
	v54 =	vmul.f32 v57, v57;
	v27 =	vmul.f32 v58, v58  }
0x5fa: {  	v28 =	vmul.f32 v55, v28;
	v33 =	vmul.f32 v62, v33;
	[tilespmem:s12+$0xF290] =	vst v34;
	v34 =	vld [tilespmem:s22+$0x100];
	v25 =	vadd.f32 v38, v25  }
0x5fb: {  	v35 =	vmul.f32 v62, v35;
	v62 =	vbroadcast v18, $0x8;
	v40 =	vld.idx.msk [tilespmem:v59+s31+$0x0], $0xffff;
	v27 =	vadd.f32 v27, v54  }
0x5fc: {  	v36 =	vmul.f32 v51, v36;
	v32 =	vld.idx.msk [tilespmem:v63+s31+$0x0], $0xffff;
	v60 =	vmul.f32 v26, v41;
	v25 =	vadd.f32 v61, v25  }
0x5fd: {  	v44 =	vmul.f32 v44, v62;
	v24 =	vmul.f32 v55, v31;
	[tilespmem:s14+$0x1E0EE] =	vst v27;
	v57 =	vld.idx.msk [tilespmem:v52+s31+$0x0], $0xffff  }
0x5fe: {  	v41 =	vadd.s32 s23, v13;
	v31 =	vmul.f32 v60, v26;
	v59 =	vld [tilespmem:s26+$0x780];
	v25 =	vadd.f32 v29, v25  }
0x5ff: {  	v55 =	vbroadcast v18, $0x6;
	v56 =	vbroadcast v18, $0x7;
	v60 =	vld [tilespmem:s26+$0x790]  }
0x600: {  	v47 =	vld [tilespmem:s12+$0x610];
	v58 =	vadd.s32 s23, v14;
	v31 =	vsub.f32 $1.500000000e+00, v31;
	v25 =	vadd.f32 v40, v25  }
0x601: {  	v46 =	vmul.f32 v46, v62;
	v53 =	vld [tilespmem:s12+$0x580];
	v30 =	vmul.f32 v30, v56;
	v61 =	vadd.s32 s23, v15  }
0x602: {  	v42 =	vld [tilespmem:s12+$0x590];
	v26 =	vmul.f32 v31, v26;
	v31 =	vmul.f32 v55, v39;
	v25 =	vadd.f32 v32, v25  }
0x603: {  	[tilespmem:s12+$0xF010] =	vst v17;
	v41 =	vld.idx.msk [tilespmem:v41+s31+$0x0], $0xffff;
	v39 =	vmul.f32 v43, v56;
	v17 =	vmul.f32 v59, v59  }
0x604: {  	v49 =	vld [tilespmem:s12+$0x510];
	v56 =	vmul.f32 v60, v60;
	v25 =	vadd.f32 v57, v25;
	v57 =	vadd.s32 s14, v0  }
0x605: {  	[tilespmem:s12+$0xF080] =	vst v20;
	v27 =	vmul.f32 v55, v37;
	v55 =	vld.idx.msk [tilespmem:v58+s31+$0x0], $0xffff;
	v43 =	vmul.f32 v26, v16  }
0x606: {  	[tilespmem:s12+$0xF100] =	vst v23;
	v52 =	vld [tilespmem:s12+$0x600];
	v58 =	vbroadcast v18, $0x9;
	v60 =	vadd.s32 s14, v1;
	v17 =	vadd.f32 v56, v17  }
0x607: {  	v62 =	vadd.s32 s14, v2;
	[tilespmem:s12+$0xF300] =	vst v27;
	v54 =	vmul.f32 $1.442695020e+00, v43;
	v63 =	vsub.f32 $0.0e+00, v43;
	v59 =	vld.idx.msk [tilespmem:v61+s31+$0x0], $0xffff  }
0x608: {  	v27 =	vld [tilespmem:s22+$0x10];
	v23 =	vmul.f32 v48, v58;
	v20 =	vmul.f32 v50, v58;
	v25 =	vadd.f32 v41, v25;
	[tilespmem:s14+$0x1E0FF] =	vst v17  }
0x609: {  	(erf) = vpow2.f32 v54;
	v54 =	vmul.f32 $1.442695020e+00, v63;
	v38 =	vld.idx.msk [tilespmem:v57+s31+$0x0], $0xffff  }
0x60a: {  	[tilespmem:s12+$0xF000] =	vst v19;
	v48 =	vld [tilespmem:s12+$0x710];
	v61 =	vbroadcast v18, $0xA;
	v63 =	vadd.s32 s14, v3;
	v25 =	vadd.f32 v55, v25  }
0x60b: {  	[tilespmem:s12+$0xF110] =	vst v22;
	(erf) = vpow2.f32 v54;
	v17 =	vbroadcast v18, $0xB;
	v37 =	vld.idx.msk [tilespmem:v60+s31+$0x0], $0xffff  }
0x60c: {  	[tilespmem:s12+$0xF180] =	vst v28;
	v50 =	vld [tilespmem:s22+$0x0];
	v22 =	vmul.f32 v45, v61;
	v56 =	vadd.s32 s14, v4;
	v19 =	vadd.f32 v59, v25  }
0x60d: {  	[tilespmem:s12+$0xF190] =	vst v24;
	v28 =	vmul.f32 v49, v61;
	v29 =	vld.idx.msk [tilespmem:v62+s31+$0x0], $0xffff;
	v60 =	vadd.s32 s14, v5;
	v24 =	vmul.f32 v53, v17  }
0x60e: {  	[tilespmem:s12+$0xF200] =	vst v33;
	v40 =	vld [tilespmem:s12+$0x780];
	v33 =	vmul.f32 v42, v17;
	v17 =	vmax.f32 v19, $1.000000020e-16;
	v38 =	vadd.f32 $0.0e+00, v38  }
0x60f: {  	[tilespmem:s12+$0xF280] =	vst v36;
	v55 =	vbroadcast v18, $0xC;
	v25 =	vld.idx.msk [tilespmem:v63+s31+$0x0], $0xffff;
	v58 =	vshrl.u32 v17, $0x1;
	v51 =	vmul.f32 $5.000000000e-01, v17  }
0x610: {  	[tilespmem:s12+$0xF210] =	vst v35;
	v32 =	vld [tilespmem:s12+$0x680];
	v63 =	vadd.s32 s14, v6;
	v62 =	vsub.s32 $0x5F3759DF, v58;
	v37 =	vadd.f32 v37, v38  }
0x611: {  	[tilespmem:s12+$0xF400] =	vst v44;
	v35 =	vmul.f32 v52, v55;
	v19 =	vld.idx.msk [tilespmem:v56+s31+$0x0], $0xffff;
	v49 =	vmul.f32 v62, v51  }
0x612: {  	[tilespmem:s12+$0xF410] =	vst v46;
	v41 =	vld [tilespmem:s12+$0x700];
	v45 =	vmul.f32 v47, v55;
	v55 =	vadd.s32 s14, v7;
	v29 =	vadd.f32 v29, v37  }
0x613: {  	[tilespmem:s12+$0xF390] =	vst v30;
	v61 =	vbroadcast v18, $0xD;
	v57 =	vpop (erf);
	v56 =	vld.idx.msk [tilespmem:v60+s31+$0x0], $0xffff;
	v54 =	vmul.f32 v62, v49  }
0x614: {  	v16 =	vmul.f32 $1.666666720e-01, v16;
	[tilespmem:s12+$0xF500] =	vst v22;
	v22 =	vld [tilespmem:s22+$0x110];
	v59 =	vpop (erf);
	v58 =	vadd.s32 s14, v8;
	v25 =	vadd.f32 v25, v29  }
0x615: {  	[tilespmem:s12+$0xF310] =	vst v31;
	v21 =	vmul.f32 v21, v61;
	v36 =	vsub.f32 v57, v59;
	v38 =	vld.idx.msk [tilespmem:v63+s31+$0x0], $0xffff;
	v57 =	vsub.f32 $1.500000000e+00, v54  }
0x616: {  	[tilespmem:s12+$0xF380] =	vst v39;
	v31 =	vmul.f32 v32, v61;
	v32 =	vld [tilespmem:s22+$0x90];
	v61 =	vadd.s32 s14, v9;
	v19 =	vadd.f32 v19, v25  }
0x617: {  	[tilespmem:s12+$0xF480] =	vst v23;
	v59 =	vbroadcast v18, $0xE;
	v37 =	vld.idx.msk [tilespmem:v55+s31+$0x0], $0xffff;
	v60 =	vmul.f32 v62, v57  }
0x618: {  	[tilespmem:s12+$0xF490] =	vst v20;
	v42 =	vld [tilespmem:s12+$0x790];
	v63 =	vadd.s32 s14, v10;
	v53 =	vmul.f32 $5.000000000e-01, v36;
	v30 =	vadd.f32 v56, v19  }
0x619: {  	vm13 =	vlt.f32 v43, $1.000000050e-03;
	[tilespmem:s12+$0xF510] =	vst v28;
	v20 =	vmul.f32 v41, v59;
	v46 =	vld.idx.msk [tilespmem:v58+s31+$0x0], $0xffff;
	v62 =	vmul.f32 v60, v51  }
0x61a: {  	[tilespmem:s12+$0xF580] =	vst v24;
	v24 =	vld [tilespmem:s22+$0x180];
	v44 =	vmul.f32 v48, v59;
	v49 =	vadd.s32 s14, v11;
	v48 =	vadd.f32 v38, v30  }
0x61b: {  	v16 =	vadd.f32 $1.000000000e+00, v16;
	[tilespmem:s12+$0xF690] =	vst v21;
	v26 =	vmul.f32 v53, v26;
	v25 =	vld.idx.msk [tilespmem:v61+s31+$0x0], $0xffff;
	v47 =	vmul.f32 v62, v60  }
0x61c: {  	[tilespmem:s12+$0xF680] =	vst v31;
	v36 =	vld [tilespmem:s22+$0x80];
	v59 =	vadd.s32 s14, v13;
	v55 =	vadd.s32 s14, v12;
	v29 =	vadd.f32 v37, v48  }
0x61d: {  	[tilespmem:s12+$0xF590] =	vst v33;
	v57 =	vld.idx.msk [tilespmem:v63+s31+$0x0], $0xffff;
	v19 =	vsel vm13, v16, v26;
	v16 =	vbroadcast v18, $0xF;
	v26 =	vsub.f32 $1.500000000e+00, v47  }
0x61e: {  	[tilespmem:s12+$0xF610] =	vst v45;
	v45 =	vld [tilespmem:s22+$0x280];
	v53 =	vbroadcast v19, $0x0;
	v61 =	vbroadcast v19, $0x1;
	v18 =	vadd.f32 v46, v29  }
0x61f: {  	v41 =	vadd.s32 s14, v14;
	[tilespmem:s12+$0xF710] =	vst v44;
	v44 =	vbroadcast v19, $0x2;
	v30 =	vld.idx.msk [tilespmem:v49+s31+$0x0], $0xffff;
	v23 =	vmul.f32 v26, v60  }
0x620: {  	[tilespmem:s12+$0xF600] =	vst v35;
	v58 =	vld [tilespmem:s22+$0x200];
	v52 =	vmul.f32 v40, v16;
	v16 =	vmul.f32 v42, v16;
	v18 =	vadd.f32 v25, v18  }
0x621: {  	[tilespmem:s12+$0xF700] =	vst v20;
	v42 =	vadd.s32 s14, v15;
	v49 =	vbroadcast v19, $0x4;
	v37 =	vld.idx.msk [tilespmem:v55+s31+$0x0], $0xffff;
	v63 =	vmul.f32 v23, v51  }
0x622: {  	v62 =	vld [tilespmem:s22+$0x210];
	v56 =	vmul.f32 v53, v50;
	v43 =	vmul.f32 v61, v36;
	[tilespmem:s12+$0xF780] =	vst v52;
	v18 =	vadd.f32 v57, v18  }
0x623: {  	v22 =	vmul.f32 v44, v22;
	[tilespmem:s12+$0xF790] =	vst v16;
	v29 =	vld.idx.msk [tilespmem:v59+s31+$0x0], $0xffff;
	v31 =	vmul.f32 v63, v23  }
0x624: {  	v54 =	vld [tilespmem:s22+$0x190];
	v36 =	vbroadcast v19, $0x7;
	v16 =	vmul.f32 v44, v34;
	[tilespmem:s22+$0xF000] =	vst v56;
	v18 =	vadd.f32 v30, v18  }
0x625: {  	v52 =	vbroadcast v19, $0x5;
	v60 =	vmul.f32 v53, v27;
	[tilespmem:s22+$0xF080] =	vst v43;
	v25 =	vld.idx.msk [tilespmem:v41+s31+$0x0], $0xffff;
	v31 =	vsub.f32 $1.500000000e+00, v31  }
0x626: {  	v47 =	vld [tilespmem:s22+$0x290];
	v27 =	vmul.f32 v61, v32;
	v26 =	vmul.f32 v49, v58;
	[tilespmem:s22+$0xF110] =	vst v22;
	v18 =	vadd.f32 v37, v18  }
0x627: {  	v46 =	vbroadcast v19, $0x3;
	[tilespmem:s22+$0xF100] =	vst v16;
	v53 =	vld.idx.msk [tilespmem:v42+s31+$0x0], $0xffff;
	v23 =	vmul.f32 v31, v23  }
0x628: {  	v38 =	vld [tilespmem:s22+$0x480];
	v56 =	vbroadcast v19, $0x6;
	v16 =	vmul.f32 v49, v62;
	[tilespmem:s22+$0xF010] =	vst v60;
	v18 =	vadd.f32 v29, v18  }
0x629: {  	v59 =	vld [tilespmem:s22+$0x390];
	[tilespmem:s22+$0xF090] =	vst v27;
	v48 =	vmul.f32 v46, v24;
	v24 =	vmul.f32 v23, v17  }
0x62a: {  	v40 =	vld [tilespmem:s22+$0x490];
	v55 =	vmul.f32 v52, v45;
	v45 =	vbroadcast v19, $0x9;
	[tilespmem:s22+$0xF200] =	vst v26;
	v18 =	vadd.f32 v25, v18  }
0x62b: {  	v62 =	vld [tilespmem:s22+$0x400];
	v50 =	vmul.f32 v46, v54;
	v58 =	vmul.f32 v52, v47;
	[tilespmem:s22+$0xF210] =	vst v16;
	v60 =	vsub.f32 $0.0e+00, v24  }
0x62c: {  	v51 =	vld [tilespmem:s22+$0x300];
	[tilespmem:s22+$0xF280] =	vst v55;
	v41 =	vbroadcast v19, $0x8;
	v63 =	vmul.f32 $1.442695020e+00, v24;
	v18 =	vadd.f32 v53, v18  }
0x62d: {  	v54 =	vld [tilespmem:s22+$0x310];
	[tilespmem:s22+$0xF190] =	vst v50;
	v50 =	vmul.f32 v38, v45;
	v30 =	vmul.f32 $1.442695020e+00, v60  }
0x62e: {  	v42 =	vld [tilespmem:s22+$0x500];
	[tilespmem:s22+$0xF180] =	vst v48;
	v44 =	vmul.f32 v59, v36;
	(erf) = vpow2.f32 v63;
	v16 =	vmax.f32 v18, $1.000000020e-16  }
0x62f: {  	v46 =	vld [tilespmem:s22+$0x510];
	[tilespmem:s22+$0xF290] =	vst v58;
	(erf) = vpow2.f32 v30;
	v43 =	vshrl.u32 v16, $0x1;
	v32 =	vmul.f32 $5.000000000e-01, v16  }
0x630: {  	v57 =	vld [tilespmem:s22+$0x380];
	v47 =	vmul.f32 v62, v41;
	[tilespmem:s22+$0xF480] =	vst v50;
	v30 =	vsub.s32 $0x5F3759DF, v43  }
0x631: {  	v48 =	vld [tilespmem:s22+$0x580];
	v61 =	vmul.f32 v56, v51;
	[tilespmem:s22+$0xF390] =	vst v44;
	v49 =	vmul.f32 v30, v32  }
0x632: {  	v52 =	vbroadcast v19, $0xA;
	v59 =	vld [tilespmem:s22+$0x680];
	v20 =	vmul.f32 v56, v54;
	[tilespmem:s22+$0xF400] =	vst v47  }
0x633: {  	v54 =	vmul.f32 v40, v45;
	v37 =	vld [tilespmem:s22+$0x410];
	[tilespmem:s22+$0xF300] =	vst v61;
	v33 =	vmul.f32 v30, v49  }
0x634: {  	v55 =	vbroadcast v19, $0xB;
	v51 =	vld [tilespmem:s22+$0x590];
	v58 =	vmul.f32 v46, v52;
	[tilespmem:s22+$0xF310] =	vst v20  }
0x635: {  	v62 =	vbroadcast v19, $0xC;
	v56 =	vld [tilespmem:s22+$0x610];
	v39 =	vmul.f32 v57, v36;
	[tilespmem:s22+$0xF490] =	vst v54;
	v60 =	vsub.f32 $1.500000000e+00, v33  }
0x636: {  	v50 =	vld [tilespmem:s21+$0x0];
	v40 =	vbroadcast v19, $0xD;
	v57 =	vmul.f32 v42, v52;
	[tilespmem:s22+$0xF510] =	vst v58  }
0x637: {  	v61 =	vmul.f32 v48, v55;
	[tilespmem:s22+$0xF380] =	vst v39;
	v53 =	vld [tilespmem:s22+$0x600];
	v63 =	vpop (erf);
	v27 =	vmul.f32 v30, v60  }
0x638: {  	v45 =	vmul.f32 v59, v40;
	[tilespmem:s22+$0xF500] =	vst v57;
	v18 =	vmul.f32 v37, v41;
	v37 =	vld [tilespmem:s22+$0x690];
	v38 =	vpop (erf)  }
0x639: {  	v36 =	vmul.f32 v51, v55;
	[tilespmem:s22+$0xF580] =	vst v61;
	v41 =	vld [tilespmem:s22+$0x700];
	v29 =	vsub.f32 v63, v38;
	v44 =	vmul.f32 v27, v32  }
0x63a: {  	v17 =	vmul.f32 $1.666666720e-01, v17;
	v42 =	vmul.f32 v56, v62;
	[tilespmem:s22+$0xF680] =	vst v45;
	v43 =	vld [tilespmem:s22+$0x710]  }
0x63b: {  	v46 =	vld [tilespmem:s22+$0x780];
	[tilespmem:s22+$0xF590] =	vst v36;
	v29 =	vmul.f32 $5.000000000e-01, v29;
	v31 =	vmul.f32 v44, v27  }
0x63c: {  	v47 =	vld [tilespmem:s22+$0x790];
	v17 =	vadd.f32 $1.000000000e+00, v17;
	[tilespmem:s22+$0xF610] =	vst v42;
	v39 =	vmul.f32 v53, v62;
	v49 =	vbroadcast v19, $0xE  }
0x63d: {  	v52 =	vld [tilespmem:s21+$0x10];
	[tilespmem:s22+$0xF410] =	vst v18;
	v48 =	vmul.f32 v37, v40;
	v51 =	vmul.f32 v29, v23;
	v53 =	vsub.f32 $1.500000000e+00, v31  }
0x63e: {  	vm14 =	vlt.f32 v24, $1.000000050e-03;
	v55 =	vld [tilespmem:s21+$0x80];
	[tilespmem:s22+$0xF600] =	vst v39;
	v19 =	vbroadcast v19, $0xF;
	v54 =	vmul.f32 v41, v49  }
0x63f: {  	v57 =	vld [tilespmem:s21+$0x90];
	[tilespmem:s22+$0xF690] =	vst v48;
	v56 =	vmul.f32 v43, v49;
	v17 =	vsel vm14, v17, v51;
	v58 =	vmul.f32 v53, v27  }
0x640: {  	v61 =	vld [tilespmem:s21+$0x100];
	v59 =	vmul.f32 v46, v19;
	[tilespmem:s22+$0xF700] =	vst v54;
	v60 =	vbroadcast v17, $0x0  }
0x641: {  	v36 =	vld [tilespmem:s21+$0x180];
	v62 =	vmul.f32 v47, v19;
	[tilespmem:s22+$0xF710] =	vst v56;
	v33 =	vmul.f32 v58, v32  }
0x642: {  	v63 =	vld [tilespmem:s21+$0x110];
	[tilespmem:s22+$0xF780] =	vst v59;
	v35 =	vbroadcast v17, $0x1;
	v34 =	vmul.f32 v60, v50  }
0x643: {  	v41 =	vld [tilespmem:s21+$0x200];
	[tilespmem:s22+$0xF790] =	vst v62;
	v37 =	vmul.f32 v60, v52;
	v20 =	vmul.f32 v33, v58  }
0x644: {  	v38 =	vld [tilespmem:s21+$0x190];
	v40 =	vbroadcast v17, $0x2;
	v39 =	vmul.f32 v35, v55;
	[tilespmem:s21+$0xF000] =	vst v34  }
0x645: {  	v46 =	vld [tilespmem:s21+$0x280];
	v43 =	vbroadcast v17, $0x3;
	v42 =	vmul.f32 v35, v57;
	[tilespmem:s21+$0xF010] =	vst v37;
	v20 =	vsub.f32 $1.500000000e+00, v20  }
0x646: {  	v44 =	vld [tilespmem:s21+$0x210];
	v49 =	vbroadcast v17, $0x4;
	v45 =	vmul.f32 v40, v61;
	[tilespmem:s21+$0xF080] =	vst v39  }
0x647: {  	v48 =	vld [tilespmem:s21+$0x290];
	v19 =	vmul.f32 v40, v63;
	[tilespmem:s21+$0xF090] =	vst v42;
	v20 =	vmul.f32 v20, v58  }
0x648: {  	v54 =	vld [tilespmem:s21+$0x380];
	v51 =	vbroadcast v17, $0x5;
	v47 =	vmul.f32 v43, v36;
	[tilespmem:s21+$0xF100] =	vst v45  }
0x649: {  	v21 =	vmul.f32 v43, v38;
	v50 =	vld [tilespmem:s21+$0x300];
	[tilespmem:s21+$0xF110] =	vst v19;
	v29 =	vmul.f32 v20, v16  }
0x64a: {  	v56 =	vbroadcast v17, $0x6;
	v52 =	vld [tilespmem:s21+$0x310];
	v53 =	vmul.f32 v49, v41;
	[tilespmem:s21+$0xF180] =	vst v47  }
0x64b: {  	v31 =	vld [tilespmem:s21+$0x780];
	v22 =	vmul.f32 v49, v44;
	v55 =	vmul.f32 v51, v46;
	[tilespmem:s21+$0xF190] =	vst v21;
	v58 =	vsub.f32 $0.0e+00, v29  }
0x64c: {  	v57 =	vld [tilespmem:s21+$0x390];
	v59 =	vmul.f32 v51, v48;
	[tilespmem:s21+$0xF200] =	vst v53;
	v61 =	vmul.f32 $1.442695020e+00, v29  }
0x64d: {  	v60 =	vld [tilespmem:s21+$0x400];
	[tilespmem:s21+$0xF210] =	vst v22;
	v33 =	vbroadcast v17, $0x7;
	v30 =	vmul.f32 $1.442695020e+00, v58  }
0x64e: {  	v63 =	vld [tilespmem:s21+$0x410];
	[tilespmem:s21+$0xF280] =	vst v55;
	v62 =	vmul.f32 v56, v50;
	(erf) = vpow2.f32 v61  }
0x64f: {  	v36 =	vld [tilespmem:s21+$0x490];
	[tilespmem:s21+$0xF290] =	vst v59;
	v35 =	vmul.f32 v56, v52;
	(erf) = vpow2.f32 v30  }
0x650: {  	v38 =	vbroadcast v17, $0x8;
	v41 =	vld [tilespmem:s21+$0x510];
	v37 =	vmul.f32 v54, v33;
	[tilespmem:s21+$0xF300] =	vst v62  }
0x651: {  	v48 =	vld [tilespmem:s21+$0x600];
	v40 =	vmul.f32 v57, v33;
	[tilespmem:s21+$0xF310] =	vst v35  }
0x652: {  	v34 =	vld [tilespmem:s21+$0x480];
	v42 =	vbroadcast v17, $0x9;
	v19 =	vmul.f32 v60, v38;
	[tilespmem:s21+$0xF380] =	vst v37  }
0x653: {  	v39 =	vld [tilespmem:s21+$0x500];
	v47 =	vbroadcast v17, $0xA;
	v44 =	vmul.f32 v63, v38;
	[tilespmem:s21+$0xF390] =	vst v40  }
0x654: {  	v43 =	vld [tilespmem:s21+$0x580];
	v55 =	vbroadcast v17, $0xC;
	v49 =	vmul.f32 v36, v42;
	[tilespmem:s21+$0xF400] =	vst v19  }
0x655: {  	v45 =	vld [tilespmem:s21+$0x590];
	v52 =	vbroadcast v17, $0xB;
	v54 =	vmul.f32 v41, v47;
	[tilespmem:s21+$0xF410] =	vst v44  }
0x656: {  	v60 =	vmul.f32 v48, v55;
	v63 =	vbroadcast v17, $0xD;
	[tilespmem:s21+$0xF490] =	vst v49  }
0x657: {  	v50 =	vld [tilespmem:s21+$0x610];
	v33 =	vbroadcast v17, $0xE;
	v46 =	vmul.f32 v34, v42;
	[tilespmem:s21+$0xF510] =	vst v54;
	v53 =	vpop (erf)  }
0x658: {  	v56 =	vld [tilespmem:s21+$0x680];
	v17 =	vbroadcast v17, $0xF;
	v51 =	vmul.f32 v39, v47;
	[tilespmem:s21+$0xF600] =	vst v60;
	v30 =	vpop (erf)  }
0x659: {  	v57 =	vmul.f32 v43, v52;
	v34 =	vld [tilespmem:s21+$0x790];
	[tilespmem:s21+$0xF480] =	vst v46;
	v26 =	vsub.f32 v53, v30  }
0x65a: {  	v59 =	vmul.f32 v45, v52;
	v18 =	vmul.f32 v31, v17;
	[tilespmem:s21+$0xF500] =	vst v51;
	v58 =	vld [tilespmem:s21+$0x690]  }
0x65b: {  	[tilespmem:s21+$0xF580] =	vst v57;
	v16 =	vmul.f32 $1.666666720e-01, v16;
	v61 =	vld [tilespmem:s21+$0x700];
	v26 =	vmul.f32 $5.000000000e-01, v26  }
0x65c: {  	[tilespmem:s21+$0xF590] =	vst v59;
	v62 =	vmul.f32 v50, v55;
	v30 =	vld [tilespmem:s21+$0x710]  }
0x65d: {  	v36 =	vld [tilespmem:s26+$0x0];
	[tilespmem:s21+$0xF780] =	vst v18;
	v32 =	vmul.f32 v56, v63;
	v16 =	vadd.f32 $1.000000000e+00, v16;
	v20 =	vmul.f32 v26, v20  }
0x65e: {  	v38 =	vld [tilespmem:s26+$0x10];
	vm15 =	vlt.f32 v29, $1.000000050e-03;
	[tilespmem:s21+$0xF610] =	vst v62;
	v17 =	vmul.f32 v34, v17  }
0x65f: {  	v40 =	vld [tilespmem:s26+$0x80];
	[tilespmem:s21+$0xF680] =	vst v32;
	v35 =	vmul.f32 v58, v63;
	v16 =	vsel vm15, v16, v20  }
0x660: {  	v43 =	vld [tilespmem:s26+$0x100];
	[tilespmem:s21+$0xF790] =	vst v17;
	v37 =	vmul.f32 v61, v33;
	v41 =	vbroadcast v16, $0x0  }
0x661: {  	v47 =	vld [tilespmem:s26+$0x180];
	[tilespmem:s21+$0xF690] =	vst v35;
	v39 =	vmul.f32 v30, v33  }
0x662: {  	v42 =	vld [tilespmem:s26+$0x90];
	[tilespmem:s21+$0xF700] =	vst v37;
	v45 =	vbroadcast v16, $0x1;
	v44 =	vmul.f32 v41, v36  }
0x663: {  	v51 =	vld [tilespmem:s26+$0x200];
	[tilespmem:s21+$0xF710] =	vst v39;
	v49 =	vbroadcast v16, $0x2;
	v17 =	vmul.f32 v41, v38  }
0x664: {  	v46 =	vld [tilespmem:s26+$0x110];
	v53 =	vbroadcast v16, $0x3;
	v48 =	vmul.f32 v45, v40;
	[tilespmem:s26+$0xF000] =	vst v44  }
0x665: {  	v55 =	vld [tilespmem:s26+$0x280];
	v52 =	vmul.f32 v49, v43;
	[tilespmem:s26+$0xF010] =	vst v17  }
0x666: {  	v50 =	vld [tilespmem:s26+$0x190];
	v57 =	vbroadcast v16, $0x4;
	v56 =	vmul.f32 v53, v47;
	[tilespmem:s26+$0xF080] =	vst v48  }
0x667: {  	v59 =	vld [tilespmem:s26+$0x300];
	v17 =	vmul.f32 v45, v42;
	[tilespmem:s26+$0xF100] =	vst v52  }
0x668: {  	v54 =	vld [tilespmem:s26+$0x210];
	v61 =	vbroadcast v16, $0x5;
	v60 =	vmul.f32 v57, v51;
	[tilespmem:s26+$0xF180] =	vst v56  }
0x669: {  	v63 =	vld [tilespmem:s26+$0x380];
	[tilespmem:s26+$0xF090] =	vst v17;
	v17 =	vmul.f32 v49, v46  }
0x66a: {  	v58 =	vld [tilespmem:s26+$0x290];
	v28 =	vbroadcast v16, $0x6;
	v27 =	vmul.f32 v61, v55;
	[tilespmem:s26+$0xF200] =	vst v60  }
0x66b: {  	v30 =	vld [tilespmem:s26+$0x400];
	[tilespmem:s26+$0xF110] =	vst v17;
	v17 =	vmul.f32 v53, v50  }
0x66c: {  	v62 =	vld [tilespmem:s26+$0x310];
	v32 =	vbroadcast v16, $0x7;
	v31 =	vmul.f32 v28, v59;
	[tilespmem:s26+$0xF280] =	vst v27  }
0x66d: {  	v34 =	vld [tilespmem:s26+$0x480];
	[tilespmem:s26+$0xF190] =	vst v17;
	v17 =	vmul.f32 v57, v54  }
0x66e: {  	v29 =	vld [tilespmem:s26+$0x390];
	v35 =	vmul.f32 v63, v32;
	v36 =	vbroadcast v16, $0x8;
	[tilespmem:s26+$0xF300] =	vst v31  }
0x66f: {  	v38 =	vld [tilespmem:s26+$0x500];
	[tilespmem:s26+$0xF210] =	vst v17;
	v17 =	vmul.f32 v61, v58  }
0x670: {  	v33 =	vld [tilespmem:s26+$0x410];
	v40 =	vbroadcast v16, $0x9;
	[tilespmem:s26+$0xF380] =	vst v35;
	v39 =	vmul.f32 v30, v36  }
0x671: {  	v42 =	vld [tilespmem:s26+$0x580];
	[tilespmem:s26+$0xF290] =	vst v17;
	v17 =	vmul.f32 v28, v62  }
0x672: {  	v37 =	vld [tilespmem:s26+$0x490];
	v43 =	vmul.f32 v34, v40;
	v44 =	vbroadcast v16, $0xA;
	[tilespmem:s26+$0xF400] =	vst v39  }
0x673: {  	v46 =	vld [tilespmem:s26+$0x600];
	[tilespmem:s26+$0xF310] =	vst v17;
	v17 =	vmul.f32 v29, v32  }
0x674: {  	v41 =	vld [tilespmem:s26+$0x510];
	v48 =	vbroadcast v16, $0xB;
	[tilespmem:s26+$0xF480] =	vst v43;
	v47 =	vmul.f32 v38, v44  }
0x675: {  	v50 =	vld [tilespmem:s26+$0x680];
	[tilespmem:s26+$0xF390] =	vst v17;
	v17 =	vmul.f32 v33, v36  }
0x676: {  	v45 =	vld [tilespmem:s26+$0x590];
	v52 =	vbroadcast v16, $0xC;
	[tilespmem:s26+$0xF500] =	vst v47;
	v51 =	vmul.f32 v42, v48  }
0x677: {  	v54 =	vld [tilespmem:s26+$0x700];
	[tilespmem:s26+$0xF410] =	vst v17;
	v17 =	vmul.f32 v37, v40  }
0x678: {  	v56 =	vbroadcast v16, $0xD;
	v49 =	vld [tilespmem:s26+$0x610];
	[tilespmem:s26+$0xF580] =	vst v51;
	v55 =	vmul.f32 v46, v52  }
0x679: {  	v58 =	vld [tilespmem:s26+$0x780];
	[tilespmem:s26+$0xF490] =	vst v17;
	v17 =	vmul.f32 v41, v44  }
0x67a: {  	v60 =	vbroadcast v16, $0xE;
	v53 =	vld [tilespmem:s26+$0x690];
	[tilespmem:s26+$0xF600] =	vst v55;
	v59 =	vmul.f32 v50, v56  }
0x67b: {  	v61 =	vld [tilespmem:s26+$0x790];
	[tilespmem:s26+$0xF510] =	vst v17;
	v17 =	vmul.f32 v45, v48  }
0x67c: {  	v16 =	vbroadcast v16, $0xF;
	v57 =	vld [tilespmem:s26+$0x710];
	[tilespmem:s26+$0xF680] =	vst v59;
	v62 =	vmul.f32 v54, v60  }
0x67d: {  	[tilespmem:s26+$0xF590] =	vst v17;
	v17 =	vmul.f32 v49, v52  }
0x67e: {  	p2 =	slt.u32 s10, $0x8;
	[tilespmem:s26+$0xF700] =	vst v62;
	v63 =	vmul.f32 v58, v16  }
.Ltmp12:
0x67f: {  	[tilespmem:s26+$0xF610] =	vst v17;
	v17 =	vmul.f32 v53, v56;
	(pc) =	sbr.rel @p2 .LBB2_16-.Ltmp12, $4  }
0x680: {  	v16 =	vmul.f32 v61, v16;
	[tilespmem:s26+$0xF780] =	vst v63  }
0x681: {  	[tilespmem:s26+$0xF690] =	vst v17;
	v17 =	vmul.f32 v57, v60  }
0x682: {  	s28 =	sadd.s32 $0x4, s10;
	[tilespmem:s26+$0xF790] =	vst v16  }
0x683: {  	s13 =	simm.s32 $0xCC0;
	s10 =	smov.u32 s28;
	s12 =	simm.s32 $0x1ECC0;
	[tilespmem:s26+$0xF710] =	vst v17  }
.LBB2_17:
0x684: {  	s10 =	sshra.s32 s6, $0x2  }
0x685: {  	v16 =	vld [tilespmem:s10+$0x6000]  }
0x686: {  	v17 =	vld [tilespmem:s10+$0x6010];
	_ =	sdelay $0x4  }
0x687: {  	v16 =	vmul.f32 v16, v16;
	v17 =	vmul.f32 v17, v17;
	_ =	sdelay $0x1  }
0x688: {  	v16 =	vadd.f32 v17, v16;
	_ =	sdelay $0x1  }
0x689: {  	[tilespmem:s12+$0x0] =	vst v16  }
0x68a: {  	v16 =	vld [tilespmem:s10+$0x6080]  }
0x68b: {  	v17 =	vld [tilespmem:s10+$0x6090];
	_ =	sdelay $0x4  }
0x68c: {  	v16 =	vmul.f32 v16, v16;
	v17 =	vmul.f32 v17, v17;
	_ =	sdelay $0x1  }
0x68d: {  	v16 =	vadd.f32 v17, v16;
	_ =	sdelay $0x1  }
0x68e: {  	[tilespmem:s12+$0x11] =	vst v16  }
0x68f: {  	v16 =	vld [tilespmem:s10+$0x6100]  }
0x690: {  	v17 =	vld [tilespmem:s10+$0x6110];
	_ =	sdelay $0x4  }
0x691: {  	v16 =	vmul.f32 v16, v16;
	v17 =	vmul.f32 v17, v17;
	_ =	sdelay $0x1  }
0x692: {  	v16 =	vadd.f32 v17, v16;
	_ =	sdelay $0x1  }
0x693: {  	[tilespmem:s12+$0x22] =	vst v16  }
0x694: {  	v16 =	vld [tilespmem:s10+$0x6180]  }
0x695: {  	v17 =	vld [tilespmem:s10+$0x6190];
	_ =	sdelay $0x4  }
0x696: {  	v16 =	vmul.f32 v16, v16;
	v17 =	vmul.f32 v17, v17;
	_ =	sdelay $0x1  }
0x697: {  	v16 =	vadd.f32 v17, v16;
	_ =	sdelay $0x1  }
0x698: {  	[tilespmem:s12+$0x33] =	vst v16  }
0x699: {  	v16 =	vld [tilespmem:s10+$0x6200]  }
0x69a: {  	v17 =	vld [tilespmem:s10+$0x6210];
	_ =	sdelay $0x4  }
0x69b: {  	v16 =	vmul.f32 v16, v16;
	v17 =	vmul.f32 v17, v17;
	_ =	sdelay $0x1  }
0x69c: {  	v16 =	vadd.f32 v17, v16;
	_ =	sdelay $0x1  }
0x69d: {  	[tilespmem:s12+$0x44] =	vst v16  }
0x69e: {  	v16 =	vld [tilespmem:s10+$0x6280]  }
0x69f: {  	v17 =	vld [tilespmem:s10+$0x6290];
	_ =	sdelay $0x4  }
0x6a0: {  	v16 =	vmul.f32 v16, v16;
	v17 =	vmul.f32 v17, v17;
	_ =	sdelay $0x1  }
0x6a1: {  	v16 =	vadd.f32 v17, v16;
	_ =	sdelay $0x1  }
0x6a2: {  	[tilespmem:s12+$0x55] =	vst v16  }
0x6a3: {  	v16 =	vld [tilespmem:s10+$0x6300]  }
0x6a4: {  	v17 =	vld [tilespmem:s10+$0x6310];
	_ =	sdelay $0x4  }
0x6a5: {  	v16 =	vmul.f32 v16, v16;
	v17 =	vmul.f32 v17, v17;
	_ =	sdelay $0x1  }
0x6a6: {  	v16 =	vadd.f32 v17, v16;
	_ =	sdelay $0x1  }
0x6a7: {  	[tilespmem:s12+$0x66] =	vst v16  }
0x6a8: {  	v16 =	vld [tilespmem:s10+$0x6380]  }
0x6a9: {  	v17 =	vld [tilespmem:s10+$0x6390];
	_ =	sdelay $0x4  }
0x6aa: {  	v16 =	vmul.f32 v16, v16;
	v17 =	vmul.f32 v17, v17;
	_ =	sdelay $0x1  }
0x6ab: {  	v16 =	vadd.f32 v17, v16;
	_ =	sdelay $0x1  }
0x6ac: {  	[tilespmem:s12+$0x77] =	vst v16  }
0x6ad: {  	v16 =	vld [tilespmem:s10+$0x6400]  }
0x6ae: {  	v17 =	vld [tilespmem:s10+$0x6410];
	_ =	sdelay $0x4  }
0x6af: {  	v16 =	vmul.f32 v16, v16;
	v17 =	vmul.f32 v17, v17;
	_ =	sdelay $0x1  }
0x6b0: {  	v16 =	vadd.f32 v17, v16;
	_ =	sdelay $0x1  }
0x6b1: {  	[tilespmem:s12+$0x88] =	vst v16  }
0x6b2: {  	v16 =	vld [tilespmem:s10+$0x6480]  }
0x6b3: {  	v17 =	vld [tilespmem:s10+$0x6490];
	_ =	sdelay $0x4  }
0x6b4: {  	v16 =	vmul.f32 v16, v16;
	v17 =	vmul.f32 v17, v17;
	_ =	sdelay $0x1  }
0x6b5: {  	v16 =	vadd.f32 v17, v16;
	_ =	sdelay $0x1  }
0x6b6: {  	[tilespmem:s12+$0x99] =	vst v16  }
0x6b7: {  	v16 =	vld [tilespmem:s10+$0x6500]  }
0x6b8: {  	v17 =	vld [tilespmem:s10+$0x6510];
	_ =	sdelay $0x4  }
0x6b9: {  	v16 =	vmul.f32 v16, v16;
	v17 =	vmul.f32 v17, v17;
	_ =	sdelay $0x1  }
0x6ba: {  	v16 =	vadd.f32 v17, v16;
	_ =	sdelay $0x1  }
0x6bb: {  	[tilespmem:s12+$0xAA] =	vst v16  }
0x6bc: {  	v16 =	vld [tilespmem:s10+$0x6580]  }
0x6bd: {  	v17 =	vld [tilespmem:s10+$0x6590];
	_ =	sdelay $0x4  }
0x6be: {  	v16 =	vmul.f32 v16, v16;
	v17 =	vmul.f32 v17, v17;
	_ =	sdelay $0x1  }
0x6bf: {  	v16 =	vadd.f32 v17, v16;
	_ =	sdelay $0x1  }
0x6c0: {  	[tilespmem:s12+$0xBB] =	vst v16  }
0x6c1: {  	v16 =	vld [tilespmem:s10+$0x6600]  }
0x6c2: {  	v17 =	vld [tilespmem:s10+$0x6610];
	_ =	sdelay $0x4  }
0x6c3: {  	v16 =	vmul.f32 v16, v16;
	v17 =	vmul.f32 v17, v17;
	_ =	sdelay $0x1  }
0x6c4: {  	v16 =	vadd.f32 v17, v16;
	_ =	sdelay $0x1  }
0x6c5: {  	[tilespmem:s12+$0xCC] =	vst v16  }
0x6c6: {  	v16 =	vld [tilespmem:s10+$0x6680]  }
0x6c7: {  	v17 =	vld [tilespmem:s10+$0x6690];
	_ =	sdelay $0x4  }
0x6c8: {  	v16 =	vmul.f32 v16, v16;
	v17 =	vmul.f32 v17, v17;
	_ =	sdelay $0x1  }
0x6c9: {  	v16 =	vadd.f32 v17, v16;
	_ =	sdelay $0x1  }
0x6ca: {  	[tilespmem:s12+$0xDD] =	vst v16  }
0x6cb: {  	v16 =	vld [tilespmem:s10+$0x6700]  }
0x6cc: {  	v17 =	vld [tilespmem:s10+$0x6710];
	_ =	sdelay $0x4  }
0x6cd: {  	v16 =	vmul.f32 v16, v16;
	v17 =	vmul.f32 v17, v17;
	_ =	sdelay $0x1  }
0x6ce: {  	v16 =	vadd.f32 v17, v16;
	_ =	sdelay $0x1  }
0x6cf: {  	[tilespmem:s12+$0xEE] =	vst v16  }
0x6d0: {  	v16 =	vld [tilespmem:s10+$0x6780]  }
0x6d1: {  	v17 =	vld [tilespmem:s10+$0x6790];
	_ =	sdelay $0x4  }
0x6d2: {  	v18 =	vadd.s32 s13, v0;
	v16 =	vmul.f32 v16, v16;
	v17 =	vmul.f32 v17, v17;
	_ =	sdelay $0x1  }
0x6d3: {  	v16 =	vadd.f32 v17, v16;
	v17 =	vadd.s32 s13, v1;
	_ =	sdelay $0x1  }
0x6d4: {  	[tilespmem:s12+$0xFF] =	vst v16;
	v16 =	vadd.s32 s13, v2  }
0x6d5: {  	v18 =	vld.idx.msk [tilespmem:v18+s31+$0x0], $0xffff  }
0x6d6: {  	v19 =	vadd.s32 s13, v3  }
0x6d7: {  	v17 =	vld.idx.msk [tilespmem:v17+s31+$0x0], $0xffff  }
0x6d8: {  	v20 =	vadd.s32 s13, v4  }
0x6d9: {  	v16 =	vld.idx.msk [tilespmem:v16+s31+$0x0], $0xffff  }
0x6da: {  	v21 =	vadd.s32 s13, v5;
	v18 =	vadd.f32 $0.0e+00, v18  }
0x6db: {  	v19 =	vld.idx.msk [tilespmem:v19+s31+$0x0], $0xffff  }
0x6dc: {  	v29 =	vadd.s32 s13, v6;
	v17 =	vadd.f32 v17, v18  }
0x6dd: {  	v20 =	vld.idx.msk [tilespmem:v20+s31+$0x0], $0xffff  }
0x6de: {  	v16 =	vadd.f32 v16, v17;
	v17 =	vadd.s32 s13, v7  }
0x6df: {  	v21 =	vld.idx.msk [tilespmem:v21+s31+$0x0], $0xffff  }
0x6e0: {  	v30 =	vadd.s32 s13, v8;
	v16 =	vadd.f32 v19, v16  }
0x6e1: {  	v18 =	vld.idx.msk [tilespmem:v29+s31+$0x0], $0xffff  }
0x6e2: {  	v31 =	vadd.s32 s13, v9;
	v16 =	vadd.f32 v20, v16  }
0x6e3: {  	v17 =	vld.idx.msk [tilespmem:v17+s31+$0x0], $0xffff  }
0x6e4: {  	v32 =	vadd.s32 s13, v10;
	v16 =	vadd.f32 v21, v16  }
0x6e5: {  	v19 =	vld.idx.msk [tilespmem:v30+s31+$0x0], $0xffff  }
0x6e6: {  	v33 =	vadd.s32 s13, v11;
	v16 =	vadd.f32 v18, v16  }
0x6e7: {  	v20 =	vld.idx.msk [tilespmem:v31+s31+$0x0], $0xffff  }
0x6e8: {  	v16 =	vadd.f32 v17, v16;
	v17 =	vadd.s32 s13, v12  }
0x6e9: {  	v21 =	vld.idx.msk [tilespmem:v32+s31+$0x0], $0xffff  }
0x6ea: {  	v34 =	vadd.s32 s13, v13;
	v16 =	vadd.f32 v19, v16  }
0x6eb: {  	v18 =	vld.idx.msk [tilespmem:v33+s31+$0x0], $0xffff  }
0x6ec: {  	v35 =	vadd.s32 s13, v14;
	v16 =	vadd.f32 v20, v16  }
0x6ed: {  	v17 =	vld.idx.msk [tilespmem:v17+s31+$0x0], $0xffff  }
0x6ee: {  	v36 =	vadd.s32 s13, v15;
	v16 =	vadd.f32 v21, v16  }
0x6ef: {  	v19 =	vld.idx.msk [tilespmem:v34+s31+$0x0], $0xffff  }
0x6f0: {  	v16 =	vadd.f32 v18, v16  }
0x6f1: {  	v37 =	vld.idx.msk [tilespmem:v35+s31+$0x0], $0xffff  }
0x6f2: {  	v16 =	vadd.f32 v17, v16  }
0x6f3: {  	v17 =	vld.idx.msk [tilespmem:v36+s31+$0x0], $0xffff  }
0x6f4: {  	v16 =	vadd.f32 v19, v16;
	_ =	sdelay $0x1  }
0x6f5: {  	v16 =	vadd.f32 v37, v16;
	_ =	sdelay $0x1  }
0x6f6: {  	v16 =	vadd.f32 v17, v16;
	_ =	sdelay $0x1  }
0x6f7: {  	v16 =	vmax.f32 v16, $1.000000020e-16  }
0x6f8: {  	v17 =	vshrl.u32 v16, $0x1;
	v38 =	vmul.f32 $5.000000000e-01, v16  }
0x6f9: {  	v17 =	vsub.s32 $0x5F3759DF, v17  }
0x6fa: {  	v39 =	vmul.f32 v17, v38;
	_ =	sdelay $0x1  }
0x6fb: {  	v19 =	vmul.f32 v17, v39;
	_ =	sdelay $0x1  }
0x6fc: {  	v19 =	vsub.f32 $1.500000000e+00, v19;
	_ =	sdelay $0x1  }
0x6fd: {  	v17 =	vmul.f32 v17, v19;
	_ =	sdelay $0x1  }
0x6fe: {  	v19 =	vmul.f32 v17, v38;
	_ =	sdelay $0x1  }
0x6ff: {  	v19 =	vmul.f32 v19, v17;
	_ =	sdelay $0x1  }
0x700: {  	v19 =	vsub.f32 $1.500000000e+00, v19;
	_ =	sdelay $0x1  }
0x701: {  	v17 =	vmul.f32 v19, v17;
	_ =	sdelay $0x1  }
0x702: {  	v18 =	vmul.f32 v17, v38;
	_ =	sdelay $0x1  }
0x703: {  	v18 =	vmul.f32 v18, v17;
	_ =	sdelay $0x1  }
0x704: {  	v18 =	vsub.f32 $1.500000000e+00, v18;
	_ =	sdelay $0x1  }
0x705: {  	v17 =	vmul.f32 v18, v17;
	_ =	sdelay $0x1  }
0x706: {  	v18 =	vmul.f32 v17, v16;
	_ =	sdelay $0x1  }
0x707: {  	v40 =	vsub.f32 $0.0e+00, v18  }
0x708: {  	v41 =	vmul.f32 $1.442695020e+00, v18  }
0x709: {  	v19 =	vmul.f32 $1.442695020e+00, v40  }
0x70a: {  	(erf) = vpow2.f32 v41  }
0x70b: {  	(erf) = vpow2.f32 v19;
	_ =	sdelay $0x7  }
0x70c: {  	v42 =	vpop (erf)  }
0x70d: {  	v43 =	vpop (erf)  }
0x70e: {  	v19 =	vsub.f32 v42, v43;
	_ =	sdelay $0x1  }
0x70f: {  	v16 =	vmul.f32 $1.666666720e-01, v16;
	v19 =	vmul.f32 $5.000000000e-01, v19;
	_ =	sdelay $0x1  }
0x710: {  	v44 =	vld [tilespmem:s10+$0x6000];
	v16 =	vadd.f32 $1.000000000e+00, v16;
	v17 =	vmul.f32 v19, v17  }
0x711: {  	v45 =	vld [tilespmem:s10+$0x6010];
	vm0 =	vlt.f32 v18, $1.000000050e-03  }
0x712: {  	v16 =	vsel vm0, v16, v17;
	v17 =	vld [tilespmem:s10+$0x6080]  }
0x713: {  	v47 =	vld [tilespmem:s10+$0x6090];
	v46 =	vbroadcast v16, $0x0  }
0x714: {  	v22 =	vld [tilespmem:s10+$0x6100]  }
0x715: {  	v24 =	vld [tilespmem:s10+$0x6110];
	v23 =	vbroadcast v16, $0x1;
	v19 =	vmul.f32 v46, v44  }
0x716: {  	v48 =	vld [tilespmem:s10+$0x6180];
	v18 =	vmul.f32 v46, v45  }
0x717: {  	v25 =	vld [tilespmem:s10+$0x6190];
	v49 =	vbroadcast v16, $0x2;
	[tilespmem:s10+$0x15000] =	vst v19;
	v17 =	vmul.f32 v23, v17  }
0x718: {  	v51 =	vld [tilespmem:s10+$0x6200];
	v50 =	vmul.f32 v23, v47;
	[tilespmem:s10+$0x15010] =	vst v18  }
0x719: {  	v53 =	vld [tilespmem:s10+$0x6210];
	v52 =	vbroadcast v16, $0x3;
	[tilespmem:s10+$0x15080] =	vst v17;
	v17 =	vmul.f32 v49, v22  }
0x71a: {  	v55 =	vld [tilespmem:s10+$0x6280];
	v54 =	vmul.f32 v49, v24;
	[tilespmem:s10+$0x15090] =	vst v50  }
0x71b: {  	v57 =	vld [tilespmem:s10+$0x6290];
	v56 =	vbroadcast v16, $0x4;
	[tilespmem:s10+$0x15100] =	vst v17;
	v17 =	vmul.f32 v52, v48  }
0x71c: {  	v59 =	vld [tilespmem:s10+$0x6300];
	v58 =	vmul.f32 v52, v25;
	[tilespmem:s10+$0x15110] =	vst v54  }
0x71d: {  	v61 =	vld [tilespmem:s10+$0x6310];
	v60 =	vbroadcast v16, $0x5;
	[tilespmem:s10+$0x15180] =	vst v17;
	v17 =	vmul.f32 v56, v51  }
0x71e: {  	v63 =	vld [tilespmem:s10+$0x6380];
	v62 =	vmul.f32 v56, v53;
	[tilespmem:s10+$0x15190] =	vst v58  }
0x71f: {  	v29 =	vld [tilespmem:s10+$0x6390];
	v28 =	vbroadcast v16, $0x6;
	[tilespmem:s10+$0x15200] =	vst v17;
	v17 =	vmul.f32 v60, v55  }
0x720: {  	v31 =	vld [tilespmem:s10+$0x6400];
	v30 =	vmul.f32 v60, v57;
	[tilespmem:s10+$0x15210] =	vst v62  }
0x721: {  	v33 =	vld [tilespmem:s10+$0x6410];
	v32 =	vbroadcast v16, $0x7;
	[tilespmem:s10+$0x15280] =	vst v17;
	v17 =	vmul.f32 v28, v59  }
0x722: {  	v35 =	vld [tilespmem:s10+$0x6480];
	v34 =	vmul.f32 v28, v61;
	[tilespmem:s10+$0x15290] =	vst v30  }
0x723: {  	v37 =	vld [tilespmem:s10+$0x6490];
	v36 =	vbroadcast v16, $0x8;
	[tilespmem:s10+$0x15300] =	vst v17;
	v17 =	vmul.f32 v63, v32  }
0x724: {  	v39 =	vld [tilespmem:s10+$0x6500];
	v38 =	vmul.f32 v29, v32;
	[tilespmem:s10+$0x15310] =	vst v34  }
0x725: {  	v41 =	vld [tilespmem:s10+$0x6510];
	v40 =	vbroadcast v16, $0x9;
	[tilespmem:s10+$0x15380] =	vst v17;
	v17 =	vmul.f32 v31, v36  }
0x726: {  	v43 =	vld [tilespmem:s10+$0x6580];
	v42 =	vmul.f32 v33, v36;
	[tilespmem:s10+$0x15390] =	vst v38  }
0x727: {  	v44 =	vbroadcast v16, $0xA;
	v45 =	vld [tilespmem:s10+$0x6590];
	[tilespmem:s10+$0x15400] =	vst v17;
	v17 =	vmul.f32 v35, v40  }
0x728: {  	v46 =	vmul.f32 v37, v40;
	v47 =	vld [tilespmem:s10+$0x6600];
	[tilespmem:s10+$0x15410] =	vst v42  }
0x729: {  	v49 =	vld [tilespmem:s10+$0x6610];
	v48 =	vbroadcast v16, $0xB;
	[tilespmem:s10+$0x15480] =	vst v17;
	v17 =	vmul.f32 v39, v44  }
0x72a: {  	[tilespmem:s10+$0x15490] =	vst v46;
	v50 =	vmul.f32 v41, v44;
	v51 =	vld [tilespmem:s10+$0x6680]  }
0x72b: {  	v53 =	vld [tilespmem:s10+$0x6690];
	v52 =	vbroadcast v16, $0xC;
	[tilespmem:s10+$0x15500] =	vst v17;
	v17 =	vmul.f32 v43, v48  }
0x72c: {  	[tilespmem:s10+$0x15510] =	vst v50;
	v54 =	vmul.f32 v45, v48;
	v55 =	vld [tilespmem:s10+$0x6700]  }
0x72d: {  	v57 =	vld [tilespmem:s10+$0x6710];
	v56 =	vbroadcast v16, $0xD;
	[tilespmem:s10+$0x15580] =	vst v17;
	v17 =	vmul.f32 v47, v52  }
0x72e: {  	v58 =	vmul.f32 v49, v52;
	[tilespmem:s10+$0x15590] =	vst v54;
	v59 =	vld [tilespmem:s10+$0x6780]  }
0x72f: {  	v61 =	vld [tilespmem:s10+$0x6790];
	v60 =	vbroadcast v16, $0xE;
	[tilespmem:s10+$0x15600] =	vst v17;
	v17 =	vmul.f32 v51, v56  }
0x730: {  	v62 =	vmul.f32 v53, v56;
	[tilespmem:s10+$0x15610] =	vst v58  }
0x731: {  	p2 =	sne.s32 s6, $0x4000;
	v16 =	vbroadcast v16, $0xF;
	[tilespmem:s10+$0x15680] =	vst v17;
	v17 =	vmul.f32 v55, v60  }
.Ltmp13:
0x732: {  	[tilespmem:s10+$0x15690] =	vst v62;
	v63 =	vmul.f32 v57, v60;
	(pc) =	sbr.rel @p2 .LBB2_17-.Ltmp13, $4  }
0x733: {  	[tilespmem:s10+$0x15700] =	vst v17;
	v17 =	vmul.f32 v59, v16  }
0x734: {  	[tilespmem:s10+$0x15710] =	vst v63;
	v16 =	vmul.f32 v61, v16  }
0x735: {  	[tilespmem:s10+$0x15780] =	vst v17  }
0x736: {  	s6 =	sadd.s32 $0x2000, s6;
	s12 =	sadd.s32 $0x110, s12;
	s13 =	sadd.s32 $0x110, s13;
	[tilespmem:s10+$0x15790] =	vst v16  }
0x737: {  	s6 =	rddreg [dreg:$0xb]  }
0x738: {  	[hbm4b:s6+s3] =	stream.linear.scatter [tilespmem:s1], [sflag:$0x3], $0x2000, $0x38;
	[tilespmem:$0x1F000] =	vst v63  }
0x739: {  	s25 =	rddreg [dreg:$0xc]  }
0x73a: {  	[hbm4b:s25+s3] =	stream.linear.scatter [tilespmem:s0], [sflag:$0x3], $0x2000, $0x38;
	[tilespmem:$0x1F000] =	vst v63  }
.Ltmp14:
0x73b: {  	s26 =	rddreg [dreg:$0xd];
	(pc) =	sbr.rel .LBB2_19-.Ltmp14, $4  }
0x73c: {  	s28 =	rddreg [dreg:$0xe]  }
0x73d: {  	[hbm4b:s26+s3] =	stream.linear.scatter [tilespmem:s17], [sflag:$0x3], $0x2000, $0x38;
	[tilespmem:$0x1F000] =	vst v63  }
0x73e: {  	s10 =	rddreg [dreg:$0x10]  }
0x73f: {  	[hbm4b:s28+s3] =	stream.linear.scatter [tilespmem:s18], [sflag:$0x3], $0x1800, $0x38;
	[tilespmem:$0x1F000] =	vst v63  }
.LBB2_20:
0x740: {  	_ =	sfence.sel $0x180000  }
0x741: {  	[bflag:$0x0] =	sbarrier.arrive $0xFFFF  }
0x742: {  	_ =	strace $0x90000047  }
0x743: {  	s0 =	stileid.u32;
	[bflag:$0x2] =	sbarrier.arrive $0xFFFF  }
0x744: {  	p0 =	sne.s32 s0, $0x0;
	s0 =	rddreg [dreg:$0x1]  }
0x745: {  	s0 =	sadd.s32 @!p0 $0x100000, s0  }
0x746: {  	[sflag:s0] =	ssyncadd.tile.s32 @!p0 $0x1;
	_ =	shalt  }
.Lfunc_end2:
_tile_overlayer_lowered:
.L_overlay_start_2:
0x747: {  	(tag) =	ssettag $0x2  }
0x748: {  	s0 =	rddreg [dreg:$0x0];
	s2 =	stileid.u32  }
0x749: {  	s1 =	rddreg [dreg:$0x1];
	p0 =	sne.s32 s2, $0x0  }
0x74a: {  	s3 =	rddreg [dreg:$0x2];
	[bflag:$0x3] =	sbarrier.arrive $0xFFFF;
	s2 =	simm.s32 @!p0 $0x1C05  }
0x74b: {  	[timem:s3], [sflag:s2] =	dma.local @!p0 [hbm:s0], s1  }
0x74c: {  	s0 =	simm.s32 @!p0 $0x5  }
0x74d: {  	_ =	swait.ge @!p0 [sflag:s0], s1  }
0x74e: {  	s1 =	ssub.s32 @!p0 $0x0, s1;
	[sflag:s0] =	ssyncset.done @!p0 $0x0  }
0x74f: {  	[sflag:s0] =	ssyncadd.s32 @!p0 s1  }
0x750: {  	[bflag:$0x3] =	sbarrier.arrive $0xFFFF  }
0x751: {  	_ =	shalt  }

</sc_bundles>
